<compile_context>
chip_gen: v7x
topology: tpu7x:2x2x1
jax: 0.10.2.dev20260603
libtpu: 0.0.44.dev20260713+nightly
codegen_flags: <defaults>
</compile_context>

<pallas_src>
import functools

import jax
import jax.numpy as jnp
from jax import lax
from jax.experimental import pallas as pl
from jax.experimental.pallas import tpu as pltpu
from jax.experimental.pallas import tpu_sc as plsc

N = 10000
E = 320000
H = 128
HH = H // 2
L = 4
G = 128
EPS = 1e-7

NCORE = 2
NSUB = 16
LANE = 16

EDGES_PER_TILE = E // NSUB
CHUNK = 200
NCHUNK = EDGES_PER_TILE // CHUNK
ROWS_PER_TILE = 640

_F32 = jnp.float32



def _enc_body(x_ref, w_ref, b_ref, h_ref, hs_ref):
    h = jnp.dot(x_ref[...], w_ref[...], preferred_element_type=_F32) + b_ref[...]
    h_ref[...] = h
    hs_ref[0] = h[:, :HH]
    hs_ref[1] = h[:, HH:]


def _enc_call(x, w, b, rows, bn):
    grid = rows // bn
    return pl.pallas_call(
        _enc_body,
        grid=(grid,),
        in_specs=[
            pl.BlockSpec((bn, x.shape[1]), lambda n: (n, 0)),
            pl.BlockSpec(w.shape, lambda n: (0, 0)),
            pl.BlockSpec((1, H), lambda n: (0, 0)),
        ],
        out_specs=[
            pl.BlockSpec((bn, H), lambda n: (n, 0)),
            pl.BlockSpec((2, bn, HH), lambda n: (0, n, 0)),
        ],
        out_shape=[
            jax.ShapeDtypeStruct((rows, H), _F32),
            jax.ShapeDtypeStruct((2, rows, HH), _F32),
        ],
    )(x, w, b)


def _mlp_body(agg_ref, r_ref, res_ref, w1_ref, b1_ref, g1_ref, bb1_ref,
              w2_ref, b2_ref, gn_ref, bn_ref, h_ref, rn_ref, rns_ref):
    u = jnp.concatenate([agg_ref[0], agg_ref[1]], axis=1) + r_ref[...]
    z = jnp.dot(u, w1_ref[...], preferred_element_type=_F32) + b1_ref[...]
    mu = jnp.mean(z, axis=-1, keepdims=True)
    var = jnp.mean((z - mu) ** 2, axis=-1, keepdims=True)
    z = (z - mu) * lax.rsqrt(var + 1e-5) * g1_ref[...] + bb1_ref[...]
    z = jnp.maximum(z, 0.0)
    y = jnp.dot(z, w2_ref[...], preferred_element_type=_F32) + b2_ref[...]
    y = y + res_ref[...]
    h_ref[...] = y
    mu2 = jnp.mean(y, axis=-1, keepdims=True)
    var2 = jnp.mean((y - mu2) ** 2, axis=-1, keepdims=True)
    rn = jnp.maximum((y - mu2) * lax.rsqrt(var2 + 1e-5) * gn_ref[...] + bn_ref[...], 0.0)
    rn_ref[...] = rn
    rns_ref[0] = rn[:, :HH]
    rns_ref[1] = rn[:, HH:]


def _mlp_call(agg, r, res, w1, b1, g1, bb1, w2, b2, gn, bnb):
    bn = 1000
    grid = N // bn
    return pl.pallas_call(
        _mlp_body,
        grid=(grid,),
        in_specs=[
            pl.BlockSpec((2, bn, HH), lambda n: (0, n, 0)),
            pl.BlockSpec((bn, H), lambda n: (n, 0)),
            pl.BlockSpec((bn, H), lambda n: (n, 0)),
            pl.BlockSpec((H, 2 * H), lambda n: (0, 0)),
            pl.BlockSpec((1, 2 * H), lambda n: (0, 0)),
            pl.BlockSpec((1, 2 * H), lambda n: (0, 0)),
            pl.BlockSpec((1, 2 * H), lambda n: (0, 0)),
            pl.BlockSpec((2 * H, H), lambda n: (0, 0)),
            pl.BlockSpec((1, H), lambda n: (0, 0)),
            pl.BlockSpec((1, H), lambda n: (0, 0)),
            pl.BlockSpec((1, H), lambda n: (0, 0)),
        ],
        out_specs=[
            pl.BlockSpec((bn, H), lambda n: (n, 0)),
            pl.BlockSpec((bn, H), lambda n: (n, 0)),
            pl.BlockSpec((2, bn, HH), lambda n: (0, n, 0)),
        ],
        out_shape=[
            jax.ShapeDtypeStruct((N, H), _F32),
            jax.ShapeDtypeStruct((N, H), _F32),
            jax.ShapeDtypeStruct((2, N, HH), _F32),
        ],
    )(agg, r, res, w1, b1, g1, bb1, w2, b2, gn, bnb)


def _pool_body(h_ref, b_ref, o_ref, acc, cnt):
    step = pl.program_id(0)

    @pl.when(step == 0)
    def _():
        acc[...] = jnp.zeros_like(acc)
        cnt[...] = jnp.zeros_like(cnt)

    onehot = (b_ref[...] == lax.broadcasted_iota(jnp.int32, (1, G), 1)).astype(_F32)
    acc[...] += lax.dot_general(onehot, h_ref[...], (((0,), (0,)), ((), ())),
                                preferred_element_type=_F32)
    cnt[...] += lax.dot_general(onehot, jnp.ones_like(h_ref[...]),
                                (((0,), (0,)), ((), ())), preferred_element_type=_F32)

    @pl.when(step == pl.num_programs(0) - 1)
    def _():
        o_ref[...] = acc[...] / jnp.maximum(cnt[...], 1.0)


def _pool_call(h, batch2d):
    bn = 1000
    grid = N // bn
    return pl.pallas_call(
        _pool_body,
        grid=(grid,),
        in_specs=[
            pl.BlockSpec((bn, H), lambda n: (n, 0)),
            pl.BlockSpec((bn, 1), lambda n: (n, 0)),
        ],
        out_specs=pl.BlockSpec((G, H), lambda n: (0, 0)),
        out_shape=jax.ShapeDtypeStruct((G, H), _F32),
        scratch_shapes=[
            pltpu.VMEM((G, H), _F32),
            pltpu.VMEM((G, H), _F32),
        ],
    )(h, batch2d)



def _agg_body(r_hbm, ea_hbm, src_hbm, dst_hbm, t_hbm, agg_hbm,
              idx_v, dst_v, hrow_v, ea_v, t_v, num_s, den_s, sem):
    c = lax.axis_index("c")
    s = lax.axis_index("s")
    coff = c * N

    def zbody(e, _):
        for j in range(HH // LANE):
            hrow_v[e, pl.ds(j * LANE, LANE)] = jnp.zeros((LANE,), _F32)
        return 0

    lax.fori_loop(0, CHUNK, zbody, 0)
    row0 = pl.multiple_of(jnp.minimum(s * ROWS_PER_TILE, N - ROWS_PER_TILE), 8)
    pltpu.sync_copy(hrow_v, num_s.at[pl.ds(row0, CHUNK)])
    pltpu.sync_copy(hrow_v, den_s.at[pl.ds(row0, CHUNK)])
    rem = ROWS_PER_TILE - CHUNK
    pltpu.sync_copy(hrow_v.at[pl.ds(0, rem)], num_s.at[pl.ds(row0 + CHUNK, rem)])
    pltpu.sync_copy(hrow_v.at[pl.ds(0, rem)], den_s.at[pl.ds(row0 + CHUNK, rem)])
    plsc.subcore_barrier()

    pltpu.sync_copy(t_hbm, t_v)
    tv = t_v[...]
    ebase = s * EDGES_PER_TILE

    def chunk_body(ci, _):
        eoff = pl.multiple_of(ebase + ci * CHUNK, 8)
        pltpu.sync_copy(src_hbm.at[pl.ds(eoff, CHUNK)], idx_v)
        pltpu.sync_copy(dst_hbm.at[pl.ds(eoff, CHUNK)], dst_v)

        def adj(k, _):
            sl = pl.ds(k * LANE, LANE)
            idx_v[sl] = idx_v[sl] + coff
            return 0

        lax.fori_loop(0, CHUNK // LANE, adj, 0)
        pltpu.async_copy(r_hbm.at[idx_v], hrow_v, sem).wait()
        pltpu.sync_copy(ea_hbm.at[pl.ds(pl.multiple_of(c * E + eoff, 8), CHUNK)], ea_v)

        def ebody(e, _):
            for j in range(HH // LANE):
                sl = pl.ds(j * LANE, LANE)
                m = jnp.maximum(hrow_v[e, sl] + ea_v[e, sl], 0.0) + EPS
                w = jnp.exp(tv * m)
                ea_v[e, sl] = w
                hrow_v[e, sl] = m * w
            return 0

        lax.fori_loop(0, CHUNK, ebody, 0)
        pltpu.sync_copy(ea_v, den_s.at[dst_v], add=True)
        pltpu.sync_copy(hrow_v, num_s.at[dst_v], add=True)
        return 0

    lax.fori_loop(0, NCHUNK, chunk_body, 0)
    plsc.subcore_barrier()

    for off, sz in ((0, CHUNK), (CHUNK, ROWS_PER_TILE - CHUNK)):
        pltpu.sync_copy(num_s.at[pl.ds(row0 + off, sz)], hrow_v.at[pl.ds(0, sz)])
        pltpu.sync_copy(den_s.at[pl.ds(row0 + off, sz)], ea_v.at[pl.ds(0, sz)])

        def fbody(e, _):
            for j in range(HH // LANE):
                sl = pl.ds(j * LANE, LANE)
                hrow_v[e, sl] = hrow_v[e, sl] / (ea_v[e, sl] + 1e-16)
            return 0

        lax.fori_loop(0, sz, fbody, 0)
        pltpu.sync_copy(hrow_v.at[pl.ds(0, sz)],
                        agg_hbm.at[pl.ds(pl.multiple_of(coff + row0 + off, 8), sz)])


@functools.lru_cache(maxsize=1)
def _agg_kernel():
    return pl.kernel(
        _agg_body,
        out_type=jax.ShapeDtypeStruct((2 * N, HH), _F32),
        mesh=plsc.VectorSubcoreMesh(core_axis_name="c", subcore_axis_name="s",
                                    num_cores=NCORE, num_subcores=NSUB),
        compiler_params=pltpu.CompilerParams(use_tc_tiling_on_sc=False),
        scratch_types=[
            pltpu.VMEM((CHUNK,), jnp.int32),
            pltpu.VMEM((CHUNK,), jnp.int32),
            pltpu.VMEM((CHUNK, HH), _F32),
            pltpu.VMEM((CHUNK, HH), _F32),
            pltpu.VMEM((LANE,), _F32),
            pltpu.VMEM_SHARED((N, HH), _F32),
            pltpu.VMEM_SHARED((N, HH), _F32),
            pltpu.SemaphoreType.DMA,
        ],
    )


def _agg_call(r_hbm, ea_hbm, src_hbm, dst_hbm, t_hbm):
    return _agg_kernel()(r_hbm, ea_hbm, src_hbm, dst_hbm, t_hbm)



def kernel(x, edge_attr, edge_index, batch, enc_W, enc_b, eenc_W, eenc_b,
           mlp1_W, mlp1_b, mlp_ln_g, mlp_ln_b, mlp2_W, mlp2_b, t, ln_g, ln_b):
    src = edge_index[0]
    dst = edge_index[1]

    h0, h0s = _enc_call(x, enc_W, enc_b.reshape(1, H), N, 1000)
    _, eas = _enc_call(edge_attr, eenc_W, eenc_b.reshape(1, H), E, 4000)
    ea_flat = eas.reshape(2 * E, HH)

    r = h0
    rs = h0s.reshape(2 * N, HH)
    res = jnp.zeros((N, H), _F32)
    rn = r
    for i in range(L):
        t16 = jnp.full((LANE,), t[i], _F32)
        agg = _agg_call(rs, ea_flat, src, dst, t16)
        gi = 0 if i == L - 1 else i + 1
        h, rn, rns = _mlp_call(
            agg.reshape(2, N, HH), r, res,
            mlp1_W[i], mlp1_b[i].reshape(1, 2 * H),
            mlp_ln_g[i].reshape(1, 2 * H), mlp_ln_b[i].reshape(1, 2 * H),
            mlp2_W[i], mlp2_b[i].reshape(1, H),
            ln_g[gi].reshape(1, H), ln_b[gi].reshape(1, H))
        res = h
        r = rn
        rs = rns.reshape(2 * N, HH)

    return _pool_call(rn, batch.reshape(N, 1))

# --- scband reference (transcript-rebuilt; emitter-appended) ---
"""Pipeline reference for scband-deeper-gcn-86870008529302 (READ-ONLY COPY).

The authoritative reference and input builder live on the scoring server;
editing this copy changes nothing except your own understanding.
"""

import jax, jax.numpy as jnp
import numpy as np

N = 10000
E = 320000
H = 128
L = 4
G = 128
EPS = 1e-7

def setup_inputs(seed: int = 0):
    key = jax.random.key(seed)
    ks = jax.random.split(key, 24)
    inp = {}
    inp["x"] = jax.random.normal(ks[0], (N, 9), dtype=jnp.float32)
    inp["edge_attr"] = jax.random.normal(ks[1], (E, 3), dtype=jnp.float32)
    inp["edge_index"] = jax.random.randint(ks[2], (2, E), 0, N, dtype=jnp.int32)
    inp["batch"] = jnp.sort(jax.random.randint(ks[3], (N,), 0, G, dtype=jnp.int32))
    inp["enc_W"] = jax.random.normal(ks[4], (9, H), dtype=jnp.float32) * (1.0 / np.sqrt(9.0))
    inp["enc_b"] = jnp.zeros((H,), dtype=jnp.float32)
    inp["eenc_W"] = jax.random.normal(ks[5], (3, H), dtype=jnp.float32) * (1.0 / np.sqrt(3.0))
    inp["eenc_b"] = jnp.zeros((H,), dtype=jnp.float32)
    inp["mlp1_W"] = jax.random.normal(ks[6], (L, H, 2 * H), dtype=jnp.float32) * (1.0 / np.sqrt(float(H)))
    inp["mlp1_b"] = jnp.zeros((L, 2 * H), dtype=jnp.float32)
    inp["mlp_ln_g"] = jnp.ones((L, 2 * H), dtype=jnp.float32)
    inp["mlp_ln_b"] = jnp.zeros((L, 2 * H), dtype=jnp.float32)
    inp["mlp2_W"] = jax.random.normal(ks[7], (L, 2 * H, H), dtype=jnp.float32) * (1.0 / np.sqrt(2.0 * H))
    inp["mlp2_b"] = jnp.zeros((L, H), dtype=jnp.float32)
    inp["t"] = jnp.ones((L,), dtype=jnp.float32)
    inp["ln_g"] = jnp.ones((L, H), dtype=jnp.float32)
    inp["ln_b"] = jnp.zeros((L, H), dtype=jnp.float32)
    return inp

def _layer_norm(h, g, b):
    mu = jnp.mean(h, axis=-1, keepdims=True)
    var = jnp.var(h, axis=-1, keepdims=True)
    return (h - mu) / jnp.sqrt(var + 1e-5) * g + b

def _seg_softmax(s, idx, n):
    m = jax.ops.segment_max(s, idx, num_segments=n)
    m = jnp.where(jnp.isfinite(m), m, 0.0)
    e = jnp.exp(s - m[idx])
    d = jax.ops.segment_sum(e, idx, num_segments=n)
    return e / (d[idx] + 1e-16)

def _forward(x, edge_attr, enc_W, enc_b, eenc_W, eenc_b, mlp1_W, mlp1_b, mlp_ln_g, mlp_ln_b, mlp2_W, mlp2_b, t, ln_g, ln_b, edge_index, batch):
    src = edge_index[0]
    dst = edge_index[1]
    h = x @ enc_W + enc_b
    ea = edge_attr @ eenc_W + eenc_b

    def conv(i, hin):
        # GENConv (aggr='softmax', learn_t): message = relu(x_j + edge_attr) + eps
        msg = jax.nn.relu(hin[src] + ea) + EPS
        alpha = _seg_softmax(msg * t[i], dst, N)
        agg = jax.ops.segment_sum(msg * alpha, dst, num_segments=N)
        out = agg + hin  # add root
        # MLP: Linear(H,2H) -> LayerNorm -> ReLU -> Linear(2H,H)
        z = out @ mlp1_W[i] + mlp1_b[i]
        z = _layer_norm(z, mlp_ln_g[i], mlp_ln_b[i])
        z = jax.nn.relu(z)
        z = z @ mlp2_W[i] + mlp2_b[i]
        return z

    h = conv(0, h)
    for i in range(1, L):
        # DeepGCNLayer 'res+': x + conv(dropout(act(norm(x)))); dropout is identity in eval
        r = jax.nn.relu(_layer_norm(h, ln_g[i], ln_b[i]))
        h = h + conv(i, r)
    h = jax.nn.relu(_layer_norm(h, ln_g[0], ln_b[0]))
    # global_mean_pool
    sums = jax.ops.segment_sum(h, batch, num_segments=G)
    cnt = jax.ops.segment_sum(jnp.ones((N, 1), dtype=jnp.float32), batch, num_segments=G)
    return sums / jnp.maximum(cnt, 1.0)

def reference(x, edge_attr, edge_index, batch, enc_W, enc_b, eenc_W, eenc_b, mlp1_W, mlp1_b, mlp_ln_g, mlp_ln_b, mlp2_W, mlp2_b, t, ln_g, ln_b):
    return _forward(x, edge_attr, enc_W, enc_b, eenc_W, eenc_b, mlp1_W, mlp1_b, mlp_ln_g, mlp_ln_b, mlp2_W, mlp2_b, t, ln_g, ln_b, edge_index, batch)

if __name__ == "__main__":
    import jax
    _d = setup_inputs()
    print(jax.jit(kernel)(*tuple(_d.values())))

</pallas_src>

<mosaic_0001>
#map = affine_map<(d0, d1) -> (0, 0)>
#map1 = affine_map<(d0, d1) -> (0)>
module attributes {stable_mosaic.version = 14 : i64} {
  func.func @_agg_body(%arg0: i32, %arg1: i32, %arg2: memref<20000x64xf32, #tpu.memory_space<hbm>>, %arg3: memref<640000x64xf32, #tpu.memory_space<hbm>>, %arg4: memref<320000xi32, #tpu.memory_space<hbm>>, %arg5: memref<320000xi32, #tpu.memory_space<hbm>>, %arg6: memref<16xf32, #tpu.memory_space<hbm>>, %arg7: memref<20000x64xf32, #tpu.memory_space<hbm>>, %arg8: memref<200xi32, #tpu.memory_space<vmem>>, %arg9: memref<200xi32, #tpu.memory_space<vmem>>, %arg10: memref<200x64xf32, #tpu.memory_space<vmem>>, %arg11: memref<200x64xf32, #tpu.memory_space<vmem>>, %arg12: memref<16xf32, #tpu.memory_space<vmem>>, %arg13: memref<10000x64xf32, #tpu.memory_space<vmem_shared>>, %arg14: memref<10000x64xf32, #tpu.memory_space<vmem_shared>>, %arg15: memref<!tpu.dma_semaphore, #tpu.memory_space<semaphore_mem>>) attributes {dimension_semantics = [#tpu.dimension_semantics<core_parallel>, #tpu.dimension_semantics<subcore_parallel>], iteration_bounds = array<i64: 2, 16>, scalar_prefetch = 0 : i64, scratch_operands = 8 : i64, tpu.core_type = #tpu.core_type<sc_vector_subcore>, window_params = [{transform_indices = #map}, {transform_indices = #map}, {transform_indices = #map1}, {transform_indices = #map1}, {transform_indices = #map1}, {transform_indices = #map}]} {
    %mul3A = arith.constant 10000 : i32
    %mul3A_0 = arith.muli %arg0, %mul3A : i32
    %scan3A = arith.constant 0 : i32
    %scan3A_1 = arith.constant 0 : i32
    %scan3A_2 = arith.constant 200 : i32
    %scan3A_3 = arith.addi %scan3A_1, %scan3A_2 : i32
    %scan3A_4 = arith.constant 1 : i32
    %scan3A_5 = scf.for %scan3A_55 = %scan3A_1 to %scan3A_3 step %scan3A_4 iter_args(%scan3A_56 = %scan3A) -> (i32)  : i32 {
      %broadcast_in_dim3A = arith.constant 0.000000e+00 : f32
      %broadcast_in_dim3A_57 = vector.broadcast %broadcast_in_dim3A : f32 to vector<16xf32>
      %swap3A = arith.index_cast %scan3A_55 : i32 to index
      %swap3A_58 = arith.constant 0 : index
      %swap3A_59 = tpu.vector_load %arg10[%swap3A, %swap3A_58] {strides = array<i32>} : memref<200x64xf32, #tpu.memory_space<vmem>>, vector<1x16xf32>,
      %swap3A_60 = vector.shape_cast %swap3A_59 : vector<1x16xf32> to vector<16xf32>
      %swap3A_61 = vector.shape_cast %broadcast_in_dim3A_57 : vector<16xf32> to vector<1x16xf32>
      tpu.vector_store %arg10[%swap3A, %swap3A_58], %swap3A_61 {strides = array<i32>} : memref<200x64xf32, #tpu.memory_space<vmem>>, vector<1x16xf32>,
      %broadcast_in_dim3A_62 = arith.constant 0.000000e+00 : f32
      %broadcast_in_dim3A_63 = vector.broadcast %broadcast_in_dim3A_62 : f32 to vector<16xf32>
      %swap3A_64 = arith.index_cast %scan3A_55 : i32 to index
      %swap3A_65 = arith.constant 16 : index
      %swap3A_66 = tpu.vector_load %arg10[%swap3A_64, %swap3A_65] {strides = array<i32>} : memref<200x64xf32, #tpu.memory_space<vmem>>, vector<1x16xf32>,
      %swap3A_67 = vector.shape_cast %swap3A_66 : vector<1x16xf32> to vector<16xf32>
      %swap3A_68 = vector.shape_cast %broadcast_in_dim3A_63 : vector<16xf32> to vector<1x16xf32>
      tpu.vector_store %arg10[%swap3A_64, %swap3A_65], %swap3A_68 {strides = array<i32>} : memref<200x64xf32, #tpu.memory_space<vmem>>, vector<1x16xf32>,
      %broadcast_in_dim3A_69 = arith.constant 0.000000e+00 : f32
      %broadcast_in_dim3A_70 = vector.broadcast %broadcast_in_dim3A_69 : f32 to vector<16xf32>
      %swap3A_71 = arith.index_cast %scan3A_55 : i32 to index
      %swap3A_72 = arith.constant 32 : index
      %swap3A_73 = tpu.vector_load %arg10[%swap3A_71, %swap3A_72] {strides = array<i32>} : memref<200x64xf32, #tpu.memory_space<vmem>>, vector<1x16xf32>,
      %swap3A_74 = vector.shape_cast %swap3A_73 : vector<1x16xf32> to vector<16xf32>
      %swap3A_75 = vector.shape_cast %broadcast_in_dim3A_70 : vector<16xf32> to vector<1x16xf32>
      tpu.vector_store %arg10[%swap3A_71, %swap3A_72], %swap3A_75 {strides = array<i32>} : memref<200x64xf32, #tpu.memory_space<vmem>>, vector<1x16xf32>,
      %broadcast_in_dim3A_76 = arith.constant 0.000000e+00 : f32
      %broadcast_in_dim3A_77 = vector.broadcast %broadcast_in_dim3A_76 : f32 to vector<16xf32>
      %swap3A_78 = arith.index_cast %scan3A_55 : i32 to index
      %swap3A_79 = arith.constant 48 : index
      %swap3A_80 = tpu.vector_load %arg10[%swap3A_78, %swap3A_79] {strides = array<i32>} : memref<200x64xf32, #tpu.memory_space<vmem>>, vector<1x16xf32>,
      %swap3A_81 = vector.shape_cast %swap3A_80 : vector<1x16xf32> to vector<16xf32>
      %swap3A_82 = vector.shape_cast %broadcast_in_dim3A_77 : vector<16xf32> to vector<1x16xf32>
      tpu.vector_store %arg10[%swap3A_78, %swap3A_79], %swap3A_82 {strides = array<i32>} : memref<200x64xf32, #tpu.memory_space<vmem>>, vector<1x16xf32>,
      %scan3A_83 = arith.constant 0 : i32
      scf.yield %scan3A_83 : i32
    }
    %scan3A_6 = arith.constant 200 : i32
    %mul3A_7 = arith.constant 640 : i32
    %mul3A_8 = arith.muli %arg1, %mul3A_7 : i32
    %min3A = arith.constant 9360 : i32
    %min3A_9 = arith.minsi %mul3A_8, %min3A : i32
    %multiple_of3A = tpu.assume_multiple %min3A_9, 8 : i32
    "tpu.region"() ({
      %run_scoped3A = tpu.sem_alloc : memref<!tpu.dma_semaphore, #tpu.memory_space<semaphore_mem>>
      %dma_start3A = arith.constant 0 : i32
      %dma_start3A_55 = tpu.memref_slice %arg13[%multiple_of3A, %dma_start3A] : memref<10000x64xf32, #tpu.memory_space<vmem_shared>> -> memref<200x64xf32, #tpu.memory_space<vmem_shared>>
      %dma_start3A_56 = arith.constant 0 : i32
      %dma_start3A_57 = tpu.memref_slice %arg13[%multiple_of3A, %dma_start3A_56] : memref<10000x64xf32, #tpu.memory_space<vmem_shared>> -> memref<200x64xf32, #tpu.memory_space<vmem_shared>>
      tpu.enqueue_dma source(%arg10 : memref<200x64xf32, #tpu.memory_space<vmem>>) target(%dma_start3A_57 : memref<200x64xf32, #tpu.memory_space<vmem_shared>>) target_semaphore(%run_scoped3A : memref<!tpu.dma_semaphore, #tpu.memory_space<semaphore_mem>>)
      %dma_wait3A = arith.constant 0 : i32
      %dma_wait3A_58 = tpu.memref_slice %arg13[%multiple_of3A, %dma_wait3A] : memref<10000x64xf32, #tpu.memory_space<vmem_shared>> -> memref<200x64xf32, #tpu.memory_space<vmem_shared>>
      %dma_wait3A_59 = arith.constant 0 : i32
      %dma_wait3A_60 = tpu.memref_slice %arg13[%multiple_of3A, %dma_wait3A_59] : memref<10000x64xf32, #tpu.memory_space<vmem_shared>> -> memref<200x64xf32, #tpu.memory_space<vmem_shared>>
      tpu.wait_dma2 semaphore(%run_scoped3A : memref<!tpu.dma_semaphore, #tpu.memory_space<semaphore_mem>>) src(%arg10 : memref<200x64xf32, #tpu.memory_space<vmem>>) dst(%dma_wait3A_60 : memref<200x64xf32, #tpu.memory_space<vmem_shared>>)
      tpu.yield
    }) : () -> ()
    "tpu.region"() ({
      %run_scoped3A = tpu.sem_alloc : memref<!tpu.dma_semaphore, #tpu.memory_space<semaphore_mem>>
      %dma_start3A = arith.constant 0 : i32
      %dma_start3A_55 = tpu.memref_slice %arg14[%multiple_of3A, %dma_start3A] : memref<10000x64xf32, #tpu.memory_space<vmem_shared>> -> memref<200x64xf32, #tpu.memory_space<vmem_shared>>
      %dma_start3A_56 = arith.constant 0 : i32
      %dma_start3A_57 = tpu.memref_slice %arg14[%multiple_of3A, %dma_start3A_56] : memref<10000x64xf32, #tpu.memory_space<vmem_shared>> -> memref<200x64xf32, #tpu.memory_space<vmem_shared>>
      tpu.enqueue_dma source(%arg10 : memref<200x64xf32, #tpu.memory_space<vmem>>) target(%dma_start3A_57 : memref<200x64xf32, #tpu.memory_space<vmem_shared>>) target_semaphore(%run_scoped3A : memref<!tpu.dma_semaphore, #tpu.memory_space<semaphore_mem>>)
      %dma_wait3A = arith.constant 0 : i32
      %dma_wait3A_58 = tpu.memref_slice %arg14[%multiple_of3A, %dma_wait3A] : memref<10000x64xf32, #tpu.memory_space<vmem_shared>> -> memref<200x64xf32, #tpu.memory_space<vmem_shared>>
      %dma_wait3A_59 = arith.constant 0 : i32
      %dma_wait3A_60 = tpu.memref_slice %arg14[%multiple_of3A, %dma_wait3A_59] : memref<10000x64xf32, #tpu.memory_space<vmem_shared>> -> memref<200x64xf32, #tpu.memory_space<vmem_shared>>
      tpu.wait_dma2 semaphore(%run_scoped3A : memref<!tpu.dma_semaphore, #tpu.memory_space<semaphore_mem>>) src(%arg10 : memref<200x64xf32, #tpu.memory_space<vmem>>) dst(%dma_wait3A_60 : memref<200x64xf32, #tpu.memory_space<vmem_shared>>)
      tpu.yield
    }) : () -> ()
    %add3A = arith.constant 200 : i32
    %add3A_10 = arith.addi %multiple_of3A, %add3A : i32
    "tpu.region"() ({
      %run_scoped3A = tpu.sem_alloc : memref<!tpu.dma_semaphore, #tpu.memory_space<semaphore_mem>>
      %dma_start3A = arith.constant 0 : i32
      %dma_start3A_55 = arith.constant 0 : i32
      %dma_start3A_56 = tpu.memref_slice %arg10[%dma_start3A, %dma_start3A_55] : memref<200x64xf32, #tpu.memory_space<vmem>> -> memref<440x64xf32, #tpu.memory_space<vmem>>
      %dma_start3A_57 = arith.constant 0 : i32
      %dma_start3A_58 = tpu.memref_slice %arg13[%add3A_10, %dma_start3A_57] : memref<10000x64xf32, #tpu.memory_space<vmem_shared>> -> memref<440x64xf32, #tpu.memory_space<vmem_shared>>
      %dma_start3A_59 = arith.constant 0 : i32
      %dma_start3A_60 = tpu.memref_slice %arg13[%add3A_10, %dma_start3A_59] : memref<10000x64xf32, #tpu.memory_space<vmem_shared>> -> memref<440x64xf32, #tpu.memory_space<vmem_shared>>
      %dma_start3A_61 = arith.constant 0 : i32
      %dma_start3A_62 = arith.constant 0 : i32
      %dma_start3A_63 = tpu.memref_slice %arg10[%dma_start3A_61, %dma_start3A_62] : memref<200x64xf32, #tpu.memory_space<vmem>> -> memref<440x64xf32, #tpu.memory_space<vmem>>
      tpu.enqueue_dma source(%dma_start3A_63 : memref<440x64xf32, #tpu.memory_space<vmem>>) target(%dma_start3A_60 : memref<440x64xf32, #tpu.memory_space<vmem_shared>>) target_semaphore(%run_scoped3A : memref<!tpu.dma_semaphore, #tpu.memory_space<semaphore_mem>>)
      %dma_wait3A = arith.constant 0 : i32
      %dma_wait3A_64 = arith.constant 0 : i32
      %dma_wait3A_65 = tpu.memref_slice %arg10[%dma_wait3A, %dma_wait3A_64] : memref<200x64xf32, #tpu.memory_space<vmem>> -> memref<440x64xf32, #tpu.memory_space<vmem>>
      %dma_wait3A_66 = arith.constant 0 : i32
      %dma_wait3A_67 = tpu.memref_slice %arg13[%add3A_10, %dma_wait3A_66] : memref<10000x64xf32, #tpu.memory_space<vmem_shared>> -> memref<440x64xf32, #tpu.memory_space<vmem_shared>>
      %dma_wait3A_68 = arith.constant 0 : i32
      %dma_wait3A_69 = tpu.memref_slice %arg13[%add3A_10, %dma_wait3A_68] : memref<10000x64xf32, #tpu.memory_space<vmem_shared>> -> memref<440x64xf32, #tpu.memory_space<vmem_shared>>
      %dma_wait3A_70 = arith.constant 0 : i32
      %dma_wait3A_71 = arith.constant 0 : i32
      %dma_wait3A_72 = tpu.memref_slice %arg10[%dma_wait3A_70, %dma_wait3A_71] : memref<200x64xf32, #tpu.memory_space<vmem>> -> memref<440x64xf32, #tpu.memory_space<vmem>>
      tpu.wait_dma2 semaphore(%run_scoped3A : memref<!tpu.dma_semaphore, #tpu.memory_space<semaphore_mem>>) src(%dma_wait3A_72 : memref<440x64xf32, #tpu.memory_space<vmem>>) dst(%dma_wait3A_69 : memref<440x64xf32, #tpu.memory_space<vmem_shared>>)
      tpu.yield
    }) : () -> ()
    %add3A_11 = arith.constant 200 : i32
    %add3A_12 = arith.addi %multiple_of3A, %add3A_11 : i32
    "tpu.region"() ({
      %run_scoped3A = tpu.sem_alloc : memref<!tpu.dma_semaphore, #tpu.memory_space<semaphore_mem>>
      %dma_start3A = arith.constant 0 : i32
      %dma_start3A_55 = arith.constant 0 : i32
      %dma_start3A_56 = tpu.memref_slice %arg10[%dma_start3A, %dma_start3A_55] : memref<200x64xf32, #tpu.memory_space<vmem>> -> memref<440x64xf32, #tpu.memory_space<vmem>>
      %dma_start3A_57 = arith.constant 0 : i32
      %dma_start3A_58 = tpu.memref_slice %arg14[%add3A_12, %dma_start3A_57] : memref<10000x64xf32, #tpu.memory_space<vmem_shared>> -> memref<440x64xf32, #tpu.memory_space<vmem_shared>>
      %dma_start3A_59 = arith.constant 0 : i32
      %dma_start3A_60 = tpu.memref_slice %arg14[%add3A_12, %dma_start3A_59] : memref<10000x64xf32, #tpu.memory_space<vmem_shared>> -> memref<440x64xf32, #tpu.memory_space<vmem_shared>>
      %dma_start3A_61 = arith.constant 0 : i32
      %dma_start3A_62 = arith.constant 0 : i32
      %dma_start3A_63 = tpu.memref_slice %arg10[%dma_start3A_61, %dma_start3A_62] : memref<200x64xf32, #tpu.memory_space<vmem>> -> memref<440x64xf32, #tpu.memory_space<vmem>>
      tpu.enqueue_dma source(%dma_start3A_63 : memref<440x64xf32, #tpu.memory_space<vmem>>) target(%dma_start3A_60 : memref<440x64xf32, #tpu.memory_space<vmem_shared>>) target_semaphore(%run_scoped3A : memref<!tpu.dma_semaphore, #tpu.memory_space<semaphore_mem>>)
      %dma_wait3A = arith.constant 0 : i32
      %dma_wait3A_64 = arith.constant 0 : i32
      %dma_wait3A_65 = tpu.memref_slice %arg10[%dma_wait3A, %dma_wait3A_64] : memref<200x64xf32, #tpu.memory_space<vmem>> -> memref<440x64xf32, #tpu.memory_space<vmem>>
      %dma_wait3A_66 = arith.constant 0 : i32
      %dma_wait3A_67 = tpu.memref_slice %arg14[%add3A_12, %dma_wait3A_66] : memref<10000x64xf32, #tpu.memory_space<vmem_shared>> -> memref<440x64xf32, #tpu.memory_space<vmem_shared>>
      %dma_wait3A_68 = arith.constant 0 : i32
      %dma_wait3A_69 = tpu.memref_slice %arg14[%add3A_12, %dma_wait3A_68] : memref<10000x64xf32, #tpu.memory_space<vmem_shared>> -> memref<440x64xf32, #tpu.memory_space<vmem_shared>>
      %dma_wait3A_70 = arith.constant 0 : i32
      %dma_wait3A_71 = arith.constant 0 : i32
      %dma_wait3A_72 = tpu.memref_slice %arg10[%dma_wait3A_70, %dma_wait3A_71] : memref<200x64xf32, #tpu.memory_space<vmem>> -> memref<440x64xf32, #tpu.memory_space<vmem>>
      tpu.wait_dma2 semaphore(%run_scoped3A : memref<!tpu.dma_semaphore, #tpu.memory_space<semaphore_mem>>) src(%dma_wait3A_72 : memref<440x64xf32, #tpu.memory_space<vmem>>) dst(%dma_wait3A_69 : memref<440x64xf32, #tpu.memory_space<vmem_shared>>)
      tpu.yield
    }) : () -> ()
    %barrier3A = arith.constant 0 : index
    tpu.barrier barrier_id(%barrier3A)
    "tpu.region"() ({
      %run_scoped3A = tpu.sem_alloc : memref<!tpu.dma_semaphore, #tpu.memory_space<semaphore_mem>>
      tpu.enqueue_dma source(%arg6 : memref<16xf32, #tpu.memory_space<hbm>>) target(%arg12 : memref<16xf32, #tpu.memory_space<vmem>>) target_semaphore(%run_scoped3A : memref<!tpu.dma_semaphore, #tpu.memory_space<semaphore_mem>>)
      tpu.wait_dma2 semaphore(%run_scoped3A : memref<!tpu.dma_semaphore, #tpu.memory_space<semaphore_mem>>) src(%arg6 : memref<16xf32, #tpu.memory_space<hbm>>) dst(%arg12 : memref<16xf32, #tpu.memory_space<vmem>>)
      tpu.yield
    }) : () -> ()
    %get3A = arith.constant 0 : index
    %get3A_13 = tpu.vector_load %arg12[%get3A] {strides = array<i32>} : memref<16xf32, #tpu.memory_space<vmem>>, vector<16xf32>,
    %get3A_14 = vector.shape_cast %get3A_13 : vector<16xf32> to vector<16xf32>
    %mul3A_15 = arith.constant 20000 : i32
    %mul3A_16 = arith.muli %arg1, %mul3A_15 : i32
    %scan3A_17 = arith.constant 0 : i32
    %scan3A_18 = arith.constant 0 : i32
    %scan3A_19 = arith.constant 100 : i32
    %scan3A_20 = arith.addi %scan3A_18, %scan3A_19 : i32
    %scan3A_21 = arith.constant 1 : i32
    %scan3A_22 = scf.for %scan3A_55 = %scan3A_18 to %scan3A_20 step %scan3A_21 iter_args(%scan3A_56 = %scan3A_17) -> (i32)  : i32 {
      %mul3A_57 = arith.constant 200 : i32
      %mul3A_58 = arith.muli %scan3A_55, %mul3A_57 : i32
      %add3A_59 = arith.addi %mul3A_16, %mul3A_58 : i32
      %multiple_of3A_60 = tpu.assume_multiple %add3A_59, 8 : i32
      "tpu.region"() ({
        %run_scoped3A = tpu.sem_alloc : memref<!tpu.dma_semaphore, #tpu.memory_space<semaphore_mem>>
        %dma_start3A_84 = tpu.memref_slice %arg4[%multiple_of3A_60] : memref<320000xi32, #tpu.memory_space<hbm>> -> memref<200xi32, #tpu.memory_space<hbm>>
        %dma_start3A_85 = tpu.memref_slice %arg4[%multiple_of3A_60] : memref<320000xi32, #tpu.memory_space<hbm>> -> memref<200xi32, #tpu.memory_space<hbm>>
        tpu.enqueue_dma source(%dma_start3A_85 : memref<200xi32, #tpu.memory_space<hbm>>) target(%arg8 : memref<200xi32, #tpu.memory_space<vmem>>) target_semaphore(%run_scoped3A : memref<!tpu.dma_semaphore, #tpu.memory_space<semaphore_mem>>)
        %dma_wait3A_86 = tpu.memref_slice %arg4[%multiple_of3A_60] : memref<320000xi32, #tpu.memory_space<hbm>> -> memref<200xi32, #tpu.memory_space<hbm>>
        %dma_wait3A_87 = tpu.memref_slice %arg4[%multiple_of3A_60] : memref<320000xi32, #tpu.memory_space<hbm>> -> memref<200xi32, #tpu.memory_space<hbm>>
        tpu.wait_dma2 semaphore(%run_scoped3A : memref<!tpu.dma_semaphore, #tpu.memory_space<semaphore_mem>>) src(%dma_wait3A_87 : memref<200xi32, #tpu.memory_space<hbm>>) dst(%arg8 : memref<200xi32, #tpu.memory_space<vmem>>)
        tpu.yield
      }) : () -> ()
      "tpu.region"() ({
        %run_scoped3A = tpu.sem_alloc : memref<!tpu.dma_semaphore, #tpu.memory_space<semaphore_mem>>
        %dma_start3A_84 = tpu.memref_slice %arg5[%multiple_of3A_60] : memref<320000xi32, #tpu.memory_space<hbm>> -> memref<200xi32, #tpu.memory_space<hbm>>
        %dma_start3A_85 = tpu.memref_slice %arg5[%multiple_of3A_60] : memref<320000xi32, #tpu.memory_space<hbm>> -> memref<200xi32, #tpu.memory_space<hbm>>
        tpu.enqueue_dma source(%dma_start3A_85 : memref<200xi32, #tpu.memory_space<hbm>>) target(%arg9 : memref<200xi32, #tpu.memory_space<vmem>>) target_semaphore(%run_scoped3A : memref<!tpu.dma_semaphore, #tpu.memory_space<semaphore_mem>>)
        %dma_wait3A_86 = tpu.memref_slice %arg5[%multiple_of3A_60] : memref<320000xi32, #tpu.memory_space<hbm>> -> memref<200xi32, #tpu.memory_space<hbm>>
        %dma_wait3A_87 = tpu.memref_slice %arg5[%multiple_of3A_60] : memref<320000xi32, #tpu.memory_space<hbm>> -> memref<200xi32, #tpu.memory_space<hbm>>
        tpu.wait_dma2 semaphore(%run_scoped3A : memref<!tpu.dma_semaphore, #tpu.memory_space<semaphore_mem>>) src(%dma_wait3A_87 : memref<200xi32, #tpu.memory_space<hbm>>) dst(%arg9 : memref<200xi32, #tpu.memory_space<vmem>>)
        tpu.yield
      }) : () -> ()
      %scan3A_61 = arith.constant 0 : i32
      %scan3A_62 = arith.constant 0 : i32
      %scan3A_63 = arith.constant 12 : i32
      %scan3A_64 = arith.addi %scan3A_62, %scan3A_63 : i32
      %scan3A_65 = arith.constant 1 : i32
      %scan3A_66 = scf.for %scan3A_84 = %scan3A_62 to %scan3A_64 step %scan3A_65 iter_args(%scan3A_85 = %scan3A_61) -> (i32)  : i32 {
        %mul3A_86 = arith.constant 16 : i32
        %mul3A_87 = arith.muli %scan3A_84, %mul3A_86 : i32
        %get3A_88 = arith.index_cast %mul3A_87 : i32 to index
        %get3A_89 = tpu.vector_load %arg8[%get3A_88] {strides = array<i32>} : memref<200xi32, #tpu.memory_space<vmem>>, vector<16xi32>,
        %get3A_90 = vector.shape_cast %get3A_89 : vector<16xi32> to vector<16xi32>
        %add3A_91 = vector.broadcast %mul3A_0 : i32 to vector<16xi32>
        %add3A_92 = arith.addi %get3A_90, %add3A_91 : vector<16xi32>
        %swap3A = arith.index_cast %mul3A_87 : i32 to index
        %swap3A_93 = tpu.vector_load %arg8[%swap3A] {strides = array<i32>} : memref<200xi32, #tpu.memory_space<vmem>>, vector<16xi32>,
        %swap3A_94 = vector.shape_cast %swap3A_93 : vector<16xi32> to vector<16xi32>
        %swap3A_95 = vector.shape_cast %add3A_92 : vector<16xi32> to vector<16xi32>
        tpu.vector_store %arg8[%swap3A], %swap3A_95 {strides = array<i32>} : memref<200xi32, #tpu.memory_space<vmem>>, vector<16xi32>,
        %scan3A_96 = arith.constant 0 : i32
        scf.yield %scan3A_96 : i32
      }
      %scan3A_67 = arith.constant 12 : i32
      %dma_start3A = arith.constant 0 : i32
      %dma_start3A_68 = arith.constant 0 : i32
      %dma_start3A_69 = tpu.memref_slice %arg2[%dma_start3A, %dma_start3A_68] : memref<20000x64xf32, #tpu.memory_space<hbm>> -> memref<20000x64xf32, #tpu.memory_space<hbm>>
      tpu.enqueue_indirect_dma source(%dma_start3A_69 : memref<20000x64xf32, #tpu.memory_space<hbm>>) target(%arg10 : memref<200x64xf32, #tpu.memory_space<vmem>>) offsets(%arg8 : memref<200xi32, #tpu.memory_space<vmem>>) semaphore(%arg15 : memref<!tpu.dma_semaphore, #tpu.memory_space<semaphore_mem>>)
      %dma_wait3A = arith.constant 0 : i32
      %dma_wait3A_70 = arith.constant 0 : i32
      %dma_wait3A_71 = tpu.memref_slice %arg2[%dma_wait3A, %dma_wait3A_70] : memref<20000x64xf32, #tpu.memory_space<hbm>> -> memref<20000x64xf32, #tpu.memory_space<hbm>>
      tpu.wait_indirect_dma semaphore(%arg15 : memref<!tpu.dma_semaphore, #tpu.memory_space<semaphore_mem>>) src(%dma_wait3A_71 : memref<20000x64xf32, #tpu.memory_space<hbm>>) dst(%arg10 : memref<200x64xf32, #tpu.memory_space<vmem>>)
      %mul3A_72 = arith.constant 320000 : i32
      %mul3A_73 = arith.muli %arg0, %mul3A_72 : i32
      %add3A_74 = arith.addi %mul3A_73, %multiple_of3A_60 : i32
      %multiple_of3A_75 = tpu.assume_multiple %add3A_74, 8 : i32
      "tpu.region"() ({
        %run_scoped3A = tpu.sem_alloc : memref<!tpu.dma_semaphore, #tpu.memory_space<semaphore_mem>>
        %dma_start3A_84 = arith.constant 0 : i32
        %dma_start3A_85 = tpu.memref_slice %arg3[%multiple_of3A_75, %dma_start3A_84] : memref<640000x64xf32, #tpu.memory_space<hbm>> -> memref<200x64xf32, #tpu.memory_space<hbm>>
        %dma_start3A_86 = arith.constant 0 : i32
        %dma_start3A_87 = tpu.memref_slice %arg3[%multiple_of3A_75, %dma_start3A_86] : memref<640000x64xf32, #tpu.memory_space<hbm>> -> memref<200x64xf32, #tpu.memory_space<hbm>>
        tpu.enqueue_dma source(%dma_start3A_87 : memref<200x64xf32, #tpu.memory_space<hbm>>) target(%arg11 : memref<200x64xf32, #tpu.memory_space<vmem>>) target_semaphore(%run_scoped3A : memref<!tpu.dma_semaphore, #tpu.memory_space<semaphore_mem>>)
        %dma_wait3A_88 = arith.constant 0 : i32
        %dma_wait3A_89 = tpu.memref_slice %arg3[%multiple_of3A_75, %dma_wait3A_88] : memref<640000x64xf32, #tpu.memory_space<hbm>> -> memref<200x64xf32, #tpu.memory_space<hbm>>
        %dma_wait3A_90 = arith.constant 0 : i32
        %dma_wait3A_91 = tpu.memref_slice %arg3[%multiple_of3A_75, %dma_wait3A_90] : memref<640000x64xf32, #tpu.memory_space<hbm>> -> memref<200x64xf32, #tpu.memory_space<hbm>>
        tpu.wait_dma2 semaphore(%run_scoped3A : memref<!tpu.dma_semaphore, #tpu.memory_space<semaphore_mem>>) src(%dma_wait3A_91 : memref<200x64xf32, #tpu.memory_space<hbm>>) dst(%arg11 : memref<200x64xf32, #tpu.memory_space<vmem>>)
        tpu.yield
      }) : () -> ()
      %scan3A_76 = arith.constant 0 : i32
      %scan3A_77 = arith.constant 0 : i32
      %scan3A_78 = arith.constant 200 : i32
      %scan3A_79 = arith.addi %scan3A_77, %scan3A_78 : i32
      %scan3A_80 = arith.constant 1 : i32
      %scan3A_81 = scf.for %scan3A_84 = %scan3A_77 to %scan3A_79 step %scan3A_80 iter_args(%scan3A_85 = %scan3A_76) -> (i32)  : i32 {
        %get3A_86 = arith.index_cast %scan3A_84 : i32 to index
        %get3A_87 = arith.constant 0 : index
        %get3A_88 = tpu.vector_load %arg10[%get3A_86, %get3A_87] {strides = array<i32>} : memref<200x64xf32, #tpu.memory_space<vmem>>, vector<1x16xf32>,
        %get3A_89 = vector.shape_cast %get3A_88 : vector<1x16xf32> to vector<16xf32>
        %get3A_90 = arith.index_cast %scan3A_84 : i32 to index
        %get3A_91 = arith.constant 0 : index
        %get3A_92 = tpu.vector_load %arg11[%get3A_90, %get3A_91] {strides = array<i32>} : memref<200x64xf32, #tpu.memory_space<vmem>>, vector<1x16xf32>,
        %get3A_93 = vector.shape_cast %get3A_92 : vector<1x16xf32> to vector<16xf32>
        %add3A_94 = arith.addf %get3A_89, %get3A_93 : vector<16xf32>
        %max3A = arith.constant 0.000000e+00 : f32
        %max3A_95 = vector.broadcast %max3A : f32 to vector<16xf32>
        %max3A_96 = arith.maximumf %add3A_94, %max3A_95 : vector<16xf32>
        %add3A_97 = arith.constant 1.000000e-07 : f32
        %add3A_98 = vector.broadcast %add3A_97 : f32 to vector<16xf32>
        %add3A_99 = arith.addf %max3A_96, %add3A_98 : vector<16xf32>
        %mul3A_100 = arith.mulf %get3A_14, %add3A_99 : vector<16xf32>
        %exp3A = math.exp %mul3A_100 : vector<16xf32>
        %swap3A = arith.index_cast %scan3A_84 : i32 to index
        %swap3A_101 = arith.constant 0 : index
        %swap3A_102 = tpu.vector_load %arg11[%swap3A, %swap3A_101] {strides = array<i32>} : memref<200x64xf32, #tpu.memory_space<vmem>>, vector<1x16xf32>,
        %swap3A_103 = vector.shape_cast %swap3A_102 : vector<1x16xf32> to vector<16xf32>
        %swap3A_104 = vector.shape_cast %exp3A : vector<16xf32> to vector<1x16xf32>
        tpu.vector_store %arg11[%swap3A, %swap3A_101], %swap3A_104 {strides = array<i32>} : memref<200x64xf32, #tpu.memory_space<vmem>>, vector<1x16xf32>,
        %mul3A_105 = arith.mulf %add3A_99, %exp3A : vector<16xf32>
        %swap3A_106 = arith.index_cast %scan3A_84 : i32 to index
        %swap3A_107 = arith.constant 0 : index
        %swap3A_108 = tpu.vector_load %arg10[%swap3A_106, %swap3A_107] {strides = array<i32>} : memref<200x64xf32, #tpu.memory_space<vmem>>, vector<1x16xf32>,
        %swap3A_109 = vector.shape_cast %swap3A_108 : vector<1x16xf32> to vector<16xf32>
        %swap3A_110 = vector.shape_cast %mul3A_105 : vector<16xf32> to vector<1x16xf32>
        tpu.vector_store %arg10[%swap3A_106, %swap3A_107], %swap3A_110 {strides = array<i32>} : memref<200x64xf32, #tpu.memory_space<vmem>>, vector<1x16xf32>,
        %get3A_111 = arith.index_cast %scan3A_84 : i32 to index
        %get3A_112 = arith.constant 16 : index
        %get3A_113 = tpu.vector_load %arg10[%get3A_111, %get3A_112] {strides = array<i32>} : memref<200x64xf32, #tpu.memory_space<vmem>>, vector<1x16xf32>,
        %get3A_114 = vector.shape_cast %get3A_113 : vector<1x16xf32> to vector<16xf32>
        %get3A_115 = arith.index_cast %scan3A_84 : i32 to index
        %get3A_116 = arith.constant 16 : index
        %get3A_117 = tpu.vector_load %arg11[%get3A_115, %get3A_116] {strides = array<i32>} : memref<200x64xf32, #tpu.memory_space<vmem>>, vector<1x16xf32>,
        %get3A_118 = vector.shape_cast %get3A_117 : vector<1x16xf32> to vector<16xf32>
        %add3A_119 = arith.addf %get3A_114, %get3A_118 : vector<16xf32>
        %max3A_120 = arith.constant 0.000000e+00 : f32
        %max3A_121 = vector.broadcast %max3A_120 : f32 to vector<16xf32>
        %max3A_122 = arith.maximumf %add3A_119, %max3A_121 : vector<16xf32>
        %add3A_123 = arith.constant 1.000000e-07 : f32
        %add3A_124 = vector.broadcast %add3A_123 : f32 to vector<16xf32>
        %add3A_125 = arith.addf %max3A_122, %add3A_124 : vector<16xf32>
        %mul3A_126 = arith.mulf %get3A_14, %add3A_125 : vector<16xf32>
        %exp3A_127 = math.exp %mul3A_126 : vector<16xf32>
        %swap3A_128 = arith.index_cast %scan3A_84 : i32 to index
        %swap3A_129 = arith.constant 16 : index
        %swap3A_130 = tpu.vector_load %arg11[%swap3A_128, %swap3A_129] {strides = array<i32>} : memref<200x64xf32, #tpu.memory_space<vmem>>, vector<1x16xf32>,
        %swap3A_131 = vector.shape_cast %swap3A_130 : vector<1x16xf32> to vector<16xf32>
        %swap3A_132 = vector.shape_cast %exp3A_127 : vector<16xf32> to vector<1x16xf32>
        tpu.vector_store %arg11[%swap3A_128, %swap3A_129], %swap3A_132 {strides = array<i32>} : memref<200x64xf32, #tpu.memory_space<vmem>>, vector<1x16xf32>,
        %mul3A_133 = arith.mulf %add3A_125, %exp3A_127 : vector<16xf32>
        %swap3A_134 = arith.index_cast %scan3A_84 : i32 to index
        %swap3A_135 = arith.constant 16 : index
        %swap3A_136 = tpu.vector_load %arg10[%swap3A_134, %swap3A_135] {strides = array<i32>} : memref<200x64xf32, #tpu.memory_space<vmem>>, vector<1x16xf32>,
        %swap3A_137 = vector.shape_cast %swap3A_136 : vector<1x16xf32> to vector<16xf32>
        %swap3A_138 = vector.shape_cast %mul3A_133 : vector<16xf32> to vector<1x16xf32>
        tpu.vector_store %arg10[%swap3A_134, %swap3A_135], %swap3A_138 {strides = array<i32>} : memref<200x64xf32, #tpu.memory_space<vmem>>, vector<1x16xf32>,
        %get3A_139 = arith.index_cast %scan3A_84 : i32 to index
        %get3A_140 = arith.constant 32 : index
        %get3A_141 = tpu.vector_load %arg10[%get3A_139, %get3A_140] {strides = array<i32>} : memref<200x64xf32, #tpu.memory_space<vmem>>, vector<1x16xf32>,
        %get3A_142 = vector.shape_cast %get3A_141 : vector<1x16xf32> to vector<16xf32>
        %get3A_143 = arith.index_cast %scan3A_84 : i32 to index
        %get3A_144 = arith.constant 32 : index
        %get3A_145 = tpu.vector_load %arg11[%get3A_143, %get3A_144] {strides = array<i32>} : memref<200x64xf32, #tpu.memory_space<vmem>>, vector<1x16xf32>,
        %get3A_146 = vector.shape_cast %get3A_145 : vector<1x16xf32> to vector<16xf32>
        %add3A_147 = arith.addf %get3A_142, %get3A_146 : vector<16xf32>
        %max3A_148 = arith.constant 0.000000e+00 : f32
        %max3A_149 = vector.broadcast %max3A_148 : f32 to vector<16xf32>
        %max3A_150 = arith.maximumf %add3A_147, %max3A_149 : vector<16xf32>
        %add3A_151 = arith.constant 1.000000e-07 : f32
        %add3A_152 = vector.broadcast %add3A_151 : f32 to vector<16xf32>
        %add3A_153 = arith.addf %max3A_150, %add3A_152 : vector<16xf32>
        %mul3A_154 = arith.mulf %get3A_14, %add3A_153 : vector<16xf32>
        %exp3A_155 = math.exp %mul3A_154 : vector<16xf32>
        %swap3A_156 = arith.index_cast %scan3A_84 : i32 to index
        %swap3A_157 = arith.constant 32 : index
        %swap3A_158 = tpu.vector_load %arg11[%swap3A_156, %swap3A_157] {strides = array<i32>} : memref<200x64xf32, #tpu.memory_space<vmem>>, vector<1x16xf32>,
        %swap3A_159 = vector.shape_cast %swap3A_158 : vector<1x16xf32> to vector<16xf32>
        %swap3A_160 = vector.shape_cast %exp3A_155 : vector<16xf32> to vector<1x16xf32>
        tpu.vector_store %arg11[%swap3A_156, %swap3A_157], %swap3A_160 {strides = array<i32>} : memref<200x64xf32, #tpu.memory_space<vmem>>, vector<1x16xf32>,
        %mul3A_161 = arith.mulf %add3A_153, %exp3A_155 : vector<16xf32>
        %swap3A_162 = arith.index_cast %scan3A_84 : i32 to index
        %swap3A_163 = arith.constant 32 : index
        %swap3A_164 = tpu.vector_load %arg10[%swap3A_162, %swap3A_163] {strides = array<i32>} : memref<200x64xf32, #tpu.memory_space<vmem>>, vector<1x16xf32>,
        %swap3A_165 = vector.shape_cast %swap3A_164 : vector<1x16xf32> to vector<16xf32>
        %swap3A_166 = vector.shape_cast %mul3A_161 : vector<16xf32> to vector<1x16xf32>
        tpu.vector_store %arg10[%swap3A_162, %swap3A_163], %swap3A_166 {strides = array<i32>} : memref<200x64xf32, #tpu.memory_space<vmem>>, vector<1x16xf32>,
        %get3A_167 = arith.index_cast %scan3A_84 : i32 to index
        %get3A_168 = arith.constant 48 : index
        %get3A_169 = tpu.vector_load %arg10[%get3A_167, %get3A_168] {strides = array<i32>} : memref<200x64xf32, #tpu.memory_space<vmem>>, vector<1x16xf32>,
        %get3A_170 = vector.shape_cast %get3A_169 : vector<1x16xf32> to vector<16xf32>
        %get3A_171 = arith.index_cast %scan3A_84 : i32 to index
        %get3A_172 = arith.constant 48 : index
        %get3A_173 = tpu.vector_load %arg11[%get3A_171, %get3A_172] {strides = array<i32>} : memref<200x64xf32, #tpu.memory_space<vmem>>, vector<1x16xf32>,
        %get3A_174 = vector.shape_cast %get3A_173 : vector<1x16xf32> to vector<16xf32>
        %add3A_175 = arith.addf %get3A_170, %get3A_174 : vector<16xf32>
        %max3A_176 = arith.constant 0.000000e+00 : f32
        %max3A_177 = vector.broadcast %max3A_176 : f32 to vector<16xf32>
        %max3A_178 = arith.maximumf %add3A_175, %max3A_177 : vector<16xf32>
        %add3A_179 = arith.constant 1.000000e-07 : f32
        %add3A_180 = vector.broadcast %add3A_179 : f32 to vector<16xf32>
        %add3A_181 = arith.addf %max3A_178, %add3A_180 : vector<16xf32>
        %mul3A_182 = arith.mulf %get3A_14, %add3A_181 : vector<16xf32>
        %exp3A_183 = math.exp %mul3A_182 : vector<16xf32>
        %swap3A_184 = arith.index_cast %scan3A_84 : i32 to index
        %swap3A_185 = arith.constant 48 : index
        %swap3A_186 = tpu.vector_load %arg11[%swap3A_184, %swap3A_185] {strides = array<i32>} : memref<200x64xf32, #tpu.memory_space<vmem>>, vector<1x16xf32>,
        %swap3A_187 = vector.shape_cast %swap3A_186 : vector<1x16xf32> to vector<16xf32>
        %swap3A_188 = vector.shape_cast %exp3A_183 : vector<16xf32> to vector<1x16xf32>
        tpu.vector_store %arg11[%swap3A_184, %swap3A_185], %swap3A_188 {strides = array<i32>} : memref<200x64xf32, #tpu.memory_space<vmem>>, vector<1x16xf32>,
        %mul3A_189 = arith.mulf %add3A_181, %exp3A_183 : vector<16xf32>
        %swap3A_190 = arith.index_cast %scan3A_84 : i32 to index
        %swap3A_191 = arith.constant 48 : index
        %swap3A_192 = tpu.vector_load %arg10[%swap3A_190, %swap3A_191] {strides = array<i32>} : memref<200x64xf32, #tpu.memory_space<vmem>>, vector<1x16xf32>,
        %swap3A_193 = vector.shape_cast %swap3A_192 : vector<1x16xf32> to vector<16xf32>
        %swap3A_194 = vector.shape_cast %mul3A_189 : vector<16xf32> to vector<1x16xf32>
        tpu.vector_store %arg10[%swap3A_190, %swap3A_191], %swap3A_194 {strides = array<i32>} : memref<200x64xf32, #tpu.memory_space<vmem>>, vector<1x16xf32>,
        %scan3A_195 = arith.constant 0 : i32
        scf.yield %scan3A_195 : i32
      }
      %scan3A_82 = arith.constant 200 : i32
      "tpu.region"() ({
        %run_scoped3A = tpu.sem_alloc : memref<!tpu.dma_semaphore, #tpu.memory_space<semaphore_mem>>
        %dma_start3A_84 = arith.constant 0 : i32
        %dma_start3A_85 = arith.constant 0 : i32
        %dma_start3A_86 = tpu.memref_slice %arg14[%dma_start3A_84, %dma_start3A_85] : memref<10000x64xf32, #tpu.memory_space<vmem_shared>> -> memref<10000x64xf32, #tpu.memory_space<vmem_shared>>
        tpu.enqueue_indirect_dma source(%arg11 : memref<200x64xf32, #tpu.memory_space<vmem>>) target(%dma_start3A_86 : memref<10000x64xf32, #tpu.memory_space<vmem_shared>>) offsets(%arg9 : memref<200xi32, #tpu.memory_space<vmem>>) semaphore(%run_scoped3A : memref<!tpu.dma_semaphore, #tpu.memory_space<semaphore_mem>>) {add = true}
        %dma_wait3A_87 = arith.constant 0 : i32
        %dma_wait3A_88 = arith.constant 0 : i32
        %dma_wait3A_89 = tpu.memref_slice %arg14[%dma_wait3A_87, %dma_wait3A_88] : memref<10000x64xf32, #tpu.memory_space<vmem_shared>> -> memref<10000x64xf32, #tpu.memory_space<vmem_shared>>
        tpu.wait_indirect_dma semaphore(%run_scoped3A : memref<!tpu.dma_semaphore, #tpu.memory_space<semaphore_mem>>) src(%arg11 : memref<200x64xf32, #tpu.memory_space<vmem>>) dst(%dma_wait3A_89 : memref<10000x64xf32, #tpu.memory_space<vmem_shared>>)
        tpu.yield
      }) : () -> ()
      "tpu.region"() ({
        %run_scoped3A = tpu.sem_alloc : memref<!tpu.dma_semaphore, #tpu.memory_space<semaphore_mem>>
        %dma_start3A_84 = arith.constant 0 : i32
        %dma_start3A_85 = arith.constant 0 : i32
        %dma_start3A_86 = tpu.memref_slice %arg13[%dma_start3A_84, %dma_start3A_85] : memref<10000x64xf32, #tpu.memory_space<vmem_shared>> -> memref<10000x64xf32, #tpu.memory_space<vmem_shared>>
        tpu.enqueue_indirect_dma source(%arg10 : memref<200x64xf32, #tpu.memory_space<vmem>>) target(%dma_start3A_86 : memref<10000x64xf32, #tpu.memory_space<vmem_shared>>) offsets(%arg9 : memref<200xi32, #tpu.memory_space<vmem>>) semaphore(%run_scoped3A : memref<!tpu.dma_semaphore, #tpu.memory_space<semaphore_mem>>) {add = true}
        %dma_wait3A_87 = arith.constant 0 : i32
        %dma_wait3A_88 = arith.constant 0 : i32
        %dma_wait3A_89 = tpu.memref_slice %arg13[%dma_wait3A_87, %dma_wait3A_88] : memref<10000x64xf32, #tpu.memory_space<vmem_shared>> -> memref<10000x64xf32, #tpu.memory_space<vmem_shared>>
        tpu.wait_indirect_dma semaphore(%run_scoped3A : memref<!tpu.dma_semaphore, #tpu.memory_space<semaphore_mem>>) src(%arg10 : memref<200x64xf32, #tpu.memory_space<vmem>>) dst(%dma_wait3A_89 : memref<10000x64xf32, #tpu.memory_space<vmem_shared>>)
        tpu.yield
      }) : () -> ()
      %scan3A_83 = arith.constant 0 : i32
      scf.yield %scan3A_83 : i32
    }
    %scan3A_23 = arith.constant 100 : i32
    %barrier3A_24 = arith.constant 0 : index
    tpu.barrier barrier_id(%barrier3A_24)
    %add3A_25 = arith.constant 0 : i32
    %add3A_26 = arith.addi %multiple_of3A, %add3A_25 : i32
    "tpu.region"() ({
      %run_scoped3A = tpu.sem_alloc : memref<!tpu.dma_semaphore, #tpu.memory_space<semaphore_mem>>
      %dma_start3A = arith.constant 0 : i32
      %dma_start3A_55 = arith.constant 0 : i32
      %dma_start3A_56 = tpu.memref_slice %arg10[%dma_start3A, %dma_start3A_55] : memref<200x64xf32, #tpu.memory_space<vmem>> -> memref<200x64xf32, #tpu.memory_space<vmem>>
      %dma_start3A_57 = arith.constant 0 : i32
      %dma_start3A_58 = tpu.memref_slice %arg13[%add3A_26, %dma_start3A_57] : memref<10000x64xf32, #tpu.memory_space<vmem_shared>> -> memref<200x64xf32, #tpu.memory_space<vmem_shared>>
      %dma_start3A_59 = arith.constant 0 : i32
      %dma_start3A_60 = arith.constant 0 : i32
      %dma_start3A_61 = tpu.memref_slice %arg10[%dma_start3A_59, %dma_start3A_60] : memref<200x64xf32, #tpu.memory_space<vmem>> -> memref<200x64xf32, #tpu.memory_space<vmem>>
      %dma_start3A_62 = arith.constant 0 : i32
      %dma_start3A_63 = tpu.memref_slice %arg13[%add3A_26, %dma_start3A_62] : memref<10000x64xf32, #tpu.memory_space<vmem_shared>> -> memref<200x64xf32, #tpu.memory_space<vmem_shared>>
      tpu.enqueue_dma source(%dma_start3A_63 : memref<200x64xf32, #tpu.memory_space<vmem_shared>>) target(%dma_start3A_61 : memref<200x64xf32, #tpu.memory_space<vmem>>) target_semaphore(%run_scoped3A : memref<!tpu.dma_semaphore, #tpu.memory_space<semaphore_mem>>)
      %dma_wait3A = arith.constant 0 : i32
      %dma_wait3A_64 = arith.constant 0 : i32
      %dma_wait3A_65 = tpu.memref_slice %arg10[%dma_wait3A, %dma_wait3A_64] : memref<200x64xf32, #tpu.memory_space<vmem>> -> memref<200x64xf32, #tpu.memory_space<vmem>>
      %dma_wait3A_66 = arith.constant 0 : i32
      %dma_wait3A_67 = tpu.memref_slice %arg13[%add3A_26, %dma_wait3A_66] : memref<10000x64xf32, #tpu.memory_space<vmem_shared>> -> memref<200x64xf32, #tpu.memory_space<vmem_shared>>
      %dma_wait3A_68 = arith.constant 0 : i32
      %dma_wait3A_69 = arith.constant 0 : i32
      %dma_wait3A_70 = tpu.memref_slice %arg10[%dma_wait3A_68, %dma_wait3A_69] : memref<200x64xf32, #tpu.memory_space<vmem>> -> memref<200x64xf32, #tpu.memory_space<vmem>>
      %dma_wait3A_71 = arith.constant 0 : i32
      %dma_wait3A_72 = tpu.memref_slice %arg13[%add3A_26, %dma_wait3A_71] : memref<10000x64xf32, #tpu.memory_space<vmem_shared>> -> memref<200x64xf32, #tpu.memory_space<vmem_shared>>
      tpu.wait_dma2 semaphore(%run_scoped3A : memref<!tpu.dma_semaphore, #tpu.memory_space<semaphore_mem>>) src(%dma_wait3A_72 : memref<200x64xf32, #tpu.memory_space<vmem_shared>>) dst(%dma_wait3A_70 : memref<200x64xf32, #tpu.memory_space<vmem>>)
      tpu.yield
    }) : () -> ()
    %add3A_27 = arith.constant 0 : i32
    %add3A_28 = arith.addi %multiple_of3A, %add3A_27 : i32
    "tpu.region"() ({
      %run_scoped3A = tpu.sem_alloc : memref<!tpu.dma_semaphore, #tpu.memory_space<semaphore_mem>>
      %dma_start3A = arith.constant 0 : i32
      %dma_start3A_55 = arith.constant 0 : i32
      %dma_start3A_56 = tpu.memref_slice %arg11[%dma_start3A, %dma_start3A_55] : memref<200x64xf32, #tpu.memory_space<vmem>> -> memref<200x64xf32, #tpu.memory_space<vmem>>
      %dma_start3A_57 = arith.constant 0 : i32
      %dma_start3A_58 = tpu.memref_slice %arg14[%add3A_28, %dma_start3A_57] : memref<10000x64xf32, #tpu.memory_space<vmem_shared>> -> memref<200x64xf32, #tpu.memory_space<vmem_shared>>
      %dma_start3A_59 = arith.constant 0 : i32
      %dma_start3A_60 = arith.constant 0 : i32
      %dma_start3A_61 = tpu.memref_slice %arg11[%dma_start3A_59, %dma_start3A_60] : memref<200x64xf32, #tpu.memory_space<vmem>> -> memref<200x64xf32, #tpu.memory_space<vmem>>
      %dma_start3A_62 = arith.constant 0 : i32
      %dma_start3A_63 = tpu.memref_slice %arg14[%add3A_28, %dma_start3A_62] : memref<10000x64xf32, #tpu.memory_space<vmem_shared>> -> memref<200x64xf32, #tpu.memory_space<vmem_shared>>
      tpu.enqueue_dma source(%dma_start3A_63 : memref<200x64xf32, #tpu.memory_space<vmem_shared>>) target(%dma_start3A_61 : memref<200x64xf32, #tpu.memory_space<vmem>>) target_semaphore(%run_scoped3A : memref<!tpu.dma_semaphore, #tpu.memory_space<semaphore_mem>>)
      %dma_wait3A = arith.constant 0 : i32
      %dma_wait3A_64 = arith.constant 0 : i32
      %dma_wait3A_65 = tpu.memref_slice %arg11[%dma_wait3A, %dma_wait3A_64] : memref<200x64xf32, #tpu.memory_space<vmem>> -> memref<200x64xf32, #tpu.memory_space<vmem>>
      %dma_wait3A_66 = arith.constant 0 : i32
      %dma_wait3A_67 = tpu.memref_slice %arg14[%add3A_28, %dma_wait3A_66] : memref<10000x64xf32, #tpu.memory_space<vmem_shared>> -> memref<200x64xf32, #tpu.memory_space<vmem_shared>>
      %dma_wait3A_68 = arith.constant 0 : i32
      %dma_wait3A_69 = arith.constant 0 : i32
      %dma_wait3A_70 = tpu.memref_slice %arg11[%dma_wait3A_68, %dma_wait3A_69] : memref<200x64xf32, #tpu.memory_space<vmem>> -> memref<200x64xf32, #tpu.memory_space<vmem>>
      %dma_wait3A_71 = arith.constant 0 : i32
      %dma_wait3A_72 = tpu.memref_slice %arg14[%add3A_28, %dma_wait3A_71] : memref<10000x64xf32, #tpu.memory_space<vmem_shared>> -> memref<200x64xf32, #tpu.memory_space<vmem_shared>>
      tpu.wait_dma2 semaphore(%run_scoped3A : memref<!tpu.dma_semaphore, #tpu.memory_space<semaphore_mem>>) src(%dma_wait3A_72 : memref<200x64xf32, #tpu.memory_space<vmem_shared>>) dst(%dma_wait3A_70 : memref<200x64xf32, #tpu.memory_space<vmem>>)
      tpu.yield
    }) : () -> ()
    %scan3A_29 = arith.constant 0 : i32
    %scan3A_30 = arith.constant 0 : i32
    %scan3A_31 = arith.constant 200 : i32
    %scan3A_32 = arith.addi %scan3A_30, %scan3A_31 : i32
    %scan3A_33 = arith.constant 1 : i32
    %scan3A_34 = scf.for %scan3A_55 = %scan3A_30 to %scan3A_32 step %scan3A_33 iter_args(%scan3A_56 = %scan3A_29) -> (i32)  : i32 {
      %get3A_57 = arith.index_cast %scan3A_55 : i32 to index
      %get3A_58 = arith.constant 0 : index
      %get3A_59 = tpu.vector_load %arg10[%get3A_57, %get3A_58] {strides = array<i32>} : memref<200x64xf32, #tpu.memory_space<vmem>>, vector<1x16xf32>,
      %get3A_60 = vector.shape_cast %get3A_59 : vector<1x16xf32> to vector<16xf32>
      %get3A_61 = arith.index_cast %scan3A_55 : i32 to index
      %get3A_62 = arith.constant 0 : index
      %get3A_63 = tpu.vector_load %arg11[%get3A_61, %get3A_62] {strides = array<i32>} : memref<200x64xf32, #tpu.memory_space<vmem>>, vector<1x16xf32>,
      %get3A_64 = vector.shape_cast %get3A_63 : vector<1x16xf32> to vector<16xf32>
      %add3A_65 = arith.constant 1.000000e-16 : f32
      %add3A_66 = vector.broadcast %add3A_65 : f32 to vector<16xf32>
      %add3A_67 = arith.addf %get3A_64, %add3A_66 : vector<16xf32>
      %div3A = arith.divf %get3A_60, %add3A_67 : vector<16xf32>
      %swap3A = arith.index_cast %scan3A_55 : i32 to index
      %swap3A_68 = arith.constant 0 : index
      %swap3A_69 = tpu.vector_load %arg10[%swap3A, %swap3A_68] {strides = array<i32>} : memref<200x64xf32, #tpu.memory_space<vmem>>, vector<1x16xf32>,
      %swap3A_70 = vector.shape_cast %swap3A_69 : vector<1x16xf32> to vector<16xf32>
      %swap3A_71 = vector.shape_cast %div3A : vector<16xf32> to vector<1x16xf32>
      tpu.vector_store %arg10[%swap3A, %swap3A_68], %swap3A_71 {strides = array<i32>} : memref<200x64xf32, #tpu.memory_space<vmem>>, vector<1x16xf32>,
      %get3A_72 = arith.index_cast %scan3A_55 : i32 to index
      %get3A_73 = arith.constant 16 : index
      %get3A_74 = tpu.vector_load %arg10[%get3A_72, %get3A_73] {strides = array<i32>} : memref<200x64xf32, #tpu.memory_space<vmem>>, vector<1x16xf32>,
      %get3A_75 = vector.shape_cast %get3A_74 : vector<1x16xf32> to vector<16xf32>
      %get3A_76 = arith.index_cast %scan3A_55 : i32 to index
      %get3A_77 = arith.constant 16 : index
      %get3A_78 = tpu.vector_load %arg11[%get3A_76, %get3A_77] {strides = array<i32>} : memref<200x64xf32, #tpu.memory_space<vmem>>, vector<1x16xf32>,
      %get3A_79 = vector.shape_cast %get3A_78 : vector<1x16xf32> to vector<16xf32>
      %add3A_80 = arith.constant 1.000000e-16 : f32
      %add3A_81 = vector.broadcast %add3A_80 : f32 to vector<16xf32>
      %add3A_82 = arith.addf %get3A_79, %add3A_81 : vector<16xf32>
      %div3A_83 = arith.divf %get3A_75, %add3A_82 : vector<16xf32>
      %swap3A_84 = arith.index_cast %scan3A_55 : i32 to index
      %swap3A_85 = arith.constant 16 : index
      %swap3A_86 = tpu.vector_load %arg10[%swap3A_84, %swap3A_85] {strides = array<i32>} : memref<200x64xf32, #tpu.memory_space<vmem>>, vector<1x16xf32>,
      %swap3A_87 = vector.shape_cast %swap3A_86 : vector<1x16xf32> to vector<16xf32>
      %swap3A_88 = vector.shape_cast %div3A_83 : vector<16xf32> to vector<1x16xf32>
      tpu.vector_store %arg10[%swap3A_84, %swap3A_85], %swap3A_88 {strides = array<i32>} : memref<200x64xf32, #tpu.memory_space<vmem>>, vector<1x16xf32>,
      %get3A_89 = arith.index_cast %scan3A_55 : i32 to index
      %get3A_90 = arith.constant 32 : index
      %get3A_91 = tpu.vector_load %arg10[%get3A_89, %get3A_90] {strides = array<i32>} : memref<200x64xf32, #tpu.memory_space<vmem>>, vector<1x16xf32>,
      %get3A_92 = vector.shape_cast %get3A_91 : vector<1x16xf32> to vector<16xf32>
      %get3A_93 = arith.index_cast %scan3A_55 : i32 to index
      %get3A_94 = arith.constant 32 : index
      %get3A_95 = tpu.vector_load %arg11[%get3A_93, %get3A_94] {strides = array<i32>} : memref<200x64xf32, #tpu.memory_space<vmem>>, vector<1x16xf32>,
      %get3A_96 = vector.shape_cast %get3A_95 : vector<1x16xf32> to vector<16xf32>
      %add3A_97 = arith.constant 1.000000e-16 : f32
      %add3A_98 = vector.broadcast %add3A_97 : f32 to vector<16xf32>
      %add3A_99 = arith.addf %get3A_96, %add3A_98 : vector<16xf32>
      %div3A_100 = arith.divf %get3A_92, %add3A_99 : vector<16xf32>
      %swap3A_101 = arith.index_cast %scan3A_55 : i32 to index
      %swap3A_102 = arith.constant 32 : index
      %swap3A_103 = tpu.vector_load %arg10[%swap3A_101, %swap3A_102] {strides = array<i32>} : memref<200x64xf32, #tpu.memory_space<vmem>>, vector<1x16xf32>,
      %swap3A_104 = vector.shape_cast %swap3A_103 : vector<1x16xf32> to vector<16xf32>
      %swap3A_105 = vector.shape_cast %div3A_100 : vector<16xf32> to vector<1x16xf32>
      tpu.vector_store %arg10[%swap3A_101, %swap3A_102], %swap3A_105 {strides = array<i32>} : memref<200x64xf32, #tpu.memory_space<vmem>>, vector<1x16xf32>,
      %get3A_106 = arith.index_cast %scan3A_55 : i32 to index
      %get3A_107 = arith.constant 48 : index
      %get3A_108 = tpu.vector_load %arg10[%get3A_106, %get3A_107] {strides = array<i32>} : memref<200x64xf32, #tpu.memory_space<vmem>>, vector<1x16xf32>,
      %get3A_109 = vector.shape_cast %get3A_108 : vector<1x16xf32> to vector<16xf32>
      %get3A_110 = arith.index_cast %scan3A_55 : i32 to index
      %get3A_111 = arith.constant 48 : index
      %get3A_112 = tpu.vector_load %arg11[%get3A_110, %get3A_111] {strides = array<i32>} : memref<200x64xf32, #tpu.memory_space<vmem>>, vector<1x16xf32>,
      %get3A_113 = vector.shape_cast %get3A_112 : vector<1x16xf32> to vector<16xf32>
      %add3A_114 = arith.constant 1.000000e-16 : f32
      %add3A_115 = vector.broadcast %add3A_114 : f32 to vector<16xf32>
      %add3A_116 = arith.addf %get3A_113, %add3A_115 : vector<16xf32>
      %div3A_117 = arith.divf %get3A_109, %add3A_116 : vector<16xf32>
      %swap3A_118 = arith.index_cast %scan3A_55 : i32 to index
      %swap3A_119 = arith.constant 48 : index
      %swap3A_120 = tpu.vector_load %arg10[%swap3A_118, %swap3A_119] {strides = array<i32>} : memref<200x64xf32, #tpu.memory_space<vmem>>, vector<1x16xf32>,
      %swap3A_121 = vector.shape_cast %swap3A_120 : vector<1x16xf32> to vector<16xf32>
      %swap3A_122 = vector.shape_cast %div3A_117 : vector<16xf32> to vector<1x16xf32>
      tpu.vector_store %arg10[%swap3A_118, %swap3A_119], %swap3A_122 {strides = array<i32>} : memref<200x64xf32, #tpu.memory_space<vmem>>, vector<1x16xf32>,
      %scan3A_123 = arith.constant 0 : i32
      scf.yield %scan3A_123 : i32
    }
    %scan3A_35 = arith.constant 200 : i32
    %add3A_36 = arith.addi %mul3A_0, %multiple_of3A : i32
    %add3A_37 = arith.constant 0 : i32
    %add3A_38 = arith.addi %add3A_36, %add3A_37 : i32
    %multiple_of3A_39 = tpu.assume_multiple %add3A_38, 8 : i32
    "tpu.region"() ({
      %run_scoped3A = tpu.sem_alloc : memref<!tpu.dma_semaphore, #tpu.memory_space<semaphore_mem>>
      %dma_start3A = arith.constant 0 : i32
      %dma_start3A_55 = arith.constant 0 : i32
      %dma_start3A_56 = tpu.memref_slice %arg10[%dma_start3A, %dma_start3A_55] : memref<200x64xf32, #tpu.memory_space<vmem>> -> memref<200x64xf32, #tpu.memory_space<vmem>>
      %dma_start3A_57 = arith.constant 0 : i32
      %dma_start3A_58 = tpu.memref_slice %arg7[%multiple_of3A_39, %dma_start3A_57] : memref<20000x64xf32, #tpu.memory_space<hbm>> -> memref<200x64xf32, #tpu.memory_space<hbm>>
      %dma_start3A_59 = arith.constant 0 : i32
      %dma_start3A_60 = tpu.memref_slice %arg7[%multiple_of3A_39, %dma_start3A_59] : memref<20000x64xf32, #tpu.memory_space<hbm>> -> memref<200x64xf32, #tpu.memory_space<hbm>>
      %dma_start3A_61 = arith.constant 0 : i32
      %dma_start3A_62 = arith.constant 0 : i32
      %dma_start3A_63 = tpu.memref_slice %arg10[%dma_start3A_61, %dma_start3A_62] : memref<200x64xf32, #tpu.memory_space<vmem>> -> memref<200x64xf32, #tpu.memory_space<vmem>>
      tpu.enqueue_dma source(%dma_start3A_63 : memref<200x64xf32, #tpu.memory_space<vmem>>) target(%dma_start3A_60 : memref<200x64xf32, #tpu.memory_space<hbm>>) target_semaphore(%run_scoped3A : memref<!tpu.dma_semaphore, #tpu.memory_space<semaphore_mem>>)
      %dma_wait3A = arith.constant 0 : i32
      %dma_wait3A_64 = arith.constant 0 : i32
      %dma_wait3A_65 = tpu.memref_slice %arg10[%dma_wait3A, %dma_wait3A_64] : memref<200x64xf32, #tpu.memory_space<vmem>> -> memref<200x64xf32, #tpu.memory_space<vmem>>
      %dma_wait3A_66 = arith.constant 0 : i32
      %dma_wait3A_67 = tpu.memref_slice %arg7[%multiple_of3A_39, %dma_wait3A_66] : memref<20000x64xf32, #tpu.memory_space<hbm>> -> memref<200x64xf32, #tpu.memory_space<hbm>>
      %dma_wait3A_68 = arith.constant 0 : i32
      %dma_wait3A_69 = tpu.memref_slice %arg7[%multiple_of3A_39, %dma_wait3A_68] : memref<20000x64xf32, #tpu.memory_space<hbm>> -> memref<200x64xf32, #tpu.memory_space<hbm>>
      %dma_wait3A_70 = arith.constant 0 : i32
      %dma_wait3A_71 = arith.constant 0 : i32
      %dma_wait3A_72 = tpu.memref_slice %arg10[%dma_wait3A_70, %dma_wait3A_71] : memref<200x64xf32, #tpu.memory_space<vmem>> -> memref<200x64xf32, #tpu.memory_space<vmem>>
      tpu.wait_dma2 semaphore(%run_scoped3A : memref<!tpu.dma_semaphore, #tpu.memory_space<semaphore_mem>>) src(%dma_wait3A_72 : memref<200x64xf32, #tpu.memory_space<vmem>>) dst(%dma_wait3A_69 : memref<200x64xf32, #tpu.memory_space<hbm>>)
      tpu.yield
    }) : () -> ()
    %add3A_40 = arith.constant 200 : i32
    %add3A_41 = arith.addi %multiple_of3A, %add3A_40 : i32
    "tpu.region"() ({
      %run_scoped3A = tpu.sem_alloc : memref<!tpu.dma_semaphore, #tpu.memory_space<semaphore_mem>>
      %dma_start3A = arith.constant 0 : i32
      %dma_start3A_55 = arith.constant 0 : i32
      %dma_start3A_56 = tpu.memref_slice %arg10[%dma_start3A, %dma_start3A_55] : memref<200x64xf32, #tpu.memory_space<vmem>> -> memref<440x64xf32, #tpu.memory_space<vmem>>
      %dma_start3A_57 = arith.constant 0 : i32
      %dma_start3A_58 = tpu.memref_slice %arg13[%add3A_41, %dma_start3A_57] : memref<10000x64xf32, #tpu.memory_space<vmem_shared>> -> memref<440x64xf32, #tpu.memory_space<vmem_shared>>
      %dma_start3A_59 = arith.constant 0 : i32
      %dma_start3A_60 = arith.constant 0 : i32
      %dma_start3A_61 = tpu.memref_slice %arg10[%dma_start3A_59, %dma_start3A_60] : memref<200x64xf32, #tpu.memory_space<vmem>> -> memref<440x64xf32, #tpu.memory_space<vmem>>
      %dma_start3A_62 = arith.constant 0 : i32
      %dma_start3A_63 = tpu.memref_slice %arg13[%add3A_41, %dma_start3A_62] : memref<10000x64xf32, #tpu.memory_space<vmem_shared>> -> memref<440x64xf32, #tpu.memory_space<vmem_shared>>
      tpu.enqueue_dma source(%dma_start3A_63 : memref<440x64xf32, #tpu.memory_space<vmem_shared>>) target(%dma_start3A_61 : memref<440x64xf32, #tpu.memory_space<vmem>>) target_semaphore(%run_scoped3A : memref<!tpu.dma_semaphore, #tpu.memory_space<semaphore_mem>>)
      %dma_wait3A = arith.constant 0 : i32
      %dma_wait3A_64 = arith.constant 0 : i32
      %dma_wait3A_65 = tpu.memref_slice %arg10[%dma_wait3A, %dma_wait3A_64] : memref<200x64xf32, #tpu.memory_space<vmem>> -> memref<440x64xf32, #tpu.memory_space<vmem>>
      %dma_wait3A_66 = arith.constant 0 : i32
      %dma_wait3A_67 = tpu.memref_slice %arg13[%add3A_41, %dma_wait3A_66] : memref<10000x64xf32, #tpu.memory_space<vmem_shared>> -> memref<440x64xf32, #tpu.memory_space<vmem_shared>>
      %dma_wait3A_68 = arith.constant 0 : i32
      %dma_wait3A_69 = arith.constant 0 : i32
      %dma_wait3A_70 = tpu.memref_slice %arg10[%dma_wait3A_68, %dma_wait3A_69] : memref<200x64xf32, #tpu.memory_space<vmem>> -> memref<440x64xf32, #tpu.memory_space<vmem>>
      %dma_wait3A_71 = arith.constant 0 : i32
      %dma_wait3A_72 = tpu.memref_slice %arg13[%add3A_41, %dma_wait3A_71] : memref<10000x64xf32, #tpu.memory_space<vmem_shared>> -> memref<440x64xf32, #tpu.memory_space<vmem_shared>>
      tpu.wait_dma2 semaphore(%run_scoped3A : memref<!tpu.dma_semaphore, #tpu.memory_space<semaphore_mem>>) src(%dma_wait3A_72 : memref<440x64xf32, #tpu.memory_space<vmem_shared>>) dst(%dma_wait3A_70 : memref<440x64xf32, #tpu.memory_space<vmem>>)
      tpu.yield
    }) : () -> ()
    %add3A_42 = arith.constant 200 : i32
    %add3A_43 = arith.addi %multiple_of3A, %add3A_42 : i32
    "tpu.region"() ({
      %run_scoped3A = tpu.sem_alloc : memref<!tpu.dma_semaphore, #tpu.memory_space<semaphore_mem>>
      %dma_start3A = arith.constant 0 : i32
      %dma_start3A_55 = arith.constant 0 : i32
      %dma_start3A_56 = tpu.memref_slice %arg11[%dma_start3A, %dma_start3A_55] : memref<200x64xf32, #tpu.memory_space<vmem>> -> memref<440x64xf32, #tpu.memory_space<vmem>>
      %dma_start3A_57 = arith.constant 0 : i32
      %dma_start3A_58 = tpu.memref_slice %arg14[%add3A_43, %dma_start3A_57] : memref<10000x64xf32, #tpu.memory_space<vmem_shared>> -> memref<440x64xf32, #tpu.memory_space<vmem_shared>>
      %dma_start3A_59 = arith.constant 0 : i32
      %dma_start3A_60 = arith.constant 0 : i32
      %dma_start3A_61 = tpu.memref_slice %arg11[%dma_start3A_59, %dma_start3A_60] : memref<200x64xf32, #tpu.memory_space<vmem>> -> memref<440x64xf32, #tpu.memory_space<vmem>>
      %dma_start3A_62 = arith.constant 0 : i32
      %dma_start3A_63 = tpu.memref_slice %arg14[%add3A_43, %dma_start3A_62] : memref<10000x64xf32, #tpu.memory_space<vmem_shared>> -> memref<440x64xf32, #tpu.memory_space<vmem_shared>>
      tpu.enqueue_dma source(%dma_start3A_63 : memref<440x64xf32, #tpu.memory_space<vmem_shared>>) target(%dma_start3A_61 : memref<440x64xf32, #tpu.memory_space<vmem>>) target_semaphore(%run_scoped3A : memref<!tpu.dma_semaphore, #tpu.memory_space<semaphore_mem>>)
      %dma_wait3A = arith.constant 0 : i32
      %dma_wait3A_64 = arith.constant 0 : i32
      %dma_wait3A_65 = tpu.memref_slice %arg11[%dma_wait3A, %dma_wait3A_64] : memref<200x64xf32, #tpu.memory_space<vmem>> -> memref<440x64xf32, #tpu.memory_space<vmem>>
      %dma_wait3A_66 = arith.constant 0 : i32
      %dma_wait3A_67 = tpu.memref_slice %arg14[%add3A_43, %dma_wait3A_66] : memref<10000x64xf32, #tpu.memory_space<vmem_shared>> -> memref<440x64xf32, #tpu.memory_space<vmem_shared>>
      %dma_wait3A_68 = arith.constant 0 : i32
      %dma_wait3A_69 = arith.constant 0 : i32
      %dma_wait3A_70 = tpu.memref_slice %arg11[%dma_wait3A_68, %dma_wait3A_69] : memref<200x64xf32, #tpu.memory_space<vmem>> -> memref<440x64xf32, #tpu.memory_space<vmem>>
      %dma_wait3A_71 = arith.constant 0 : i32
      %dma_wait3A_72 = tpu.memref_slice %arg14[%add3A_43, %dma_wait3A_71] : memref<10000x64xf32, #tpu.memory_space<vmem_shared>> -> memref<440x64xf32, #tpu.memory_space<vmem_shared>>
      tpu.wait_dma2 semaphore(%run_scoped3A : memref<!tpu.dma_semaphore, #tpu.memory_space<semaphore_mem>>) src(%dma_wait3A_72 : memref<440x64xf32, #tpu.memory_space<vmem_shared>>) dst(%dma_wait3A_70 : memref<440x64xf32, #tpu.memory_space<vmem>>)
      tpu.yield
    }) : () -> ()
    %scan3A_44 = arith.constant 0 : i32
    %scan3A_45 = arith.constant 0 : i32
    %scan3A_46 = arith.constant 440 : i32
    %scan3A_47 = arith.addi %scan3A_45, %scan3A_46 : i32
    %scan3A_48 = arith.constant 1 : i32
    %scan3A_49 = scf.for %scan3A_55 = %scan3A_45 to %scan3A_47 step %scan3A_48 iter_args(%scan3A_56 = %scan3A_44) -> (i32)  : i32 {
      %get3A_57 = arith.index_cast %scan3A_55 : i32 to index
      %get3A_58 = arith.constant 0 : index
      %get3A_59 = tpu.vector_load %arg10[%get3A_57, %get3A_58] {strides = array<i32>} : memref<200x64xf32, #tpu.memory_space<vmem>>, vector<1x16xf32>,
      %get3A_60 = vector.shape_cast %get3A_59 : vector<1x16xf32> to vector<16xf32>
      %get3A_61 = arith.index_cast %scan3A_55 : i32 to index
      %get3A_62 = arith.constant 0 : index
      %get3A_63 = tpu.vector_load %arg11[%get3A_61, %get3A_62] {strides = array<i32>} : memref<200x64xf32, #tpu.memory_space<vmem>>, vector<1x16xf32>,
      %get3A_64 = vector.shape_cast %get3A_63 : vector<1x16xf32> to vector<16xf32>
      %add3A_65 = arith.constant 1.000000e-16 : f32
      %add3A_66 = vector.broadcast %add3A_65 : f32 to vector<16xf32>
      %add3A_67 = arith.addf %get3A_64, %add3A_66 : vector<16xf32>
      %div3A = arith.divf %get3A_60, %add3A_67 : vector<16xf32>
      %swap3A = arith.index_cast %scan3A_55 : i32 to index
      %swap3A_68 = arith.constant 0 : index
      %swap3A_69 = tpu.vector_load %arg10[%swap3A, %swap3A_68] {strides = array<i32>} : memref<200x64xf32, #tpu.memory_space<vmem>>, vector<1x16xf32>,
      %swap3A_70 = vector.shape_cast %swap3A_69 : vector<1x16xf32> to vector<16xf32>
      %swap3A_71 = vector.shape_cast %div3A : vector<16xf32> to vector<1x16xf32>
      tpu.vector_store %arg10[%swap3A, %swap3A_68], %swap3A_71 {strides = array<i32>} : memref<200x64xf32, #tpu.memory_space<vmem>>, vector<1x16xf32>,
      %get3A_72 = arith.index_cast %scan3A_55 : i32 to index
      %get3A_73 = arith.constant 16 : index
      %get3A_74 = tpu.vector_load %arg10[%get3A_72, %get3A_73] {strides = array<i32>} : memref<200x64xf32, #tpu.memory_space<vmem>>, vector<1x16xf32>,
      %get3A_75 = vector.shape_cast %get3A_74 : vector<1x16xf32> to vector<16xf32>
      %get3A_76 = arith.index_cast %scan3A_55 : i32 to index
      %get3A_77 = arith.constant 16 : index
      %get3A_78 = tpu.vector_load %arg11[%get3A_76, %get3A_77] {strides = array<i32>} : memref<200x64xf32, #tpu.memory_space<vmem>>, vector<1x16xf32>,
      %get3A_79 = vector.shape_cast %get3A_78 : vector<1x16xf32> to vector<16xf32>
      %add3A_80 = arith.constant 1.000000e-16 : f32
      %add3A_81 = vector.broadcast %add3A_80 : f32 to vector<16xf32>
      %add3A_82 = arith.addf %get3A_79, %add3A_81 : vector<16xf32>
      %div3A_83 = arith.divf %get3A_75, %add3A_82 : vector<16xf32>
      %swap3A_84 = arith.index_cast %scan3A_55 : i32 to index
      %swap3A_85 = arith.constant 16 : index
      %swap3A_86 = tpu.vector_load %arg10[%swap3A_84, %swap3A_85] {strides = array<i32>} : memref<200x64xf32, #tpu.memory_space<vmem>>, vector<1x16xf32>,
      %swap3A_87 = vector.shape_cast %swap3A_86 : vector<1x16xf32> to vector<16xf32>
      %swap3A_88 = vector.shape_cast %div3A_83 : vector<16xf32> to vector<1x16xf32>
      tpu.vector_store %arg10[%swap3A_84, %swap3A_85], %swap3A_88 {strides = array<i32>} : memref<200x64xf32, #tpu.memory_space<vmem>>, vector<1x16xf32>,
      %get3A_89 = arith.index_cast %scan3A_55 : i32 to index
      %get3A_90 = arith.constant 32 : index
      %get3A_91 = tpu.vector_load %arg10[%get3A_89, %get3A_90] {strides = array<i32>} : memref<200x64xf32, #tpu.memory_space<vmem>>, vector<1x16xf32>,
      %get3A_92 = vector.shape_cast %get3A_91 : vector<1x16xf32> to vector<16xf32>
      %get3A_93 = arith.index_cast %scan3A_55 : i32 to index
      %get3A_94 = arith.constant 32 : index
      %get3A_95 = tpu.vector_load %arg11[%get3A_93, %get3A_94] {strides = array<i32>} : memref<200x64xf32, #tpu.memory_space<vmem>>, vector<1x16xf32>,
      %get3A_96 = vector.shape_cast %get3A_95 : vector<1x16xf32> to vector<16xf32>
      %add3A_97 = arith.constant 1.000000e-16 : f32
      %add3A_98 = vector.broadcast %add3A_97 : f32 to vector<16xf32>
      %add3A_99 = arith.addf %get3A_96, %add3A_98 : vector<16xf32>
      %div3A_100 = arith.divf %get3A_92, %add3A_99 : vector<16xf32>
      %swap3A_101 = arith.index_cast %scan3A_55 : i32 to index
      %swap3A_102 = arith.constant 32 : index
      %swap3A_103 = tpu.vector_load %arg10[%swap3A_101, %swap3A_102] {strides = array<i32>} : memref<200x64xf32, #tpu.memory_space<vmem>>, vector<1x16xf32>,
      %swap3A_104 = vector.shape_cast %swap3A_103 : vector<1x16xf32> to vector<16xf32>
      %swap3A_105 = vector.shape_cast %div3A_100 : vector<16xf32> to vector<1x16xf32>
      tpu.vector_store %arg10[%swap3A_101, %swap3A_102], %swap3A_105 {strides = array<i32>} : memref<200x64xf32, #tpu.memory_space<vmem>>, vector<1x16xf32>,
      %get3A_106 = arith.index_cast %scan3A_55 : i32 to index
      %get3A_107 = arith.constant 48 : index
      %get3A_108 = tpu.vector_load %arg10[%get3A_106, %get3A_107] {strides = array<i32>} : memref<200x64xf32, #tpu.memory_space<vmem>>, vector<1x16xf32>,
      %get3A_109 = vector.shape_cast %get3A_108 : vector<1x16xf32> to vector<16xf32>
      %get3A_110 = arith.index_cast %scan3A_55 : i32 to index
      %get3A_111 = arith.constant 48 : index
      %get3A_112 = tpu.vector_load %arg11[%get3A_110, %get3A_111] {strides = array<i32>} : memref<200x64xf32, #tpu.memory_space<vmem>>, vector<1x16xf32>,
      %get3A_113 = vector.shape_cast %get3A_112 : vector<1x16xf32> to vector<16xf32>
      %add3A_114 = arith.constant 1.000000e-16 : f32
      %add3A_115 = vector.broadcast %add3A_114 : f32 to vector<16xf32>
      %add3A_116 = arith.addf %get3A_113, %add3A_115 : vector<16xf32>
      %div3A_117 = arith.divf %get3A_109, %add3A_116 : vector<16xf32>
      %swap3A_118 = arith.index_cast %scan3A_55 : i32 to index
      %swap3A_119 = arith.constant 48 : index
      %swap3A_120 = tpu.vector_load %arg10[%swap3A_118, %swap3A_119] {strides = array<i32>} : memref<200x64xf32, #tpu.memory_space<vmem>>, vector<1x16xf32>,
      %swap3A_121 = vector.shape_cast %swap3A_120 : vector<1x16xf32> to vector<16xf32>
      %swap3A_122 = vector.shape_cast %div3A_117 : vector<16xf32> to vector<1x16xf32>
      tpu.vector_store %arg10[%swap3A_118, %swap3A_119], %swap3A_122 {strides = array<i32>} : memref<200x64xf32, #tpu.memory_space<vmem>>, vector<1x16xf32>,
      %scan3A_123 = arith.constant 0 : i32
      scf.yield %scan3A_123 : i32
    }
    %scan3A_50 = arith.constant 440 : i32
    %add3A_51 = arith.addi %mul3A_0, %multiple_of3A : i32
    %add3A_52 = arith.constant 200 : i32
    %add3A_53 = arith.addi %add3A_51, %add3A_52 : i32
    %multiple_of3A_54 = tpu.assume_multiple %add3A_53, 8 : i32
    "tpu.region"() ({
      %run_scoped3A = tpu.sem_alloc : memref<!tpu.dma_semaphore, #tpu.memory_space<semaphore_mem>>
      %dma_start3A = arith.constant 0 : i32
      %dma_start3A_55 = arith.constant 0 : i32
      %dma_start3A_56 = tpu.memref_slice %arg10[%dma_start3A, %dma_start3A_55] : memref<200x64xf32, #tpu.memory_space<vmem>> -> memref<440x64xf32, #tpu.memory_space<vmem>>
      %dma_start3A_57 = arith.constant 0 : i32
      %dma_start3A_58 = tpu.memref_slice %arg7[%multiple_of3A_54, %dma_start3A_57] : memref<20000x64xf32, #tpu.memory_space<hbm>> -> memref<440x64xf32, #tpu.memory_space<hbm>>
      %dma_start3A_59 = arith.constant 0 : i32
      %dma_start3A_60 = tpu.memref_slice %arg7[%multiple_of3A_54, %dma_start3A_59] : memref<20000x64xf32, #tpu.memory_space<hbm>> -> memref<440x64xf32, #tpu.memory_space<hbm>>
      %dma_start3A_61 = arith.constant 0 : i32
      %dma_start3A_62 = arith.constant 0 : i32
      %dma_start3A_63 = tpu.memref_slice %arg10[%dma_start3A_61, %dma_start3A_62] : memref<200x64xf32, #tpu.memory_space<vmem>> -> memref<440x64xf32, #tpu.memory_space<vmem>>
      tpu.enqueue_dma source(%dma_start3A_63 : memref<440x64xf32, #tpu.memory_space<vmem>>) target(%dma_start3A_60 : memref<440x64xf32, #tpu.memory_space<hbm>>) target_semaphore(%run_scoped3A : memref<!tpu.dma_semaphore, #tpu.memory_space<semaphore_mem>>)
      %dma_wait3A = arith.constant 0 : i32
      %dma_wait3A_64 = arith.constant 0 : i32
      %dma_wait3A_65 = tpu.memref_slice %arg10[%dma_wait3A, %dma_wait3A_64] : memref<200x64xf32, #tpu.memory_space<vmem>> -> memref<440x64xf32, #tpu.memory_space<vmem>>
      %dma_wait3A_66 = arith.constant 0 : i32
      %dma_wait3A_67 = tpu.memref_slice %arg7[%multiple_of3A_54, %dma_wait3A_66] : memref<20000x64xf32, #tpu.memory_space<hbm>> -> memref<440x64xf32, #tpu.memory_space<hbm>>
      %dma_wait3A_68 = arith.constant 0 : i32
      %dma_wait3A_69 = tpu.memref_slice %arg7[%multiple_of3A_54, %dma_wait3A_68] : memref<20000x64xf32, #tpu.memory_space<hbm>> -> memref<440x64xf32, #tpu.memory_space<hbm>>
      %dma_wait3A_70 = arith.constant 0 : i32
      %dma_wait3A_71 = arith.constant 0 : i32
      %dma_wait3A_72 = tpu.memref_slice %arg10[%dma_wait3A_70, %dma_wait3A_71] : memref<200x64xf32, #tpu.memory_space<vmem>> -> memref<440x64xf32, #tpu.memory_space<vmem>>
      tpu.wait_dma2 semaphore(%run_scoped3A : memref<!tpu.dma_semaphore, #tpu.memory_space<semaphore_mem>>) src(%dma_wait3A_72 : memref<440x64xf32, #tpu.memory_space<vmem>>) dst(%dma_wait3A_69 : memref<440x64xf32, #tpu.memory_space<hbm>>)
      tpu.yield
    }) : () -> ()
    return
  }
}

#map = affine_map<(d0, d1) -> (0, 0)>
#map1 = affine_map<(d0, d1) -> (0)>
module attributes {stable_mosaic.version = 14 : i64} {
  func.func @_agg_body(%arg0: i32, %arg1: i32, %arg2: memref<20000x64xf32, #tpu.memory_space<hbm>>, %arg3: memref<640000x64xf32, #tpu.memory_space<hbm>>, %arg4: memref<320000xi32, #tpu.memory_space<hbm>>, %arg5: memref<320000xi32, #tpu.memory_space<hbm>>, %arg6: memref<16xf32, #tpu.memory_space<hbm>>, %arg7: memref<20000x64xf32, #tpu.memory_space<hbm>>, %arg8: memref<200xi32, #tpu.memory_space<vmem>>, %arg9: memref<200xi32, #tpu.memory_space<vmem>>, %arg10: memref<200x64xf32, #tpu.memory_space<vmem>>, %arg11: memref<200x64xf32, #tpu.memory_space<vmem>>, %arg12: memref<16xf32, #tpu.memory_space<vmem>>, %arg13: memref<10000x64xf32, #tpu.memory_space<vmem_shared>>, %arg14: memref<10000x64xf32, #tpu.memory_space<vmem_shared>>, %arg15: memref<!tpu.dma_semaphore, #tpu.memory_space<semaphore_mem>>) attributes {dimension_semantics = [#tpu.dimension_semantics<core_parallel>, #tpu.dimension_semantics<subcore_parallel>], iteration_bounds = array<i64: 2, 16>, scalar_prefetch = 0 : i64, scratch_operands = 8 : i64, tpu.core_type = #tpu.core_type<sc_vector_subcore>, window_params = [{transform_indices = #map}, {transform_indices = #map}, {transform_indices = #map1}, {transform_indices = #map1}, {transform_indices = #map1}, {transform_indices = #map}]} {
    %mul3A = arith.constant 10000 : i32
    %mul3A_0 = arith.muli %arg0, %mul3A : i32
    %scan3A = arith.constant 0 : i32
    %scan3A_1 = arith.constant 0 : i32
    %scan3A_2 = arith.constant 200 : i32
    %scan3A_3 = arith.addi %scan3A_1, %scan3A_2 : i32
    %scan3A_4 = arith.constant 1 : i32
    %scan3A_5 = scf.for %scan3A_55 = %scan3A_1 to %scan3A_3 step %scan3A_4 iter_args(%scan3A_56 = %scan3A) -> (i32)  : i32 {
      %broadcast_in_dim3A = arith.constant 0.000000e+00 : f32
      %broadcast_in_dim3A_57 = vector.broadcast %broadcast_in_dim3A : f32 to vector<16xf32>
      %swap3A = arith.index_cast %scan3A_55 : i32 to index
      %swap3A_58 = arith.constant 0 : index
      %swap3A_59 = tpu.vector_load %arg10[%swap3A, %swap3A_58] {strides = array<i32>} : memref<200x64xf32, #tpu.memory_space<vmem>>, vector<1x16xf32>,
      %swap3A_60 = vector.shape_cast %swap3A_59 : vector<1x16xf32> to vector<16xf32>
      %swap3A_61 = vector.shape_cast %broadcast_in_dim3A_57 : vector<16xf32> to vector<1x16xf32>
      tpu.vector_store %arg10[%swap3A, %swap3A_58], %swap3A_61 {strides = array<i32>} : memref<200x64xf32, #tpu.memory_space<vmem>>, vector<1x16xf32>,
      %broadcast_in_dim3A_62 = arith.constant 0.000000e+00 : f32
      %broadcast_in_dim3A_63 = vector.broadcast %broadcast_in_dim3A_62 : f32 to vector<16xf32>
      %swap3A_64 = arith.index_cast %scan3A_55 : i32 to index
      %swap3A_65 = arith.constant 16 : index
      %swap3A_66 = tpu.vector_load %arg10[%swap3A_64, %swap3A_65] {strides = array<i32>} : memref<200x64xf32, #tpu.memory_space<vmem>>, vector<1x16xf32>,
      %swap3A_67 = vector.shape_cast %swap3A_66 : vector<1x16xf32> to vector<16xf32>
      %swap3A_68 = vector.shape_cast %broadcast_in_dim3A_63 : vector<16xf32> to vector<1x16xf32>
      tpu.vector_store %arg10[%swap3A_64, %swap3A_65], %swap3A_68 {strides = array<i32>} : memref<200x64xf32, #tpu.memory_space<vmem>>, vector<1x16xf32>,
      %broadcast_in_dim3A_69 = arith.constant 0.000000e+00 : f32
      %broadcast_in_dim3A_70 = vector.broadcast %broadcast_in_dim3A_69 : f32 to vector<16xf32>
      %swap3A_71 = arith.index_cast %scan3A_55 : i32 to index
      %swap3A_72 = arith.constant 32 : index
      %swap3A_73 = tpu.vector_load %arg10[%swap3A_71, %swap3A_72] {strides = array<i32>} : memref<200x64xf32, #tpu.memory_space<vmem>>, vector<1x16xf32>,
      %swap3A_74 = vector.shape_cast %swap3A_73 : vector<1x16xf32> to vector<16xf32>
      %swap3A_75 = vector.shape_cast %broadcast_in_dim3A_70 : vector<16xf32> to vector<1x16xf32>
      tpu.vector_store %arg10[%swap3A_71, %swap3A_72], %swap3A_75 {strides = array<i32>} : memref<200x64xf32, #tpu.memory_space<vmem>>, vector<1x16xf32>,
      %broadcast_in_dim3A_76 = arith.constant 0.000000e+00 : f32
      %broadcast_in_dim3A_77 = vector.broadcast %broadcast_in_dim3A_76 : f32 to vector<16xf32>
      %swap3A_78 = arith.index_cast %scan3A_55 : i32 to index
      %swap3A_79 = arith.constant 48 : index
      %swap3A_80 = tpu.vector_load %arg10[%swap3A_78, %swap3A_79] {strides = array<i32>} : memref<200x64xf32, #tpu.memory_space<vmem>>, vector<1x16xf32>,
      %swap3A_81 = vector.shape_cast %swap3A_80 : vector<1x16xf32> to vector<16xf32>
      %swap3A_82 = vector.shape_cast %broadcast_in_dim3A_77 : vector<16xf32> to vector<1x16xf32>
      tpu.vector_store %arg10[%swap3A_78, %swap3A_79], %swap3A_82 {strides = array<i32>} : memref<200x64xf32, #tpu.memory_space<vmem>>, vector<1x16xf32>,
      %scan3A_83 = arith.constant 0 : i32
      scf.yield %scan3A_83 : i32
    }
    %scan3A_6 = arith.constant 200 : i32
    %mul3A_7 = arith.constant 640 : i32
    %mul3A_8 = arith.muli %arg1, %mul3A_7 : i32
    %min3A = arith.constant 9360 : i32
    %min3A_9 = arith.minsi %mul3A_8, %min3A : i32
    %multiple_of3A = tpu.assume_multiple %min3A_9, 8 : i32
    "tpu.region"() ({
      %run_scoped3A = tpu.sem_alloc : memref<!tpu.dma_semaphore, #tpu.memory_space<semaphore_mem>>
      %dma_start3A = arith.constant 0 : i32
      %dma_start3A_55 = tpu.memref_slice %arg13[%multiple_of3A, %dma_start3A] : memref<10000x64xf32, #tpu.memory_space<vmem_shared>> -> memref<200x64xf32, #tpu.memory_space<vmem_shared>>
      %dma_start3A_56 = arith.constant 0 : i32
      %dma_start3A_57 = tpu.memref_slice %arg13[%multiple_of3A, %dma_start3A_56] : memref<10000x64xf32, #tpu.memory_space<vmem_shared>> -> memref<200x64xf32, #tpu.memory_space<vmem_shared>>
      tpu.enqueue_dma source(%arg10 : memref<200x64xf32, #tpu.memory_space<vmem>>) target(%dma_start3A_57 : memref<200x64xf32, #tpu.memory_space<vmem_shared>>) target_semaphore(%run_scoped3A : memref<!tpu.dma_semaphore, #tpu.memory_space<semaphore_mem>>)
      %dma_wait3A = arith.constant 0 : i32
      %dma_wait3A_58 = tpu.memref_slice %arg13[%multiple_of3A, %dma_wait3A] : memref<10000x64xf32, #tpu.memory_space<vmem_shared>> -> memref<200x64xf32, #tpu.memory_space<vmem_shared>>
      %dma_wait3A_59 = arith.constant 0 : i32
      %dma_wait3A_60 = tpu.memref_slice %arg13[%multiple_of3A, %dma_wait3A_59] : memref<10000x64xf32, #tpu.memory_space<vmem_shared>> -> memref<200x64xf32, #tpu.memory_space<vmem_shared>>
      tpu.wait_dma2 semaphore(%run_scoped3A : memref<!tpu.dma_semaphore, #tpu.memory_space<semaphore_mem>>) src(%arg10 : memref<200x64xf32, #tpu.memory_space<vmem>>) dst(%dma_wait3A_60 : memref<200x64xf32, #tpu.memory_space<vmem_shared>>)
      tpu.yield
    }) : () -> ()
    "tpu.region"() ({
      %run_scoped3A = tpu.sem_alloc : memref<!tpu.dma_semaphore, #tpu.memory_space<semaphore_mem>>
      %dma_start3A = arith.constant 0 : i32
      %dma_start3A_55 = tpu.memref_slice %arg14[%multiple_of3A, %dma_start3A] : memref<10000x64xf32, #tpu.memory_space<vmem_shared>> -> memref<200x64xf32, #tpu.memory_space<vmem_shared>>
      %dma_start3A_56 = arith.constant 0 : i32
      %dma_start3A_57 = tpu.memref_slice %arg14[%multiple_of3A, %dma_start3A_56] : memref<10000x64xf32, #tpu.memory_space<vmem_shared>> -> memref<200x64xf32, #tpu.memory_space<vmem_shared>>
      tpu.enqueue_dma source(%arg10 : memref<200x64xf32, #tpu.memory_space<vmem>>) target(%dma_start3A_57 : memref<200x64xf32, #tpu.memory_space<vmem_shared>>) target_semaphore(%run_scoped3A : memref<!tpu.dma_semaphore, #tpu.memory_space<semaphore_mem>>)
      %dma_wait3A = arith.constant 0 : i32
      %dma_wait3A_58 = tpu.memref_slice %arg14[%multiple_of3A, %dma_wait3A] : memref<10000x64xf32, #tpu.memory_space<vmem_shared>> -> memref<200x64xf32, #tpu.memory_space<vmem_shared>>
      %dma_wait3A_59 = arith.constant 0 : i32
      %dma_wait3A_60 = tpu.memref_slice %arg14[%multiple_of3A, %dma_wait3A_59] : memref<10000x64xf32, #tpu.memory_space<vmem_shared>> -> memref<200x64xf32, #tpu.memory_space<vmem_shared>>
      tpu.wait_dma2 semaphore(%run_scoped3A : memref<!tpu.dma_semaphore, #tpu.memory_space<semaphore_mem>>) src(%arg10 : memref<200x64xf32, #tpu.memory_space<vmem>>) dst(%dma_wait3A_60 : memref<200x64xf32, #tpu.memory_space<vmem_shared>>)
      tpu.yield
    }) : () -> ()
    %add3A = arith.constant 200 : i32
    %add3A_10 = arith.addi %multiple_of3A, %add3A : i32
    "tpu.region"() ({
      %run_scoped3A = tpu.sem_alloc : memref<!tpu.dma_semaphore, #tpu.memory_space<semaphore_mem>>
      %dma_start3A = arith.constant 0 : i32
      %dma_start3A_55 = arith.constant 0 : i32
      %dma_start3A_56 = tpu.memref_slice %arg10[%dma_start3A, %dma_start3A_55] : memref<200x64xf32, #tpu.memory_space<vmem>> -> memref<440x64xf32, #tpu.memory_space<vmem>>
      %dma_start3A_57 = arith.constant 0 : i32
      %dma_start3A_58 = tpu.memref_slice %arg13[%add3A_10, %dma_start3A_57] : memref<10000x64xf32, #tpu.memory_space<vmem_shared>> -> memref<440x64xf32, #tpu.memory_space<vmem_shared>>
      %dma_start3A_59 = arith.constant 0 : i32
      %dma_start3A_60 = tpu.memref_slice %arg13[%add3A_10, %dma_start3A_59] : memref<10000x64xf32, #tpu.memory_space<vmem_shared>> -> memref<440x64xf32, #tpu.memory_space<vmem_shared>>
      %dma_start3A_61 = arith.constant 0 : i32
      %dma_start3A_62 = arith.constant 0 : i32
      %dma_start3A_63 = tpu.memref_slice %arg10[%dma_start3A_61, %dma_start3A_62] : memref<200x64xf32, #tpu.memory_space<vmem>> -> memref<440x64xf32, #tpu.memory_space<vmem>>
      tpu.enqueue_dma source(%dma_start3A_63 : memref<440x64xf32, #tpu.memory_space<vmem>>) target(%dma_start3A_60 : memref<440x64xf32, #tpu.memory_space<vmem_shared>>) target_semaphore(%run_scoped3A : memref<!tpu.dma_semaphore, #tpu.memory_space<semaphore_mem>>)
      %dma_wait3A = arith.constant 0 : i32
      %dma_wait3A_64 = arith.constant 0 : i32
      %dma_wait3A_65 = tpu.memref_slice %arg10[%dma_wait3A, %dma_wait3A_64] : memref<200x64xf32, #tpu.memory_space<vmem>> -> memref<440x64xf32, #tpu.memory_space<vmem>>
      %dma_wait3A_66 = arith.constant 0 : i32
      %dma_wait3A_67 = tpu.memref_slice %arg13[%add3A_10, %dma_wait3A_66] : memref<10000x64xf32, #tpu.memory_space<vmem_shared>> -> memref<440x64xf32, #tpu.memory_space<vmem_shared>>
      %dma_wait3A_68 = arith.constant 0 : i32
      %dma_wait3A_69 = tpu.memref_slice %arg13[%add3A_10, %dma_wait3A_68] : memref<10000x64xf32, #tpu.memory_space<vmem_shared>> -> memref<440x64xf32, #tpu.memory_space<vmem_shared>>
      %dma_wait3A_70 = arith.constant 0 : i32
      %dma_wait3A_71 = arith.constant 0 : i32
      %dma_wait3A_72 = tpu.memref_slice %arg10[%dma_wait3A_70, %dma_wait3A_71] : memref<200x64xf32, #tpu.memory_space<vmem>> -> memref<440x64xf32, #tpu.memory_space<vmem>>
      tpu.wait_dma2 semaphore(%run_scoped3A : memref<!tpu.dma_semaphore, #tpu.memory_space<semaphore_mem>>) src(%dma_wait3A_72 : memref<440x64xf32, #tpu.memory_space<vmem>>) dst(%dma_wait3A_69 : memref<440x64xf32, #tpu.memory_space<vmem_shared>>)
      tpu.yield
    }) : () -> ()
    %add3A_11 = arith.constant 200 : i32
    %add3A_12 = arith.addi %multiple_of3A, %add3A_11 : i32
    "tpu.region"() ({
      %run_scoped3A = tpu.sem_alloc : memref<!tpu.dma_semaphore, #tpu.memory_space<semaphore_mem>>
      %dma_start3A = arith.constant 0 : i32
      %dma_start3A_55 = arith.constant 0 : i32
      %dma_start3A_56 = tpu.memref_slice %arg10[%dma_start3A, %dma_start3A_55] : memref<200x64xf32, #tpu.memory_space<vmem>> -> memref<440x64xf32, #tpu.memory_space<vmem>>
      %dma_start3A_57 = arith.constant 0 : i32
      %dma_start3A_58 = tpu.memref_slice %arg14[%add3A_12, %dma_start3A_57] : memref<10000x64xf32, #tpu.memory_space<vmem_shared>> -> memref<440x64xf32, #tpu.memory_space<vmem_shared>>
      %dma_start3A_59 = arith.constant 0 : i32
      %dma_start3A_60 = tpu.memref_slice %arg14[%add3A_12, %dma_start3A_59] : memref<10000x64xf32, #tpu.memory_space<vmem_shared>> -> memref<440x64xf32, #tpu.memory_space<vmem_shared>>
      %dma_start3A_61 = arith.constant 0 : i32
      %dma_start3A_62 = arith.constant 0 : i32
      %dma_start3A_63 = tpu.memref_slice %arg10[%dma_start3A_61, %dma_start3A_62] : memref<200x64xf32, #tpu.memory_space<vmem>> -> memref<440x64xf32, #tpu.memory_space<vmem>>
      tpu.enqueue_dma source(%dma_start3A_63 : memref<440x64xf32, #tpu.memory_space<vmem>>) target(%dma_start3A_60 : memref<440x64xf32, #tpu.memory_space<vmem_shared>>) target_semaphore(%run_scoped3A : memref<!tpu.dma_semaphore, #tpu.memory_space<semaphore_mem>>)
      %dma_wait3A = arith.constant 0 : i32
      %dma_wait3A_64 = arith.constant 0 : i32
      %dma_wait3A_65 = tpu.memref_slice %arg10[%dma_wait3A, %dma_wait3A_64] : memref<200x64xf32, #tpu.memory_space<vmem>> -> memref<440x64xf32, #tpu.memory_space<vmem>>
      %dma_wait3A_66 = arith.constant 0 : i32
      %dma_wait3A_67 = tpu.memref_slice %arg14[%add3A_12, %dma_wait3A_66] : memref<10000x64xf32, #tpu.memory_space<vmem_shared>> -> memref<440x64xf32, #tpu.memory_space<vmem_shared>>
      %dma_wait3A_68 = arith.constant 0 : i32
      %dma_wait3A_69 = tpu.memref_slice %arg14[%add3A_12, %dma_wait3A_68] : memref<10000x64xf32, #tpu.memory_space<vmem_shared>> -> memref<440x64xf32, #tpu.memory_space<vmem_shared>>
      %dma_wait3A_70 = arith.constant 0 : i32
      %dma_wait3A_71 = arith.constant 0 : i32
      %dma_wait3A_72 = tpu.memref_slice %arg10[%dma_wait3A_70, %dma_wait3A_71] : memref<200x64xf32, #tpu.memory_space<vmem>> -> memref<440x64xf32, #tpu.memory_space<vmem>>
      tpu.wait_dma2 semaphore(%run_scoped3A : memref<!tpu.dma_semaphore, #tpu.memory_space<semaphore_mem>>) src(%dma_wait3A_72 : memref<440x64xf32, #tpu.memory_space<vmem>>) dst(%dma_wait3A_69 : memref<440x64xf32, #tpu.memory_space<vmem_shared>>)
      tpu.yield
    }) : () -> ()
    %barrier3A = arith.constant 0 : index
    tpu.barrier barrier_id(%barrier3A)
    "tpu.region"() ({
      %run_scoped3A = tpu.sem_alloc : memref<!tpu.dma_semaphore, #tpu.memory_space<semaphore_mem>>
      tpu.enqueue_dma source(%arg6 : memref<16xf32, #tpu.memory_space<hbm>>) target(%arg12 : memref<16xf32, #tpu.memory_space<vmem>>) target_semaphore(%run_scoped3A : memref<!tpu.dma_semaphore, #tpu.memory_space<semaphore_mem>>)
      tpu.wait_dma2 semaphore(%run_scoped3A : memref<!tpu.dma_semaphore, #tpu.memory_space<semaphore_mem>>) src(%arg6 : memref<16xf32, #tpu.memory_space<hbm>>) dst(%arg12 : memref<16xf32, #tpu.memory_space<vmem>>)
      tpu.yield
    }) : () -> ()
    %get3A = arith.constant 0 : index
    %get3A_13 = tpu.vector_load %arg12[%get3A] {strides = array<i32>} : memref<16xf32, #tpu.memory_space<vmem>>, vector<16xf32>,
    %get3A_14 = vector.shape_cast %get3A_13 : vector<16xf32> to vector<16xf32>
    %mul3A_15 = arith.constant 20000 : i32
    %mul3A_16 = arith.muli %arg1, %mul3A_15 : i32
    %scan3A_17 = arith.constant 0 : i32
    %scan3A_18 = arith.constant 0 : i32
    %scan3A_19 = arith.constant 100 : i32
    %scan3A_20 = arith.addi %scan3A_18, %scan3A_19 : i32
    %scan3A_21 = arith.constant 1 : i32
    %scan3A_22 = scf.for %scan3A_55 = %scan3A_18 to %scan3A_20 step %scan3A_21 iter_args(%scan3A_56 = %scan3A_17) -> (i32)  : i32 {
      %mul3A_57 = arith.constant 200 : i32
      %mul3A_58 = arith.muli %scan3A_55, %mul3A_57 : i32
      %add3A_59 = arith.addi %mul3A_16, %mul3A_58 : i32
      %multiple_of3A_60 = tpu.assume_multiple %add3A_59, 8 : i32
      "tpu.region"() ({
        %run_scoped3A = tpu.sem_alloc : memref<!tpu.dma_semaphore, #tpu.memory_space<semaphore_mem>>
        %dma_start3A_84 = tpu.memref_slice %arg4[%multiple_of3A_60] : memref<320000xi32, #tpu.memory_space<hbm>> -> memref<200xi32, #tpu.memory_space<hbm>>
        %dma_start3A_85 = tpu.memref_slice %arg4[%multiple_of3A_60] : memref<320000xi32, #tpu.memory_space<hbm>> -> memref<200xi32, #tpu.memory_space<hbm>>
        tpu.enqueue_dma source(%dma_start3A_85 : memref<200xi32, #tpu.memory_space<hbm>>) target(%arg8 : memref<200xi32, #tpu.memory_space<vmem>>) target_semaphore(%run_scoped3A : memref<!tpu.dma_semaphore, #tpu.memory_space<semaphore_mem>>)
        %dma_wait3A_86 = tpu.memref_slice %arg4[%multiple_of3A_60] : memref<320000xi32, #tpu.memory_space<hbm>> -> memref<200xi32, #tpu.memory_space<hbm>>
        %dma_wait3A_87 = tpu.memref_slice %arg4[%multiple_of3A_60] : memref<320000xi32, #tpu.memory_space<hbm>> -> memref<200xi32, #tpu.memory_space<hbm>>
        tpu.wait_dma2 semaphore(%run_scoped3A : memref<!tpu.dma_semaphore, #tpu.memory_space<semaphore_mem>>) src(%dma_wait3A_87 : memref<200xi32, #tpu.memory_space<hbm>>) dst(%arg8 : memref<200xi32, #tpu.memory_space<vmem>>)
        tpu.yield
      }) : () -> ()
      "tpu.region"() ({
        %run_scoped3A = tpu.sem_alloc : memref<!tpu.dma_semaphore, #tpu.memory_space<semaphore_mem>>
        %dma_start3A_84 = tpu.memref_slice %arg5[%multiple_of3A_60] : memref<320000xi32, #tpu.memory_space<hbm>> -> memref<200xi32, #tpu.memory_space<hbm>>
        %dma_start3A_85 = tpu.memref_slice %arg5[%multiple_of3A_60] : memref<320000xi32, #tpu.memory_space<hbm>> -> memref<200xi32, #tpu.memory_space<hbm>>
        tpu.enqueue_dma source(%dma_start3A_85 : memref<200xi32, #tpu.memory_space<hbm>>) target(%arg9 : memref<200xi32, #tpu.memory_space<vmem>>) target_semaphore(%run_scoped3A : memref<!tpu.dma_semaphore, #tpu.memory_space<semaphore_mem>>)
        %dma_wait3A_86 = tpu.memref_slice %arg5[%multiple_of3A_60] : memref<320000xi32, #tpu.memory_space<hbm>> -> memref<200xi32, #tpu.memory_space<hbm>>
        %dma_wait3A_87 = tpu.memref_slice %arg5[%multiple_of3A_60] : memref<320000xi32, #tpu.memory_space<hbm>> -> memref<200xi32, #tpu.memory_space<hbm>>
        tpu.wait_dma2 semaphore(%run_scoped3A : memref<!tpu.dma_semaphore, #tpu.memory_space<semaphore_mem>>) src(%dma_wait3A_87 : memref<200xi32, #tpu.memory_space<hbm>>) dst(%arg9 : memref<200xi32, #tpu.memory_space<vmem>>)
        tpu.yield
      }) : () -> ()
      %scan3A_61 = arith.constant 0 : i32
      %scan3A_62 = arith.constant 0 : i32
      %scan3A_63 = arith.constant 12 : i32
      %scan3A_64 = arith.addi %scan3A_62, %scan3A_63 : i32
      %scan3A_65 = arith.constant 1 : i32
      %scan3A_66 = scf.for %scan3A_84 = %scan3A_62 to %scan3A_64 step %scan3A_65 iter_args(%scan3A_85 = %scan3A_61) -> (i32)  : i32 {
        %mul3A_86 = arith.constant 16 : i32
        %mul3A_87 = arith.muli %scan3A_84, %mul3A_86 : i32
        %get3A_88 = arith.index_cast %mul3A_87 : i32 to index
        %get3A_89 = tpu.vector_load %arg8[%get3A_88] {strides = array<i32>} : memref<200xi32, #tpu.memory_space<vmem>>, vector<16xi32>,
        %get3A_90 = vector.shape_cast %get3A_89 : vector<16xi32> to vector<16xi32>
        %add3A_91 = vector.broadcast %mul3A_0 : i32 to vector<16xi32>
        %add3A_92 = arith.addi %get3A_90, %add3A_91 : vector<16xi32>
        %swap3A = arith.index_cast %mul3A_87 : i32 to index
        %swap3A_93 = tpu.vector_load %arg8[%swap3A] {strides = array<i32>} : memref<200xi32, #tpu.memory_space<vmem>>, vector<16xi32>,
        %swap3A_94 = vector.shape_cast %swap3A_93 : vector<16xi32> to vector<16xi32>
        %swap3A_95 = vector.shape_cast %add3A_92 : vector<16xi32> to vector<16xi32>
        tpu.vector_store %arg8[%swap3A], %swap3A_95 {strides = array<i32>} : memref<200xi32, #tpu.memory_space<vmem>>, vector<16xi32>,
        %scan3A_96 = arith.constant 0 : i32
        scf.yield %scan3A_96 : i32
      }
      %scan3A_67 = arith.constant 12 : i32
      %dma_start3A = arith.constant 0 : i32
      %dma_start3A_68 = arith.constant 0 : i32
      %dma_start3A_69 = tpu.memref_slice %arg2[%dma_start3A, %dma_start3A_68] : memref<20000x64xf32, #tpu.memory_space<hbm>> -> memref<20000x64xf32, #tpu.memory_space<hbm>>
      tpu.enqueue_indirect_dma source(%dma_start3A_69 : memref<20000x64xf32, #tpu.memory_space<hbm>>) target(%arg10 : memref<200x64xf32, #tpu.memory_space<vmem>>) offsets(%arg8 : memref<200xi32, #tpu.memory_space<vmem>>) semaphore(%arg15 : memref<!tpu.dma_semaphore, #tpu.memory_space<semaphore_mem>>)
      %dma_wait3A = arith.constant 0 : i32
      %dma_wait3A_70 = arith.constant 0 : i32
      %dma_wait3A_71 = tpu.memref_slice %arg2[%dma_wait3A, %dma_wait3A_70] : memref<20000x64xf32, #tpu.memory_space<hbm>> -> memref<20000x64xf32, #tpu.memory_space<hbm>>
      tpu.wait_indirect_dma semaphore(%arg15 : memref<!tpu.dma_semaphore, #tpu.memory_space<semaphore_mem>>) src(%dma_wait3A_71 : memref<20000x64xf32, #tpu.memory_space<hbm>>) dst(%arg10 : memref<200x64xf32, #tpu.memory_space<vmem>>)
      %mul3A_72 = arith.constant 320000 : i32
      %mul3A_73 = arith.muli %arg0, %mul3A_72 : i32
      %add3A_74 = arith.addi %mul3A_73, %multiple_of3A_60 : i32
      %multiple_of3A_75 = tpu.assume_multiple %add3A_74, 8 : i32
      "tpu.region"() ({
        %run_scoped3A = tpu.sem_alloc : memref<!tpu.dma_semaphore, #tpu.memory_space<semaphore_mem>>
        %dma_start3A_84 = arith.constant 0 : i32
        %dma_start3A_85 = tpu.memref_slice %arg3[%multiple_of3A_75, %dma_start3A_84] : memref<640000x64xf32, #tpu.memory_space<hbm>> -> memref<200x64xf32, #tpu.memory_space<hbm>>
        %dma_start3A_86 = arith.constant 0 : i32
        %dma_start3A_87 = tpu.memref_slice %arg3[%multiple_of3A_75, %dma_start3A_86] : memref<640000x64xf32, #tpu.memory_space<hbm>> -> memref<200x64xf32, #tpu.memory_space<hbm>>
        tpu.enqueue_dma source(%dma_start3A_87 : memref<200x64xf32, #tpu.memory_space<hbm>>) target(%arg11 : memref<200x64xf32, #tpu.memory_space<vmem>>) target_semaphore(%run_scoped3A : memref<!tpu.dma_semaphore, #tpu.memory_space<semaphore_mem>>)
        %dma_wait3A_88 = arith.constant 0 : i32
        %dma_wait3A_89 = tpu.memref_slice %arg3[%multiple_of3A_75, %dma_wait3A_88] : memref<640000x64xf32, #tpu.memory_space<hbm>> -> memref<200x64xf32, #tpu.memory_space<hbm>>
        %dma_wait3A_90 = arith.constant 0 : i32
        %dma_wait3A_91 = tpu.memref_slice %arg3[%multiple_of3A_75, %dma_wait3A_90] : memref<640000x64xf32, #tpu.memory_space<hbm>> -> memref<200x64xf32, #tpu.memory_space<hbm>>
        tpu.wait_dma2 semaphore(%run_scoped3A : memref<!tpu.dma_semaphore, #tpu.memory_space<semaphore_mem>>) src(%dma_wait3A_91 : memref<200x64xf32, #tpu.memory_space<hbm>>) dst(%arg11 : memref<200x64xf32, #tpu.memory_space<vmem>>)
        tpu.yield
      }) : () -> ()
      %scan3A_76 = arith.constant 0 : i32
      %scan3A_77 = arith.constant 0 : i32
      %scan3A_78 = arith.constant 200 : i32
      %scan3A_79 = arith.addi %scan3A_77, %scan3A_78 : i32
      %scan3A_80 = arith.constant 1 : i32
      %scan3A_81 = scf.for %scan3A_84 = %scan3A_77 to %scan3A_79 step %scan3A_80 iter_args(%scan3A_85 = %scan3A_76) -> (i32)  : i32 {
        %get3A_86 = arith.index_cast %scan3A_84 : i32 to index
        %get3A_87 = arith.constant 0 : index
        %get3A_88 = tpu.vector_load %arg10[%get3A_86, %get3A_87] {strides = array<i32>} : memref<200x64xf32, #tpu.memory_space<vmem>>, vector<1x16xf32>,
        %get3A_89 = vector.shape_cast %get3A_88 : vector<1x16xf32> to vector<16xf32>
        %get3A_90 = arith.index_cast %scan3A_84 : i32 to index
        %get3A_91 = arith.constant 0 : index
        %get3A_92 = tpu.vector_load %arg11[%get3A_90, %get3A_91] {strides = array<i32>} : memref<200x64xf32, #tpu.memory_space<vmem>>, vector<1x16xf32>,
        %get3A_93 = vector.shape_cast %get3A_92 : vector<1x16xf32> to vector<16xf32>
        %add3A_94 = arith.addf %get3A_89, %get3A_93 : vector<16xf32>
        %max3A = arith.constant 0.000000e+00 : f32
        %max3A_95 = vector.broadcast %max3A : f32 to vector<16xf32>
        %max3A_96 = arith.maximumf %add3A_94, %max3A_95 : vector<16xf32>
        %add3A_97 = arith.constant 1.000000e-07 : f32
        %add3A_98 = vector.broadcast %add3A_97 : f32 to vector<16xf32>
        %add3A_99 = arith.addf %max3A_96, %add3A_98 : vector<16xf32>
        %mul3A_100 = arith.mulf %get3A_14, %add3A_99 : vector<16xf32>
        %exp3A = math.exp %mul3A_100 : vector<16xf32>
        %swap3A = arith.index_cast %scan3A_84 : i32 to index
        %swap3A_101 = arith.constant 0 : index
        %swap3A_102 = tpu.vector_load %arg11[%swap3A, %swap3A_101] {strides = array<i32>} : memref<200x64xf32, #tpu.memory_space<vmem>>, vector<1x16xf32>,
        %swap3A_103 = vector.shape_cast %swap3A_102 : vector<1x16xf32> to vector<16xf32>
        %swap3A_104 = vector.shape_cast %exp3A : vector<16xf32> to vector<1x16xf32>
        tpu.vector_store %arg11[%swap3A, %swap3A_101], %swap3A_104 {strides = array<i32>} : memref<200x64xf32, #tpu.memory_space<vmem>>, vector<1x16xf32>,
        %mul3A_105 = arith.mulf %add3A_99, %exp3A : vector<16xf32>
        %swap3A_106 = arith.index_cast %scan3A_84 : i32 to index
        %swap3A_107 = arith.constant 0 : index
        %swap3A_108 = tpu.vector_load %arg10[%swap3A_106, %swap3A_107] {strides = array<i32>} : memref<200x64xf32, #tpu.memory_space<vmem>>, vector<1x16xf32>,
        %swap3A_109 = vector.shape_cast %swap3A_108 : vector<1x16xf32> to vector<16xf32>
        %swap3A_110 = vector.shape_cast %mul3A_105 : vector<16xf32> to vector<1x16xf32>
        tpu.vector_store %arg10[%swap3A_106, %swap3A_107], %swap3A_110 {strides = array<i32>} : memref<200x64xf32, #tpu.memory_space<vmem>>, vector<1x16xf32>,
        %get3A_111 = arith.index_cast %scan3A_84 : i32 to index
        %get3A_112 = arith.constant 16 : index
        %get3A_113 = tpu.vector_load %arg10[%get3A_111, %get3A_112] {strides = array<i32>} : memref<200x64xf32, #tpu.memory_space<vmem>>, vector<1x16xf32>,
        %get3A_114 = vector.shape_cast %get3A_113 : vector<1x16xf32> to vector<16xf32>
        %get3A_115 = arith.index_cast %scan3A_84 : i32 to index
        %get3A_116 = arith.constant 16 : index
        %get3A_117 = tpu.vector_load %arg11[%get3A_115, %get3A_116] {strides = array<i32>} : memref<200x64xf32, #tpu.memory_space<vmem>>, vector<1x16xf32>,
        %get3A_118 = vector.shape_cast %get3A_117 : vector<1x16xf32> to vector<16xf32>
        %add3A_119 = arith.addf %get3A_114, %get3A_118 : vector<16xf32>
        %max3A_120 = arith.constant 0.000000e+00 : f32
        %max3A_121 = vector.broadcast %max3A_120 : f32 to vector<16xf32>
        %max3A_122 = arith.maximumf %add3A_119, %max3A_121 : vector<16xf32>
        %add3A_123 = arith.constant 1.000000e-07 : f32
        %add3A_124 = vector.broadcast %add3A_123 : f32 to vector<16xf32>
        %add3A_125 = arith.addf %max3A_122, %add3A_124 : vector<16xf32>
        %mul3A_126 = arith.mulf %get3A_14, %add3A_125 : vector<16xf32>
        %exp3A_127 = math.exp %mul3A_126 : vector<16xf32>
        %swap3A_128 = arith.index_cast %scan3A_84 : i32 to index
        %swap3A_129 = arith.constant 16 : index
        %swap3A_130 = tpu.vector_load %arg11[%swap3A_128, %swap3A_129] {strides = array<i32>} : memref<200x64xf32, #tpu.memory_space<vmem>>, vector<1x16xf32>,
        %swap3A_131 = vector.shape_cast %swap3A_130 : vector<1x16xf32> to vector<16xf32>
        %swap3A_132 = vector.shape_cast %exp3A_127 : vector<16xf32> to vector<1x16xf32>
        tpu.vector_store %arg11[%swap3A_128, %swap3A_129], %swap3A_132 {strides = array<i32>} : memref<200x64xf32, #tpu.memory_space<vmem>>, vector<1x16xf32>,
        %mul3A_133 = arith.mulf %add3A_125, %exp3A_127 : vector<16xf32>
        %swap3A_134 = arith.index_cast %scan3A_84 : i32 to index
        %swap3A_135 = arith.constant 16 : index
        %swap3A_136 = tpu.vector_load %arg10[%swap3A_134, %swap3A_135] {strides = array<i32>} : memref<200x64xf32, #tpu.memory_space<vmem>>, vector<1x16xf32>,
        %swap3A_137 = vector.shape_cast %swap3A_136 : vector<1x16xf32> to vector<16xf32>
        %swap3A_138 = vector.shape_cast %mul3A_133 : vector<16xf32> to vector<1x16xf32>
        tpu.vector_store %arg10[%swap3A_134, %swap3A_135], %swap3A_138 {strides = array<i32>} : memref<200x64xf32, #tpu.memory_space<vmem>>, vector<1x16xf32>,
        %get3A_139 = arith.index_cast %scan3A_84 : i32 to index
        %get3A_140 = arith.constant 32 : index
        %get3A_141 = tpu.vector_load %arg10[%get3A_139, %get3A_140] {strides = array<i32>} : memref<200x64xf32, #tpu.memory_space<vmem>>, vector<1x16xf32>,
        %get3A_142 = vector.shape_cast %get3A_141 : vector<1x16xf32> to vector<16xf32>
        %get3A_143 = arith.index_cast %scan3A_84 : i32 to index
        %get3A_144 = arith.constant 32 : index
        %get3A_145 = tpu.vector_load %arg11[%get3A_143, %get3A_144] {strides = array<i32>} : memref<200x64xf32, #tpu.memory_space<vmem>>, vector<1x16xf32>,
        %get3A_146 = vector.shape_cast %get3A_145 : vector<1x16xf32> to vector<16xf32>
        %add3A_147 = arith.addf %get3A_142, %get3A_146 : vector<16xf32>
        %max3A_148 = arith.constant 0.000000e+00 : f32
        %max3A_149 = vector.broadcast %max3A_148 : f32 to vector<16xf32>
        %max3A_150 = arith.maximumf %add3A_147, %max3A_149 : vector<16xf32>
        %add3A_151 = arith.constant 1.000000e-07 : f32
        %add3A_152 = vector.broadcast %add3A_151 : f32 to vector<16xf32>
        %add3A_153 = arith.addf %max3A_150, %add3A_152 : vector<16xf32>
        %mul3A_154 = arith.mulf %get3A_14, %add3A_153 : vector<16xf32>
        %exp3A_155 = math.exp %mul3A_154 : vector<16xf32>
        %swap3A_156 = arith.index_cast %scan3A_84 : i32 to index
        %swap3A_157 = arith.constant 32 : index
        %swap3A_158 = tpu.vector_load %arg11[%swap3A_156, %swap3A_157] {strides = array<i32>} : memref<200x64xf32, #tpu.memory_space<vmem>>, vector<1x16xf32>,
        %swap3A_159 = vector.shape_cast %swap3A_158 : vector<1x16xf32> to vector<16xf32>
        %swap3A_160 = vector.shape_cast %exp3A_155 : vector<16xf32> to vector<1x16xf32>
        tpu.vector_store %arg11[%swap3A_156, %swap3A_157], %swap3A_160 {strides = array<i32>} : memref<200x64xf32, #tpu.memory_space<vmem>>, vector<1x16xf32>,
        %mul3A_161 = arith.mulf %add3A_153, %exp3A_155 : vector<16xf32>
        %swap3A_162 = arith.index_cast %scan3A_84 : i32 to index
        %swap3A_163 = arith.constant 32 : index
        %swap3A_164 = tpu.vector_load %arg10[%swap3A_162, %swap3A_163] {strides = array<i32>} : memref<200x64xf32, #tpu.memory_space<vmem>>, vector<1x16xf32>,
        %swap3A_165 = vector.shape_cast %swap3A_164 : vector<1x16xf32> to vector<16xf32>
        %swap3A_166 = vector.shape_cast %mul3A_161 : vector<16xf32> to vector<1x16xf32>
        tpu.vector_store %arg10[%swap3A_162, %swap3A_163], %swap3A_166 {strides = array<i32>} : memref<200x64xf32, #tpu.memory_space<vmem>>, vector<1x16xf32>,
        %get3A_167 = arith.index_cast %scan3A_84 : i32 to index
        %get3A_168 = arith.constant 48 : index
        %get3A_169 = tpu.vector_load %arg10[%get3A_167, %get3A_168] {strides = array<i32>} : memref<200x64xf32, #tpu.memory_space<vmem>>, vector<1x16xf32>,
        %get3A_170 = vector.shape_cast %get3A_169 : vector<1x16xf32> to vector<16xf32>
        %get3A_171 = arith.index_cast %scan3A_84 : i32 to index
        %get3A_172 = arith.constant 48 : index
        %get3A_173 = tpu.vector_load %arg11[%get3A_171, %get3A_172] {strides = array<i32>} : memref<200x64xf32, #tpu.memory_space<vmem>>, vector<1x16xf32>,
        %get3A_174 = vector.shape_cast %get3A_173 : vector<1x16xf32> to vector<16xf32>
        %add3A_175 = arith.addf %get3A_170, %get3A_174 : vector<16xf32>
        %max3A_176 = arith.constant 0.000000e+00 : f32
        %max3A_177 = vector.broadcast %max3A_176 : f32 to vector<16xf32>
        %max3A_178 = arith.maximumf %add3A_175, %max3A_177 : vector<16xf32>
        %add3A_179 = arith.constant 1.000000e-07 : f32
        %add3A_180 = vector.broadcast %add3A_179 : f32 to vector<16xf32>
        %add3A_181 = arith.addf %max3A_178, %add3A_180 : vector<16xf32>
        %mul3A_182 = arith.mulf %get3A_14, %add3A_181 : vector<16xf32>
        %exp3A_183 = math.exp %mul3A_182 : vector<16xf32>
        %swap3A_184 = arith.index_cast %scan3A_84 : i32 to index
        %swap3A_185 = arith.constant 48 : index
        %swap3A_186 = tpu.vector_load %arg11[%swap3A_184, %swap3A_185] {strides = array<i32>} : memref<200x64xf32, #tpu.memory_space<vmem>>, vector<1x16xf32>,
        %swap3A_187 = vector.shape_cast %swap3A_186 : vector<1x16xf32> to vector<16xf32>
        %swap3A_188 = vector.shape_cast %exp3A_183 : vector<16xf32> to vector<1x16xf32>
        tpu.vector_store %arg11[%swap3A_184, %swap3A_185], %swap3A_188 {strides = array<i32>} : memref<200x64xf32, #tpu.memory_space<vmem>>, vector<1x16xf32>,
        %mul3A_189 = arith.mulf %add3A_181, %exp3A_183 : vector<16xf32>
        %swap3A_190 = arith.index_cast %scan3A_84 : i32 to index
        %swap3A_191 = arith.constant 48 : index
        %swap3A_192 = tpu.vector_load %arg10[%swap3A_190, %swap3A_191] {strides = array<i32>} : memref<200x64xf32, #tpu.memory_space<vmem>>, vector<1x16xf32>,
        %swap3A_193 = vector.shape_cast %swap3A_192 : vector<1x16xf32> to vector<16xf32>
        %swap3A_194 = vector.shape_cast %mul3A_189 : vector<16xf32> to vector<1x16xf32>
        tpu.vector_store %arg10[%swap3A_190, %swap3A_191], %swap3A_194 {strides = array<i32>} : memref<200x64xf32, #tpu.memory_space<vmem>>, vector<1x16xf32>,
        %scan3A_195 = arith.constant 0 : i32
        scf.yield %scan3A_195 : i32
      }
      %scan3A_82 = arith.constant 200 : i32
      "tpu.region"() ({
        %run_scoped3A = tpu.sem_alloc : memref<!tpu.dma_semaphore, #tpu.memory_space<semaphore_mem>>
        %dma_start3A_84 = arith.constant 0 : i32
        %dma_start3A_85 = arith.constant 0 : i32
        %dma_start3A_86 = tpu.memref_slice %arg14[%dma_start3A_84, %dma_start3A_85] : memref<10000x64xf32, #tpu.memory_space<vmem_shared>> -> memref<10000x64xf32, #tpu.memory_space<vmem_shared>>
        tpu.enqueue_indirect_dma source(%arg11 : memref<200x64xf32, #tpu.memory_space<vmem>>) target(%dma_start3A_86 : memref<10000x64xf32, #tpu.memory_space<vmem_shared>>) offsets(%arg9 : memref<200xi32, #tpu.memory_space<vmem>>) semaphore(%run_scoped3A : memref<!tpu.dma_semaphore, #tpu.memory_space<semaphore_mem>>) {add = true}
        %dma_wait3A_87 = arith.constant 0 : i32
        %dma_wait3A_88 = arith.constant 0 : i32
        %dma_wait3A_89 = tpu.memref_slice %arg14[%dma_wait3A_87, %dma_wait3A_88] : memref<10000x64xf32, #tpu.memory_space<vmem_shared>> -> memref<10000x64xf32, #tpu.memory_space<vmem_shared>>
        tpu.wait_indirect_dma semaphore(%run_scoped3A : memref<!tpu.dma_semaphore, #tpu.memory_space<semaphore_mem>>) src(%arg11 : memref<200x64xf32, #tpu.memory_space<vmem>>) dst(%dma_wait3A_89 : memref<10000x64xf32, #tpu.memory_space<vmem_shared>>)
        tpu.yield
      }) : () -> ()
      "tpu.region"() ({
        %run_scoped3A = tpu.sem_alloc : memref<!tpu.dma_semaphore, #tpu.memory_space<semaphore_mem>>
        %dma_start3A_84 = arith.constant 0 : i32
        %dma_start3A_85 = arith.constant 0 : i32
        %dma_start3A_86 = tpu.memref_slice %arg13[%dma_start3A_84, %dma_start3A_85] : memref<10000x64xf32, #tpu.memory_space<vmem_shared>> -> memref<10000x64xf32, #tpu.memory_space<vmem_shared>>
        tpu.enqueue_indirect_dma source(%arg10 : memref<200x64xf32, #tpu.memory_space<vmem>>) target(%dma_start3A_86 : memref<10000x64xf32, #tpu.memory_space<vmem_shared>>) offsets(%arg9 : memref<200xi32, #tpu.memory_space<vmem>>) semaphore(%run_scoped3A : memref<!tpu.dma_semaphore, #tpu.memory_space<semaphore_mem>>) {add = true}
        %dma_wait3A_87 = arith.constant 0 : i32
        %dma_wait3A_88 = arith.constant 0 : i32
        %dma_wait3A_89 = tpu.memref_slice %arg13[%dma_wait3A_87, %dma_wait3A_88] : memref<10000x64xf32, #tpu.memory_space<vmem_shared>> -> memref<10000x64xf32, #tpu.memory_space<vmem_shared>>
        tpu.wait_indirect_dma semaphore(%run_scoped3A : memref<!tpu.dma_semaphore, #tpu.memory_space<semaphore_mem>>) src(%arg10 : memref<200x64xf32, #tpu.memory_space<vmem>>) dst(%dma_wait3A_89 : memref<10000x64xf32, #tpu.memory_space<vmem_shared>>)
        tpu.yield
      }) : () -> ()
      %scan3A_83 = arith.constant 0 : i32
      scf.yield %scan3A_83 : i32
    }
    %scan3A_23 = arith.constant 100 : i32
    %barrier3A_24 = arith.constant 0 : index
    tpu.barrier barrier_id(%barrier3A_24)
    %add3A_25 = arith.constant 0 : i32
    %add3A_26 = arith.addi %multiple_of3A, %add3A_25 : i32
    "tpu.region"() ({
      %run_scoped3A = tpu.sem_alloc : memref<!tpu.dma_semaphore, #tpu.memory_space<semaphore_mem>>
      %dma_start3A = arith.constant 0 : i32
      %dma_start3A_55 = arith.constant 0 : i32
      %dma_start3A_56 = tpu.memref_slice %arg10[%dma_start3A, %dma_start3A_55] : memref<200x64xf32, #tpu.memory_space<vmem>> -> memref<200x64xf32, #tpu.memory_space<vmem>>
      %dma_start3A_57 = arith.constant 0 : i32
      %dma_start3A_58 = tpu.memref_slice %arg13[%add3A_26, %dma_start3A_57] : memref<10000x64xf32, #tpu.memory_space<vmem_shared>> -> memref<200x64xf32, #tpu.memory_space<vmem_shared>>
      %dma_start3A_59 = arith.constant 0 : i32
      %dma_start3A_60 = arith.constant 0 : i32
      %dma_start3A_61 = tpu.memref_slice %arg10[%dma_start3A_59, %dma_start3A_60] : memref<200x64xf32, #tpu.memory_space<vmem>> -> memref<200x64xf32, #tpu.memory_space<vmem>>
      %dma_start3A_62 = arith.constant 0 : i32
      %dma_start3A_63 = tpu.memref_slice %arg13[%add3A_26, %dma_start3A_62] : memref<10000x64xf32, #tpu.memory_space<vmem_shared>> -> memref<200x64xf32, #tpu.memory_space<vmem_shared>>
      tpu.enqueue_dma source(%dma_start3A_63 : memref<200x64xf32, #tpu.memory_space<vmem_shared>>) target(%dma_start3A_61 : memref<200x64xf32, #tpu.memory_space<vmem>>) target_semaphore(%run_scoped3A : memref<!tpu.dma_semaphore, #tpu.memory_space<semaphore_mem>>)
      %dma_wait3A = arith.constant 0 : i32
      %dma_wait3A_64 = arith.constant 0 : i32
      %dma_wait3A_65 = tpu.memref_slice %arg10[%dma_wait3A, %dma_wait3A_64] : memref<200x64xf32, #tpu.memory_space<vmem>> -> memref<200x64xf32, #tpu.memory_space<vmem>>
      %dma_wait3A_66 = arith.constant 0 : i32
      %dma_wait3A_67 = tpu.memref_slice %arg13[%add3A_26, %dma_wait3A_66] : memref<10000x64xf32, #tpu.memory_space<vmem_shared>> -> memref<200x64xf32, #tpu.memory_space<vmem_shared>>
      %dma_wait3A_68 = arith.constant 0 : i32
      %dma_wait3A_69 = arith.constant 0 : i32
      %dma_wait3A_70 = tpu.memref_slice %arg10[%dma_wait3A_68, %dma_wait3A_69] : memref<200x64xf32, #tpu.memory_space<vmem>> -> memref<200x64xf32, #tpu.memory_space<vmem>>
      %dma_wait3A_71 = arith.constant 0 : i32
      %dma_wait3A_72 = tpu.memref_slice %arg13[%add3A_26, %dma_wait3A_71] : memref<10000x64xf32, #tpu.memory_space<vmem_shared>> -> memref<200x64xf32, #tpu.memory_space<vmem_shared>>
      tpu.wait_dma2 semaphore(%run_scoped3A : memref<!tpu.dma_semaphore, #tpu.memory_space<semaphore_mem>>) src(%dma_wait3A_72 : memref<200x64xf32, #tpu.memory_space<vmem_shared>>) dst(%dma_wait3A_70 : memref<200x64xf32, #tpu.memory_space<vmem>>)
      tpu.yield
    }) : () -> ()
    %add3A_27 = arith.constant 0 : i32
    %add3A_28 = arith.addi %multiple_of3A, %add3A_27 : i32
    "tpu.region"() ({
      %run_scoped3A = tpu.sem_alloc : memref<!tpu.dma_semaphore, #tpu.memory_space<semaphore_mem>>
      %dma_start3A = arith.constant 0 : i32
      %dma_start3A_55 = arith.constant 0 : i32
      %dma_start3A_56 = tpu.memref_slice %arg11[%dma_start3A, %dma_start3A_55] : memref<200x64xf32, #tpu.memory_space<vmem>> -> memref<200x64xf32, #tpu.memory_space<vmem>>
      %dma_start3A_57 = arith.constant 0 : i32
      %dma_start3A_58 = tpu.memref_slice %arg14[%add3A_28, %dma_start3A_57] : memref<10000x64xf32, #tpu.memory_space<vmem_shared>> -> memref<200x64xf32, #tpu.memory_space<vmem_shared>>
      %dma_start3A_59 = arith.constant 0 : i32
      %dma_start3A_60 = arith.constant 0 : i32
      %dma_start3A_61 = tpu.memref_slice %arg11[%dma_start3A_59, %dma_start3A_60] : memref<200x64xf32, #tpu.memory_space<vmem>> -> memref<200x64xf32, #tpu.memory_space<vmem>>
      %dma_start3A_62 = arith.constant 0 : i32
      %dma_start3A_63 = tpu.memref_slice %arg14[%add3A_28, %dma_start3A_62] : memref<10000x64xf32, #tpu.memory_space<vmem_shared>> -> memref<200x64xf32, #tpu.memory_space<vmem_shared>>
      tpu.enqueue_dma source(%dma_start3A_63 : memref<200x64xf32, #tpu.memory_space<vmem_shared>>) target(%dma_start3A_61 : memref<200x64xf32, #tpu.memory_space<vmem>>) target_semaphore(%run_scoped3A : memref<!tpu.dma_semaphore, #tpu.memory_space<semaphore_mem>>)
      %dma_wait3A = arith.constant 0 : i32
      %dma_wait3A_64 = arith.constant 0 : i32
      %dma_wait3A_65 = tpu.memref_slice %arg11[%dma_wait3A, %dma_wait3A_64] : memref<200x64xf32, #tpu.memory_space<vmem>> -> memref<200x64xf32, #tpu.memory_space<vmem>>
      %dma_wait3A_66 = arith.constant 0 : i32
      %dma_wait3A_67 = tpu.memref_slice %arg14[%add3A_28, %dma_wait3A_66] : memref<10000x64xf32, #tpu.memory_space<vmem_shared>> -> memref<200x64xf32, #tpu.memory_space<vmem_shared>>
      %dma_wait3A_68 = arith.constant 0 : i32
      %dma_wait3A_69 = arith.constant 0 : i32
      %dma_wait3A_70 = tpu.memref_slice %arg11[%dma_wait3A_68, %dma_wait3A_69] : memref<200x64xf32, #tpu.memory_space<vmem>> -> memref<200x64xf32, #tpu.memory_space<vmem>>
      %dma_wait3A_71 = arith.constant 0 : i32
      %dma_wait3A_72 = tpu.memref_slice %arg14[%add3A_28, %dma_wait3A_71] : memref<10000x64xf32, #tpu.memory_space<vmem_shared>> -> memref<200x64xf32, #tpu.memory_space<vmem_shared>>
      tpu.wait_dma2 semaphore(%run_scoped3A : memref<!tpu.dma_semaphore, #tpu.memory_space<semaphore_mem>>) src(%dma_wait3A_72 : memref<200x64xf32, #tpu.memory_space<vmem_shared>>) dst(%dma_wait3A_70 : memref<200x64xf32, #tpu.memory_space<vmem>>)
      tpu.yield
    }) : () -> ()
    %scan3A_29 = arith.constant 0 : i32
    %scan3A_30 = arith.constant 0 : i32
    %scan3A_31 = arith.constant 200 : i32
    %scan3A_32 = arith.addi %scan3A_30, %scan3A_31 : i32
    %scan3A_33 = arith.constant 1 : i32
    %scan3A_34 = scf.for %scan3A_55 = %scan3A_30 to %scan3A_32 step %scan3A_33 iter_args(%scan3A_56 = %scan3A_29) -> (i32)  : i32 {
      %get3A_57 = arith.index_cast %scan3A_55 : i32 to index
      %get3A_58 = arith.constant 0 : index
      %get3A_59 = tpu.vector_load %arg10[%get3A_57, %get3A_58] {strides = array<i32>} : memref<200x64xf32, #tpu.memory_space<vmem>>, vector<1x16xf32>,
      %get3A_60 = vector.shape_cast %get3A_59 : vector<1x16xf32> to vector<16xf32>
      %get3A_61 = arith.index_cast %scan3A_55 : i32 to index
      %get3A_62 = arith.constant 0 : index
      %get3A_63 = tpu.vector_load %arg11[%get3A_61, %get3A_62] {strides = array<i32>} : memref<200x64xf32, #tpu.memory_space<vmem>>, vector<1x16xf32>,
      %get3A_64 = vector.shape_cast %get3A_63 : vector<1x16xf32> to vector<16xf32>
      %add3A_65 = arith.constant 1.000000e-16 : f32
      %add3A_66 = vector.broadcast %add3A_65 : f32 to vector<16xf32>
      %add3A_67 = arith.addf %get3A_64, %add3A_66 : vector<16xf32>
      %div3A = arith.divf %get3A_60, %add3A_67 : vector<16xf32>
      %swap3A = arith.index_cast %scan3A_55 : i32 to index
      %swap3A_68 = arith.constant 0 : index
      %swap3A_69 = tpu.vector_load %arg10[%swap3A, %swap3A_68] {strides = array<i32>} : memref<200x64xf32, #tpu.memory_space<vmem>>, vector<1x16xf32>,
      %swap3A_70 = vector.shape_cast %swap3A_69 : vector<1x16xf32> to vector<16xf32>
      %swap3A_71 = vector.shape_cast %div3A : vector<16xf32> to vector<1x16xf32>
      tpu.vector_store %arg10[%swap3A, %swap3A_68], %swap3A_71 {strides = array<i32>} : memref<200x64xf32, #tpu.memory_space<vmem>>, vector<1x16xf32>,
      %get3A_72 = arith.index_cast %scan3A_55 : i32 to index
      %get3A_73 = arith.constant 16 : index
      %get3A_74 = tpu.vector_load %arg10[%get3A_72, %get3A_73] {strides = array<i32>} : memref<200x64xf32, #tpu.memory_space<vmem>>, vector<1x16xf32>,
      %get3A_75 = vector.shape_cast %get3A_74 : vector<1x16xf32> to vector<16xf32>
      %get3A_76 = arith.index_cast %scan3A_55 : i32 to index
      %get3A_77 = arith.constant 16 : index
      %get3A_78 = tpu.vector_load %arg11[%get3A_76, %get3A_77] {strides = array<i32>} : memref<200x64xf32, #tpu.memory_space<vmem>>, vector<1x16xf32>,
      %get3A_79 = vector.shape_cast %get3A_78 : vector<1x16xf32> to vector<16xf32>
      %add3A_80 = arith.constant 1.000000e-16 : f32
      %add3A_81 = vector.broadcast %add3A_80 : f32 to vector<16xf32>
      %add3A_82 = arith.addf %get3A_79, %add3A_81 : vector<16xf32>
      %div3A_83 = arith.divf %get3A_75, %add3A_82 : vector<16xf32>
      %swap3A_84 = arith.index_cast %scan3A_55 : i32 to index
      %swap3A_85 = arith.constant 16 : index
      %swap3A_86 = tpu.vector_load %arg10[%swap3A_84, %swap3A_85] {strides = array<i32>} : memref<200x64xf32, #tpu.memory_space<vmem>>, vector<1x16xf32>,
      %swap3A_87 = vector.shape_cast %swap3A_86 : vector<1x16xf32> to vector<16xf32>
      %swap3A_88 = vector.shape_cast %div3A_83 : vector<16xf32> to vector<1x16xf32>
      tpu.vector_store %arg10[%swap3A_84, %swap3A_85], %swap3A_88 {strides = array<i32>} : memref<200x64xf32, #tpu.memory_space<vmem>>, vector<1x16xf32>,
      %get3A_89 = arith.index_cast %scan3A_55 : i32 to index
      %get3A_90 = arith.constant 32 : index
      %get3A_91 = tpu.vector_load %arg10[%get3A_89, %get3A_90] {strides = array<i32>} : memref<200x64xf32, #tpu.memory_space<vmem>>, vector<1x16xf32>,
      %get3A_92 = vector.shape_cast %get3A_91 : vector<1x16xf32> to vector<16xf32>
      %get3A_93 = arith.index_cast %scan3A_55 : i32 to index
      %get3A_94 = arith.constant 32 : index
      %get3A_95 = tpu.vector_load %arg11[%get3A_93, %get3A_94] {strides = array<i32>} : memref<200x64xf32, #tpu.memory_space<vmem>>, vector<1x16xf32>,
      %get3A_96 = vector.shape_cast %get3A_95 : vector<1x16xf32> to vector<16xf32>
      %add3A_97 = arith.constant 1.000000e-16 : f32
      %add3A_98 = vector.broadcast %add3A_97 : f32 to vector<16xf32>
      %add3A_99 = arith.addf %get3A_96, %add3A_98 : vector<16xf32>
      %div3A_100 = arith.divf %get3A_92, %add3A_99 : vector<16xf32>
      %swap3A_101 = arith.index_cast %scan3A_55 : i32 to index
      %swap3A_102 = arith.constant 32 : index
      %swap3A_103 = tpu.vector_load %arg10[%swap3A_101, %swap3A_102] {strides = array<i32>} : memref<200x64xf32, #tpu.memory_space<vmem>>, vector<1x16xf32>,
      %swap3A_104 = vector.shape_cast %swap3A_103 : vector<1x16xf32> to vector<16xf32>
      %swap3A_105 = vector.shape_cast %div3A_100 : vector<16xf32> to vector<1x16xf32>
      tpu.vector_store %arg10[%swap3A_101, %swap3A_102], %swap3A_105 {strides = array<i32>} : memref<200x64xf32, #tpu.memory_space<vmem>>, vector<1x16xf32>,
      %get3A_106 = arith.index_cast %scan3A_55 : i32 to index
      %get3A_107 = arith.constant 48 : index
      %get3A_108 = tpu.vector_load %arg10[%get3A_106, %get3A_107] {strides = array<i32>} : memref<200x64xf32, #tpu.memory_space<vmem>>, vector<1x16xf32>,
      %get3A_109 = vector.shape_cast %get3A_108 : vector<1x16xf32> to vector<16xf32>
      %get3A_110 = arith.index_cast %scan3A_55 : i32 to index
      %get3A_111 = arith.constant 48 : index
      %get3A_112 = tpu.vector_load %arg11[%get3A_110, %get3A_111] {strides = array<i32>} : memref<200x64xf32, #tpu.memory_space<vmem>>, vector<1x16xf32>,
      %get3A_113 = vector.shape_cast %get3A_112 : vector<1x16xf32> to vector<16xf32>
      %add3A_114 = arith.constant 1.000000e-16 : f32
      %add3A_115 = vector.broadcast %add3A_114 : f32 to vector<16xf32>
      %add3A_116 = arith.addf %get3A_113, %add3A_115 : vector<16xf32>
      %div3A_117 = arith.divf %get3A_109, %add3A_116 : vector<16xf32>
      %swap3A_118 = arith.index_cast %scan3A_55 : i32 to index
      %swap3A_119 = arith.constant 48 : index
      %swap3A_120 = tpu.vector_load %arg10[%swap3A_118, %swap3A_119] {strides = array<i32>} : memref<200x64xf32, #tpu.memory_space<vmem>>, vector<1x16xf32>,
      %swap3A_121 = vector.shape_cast %swap3A_120 : vector<1x16xf32> to vector<16xf32>
      %swap3A_122 = vector.shape_cast %div3A_117 : vector<16xf32> to vector<1x16xf32>
      tpu.vector_store %arg10[%swap3A_118, %swap3A_119], %swap3A_122 {strides = array<i32>} : memref<200x64xf32, #tpu.memory_space<vmem>>, vector<1x16xf32>,
      %scan3A_123 = arith.constant 0 : i32
      scf.yield %scan3A_123 : i32
    }
    %scan3A_35 = arith.constant 200 : i32
    %add3A_36 = arith.addi %mul3A_0, %multiple_of3A : i32
    %add3A_37 = arith.constant 0 : i32
    %add3A_38 = arith.addi %add3A_36, %add3A_37 : i32
    %multiple_of3A_39 = tpu.assume_multiple %add3A_38, 8 : i32
    "tpu.region"() ({
      %run_scoped3A = tpu.sem_alloc : memref<!tpu.dma_semaphore, #tpu.memory_space<semaphore_mem>>
      %dma_start3A = arith.constant 0 : i32
      %dma_start3A_55 = arith.constant 0 : i32
      %dma_start3A_56 = tpu.memref_slice %arg10[%dma_start3A, %dma_start3A_55] : memref<200x64xf32, #tpu.memory_space<vmem>> -> memref<200x64xf32, #tpu.memory_space<vmem>>
      %dma_start3A_57 = arith.constant 0 : i32
      %dma_start3A_58 = tpu.memref_slice %arg7[%multiple_of3A_39, %dma_start3A_57] : memref<20000x64xf32, #tpu.memory_space<hbm>> -> memref<200x64xf32, #tpu.memory_space<hbm>>
      %dma_start3A_59 = arith.constant 0 : i32
      %dma_start3A_60 = tpu.memref_slice %arg7[%multiple_of3A_39, %dma_start3A_59] : memref<20000x64xf32, #tpu.memory_space<hbm>> -> memref<200x64xf32, #tpu.memory_space<hbm>>
      %dma_start3A_61 = arith.constant 0 : i32
      %dma_start3A_62 = arith.constant 0 : i32
      %dma_start3A_63 = tpu.memref_slice %arg10[%dma_start3A_61, %dma_start3A_62] : memref<200x64xf32, #tpu.memory_space<vmem>> -> memref<200x64xf32, #tpu.memory_space<vmem>>
      tpu.enqueue_dma source(%dma_start3A_63 : memref<200x64xf32, #tpu.memory_space<vmem>>) target(%dma_start3A_60 : memref<200x64xf32, #tpu.memory_space<hbm>>) target_semaphore(%run_scoped3A : memref<!tpu.dma_semaphore, #tpu.memory_space<semaphore_mem>>)
      %dma_wait3A = arith.constant 0 : i32
      %dma_wait3A_64 = arith.constant 0 : i32
      %dma_wait3A_65 = tpu.memref_slice %arg10[%dma_wait3A, %dma_wait3A_64] : memref<200x64xf32, #tpu.memory_space<vmem>> -> memref<200x64xf32, #tpu.memory_space<vmem>>
      %dma_wait3A_66 = arith.constant 0 : i32
      %dma_wait3A_67 = tpu.memref_slice %arg7[%multiple_of3A_39, %dma_wait3A_66] : memref<20000x64xf32, #tpu.memory_space<hbm>> -> memref<200x64xf32, #tpu.memory_space<hbm>>
      %dma_wait3A_68 = arith.constant 0 : i32
      %dma_wait3A_69 = tpu.memref_slice %arg7[%multiple_of3A_39, %dma_wait3A_68] : memref<20000x64xf32, #tpu.memory_space<hbm>> -> memref<200x64xf32, #tpu.memory_space<hbm>>
      %dma_wait3A_70 = arith.constant 0 : i32
      %dma_wait3A_71 = arith.constant 0 : i32
      %dma_wait3A_72 = tpu.memref_slice %arg10[%dma_wait3A_70, %dma_wait3A_71] : memref<200x64xf32, #tpu.memory_space<vmem>> -> memref<200x64xf32, #tpu.memory_space<vmem>>
      tpu.wait_dma2 semaphore(%run_scoped3A : memref<!tpu.dma_semaphore, #tpu.memory_space<semaphore_mem>>) src(%dma_wait3A_72 : memref<200x64xf32, #tpu.memory_space<vmem>>) dst(%dma_wait3A_69 : memref<200x64xf32, #tpu.memory_space<hbm>>)
      tpu.yield
    }) : () -> ()
    %add3A_40 = arith.constant 200 : i32
    %add3A_41 = arith.addi %multiple_of3A, %add3A_40 : i32
    "tpu.region"() ({
      %run_scoped3A = tpu.sem_alloc : memref<!tpu.dma_semaphore, #tpu.memory_space<semaphore_mem>>
      %dma_start3A = arith.constant 0 : i32
      %dma_start3A_55 = arith.constant 0 : i32
      %dma_start3A_56 = tpu.memref_slice %arg10[%dma_start3A, %dma_start3A_55] : memref<200x64xf32, #tpu.memory_space<vmem>> -> memref<440x64xf32, #tpu.memory_space<vmem>>
      %dma_start3A_57 = arith.constant 0 : i32
      %dma_start3A_58 = tpu.memref_slice %arg13[%add3A_41, %dma_start3A_57] : memref<10000x64xf32, #tpu.memory_space<vmem_shared>> -> memref<440x64xf32, #tpu.memory_space<vmem_shared>>
      %dma_start3A_59 = arith.constant 0 : i32
      %dma_start3A_60 = arith.constant 0 : i32
      %dma_start3A_61 = tpu.memref_slice %arg10[%dma_start3A_59, %dma_start3A_60] : memref<200x64xf32, #tpu.memory_space<vmem>> -> memref<440x64xf32, #tpu.memory_space<vmem>>
      %dma_start3A_62 = arith.constant 0 : i32
      %dma_start3A_63 = tpu.memref_slice %arg13[%add3A_41, %dma_start3A_62] : memref<10000x64xf32, #tpu.memory_space<vmem_shared>> -> memref<440x64xf32, #tpu.memory_space<vmem_shared>>
      tpu.enqueue_dma source(%dma_start3A_63 : memref<440x64xf32, #tpu.memory_space<vmem_shared>>) target(%dma_start3A_61 : memref<440x64xf32, #tpu.memory_space<vmem>>) target_semaphore(%run_scoped3A : memref<!tpu.dma_semaphore, #tpu.memory_space<semaphore_mem>>)
      %dma_wait3A = arith.constant 0 : i32
      %dma_wait3A_64 = arith.constant 0 : i32
      %dma_wait3A_65 = tpu.memref_slice %arg10[%dma_wait3A, %dma_wait3A_64] : memref<200x64xf32, #tpu.memory_space<vmem>> -> memref<440x64xf32, #tpu.memory_space<vmem>>
      %dma_wait3A_66 = arith.constant 0 : i32
      %dma_wait3A_67 = tpu.memref_slice %arg13[%add3A_41, %dma_wait3A_66] : memref<10000x64xf32, #tpu.memory_space<vmem_shared>> -> memref<440x64xf32, #tpu.memory_space<vmem_shared>>
      %dma_wait3A_68 = arith.constant 0 : i32
      %dma_wait3A_69 = arith.constant 0 : i32
      %dma_wait3A_70 = tpu.memref_slice %arg10[%dma_wait3A_68, %dma_wait3A_69] : memref<200x64xf32, #tpu.memory_space<vmem>> -> memref<440x64xf32, #tpu.memory_space<vmem>>
      %dma_wait3A_71 = arith.constant 0 : i32
      %dma_wait3A_72 = tpu.memref_slice %arg13[%add3A_41, %dma_wait3A_71] : memref<10000x64xf32, #tpu.memory_space<vmem_shared>> -> memref<440x64xf32, #tpu.memory_space<vmem_shared>>
      tpu.wait_dma2 semaphore(%run_scoped3A : memref<!tpu.dma_semaphore, #tpu.memory_space<semaphore_mem>>) src(%dma_wait3A_72 : memref<440x64xf32, #tpu.memory_space<vmem_shared>>) dst(%dma_wait3A_70 : memref<440x64xf32, #tpu.memory_space<vmem>>)
      tpu.yield
    }) : () -> ()
    %add3A_42 = arith.constant 200 : i32
    %add3A_43 = arith.addi %multiple_of3A, %add3A_42 : i32
    "tpu.region"() ({
      %run_scoped3A = tpu.sem_alloc : memref<!tpu.dma_semaphore, #tpu.memory_space<semaphore_mem>>
      %dma_start3A = arith.constant 0 : i32
      %dma_start3A_55 = arith.constant 0 : i32
      %dma_start3A_56 = tpu.memref_slice %arg11[%dma_start3A, %dma_start3A_55] : memref<200x64xf32, #tpu.memory_space<vmem>> -> memref<440x64xf32, #tpu.memory_space<vmem>>
      %dma_start3A_57 = arith.constant 0 : i32
      %dma_start3A_58 = tpu.memref_slice %arg14[%add3A_43, %dma_start3A_57] : memref<10000x64xf32, #tpu.memory_space<vmem_shared>> -> memref<440x64xf32, #tpu.memory_space<vmem_shared>>
      %dma_start3A_59 = arith.constant 0 : i32
      %dma_start3A_60 = arith.constant 0 : i32
      %dma_start3A_61 = tpu.memref_slice %arg11[%dma_start3A_59, %dma_start3A_60] : memref<200x64xf32, #tpu.memory_space<vmem>> -> memref<440x64xf32, #tpu.memory_space<vmem>>
      %dma_start3A_62 = arith.constant 0 : i32
      %dma_start3A_63 = tpu.memref_slice %arg14[%add3A_43, %dma_start3A_62] : memref<10000x64xf32, #tpu.memory_space<vmem_shared>> -> memref<440x64xf32, #tpu.memory_space<vmem_shared>>
      tpu.enqueue_dma source(%dma_start3A_63 : memref<440x64xf32, #tpu.memory_space<vmem_shared>>) target(%dma_start3A_61 : memref<440x64xf32, #tpu.memory_space<vmem>>) target_semaphore(%run_scoped3A : memref<!tpu.dma_semaphore, #tpu.memory_space<semaphore_mem>>)
      %dma_wait3A = arith.constant 0 : i32
      %dma_wait3A_64 = arith.constant 0 : i32
      %dma_wait3A_65 = tpu.memref_slice %arg11[%dma_wait3A, %dma_wait3A_64] : memref<200x64xf32, #tpu.memory_space<vmem>> -> memref<440x64xf32, #tpu.memory_space<vmem>>
      %dma_wait3A_66 = arith.constant 0 : i32
      %dma_wait3A_67 = tpu.memref_slice %arg14[%add3A_43, %dma_wait3A_66] : memref<10000x64xf32, #tpu.memory_space<vmem_shared>> -> memref<440x64xf32, #tpu.memory_space<vmem_shared>>
      %dma_wait3A_68 = arith.constant 0 : i32
      %dma_wait3A_69 = arith.constant 0 : i32
      %dma_wait3A_70 = tpu.memref_slice %arg11[%dma_wait3A_68, %dma_wait3A_69] : memref<200x64xf32, #tpu.memory_space<vmem>> -> memref<440x64xf32, #tpu.memory_space<vmem>>
      %dma_wait3A_71 = arith.constant 0 : i32
      %dma_wait3A_72 = tpu.memref_slice %arg14[%add3A_43, %dma_wait3A_71] : memref<10000x64xf32, #tpu.memory_space<vmem_shared>> -> memref<440x64xf32, #tpu.memory_space<vmem_shared>>
      tpu.wait_dma2 semaphore(%run_scoped3A : memref<!tpu.dma_semaphore, #tpu.memory_space<semaphore_mem>>) src(%dma_wait3A_72 : memref<440x64xf32, #tpu.memory_space<vmem_shared>>) dst(%dma_wait3A_70 : memref<440x64xf32, #tpu.memory_space<vmem>>)
      tpu.yield
    }) : () -> ()
    %scan3A_44 = arith.constant 0 : i32
    %scan3A_45 = arith.constant 0 : i32
    %scan3A_46 = arith.constant 440 : i32
    %scan3A_47 = arith.addi %scan3A_45, %scan3A_46 : i32
    %scan3A_48 = arith.constant 1 : i32
    %scan3A_49 = scf.for %scan3A_55 = %scan3A_45 to %scan3A_47 step %scan3A_48 iter_args(%scan3A_56 = %scan3A_44) -> (i32)  : i32 {
      %get3A_57 = arith.index_cast %scan3A_55 : i32 to index
      %get3A_58 = arith.constant 0 : index
      %get3A_59 = tpu.vector_load %arg10[%get3A_57, %get3A_58] {strides = array<i32>} : memref<200x64xf32, #tpu.memory_space<vmem>>, vector<1x16xf32>,
      %get3A_60 = vector.shape_cast %get3A_59 : vector<1x16xf32> to vector<16xf32>
      %get3A_61 = arith.index_cast %scan3A_55 : i32 to index
      %get3A_62 = arith.constant 0 : index
      %get3A_63 = tpu.vector_load %arg11[%get3A_61, %get3A_62] {strides = array<i32>} : memref<200x64xf32, #tpu.memory_space<vmem>>, vector<1x16xf32>,
      %get3A_64 = vector.shape_cast %get3A_63 : vector<1x16xf32> to vector<16xf32>
      %add3A_65 = arith.constant 1.000000e-16 : f32
      %add3A_66 = vector.broadcast %add3A_65 : f32 to vector<16xf32>
      %add3A_67 = arith.addf %get3A_64, %add3A_66 : vector<16xf32>
      %div3A = arith.divf %get3A_60, %add3A_67 : vector<16xf32>
      %swap3A = arith.index_cast %scan3A_55 : i32 to index
      %swap3A_68 = arith.constant 0 : index
      %swap3A_69 = tpu.vector_load %arg10[%swap3A, %swap3A_68] {strides = array<i32>} : memref<200x64xf32, #tpu.memory_space<vmem>>, vector<1x16xf32>,
      %swap3A_70 = vector.shape_cast %swap3A_69 : vector<1x16xf32> to vector<16xf32>
      %swap3A_71 = vector.shape_cast %div3A : vector<16xf32> to vector<1x16xf32>
      tpu.vector_store %arg10[%swap3A, %swap3A_68], %swap3A_71 {strides = array<i32>} : memref<200x64xf32, #tpu.memory_space<vmem>>, vector<1x16xf32>,
      %get3A_72 = arith.index_cast %scan3A_55 : i32 to index
      %get3A_73 = arith.constant 16 : index
      %get3A_74 = tpu.vector_load %arg10[%get3A_72, %get3A_73] {strides = array<i32>} : memref<200x64xf32, #tpu.memory_space<vmem>>, vector<1x16xf32>,
      %get3A_75 = vector.shape_cast %get3A_74 : vector<1x16xf32> to vector<16xf32>
      %get3A_76 = arith.index_cast %scan3A_55 : i32 to index
      %get3A_77 = arith.constant 16 : index
      %get3A_78 = tpu.vector_load %arg11[%get3A_76, %get3A_77] {strides = array<i32>} : memref<200x64xf32, #tpu.memory_space<vmem>>, vector<1x16xf32>,
      %get3A_79 = vector.shape_cast %get3A_78 : vector<1x16xf32> to vector<16xf32>
      %add3A_80 = arith.constant 1.000000e-16 : f32
      %add3A_81 = vector.broadcast %add3A_80 : f32 to vector<16xf32>
      %add3A_82 = arith.addf %get3A_79, %add3A_81 : vector<16xf32>
      %div3A_83 = arith.divf %get3A_75, %add3A_82 : vector<16xf32>
      %swap3A_84 = arith.index_cast %scan3A_55 : i32 to index
      %swap3A_85 = arith.constant 16 : index
      %swap3A_86 = tpu.vector_load %arg10[%swap3A_84, %swap3A_85] {strides = array<i32>} : memref<200x64xf32, #tpu.memory_space<vmem>>, vector<1x16xf32>,
      %swap3A_87 = vector.shape_cast %swap3A_86 : vector<1x16xf32> to vector<16xf32>
      %swap3A_88 = vector.shape_cast %div3A_83 : vector<16xf32> to vector<1x16xf32>
      tpu.vector_store %arg10[%swap3A_84, %swap3A_85], %swap3A_88 {strides = array<i32>} : memref<200x64xf32, #tpu.memory_space<vmem>>, vector<1x16xf32>,
      %get3A_89 = arith.index_cast %scan3A_55 : i32 to index
      %get3A_90 = arith.constant 32 : index
      %get3A_91 = tpu.vector_load %arg10[%get3A_89, %get3A_90] {strides = array<i32>} : memref<200x64xf32, #tpu.memory_space<vmem>>, vector<1x16xf32>,
      %get3A_92 = vector.shape_cast %get3A_91 : vector<1x16xf32> to vector<16xf32>
      %get3A_93 = arith.index_cast %scan3A_55 : i32 to index
      %get3A_94 = arith.constant 32 : index
      %get3A_95 = tpu.vector_load %arg11[%get3A_93, %get3A_94] {strides = array<i32>} : memref<200x64xf32, #tpu.memory_space<vmem>>, vector<1x16xf32>,
      %get3A_96 = vector.shape_cast %get3A_95 : vector<1x16xf32> to vector<16xf32>
      %add3A_97 = arith.constant 1.000000e-16 : f32
      %add3A_98 = vector.broadcast %add3A_97 : f32 to vector<16xf32>
      %add3A_99 = arith.addf %get3A_96, %add3A_98 : vector<16xf32>
      %div3A_100 = arith.divf %get3A_92, %add3A_99 : vector<16xf32>
      %swap3A_101 = arith.index_cast %scan3A_55 : i32 to index
      %swap3A_102 = arith.constant 32 : index
      %swap3A_103 = tpu.vector_load %arg10[%swap3A_101, %swap3A_102] {strides = array<i32>} : memref<200x64xf32, #tpu.memory_space<vmem>>, vector<1x16xf32>,
      %swap3A_104 = vector.shape_cast %swap3A_103 : vector<1x16xf32> to vector<16xf32>
      %swap3A_105 = vector.shape_cast %div3A_100 : vector<16xf32> to vector<1x16xf32>
      tpu.vector_store %arg10[%swap3A_101, %swap3A_102], %swap3A_105 {strides = array<i32>} : memref<200x64xf32, #tpu.memory_space<vmem>>, vector<1x16xf32>,
      %get3A_106 = arith.index_cast %scan3A_55 : i32 to index
      %get3A_107 = arith.constant 48 : index
      %get3A_108 = tpu.vector_load %arg10[%get3A_106, %get3A_107] {strides = array<i32>} : memref<200x64xf32, #tpu.memory_space<vmem>>, vector<1x16xf32>,
      %get3A_109 = vector.shape_cast %get3A_108 : vector<1x16xf32> to vector<16xf32>
      %get3A_110 = arith.index_cast %scan3A_55 : i32 to index
      %get3A_111 = arith.constant 48 : index
      %get3A_112 = tpu.vector_load %arg11[%get3A_110, %get3A_111] {strides = array<i32>} : memref<200x64xf32, #tpu.memory_space<vmem>>, vector<1x16xf32>,
      %get3A_113 = vector.shape_cast %get3A_112 : vector<1x16xf32> to vector<16xf32>
      %add3A_114 = arith.constant 1.000000e-16 : f32
      %add3A_115 = vector.broadcast %add3A_114 : f32 to vector<16xf32>
      %add3A_116 = arith.addf %get3A_113, %add3A_115 : vector<16xf32>
      %div3A_117 = arith.divf %get3A_109, %add3A_116 : vector<16xf32>
      %swap3A_118 = arith.index_cast %scan3A_55 : i32 to index
      %swap3A_119 = arith.constant 48 : index
      %swap3A_120 = tpu.vector_load %arg10[%swap3A_118, %swap3A_119] {strides = array<i32>} : memref<200x64xf32, #tpu.memory_space<vmem>>, vector<1x16xf32>,
      %swap3A_121 = vector.shape_cast %swap3A_120 : vector<1x16xf32> to vector<16xf32>
      %swap3A_122 = vector.shape_cast %div3A_117 : vector<16xf32> to vector<1x16xf32>
      tpu.vector_store %arg10[%swap3A_118, %swap3A_119], %swap3A_122 {strides = array<i32>} : memref<200x64xf32, #tpu.memory_space<vmem>>, vector<1x16xf32>,
      %scan3A_123 = arith.constant 0 : i32
      scf.yield %scan3A_123 : i32
    }
    %scan3A_50 = arith.constant 440 : i32
    %add3A_51 = arith.addi %mul3A_0, %multiple_of3A : i32
    %add3A_52 = arith.constant 200 : i32
    %add3A_53 = arith.addi %add3A_51, %add3A_52 : i32
    %multiple_of3A_54 = tpu.assume_multiple %add3A_53, 8 : i32
    "tpu.region"() ({
      %run_scoped3A = tpu.sem_alloc : memref<!tpu.dma_semaphore, #tpu.memory_space<semaphore_mem>>
      %dma_start3A = arith.constant 0 : i32
      %dma_start3A_55 = arith.constant 0 : i32
      %dma_start3A_56 = tpu.memref_slice %arg10[%dma_start3A, %dma_start3A_55] : memref<200x64xf32, #tpu.memory_space<vmem>> -> memref<440x64xf32, #tpu.memory_space<vmem>>
      %dma_start3A_57 = arith.constant 0 : i32
      %dma_start3A_58 = tpu.memref_slice %arg7[%multiple_of3A_54, %dma_start3A_57] : memref<20000x64xf32, #tpu.memory_space<hbm>> -> memref<440x64xf32, #tpu.memory_space<hbm>>
      %dma_start3A_59 = arith.constant 0 : i32
      %dma_start3A_60 = tpu.memref_slice %arg7[%multiple_of3A_54, %dma_start3A_59] : memref<20000x64xf32, #tpu.memory_space<hbm>> -> memref<440x64xf32, #tpu.memory_space<hbm>>
      %dma_start3A_61 = arith.constant 0 : i32
      %dma_start3A_62 = arith.constant 0 : i32
      %dma_start3A_63 = tpu.memref_slice %arg10[%dma_start3A_61, %dma_start3A_62] : memref<200x64xf32, #tpu.memory_space<vmem>> -> memref<440x64xf32, #tpu.memory_space<vmem>>
      tpu.enqueue_dma source(%dma_start3A_63 : memref<440x64xf32, #tpu.memory_space<vmem>>) target(%dma_start3A_60 : memref<440x64xf32, #tpu.memory_space<hbm>>) target_semaphore(%run_scoped3A : memref<!tpu.dma_semaphore, #tpu.memory_space<semaphore_mem>>)
      %dma_wait3A = arith.constant 0 : i32
      %dma_wait3A_64 = arith.constant 0 : i32
      %dma_wait3A_65 = tpu.memref_slice %arg10[%dma_wait3A, %dma_wait3A_64] : memref<200x64xf32, #tpu.memory_space<vmem>> -> memref<440x64xf32, #tpu.memory_space<vmem>>
      %dma_wait3A_66 = arith.constant 0 : i32
      %dma_wait3A_67 = tpu.memref_slice %arg7[%multiple_of3A_54, %dma_wait3A_66] : memref<20000x64xf32, #tpu.memory_space<hbm>> -> memref<440x64xf32, #tpu.memory_space<hbm>>
      %dma_wait3A_68 = arith.constant 0 : i32
      %dma_wait3A_69 = tpu.memref_slice %arg7[%multiple_of3A_54, %dma_wait3A_68] : memref<20000x64xf32, #tpu.memory_space<hbm>> -> memref<440x64xf32, #tpu.memory_space<hbm>>
      %dma_wait3A_70 = arith.constant 0 : i32
      %dma_wait3A_71 = arith.constant 0 : i32
      %dma_wait3A_72 = tpu.memref_slice %arg10[%dma_wait3A_70, %dma_wait3A_71] : memref<200x64xf32, #tpu.memory_space<vmem>> -> memref<440x64xf32, #tpu.memory_space<vmem>>
      tpu.wait_dma2 semaphore(%run_scoped3A : memref<!tpu.dma_semaphore, #tpu.memory_space<semaphore_mem>>) src(%dma_wait3A_72 : memref<440x64xf32, #tpu.memory_space<vmem>>) dst(%dma_wait3A_69 : memref<440x64xf32, #tpu.memory_space<hbm>>)
      tpu.yield
    }) : () -> ()
    return
  }
}

#map = affine_map<(d0, d1) -> (0, 0)>
#map1 = affine_map<(d0, d1) -> (0)>
module attributes {stable_mosaic.version = 14 : i64} {
  func.func @_agg_body(%arg0: i32, %arg1: i32, %arg2: memref<20000x64xf32, #tpu.memory_space<hbm>>, %arg3: memref<640000x64xf32, #tpu.memory_space<hbm>>, %arg4: memref<320000xi32, #tpu.memory_space<hbm>>, %arg5: memref<320000xi32, #tpu.memory_space<hbm>>, %arg6: memref<16xf32, #tpu.memory_space<hbm>>, %arg7: memref<20000x64xf32, #tpu.memory_space<hbm>>, %arg8: memref<200xi32, #tpu.memory_space<vmem>>, %arg9: memref<200xi32, #tpu.memory_space<vmem>>, %arg10: memref<200x64xf32, #tpu.memory_space<vmem>>, %arg11: memref<200x64xf32, #tpu.memory_space<vmem>>, %arg12: memref<16xf32, #tpu.memory_space<vmem>>, %arg13: memref<10000x64xf32, #tpu.memory_space<vmem_shared>>, %arg14: memref<10000x64xf32, #tpu.memory_space<vmem_shared>>, %arg15: memref<!tpu.dma_semaphore, #tpu.memory_space<semaphore_mem>>) attributes {dimension_semantics = [#tpu.dimension_semantics<core_parallel>, #tpu.dimension_semantics<subcore_parallel>], iteration_bounds = array<i64: 2, 16>, scalar_prefetch = 0 : i64, scratch_operands = 8 : i64, tpu.core_type = #tpu.core_type<sc_vector_subcore>, window_params = [{transform_indices = #map}, {transform_indices = #map}, {transform_indices = #map1}, {transform_indices = #map1}, {transform_indices = #map1}, {transform_indices = #map}]} {
    %mul3A = arith.constant 10000 : i32
    %mul3A_0 = arith.muli %arg0, %mul3A : i32
    %scan3A = arith.constant 0 : i32
    %scan3A_1 = arith.constant 0 : i32
    %scan3A_2 = arith.constant 200 : i32
    %scan3A_3 = arith.addi %scan3A_1, %scan3A_2 : i32
    %scan3A_4 = arith.constant 1 : i32
    %scan3A_5 = scf.for %scan3A_55 = %scan3A_1 to %scan3A_3 step %scan3A_4 iter_args(%scan3A_56 = %scan3A) -> (i32)  : i32 {
      %broadcast_in_dim3A = arith.constant 0.000000e+00 : f32
      %broadcast_in_dim3A_57 = vector.broadcast %broadcast_in_dim3A : f32 to vector<16xf32>
      %swap3A = arith.index_cast %scan3A_55 : i32 to index
      %swap3A_58 = arith.constant 0 : index
      %swap3A_59 = tpu.vector_load %arg10[%swap3A, %swap3A_58] {strides = array<i32>} : memref<200x64xf32, #tpu.memory_space<vmem>>, vector<1x16xf32>,
      %swap3A_60 = vector.shape_cast %swap3A_59 : vector<1x16xf32> to vector<16xf32>
      %swap3A_61 = vector.shape_cast %broadcast_in_dim3A_57 : vector<16xf32> to vector<1x16xf32>
      tpu.vector_store %arg10[%swap3A, %swap3A_58], %swap3A_61 {strides = array<i32>} : memref<200x64xf32, #tpu.memory_space<vmem>>, vector<1x16xf32>,
      %broadcast_in_dim3A_62 = arith.constant 0.000000e+00 : f32
      %broadcast_in_dim3A_63 = vector.broadcast %broadcast_in_dim3A_62 : f32 to vector<16xf32>
      %swap3A_64 = arith.index_cast %scan3A_55 : i32 to index
      %swap3A_65 = arith.constant 16 : index
      %swap3A_66 = tpu.vector_load %arg10[%swap3A_64, %swap3A_65] {strides = array<i32>} : memref<200x64xf32, #tpu.memory_space<vmem>>, vector<1x16xf32>,
      %swap3A_67 = vector.shape_cast %swap3A_66 : vector<1x16xf32> to vector<16xf32>
      %swap3A_68 = vector.shape_cast %broadcast_in_dim3A_63 : vector<16xf32> to vector<1x16xf32>
      tpu.vector_store %arg10[%swap3A_64, %swap3A_65], %swap3A_68 {strides = array<i32>} : memref<200x64xf32, #tpu.memory_space<vmem>>, vector<1x16xf32>,
      %broadcast_in_dim3A_69 = arith.constant 0.000000e+00 : f32
      %broadcast_in_dim3A_70 = vector.broadcast %broadcast_in_dim3A_69 : f32 to vector<16xf32>
      %swap3A_71 = arith.index_cast %scan3A_55 : i32 to index
      %swap3A_72 = arith.constant 32 : index
      %swap3A_73 = tpu.vector_load %arg10[%swap3A_71, %swap3A_72] {strides = array<i32>} : memref<200x64xf32, #tpu.memory_space<vmem>>, vector<1x16xf32>,
      %swap3A_74 = vector.shape_cast %swap3A_73 : vector<1x16xf32> to vector<16xf32>
      %swap3A_75 = vector.shape_cast %broadcast_in_dim3A_70 : vector<16xf32> to vector<1x16xf32>
      tpu.vector_store %arg10[%swap3A_71, %swap3A_72], %swap3A_75 {strides = array<i32>} : memref<200x64xf32, #tpu.memory_space<vmem>>, vector<1x16xf32>,
      %broadcast_in_dim3A_76 = arith.constant 0.000000e+00 : f32
      %broadcast_in_dim3A_77 = vector.broadcast %broadcast_in_dim3A_76 : f32 to vector<16xf32>
      %swap3A_78 = arith.index_cast %scan3A_55 : i32 to index
      %swap3A_79 = arith.constant 48 : index
      %swap3A_80 = tpu.vector_load %arg10[%swap3A_78, %swap3A_79] {strides = array<i32>} : memref<200x64xf32, #tpu.memory_space<vmem>>, vector<1x16xf32>,
      %swap3A_81 = vector.shape_cast %swap3A_80 : vector<1x16xf32> to vector<16xf32>
      %swap3A_82 = vector.shape_cast %broadcast_in_dim3A_77 : vector<16xf32> to vector<1x16xf32>
      tpu.vector_store %arg10[%swap3A_78, %swap3A_79], %swap3A_82 {strides = array<i32>} : memref<200x64xf32, #tpu.memory_space<vmem>>, vector<1x16xf32>,
      %scan3A_83 = arith.constant 0 : i32
      scf.yield %scan3A_83 : i32
    }
    %scan3A_6 = arith.constant 200 : i32
    %mul3A_7 = arith.constant 640 : i32
    %mul3A_8 = arith.muli %arg1, %mul3A_7 : i32
    %min3A = arith.constant 9360 : i32
    %min3A_9 = arith.minsi %mul3A_8, %min3A : i32
    %multiple_of3A = tpu.assume_multiple %min3A_9, 8 : i32
    "tpu.region"() ({
      %run_scoped3A = tpu.sem_alloc : memref<!tpu.dma_semaphore, #tpu.memory_space<semaphore_mem>>
      %dma_start3A = arith.constant 0 : i32
      %dma_start3A_55 = tpu.memref_slice %arg13[%multiple_of3A, %dma_start3A] : memref<10000x64xf32, #tpu.memory_space<vmem_shared>> -> memref<200x64xf32, #tpu.memory_space<vmem_shared>>
      %dma_start3A_56 = arith.constant 0 : i32
      %dma_start3A_57 = tpu.memref_slice %arg13[%multiple_of3A, %dma_start3A_56] : memref<10000x64xf32, #tpu.memory_space<vmem_shared>> -> memref<200x64xf32, #tpu.memory_space<vmem_shared>>
      tpu.enqueue_dma source(%arg10 : memref<200x64xf32, #tpu.memory_space<vmem>>) target(%dma_start3A_57 : memref<200x64xf32, #tpu.memory_space<vmem_shared>>) target_semaphore(%run_scoped3A : memref<!tpu.dma_semaphore, #tpu.memory_space<semaphore_mem>>)
      %dma_wait3A = arith.constant 0 : i32
      %dma_wait3A_58 = tpu.memref_slice %arg13[%multiple_of3A, %dma_wait3A] : memref<10000x64xf32, #tpu.memory_space<vmem_shared>> -> memref<200x64xf32, #tpu.memory_space<vmem_shared>>
      %dma_wait3A_59 = arith.constant 0 : i32
      %dma_wait3A_60 = tpu.memref_slice %arg13[%multiple_of3A, %dma_wait3A_59] : memref<10000x64xf32, #tpu.memory_space<vmem_shared>> -> memref<200x64xf32, #tpu.memory_space<vmem_shared>>
      tpu.wait_dma2 semaphore(%run_scoped3A : memref<!tpu.dma_semaphore, #tpu.memory_space<semaphore_mem>>) src(%arg10 : memref<200x64xf32, #tpu.memory_space<vmem>>) dst(%dma_wait3A_60 : memref<200x64xf32, #tpu.memory_space<vmem_shared>>)
      tpu.yield
    }) : () -> ()
    "tpu.region"() ({
      %run_scoped3A = tpu.sem_alloc : memref<!tpu.dma_semaphore, #tpu.memory_space<semaphore_mem>>
      %dma_start3A = arith.constant 0 : i32
      %dma_start3A_55 = tpu.memref_slice %arg14[%multiple_of3A, %dma_start3A] : memref<10000x64xf32, #tpu.memory_space<vmem_shared>> -> memref<200x64xf32, #tpu.memory_space<vmem_shared>>
      %dma_start3A_56 = arith.constant 0 : i32
      %dma_start3A_57 = tpu.memref_slice %arg14[%multiple_of3A, %dma_start3A_56] : memref<10000x64xf32, #tpu.memory_space<vmem_shared>> -> memref<200x64xf32, #tpu.memory_space<vmem_shared>>
      tpu.enqueue_dma source(%arg10 : memref<200x64xf32, #tpu.memory_space<vmem>>) target(%dma_start3A_57 : memref<200x64xf32, #tpu.memory_space<vmem_shared>>) target_semaphore(%run_scoped3A : memref<!tpu.dma_semaphore, #tpu.memory_space<semaphore_mem>>)
      %dma_wait3A = arith.constant 0 : i32
      %dma_wait3A_58 = tpu.memref_slice %arg14[%multiple_of3A, %dma_wait3A] : memref<10000x64xf32, #tpu.memory_space<vmem_shared>> -> memref<200x64xf32, #tpu.memory_space<vmem_shared>>
      %dma_wait3A_59 = arith.constant 0 : i32
      %dma_wait3A_60 = tpu.memref_slice %arg14[%multiple_of3A, %dma_wait3A_59] : memref<10000x64xf32, #tpu.memory_space<vmem_shared>> -> memref<200x64xf32, #tpu.memory_space<vmem_shared>>
      tpu.wait_dma2 semaphore(%run_scoped3A : memref<!tpu.dma_semaphore, #tpu.memory_space<semaphore_mem>>) src(%arg10 : memref<200x64xf32, #tpu.memory_space<vmem>>) dst(%dma_wait3A_60 : memref<200x64xf32, #tpu.memory_space<vmem_shared>>)
      tpu.yield
    }) : () -> ()
    %add3A = arith.constant 200 : i32
    %add3A_10 = arith.addi %multiple_of3A, %add3A : i32
    "tpu.region"() ({
      %run_scoped3A = tpu.sem_alloc : memref<!tpu.dma_semaphore, #tpu.memory_space<semaphore_mem>>
      %dma_start3A = arith.constant 0 : i32
      %dma_start3A_55 = arith.constant 0 : i32
      %dma_start3A_56 = tpu.memref_slice %arg10[%dma_start3A, %dma_start3A_55] : memref<200x64xf32, #tpu.memory_space<vmem>> -> memref<440x64xf32, #tpu.memory_space<vmem>>
      %dma_start3A_57 = arith.constant 0 : i32
      %dma_start3A_58 = tpu.memref_slice %arg13[%add3A_10, %dma_start3A_57] : memref<10000x64xf32, #tpu.memory_space<vmem_shared>> -> memref<440x64xf32, #tpu.memory_space<vmem_shared>>
      %dma_start3A_59 = arith.constant 0 : i32
      %dma_start3A_60 = tpu.memref_slice %arg13[%add3A_10, %dma_start3A_59] : memref<10000x64xf32, #tpu.memory_space<vmem_shared>> -> memref<440x64xf32, #tpu.memory_space<vmem_shared>>
      %dma_start3A_61 = arith.constant 0 : i32
      %dma_start3A_62 = arith.constant 0 : i32
      %dma_start3A_63 = tpu.memref_slice %arg10[%dma_start3A_61, %dma_start3A_62] : memref<200x64xf32, #tpu.memory_space<vmem>> -> memref<440x64xf32, #tpu.memory_space<vmem>>
      tpu.enqueue_dma source(%dma_start3A_63 : memref<440x64xf32, #tpu.memory_space<vmem>>) target(%dma_start3A_60 : memref<440x64xf32, #tpu.memory_space<vmem_shared>>) target_semaphore(%run_scoped3A : memref<!tpu.dma_semaphore, #tpu.memory_space<semaphore_mem>>)
      %dma_wait3A = arith.constant 0 : i32
      %dma_wait3A_64 = arith.constant 0 : i32
      %dma_wait3A_65 = tpu.memref_slice %arg10[%dma_wait3A, %dma_wait3A_64] : memref<200x64xf32, #tpu.memory_space<vmem>> -> memref<440x64xf32, #tpu.memory_space<vmem>>
      %dma_wait3A_66 = arith.constant 0 : i32
      %dma_wait3A_67 = tpu.memref_slice %arg13[%add3A_10, %dma_wait3A_66] : memref<10000x64xf32, #tpu.memory_space<vmem_shared>> -> memref<440x64xf32, #tpu.memory_space<vmem_shared>>
      %dma_wait3A_68 = arith.constant 0 : i32
      %dma_wait3A_69 = tpu.memref_slice %arg13[%add3A_10, %dma_wait3A_68] : memref<10000x64xf32, #tpu.memory_space<vmem_shared>> -> memref<440x64xf32, #tpu.memory_space<vmem_shared>>
      %dma_wait3A_70 = arith.constant 0 : i32
      %dma_wait3A_71 = arith.constant 0 : i32
      %dma_wait3A_72 = tpu.memref_slice %arg10[%dma_wait3A_70, %dma_wait3A_71] : memref<200x64xf32, #tpu.memory_space<vmem>> -> memref<440x64xf32, #tpu.memory_space<vmem>>
      tpu.wait_dma2 semaphore(%run_scoped3A : memref<!tpu.dma_semaphore, #tpu.memory_space<semaphore_mem>>) src(%dma_wait3A_72 : memref<440x64xf32, #tpu.memory_space<vmem>>) dst(%dma_wait3A_69 : memref<440x64xf32, #tpu.memory_space<vmem_shared>>)
      tpu.yield
    }) : () -> ()
    %add3A_11 = arith.constant 200 : i32
    %add3A_12 = arith.addi %multiple_of3A, %add3A_11 : i32
    "tpu.region"() ({
      %run_scoped3A = tpu.sem_alloc : memref<!tpu.dma_semaphore, #tpu.memory_space<semaphore_mem>>
      %dma_start3A = arith.constant 0 : i32
      %dma_start3A_55 = arith.constant 0 : i32
      %dma_start3A_56 = tpu.memref_slice %arg10[%dma_start3A, %dma_start3A_55] : memref<200x64xf32, #tpu.memory_space<vmem>> -> memref<440x64xf32, #tpu.memory_space<vmem>>
      %dma_start3A_57 = arith.constant 0 : i32
      %dma_start3A_58 = tpu.memref_slice %arg14[%add3A_12, %dma_start3A_57] : memref<10000x64xf32, #tpu.memory_space<vmem_shared>> -> memref<440x64xf32, #tpu.memory_space<vmem_shared>>
      %dma_start3A_59 = arith.constant 0 : i32
      %dma_start3A_60 = tpu.memref_slice %arg14[%add3A_12, %dma_start3A_59] : memref<10000x64xf32, #tpu.memory_space<vmem_shared>> -> memref<440x64xf32, #tpu.memory_space<vmem_shared>>
      %dma_start3A_61 = arith.constant 0 : i32
      %dma_start3A_62 = arith.constant 0 : i32
      %dma_start3A_63 = tpu.memref_slice %arg10[%dma_start3A_61, %dma_start3A_62] : memref<200x64xf32, #tpu.memory_space<vmem>> -> memref<440x64xf32, #tpu.memory_space<vmem>>
      tpu.enqueue_dma source(%dma_start3A_63 : memref<440x64xf32, #tpu.memory_space<vmem>>) target(%dma_start3A_60 : memref<440x64xf32, #tpu.memory_space<vmem_shared>>) target_semaphore(%run_scoped3A : memref<!tpu.dma_semaphore, #tpu.memory_space<semaphore_mem>>)
      %dma_wait3A = arith.constant 0 : i32
      %dma_wait3A_64 = arith.constant 0 : i32
      %dma_wait3A_65 = tpu.memref_slice %arg10[%dma_wait3A, %dma_wait3A_64] : memref<200x64xf32, #tpu.memory_space<vmem>> -> memref<440x64xf32, #tpu.memory_space<vmem>>
      %dma_wait3A_66 = arith.constant 0 : i32
      %dma_wait3A_67 = tpu.memref_slice %arg14[%add3A_12, %dma_wait3A_66] : memref<10000x64xf32, #tpu.memory_space<vmem_shared>> -> memref<440x64xf32, #tpu.memory_space<vmem_shared>>
      %dma_wait3A_68 = arith.constant 0 : i32
      %dma_wait3A_69 = tpu.memref_slice %arg14[%add3A_12, %dma_wait3A_68] : memref<10000x64xf32, #tpu.memory_space<vmem_shared>> -> memref<440x64xf32, #tpu.memory_space<vmem_shared>>
      %dma_wait3A_70 = arith.constant 0 : i32
      %dma_wait3A_71 = arith.constant 0 : i32
      %dma_wait3A_72 = tpu.memref_slice %arg10[%dma_wait3A_70, %dma_wait3A_71] : memref<200x64xf32, #tpu.memory_space<vmem>> -> memref<440x64xf32, #tpu.memory_space<vmem>>
      tpu.wait_dma2 semaphore(%run_scoped3A : memref<!tpu.dma_semaphore, #tpu.memory_space<semaphore_mem>>) src(%dma_wait3A_72 : memref<440x64xf32, #tpu.memory_space<vmem>>) dst(%dma_wait3A_69 : memref<440x64xf32, #tpu.memory_space<vmem_shared>>)
      tpu.yield
    }) : () -> ()
    %barrier3A = arith.constant 0 : index
    tpu.barrier barrier_id(%barrier3A)
    "tpu.region"() ({
      %run_scoped3A = tpu.sem_alloc : memref<!tpu.dma_semaphore, #tpu.memory_space<semaphore_mem>>
      tpu.enqueue_dma source(%arg6 : memref<16xf32, #tpu.memory_space<hbm>>) target(%arg12 : memref<16xf32, #tpu.memory_space<vmem>>) target_semaphore(%run_scoped3A : memref<!tpu.dma_semaphore, #tpu.memory_space<semaphore_mem>>)
      tpu.wait_dma2 semaphore(%run_scoped3A : memref<!tpu.dma_semaphore, #tpu.memory_space<semaphore_mem>>) src(%arg6 : memref<16xf32, #tpu.memory_space<hbm>>) dst(%arg12 : memref<16xf32, #tpu.memory_space<vmem>>)
      tpu.yield
    }) : () -> ()
    %get3A = arith.constant 0 : index
    %get3A_13 = tpu.vector_load %arg12[%get3A] {strides = array<i32>} : memref<16xf32, #tpu.memory_space<vmem>>, vector<16xf32>,
    %get3A_14 = vector.shape_cast %get3A_13 : vector<16xf32> to vector<16xf32>
    %mul3A_15 = arith.constant 20000 : i32
    %mul3A_16 = arith.muli %arg1, %mul3A_15 : i32
    %scan3A_17 = arith.constant 0 : i32
    %scan3A_18 = arith.constant 0 : i32
    %scan3A_19 = arith.constant 100 : i32
    %scan3A_20 = arith.addi %scan3A_18, %scan3A_19 : i32
    %scan3A_21 = arith.constant 1 : i32
    %scan3A_22 = scf.for %scan3A_55 = %scan3A_18 to %scan3A_20 step %scan3A_21 iter_args(%scan3A_56 = %scan3A_17) -> (i32)  : i32 {
      %mul3A_57 = arith.constant 200 : i32
      %mul3A_58 = arith.muli %scan3A_55, %mul3A_57 : i32
      %add3A_59 = arith.addi %mul3A_16, %mul3A_58 : i32
      %multiple_of3A_60 = tpu.assume_multiple %add3A_59, 8 : i32
      "tpu.region"() ({
        %run_scoped3A = tpu.sem_alloc : memref<!tpu.dma_semaphore, #tpu.memory_space<semaphore_mem>>
        %dma_start3A_84 = tpu.memref_slice %arg4[%multiple_of3A_60] : memref<320000xi32, #tpu.memory_space<hbm>> -> memref<200xi32, #tpu.memory_space<hbm>>
        %dma_start3A_85 = tpu.memref_slice %arg4[%multiple_of3A_60] : memref<320000xi32, #tpu.memory_space<hbm>> -> memref<200xi32, #tpu.memory_space<hbm>>
        tpu.enqueue_dma source(%dma_start3A_85 : memref<200xi32, #tpu.memory_space<hbm>>) target(%arg8 : memref<200xi32, #tpu.memory_space<vmem>>) target_semaphore(%run_scoped3A : memref<!tpu.dma_semaphore, #tpu.memory_space<semaphore_mem>>)
        %dma_wait3A_86 = tpu.memref_slice %arg4[%multiple_of3A_60] : memref<320000xi32, #tpu.memory_space<hbm>> -> memref<200xi32, #tpu.memory_space<hbm>>
        %dma_wait3A_87 = tpu.memref_slice %arg4[%multiple_of3A_60] : memref<320000xi32, #tpu.memory_space<hbm>> -> memref<200xi32, #tpu.memory_space<hbm>>
        tpu.wait_dma2 semaphore(%run_scoped3A : memref<!tpu.dma_semaphore, #tpu.memory_space<semaphore_mem>>) src(%dma_wait3A_87 : memref<200xi32, #tpu.memory_space<hbm>>) dst(%arg8 : memref<200xi32, #tpu.memory_space<vmem>>)
        tpu.yield
      }) : () -> ()
      "tpu.region"() ({
        %run_scoped3A = tpu.sem_alloc : memref<!tpu.dma_semaphore, #tpu.memory_space<semaphore_mem>>
        %dma_start3A_84 = tpu.memref_slice %arg5[%multiple_of3A_60] : memref<320000xi32, #tpu.memory_space<hbm>> -> memref<200xi32, #tpu.memory_space<hbm>>
        %dma_start3A_85 = tpu.memref_slice %arg5[%multiple_of3A_60] : memref<320000xi32, #tpu.memory_space<hbm>> -> memref<200xi32, #tpu.memory_space<hbm>>
        tpu.enqueue_dma source(%dma_start3A_85 : memref<200xi32, #tpu.memory_space<hbm>>) target(%arg9 : memref<200xi32, #tpu.memory_space<vmem>>) target_semaphore(%run_scoped3A : memref<!tpu.dma_semaphore, #tpu.memory_space<semaphore_mem>>)
        %dma_wait3A_86 = tpu.memref_slice %arg5[%multiple_of3A_60] : memref<320000xi32, #tpu.memory_space<hbm>> -> memref<200xi32, #tpu.memory_space<hbm>>
        %dma_wait3A_87 = tpu.memref_slice %arg5[%multiple_of3A_60] : memref<320000xi32, #tpu.memory_space<hbm>> -> memref<200xi32, #tpu.memory_space<hbm>>
        tpu.wait_dma2 semaphore(%run_scoped3A : memref<!tpu.dma_semaphore, #tpu.memory_space<semaphore_mem>>) src(%dma_wait3A_87 : memref<200xi32, #tpu.memory_space<hbm>>) dst(%arg9 : memref<200xi32, #tpu.memory_space<vmem>>)
        tpu.yield
      }) : () -> ()
      %scan3A_61 = arith.constant 0 : i32
      %scan3A_62 = arith.constant 0 : i32
      %scan3A_63 = arith.constant 12 : i32
      %scan3A_64 = arith.addi %scan3A_62, %scan3A_63 : i32
      %scan3A_65 = arith.constant 1 : i32
      %scan3A_66 = scf.for %scan3A_84 = %scan3A_62 to %scan3A_64 step %scan3A_65 iter_args(%scan3A_85 = %scan3A_61) -> (i32)  : i32 {
        %mul3A_86 = arith.constant 16 : i32
        %mul3A_87 = arith.muli %scan3A_84, %mul3A_86 : i32
        %get3A_88 = arith.index_cast %mul3A_87 : i32 to index
        %get3A_89 = tpu.vector_load %arg8[%get3A_88] {strides = array<i32>} : memref<200xi32, #tpu.memory_space<vmem>>, vector<16xi32>,
        %get3A_90 = vector.shape_cast %get3A_89 : vector<16xi32> to vector<16xi32>
        %add3A_91 = vector.broadcast %mul3A_0 : i32 to vector<16xi32>
        %add3A_92 = arith.addi %get3A_90, %add3A_91 : vector<16xi32>
        %swap3A = arith.index_cast %mul3A_87 : i32 to index
        %swap3A_93 = tpu.vector_load %arg8[%swap3A] {strides = array<i32>} : memref<200xi32, #tpu.memory_space<vmem>>, vector<16xi32>,
        %swap3A_94 = vector.shape_cast %swap3A_93 : vector<16xi32> to vector<16xi32>
        %swap3A_95 = vector.shape_cast %add3A_92 : vector<16xi32> to vector<16xi32>
        tpu.vector_store %arg8[%swap3A], %swap3A_95 {strides = array<i32>} : memref<200xi32, #tpu.memory_space<vmem>>, vector<16xi32>,
        %scan3A_96 = arith.constant 0 : i32
        scf.yield %scan3A_96 : i32
      }
      %scan3A_67 = arith.constant 12 : i32
      %dma_start3A = arith.constant 0 : i32
      %dma_start3A_68 = arith.constant 0 : i32
      %dma_start3A_69 = tpu.memref_slice %arg2[%dma_start3A, %dma_start3A_68] : memref<20000x64xf32, #tpu.memory_space<hbm>> -> memref<20000x64xf32, #tpu.memory_space<hbm>>
      tpu.enqueue_indirect_dma source(%dma_start3A_69 : memref<20000x64xf32, #tpu.memory_space<hbm>>) target(%arg10 : memref<200x64xf32, #tpu.memory_space<vmem>>) offsets(%arg8 : memref<200xi32, #tpu.memory_space<vmem>>) semaphore(%arg15 : memref<!tpu.dma_semaphore, #tpu.memory_space<semaphore_mem>>)
      %dma_wait3A = arith.constant 0 : i32
      %dma_wait3A_70 = arith.constant 0 : i32
      %dma_wait3A_71 = tpu.memref_slice %arg2[%dma_wait3A, %dma_wait3A_70] : memref<20000x64xf32, #tpu.memory_space<hbm>> -> memref<20000x64xf32, #tpu.memory_space<hbm>>
      tpu.wait_indirect_dma semaphore(%arg15 : memref<!tpu.dma_semaphore, #tpu.memory_space<semaphore_mem>>) src(%dma_wait3A_71 : memref<20000x64xf32, #tpu.memory_space<hbm>>) dst(%arg10 : memref<200x64xf32, #tpu.memory_space<vmem>>)
      %mul3A_72 = arith.constant 320000 : i32
      %mul3A_73 = arith.muli %arg0, %mul3A_72 : i32
      %add3A_74 = arith.addi %mul3A_73, %multiple_of3A_60 : i32
      %multiple_of3A_75 = tpu.assume_multiple %add3A_74, 8 : i32
      "tpu.region"() ({
        %run_scoped3A = tpu.sem_alloc : memref<!tpu.dma_semaphore, #tpu.memory_space<semaphore_mem>>
        %dma_start3A_84 = arith.constant 0 : i32
        %dma_start3A_85 = tpu.memref_slice %arg3[%multiple_of3A_75, %dma_start3A_84] : memref<640000x64xf32, #tpu.memory_space<hbm>> -> memref<200x64xf32, #tpu.memory_space<hbm>>
        %dma_start3A_86 = arith.constant 0 : i32
        %dma_start3A_87 = tpu.memref_slice %arg3[%multiple_of3A_75, %dma_start3A_86] : memref<640000x64xf32, #tpu.memory_space<hbm>> -> memref<200x64xf32, #tpu.memory_space<hbm>>
        tpu.enqueue_dma source(%dma_start3A_87 : memref<200x64xf32, #tpu.memory_space<hbm>>) target(%arg11 : memref<200x64xf32, #tpu.memory_space<vmem>>) target_semaphore(%run_scoped3A : memref<!tpu.dma_semaphore, #tpu.memory_space<semaphore_mem>>)
        %dma_wait3A_88 = arith.constant 0 : i32
        %dma_wait3A_89 = tpu.memref_slice %arg3[%multiple_of3A_75, %dma_wait3A_88] : memref<640000x64xf32, #tpu.memory_space<hbm>> -> memref<200x64xf32, #tpu.memory_space<hbm>>
        %dma_wait3A_90 = arith.constant 0 : i32
        %dma_wait3A_91 = tpu.memref_slice %arg3[%multiple_of3A_75, %dma_wait3A_90] : memref<640000x64xf32, #tpu.memory_space<hbm>> -> memref<200x64xf32, #tpu.memory_space<hbm>>
        tpu.wait_dma2 semaphore(%run_scoped3A : memref<!tpu.dma_semaphore, #tpu.memory_space<semaphore_mem>>) src(%dma_wait3A_91 : memref<200x64xf32, #tpu.memory_space<hbm>>) dst(%arg11 : memref<200x64xf32, #tpu.memory_space<vmem>>)
        tpu.yield
      }) : () -> ()
      %scan3A_76 = arith.constant 0 : i32
      %scan3A_77 = arith.constant 0 : i32
      %scan3A_78 = arith.constant 200 : i32
      %scan3A_79 = arith.addi %scan3A_77, %scan3A_78 : i32
      %scan3A_80 = arith.constant 1 : i32
      %scan3A_81 = scf.for %scan3A_84 = %scan3A_77 to %scan3A_79 step %scan3A_80 iter_args(%scan3A_85 = %scan3A_76) -> (i32)  : i32 {
        %get3A_86 = arith.index_cast %scan3A_84 : i32 to index
        %get3A_87 = arith.constant 0 : index
        %get3A_88 = tpu.vector_load %arg10[%get3A_86, %get3A_87] {strides = array<i32>} : memref<200x64xf32, #tpu.memory_space<vmem>>, vector<1x16xf32>,
        %get3A_89 = vector.shape_cast %get3A_88 : vector<1x16xf32> to vector<16xf32>
        %get3A_90 = arith.index_cast %scan3A_84 : i32 to index
        %get3A_91 = arith.constant 0 : index
        %get3A_92 = tpu.vector_load %arg11[%get3A_90, %get3A_91] {strides = array<i32>} : memref<200x64xf32, #tpu.memory_space<vmem>>, vector<1x16xf32>,
        %get3A_93 = vector.shape_cast %get3A_92 : vector<1x16xf32> to vector<16xf32>
        %add3A_94 = arith.addf %get3A_89, %get3A_93 : vector<16xf32>
        %max3A = arith.constant 0.000000e+00 : f32
        %max3A_95 = vector.broadcast %max3A : f32 to vector<16xf32>
        %max3A_96 = arith.maximumf %add3A_94, %max3A_95 : vector<16xf32>
        %add3A_97 = arith.constant 1.000000e-07 : f32
        %add3A_98 = vector.broadcast %add3A_97 : f32 to vector<16xf32>
        %add3A_99 = arith.addf %max3A_96, %add3A_98 : vector<16xf32>
        %mul3A_100 = arith.mulf %get3A_14, %add3A_99 : vector<16xf32>
        %exp3A = math.exp %mul3A_100 : vector<16xf32>
        %swap3A = arith.index_cast %scan3A_84 : i32 to index
        %swap3A_101 = arith.constant 0 : index
        %swap3A_102 = tpu.vector_load %arg11[%swap3A, %swap3A_101] {strides = array<i32>} : memref<200x64xf32, #tpu.memory_space<vmem>>, vector<1x16xf32>,
        %swap3A_103 = vector.shape_cast %swap3A_102 : vector<1x16xf32> to vector<16xf32>
        %swap3A_104 = vector.shape_cast %exp3A : vector<16xf32> to vector<1x16xf32>
        tpu.vector_store %arg11[%swap3A, %swap3A_101], %swap3A_104 {strides = array<i32>} : memref<200x64xf32, #tpu.memory_space<vmem>>, vector<1x16xf32>,
        %mul3A_105 = arith.mulf %add3A_99, %exp3A : vector<16xf32>
        %swap3A_106 = arith.index_cast %scan3A_84 : i32 to index
        %swap3A_107 = arith.constant 0 : index
        %swap3A_108 = tpu.vector_load %arg10[%swap3A_106, %swap3A_107] {strides = array<i32>} : memref<200x64xf32, #tpu.memory_space<vmem>>, vector<1x16xf32>,
        %swap3A_109 = vector.shape_cast %swap3A_108 : vector<1x16xf32> to vector<16xf32>
        %swap3A_110 = vector.shape_cast %mul3A_105 : vector<16xf32> to vector<1x16xf32>
        tpu.vector_store %arg10[%swap3A_106, %swap3A_107], %swap3A_110 {strides = array<i32>} : memref<200x64xf32, #tpu.memory_space<vmem>>, vector<1x16xf32>,
        %get3A_111 = arith.index_cast %scan3A_84 : i32 to index
        %get3A_112 = arith.constant 16 : index
        %get3A_113 = tpu.vector_load %arg10[%get3A_111, %get3A_112] {strides = array<i32>} : memref<200x64xf32, #tpu.memory_space<vmem>>, vector<1x16xf32>,
        %get3A_114 = vector.shape_cast %get3A_113 : vector<1x16xf32> to vector<16xf32>
        %get3A_115 = arith.index_cast %scan3A_84 : i32 to index
        %get3A_116 = arith.constant 16 : index
        %get3A_117 = tpu.vector_load %arg11[%get3A_115, %get3A_116] {strides = array<i32>} : memref<200x64xf32, #tpu.memory_space<vmem>>, vector<1x16xf32>,
        %get3A_118 = vector.shape_cast %get3A_117 : vector<1x16xf32> to vector<16xf32>
        %add3A_119 = arith.addf %get3A_114, %get3A_118 : vector<16xf32>
        %max3A_120 = arith.constant 0.000000e+00 : f32
        %max3A_121 = vector.broadcast %max3A_120 : f32 to vector<16xf32>
        %max3A_122 = arith.maximumf %add3A_119, %max3A_121 : vector<16xf32>
        %add3A_123 = arith.constant 1.000000e-07 : f32
        %add3A_124 = vector.broadcast %add3A_123 : f32 to vector<16xf32>
        %add3A_125 = arith.addf %max3A_122, %add3A_124 : vector<16xf32>
        %mul3A_126 = arith.mulf %get3A_14, %add3A_125 : vector<16xf32>
        %exp3A_127 = math.exp %mul3A_126 : vector<16xf32>
        %swap3A_128 = arith.index_cast %scan3A_84 : i32 to index
        %swap3A_129 = arith.constant 16 : index
        %swap3A_130 = tpu.vector_load %arg11[%swap3A_128, %swap3A_129] {strides = array<i32>} : memref<200x64xf32, #tpu.memory_space<vmem>>, vector<1x16xf32>,
        %swap3A_131 = vector.shape_cast %swap3A_130 : vector<1x16xf32> to vector<16xf32>
        %swap3A_132 = vector.shape_cast %exp3A_127 : vector<16xf32> to vector<1x16xf32>
        tpu.vector_store %arg11[%swap3A_128, %swap3A_129], %swap3A_132 {strides = array<i32>} : memref<200x64xf32, #tpu.memory_space<vmem>>, vector<1x16xf32>,
        %mul3A_133 = arith.mulf %add3A_125, %exp3A_127 : vector<16xf32>
        %swap3A_134 = arith.index_cast %scan3A_84 : i32 to index
        %swap3A_135 = arith.constant 16 : index
        %swap3A_136 = tpu.vector_load %arg10[%swap3A_134, %swap3A_135] {strides = array<i32>} : memref<200x64xf32, #tpu.memory_space<vmem>>, vector<1x16xf32>,
        %swap3A_137 = vector.shape_cast %swap3A_136 : vector<1x16xf32> to vector<16xf32>
        %swap3A_138 = vector.shape_cast %mul3A_133 : vector<16xf32> to vector<1x16xf32>
        tpu.vector_store %arg10[%swap3A_134, %swap3A_135], %swap3A_138 {strides = array<i32>} : memref<200x64xf32, #tpu.memory_space<vmem>>, vector<1x16xf32>,
        %get3A_139 = arith.index_cast %scan3A_84 : i32 to index
        %get3A_140 = arith.constant 32 : index
        %get3A_141 = tpu.vector_load %arg10[%get3A_139, %get3A_140] {strides = array<i32>} : memref<200x64xf32, #tpu.memory_space<vmem>>, vector<1x16xf32>,
        %get3A_142 = vector.shape_cast %get3A_141 : vector<1x16xf32> to vector<16xf32>
        %get3A_143 = arith.index_cast %scan3A_84 : i32 to index
        %get3A_144 = arith.constant 32 : index
        %get3A_145 = tpu.vector_load %arg11[%get3A_143, %get3A_144] {strides = array<i32>} : memref<200x64xf32, #tpu.memory_space<vmem>>, vector<1x16xf32>,
        %get3A_146 = vector.shape_cast %get3A_145 : vector<1x16xf32> to vector<16xf32>
        %add3A_147 = arith.addf %get3A_142, %get3A_146 : vector<16xf32>
        %max3A_148 = arith.constant 0.000000e+00 : f32
        %max3A_149 = vector.broadcast %max3A_148 : f32 to vector<16xf32>
        %max3A_150 = arith.maximumf %add3A_147, %max3A_149 : vector<16xf32>
        %add3A_151 = arith.constant 1.000000e-07 : f32
        %add3A_152 = vector.broadcast %add3A_151 : f32 to vector<16xf32>
        %add3A_153 = arith.addf %max3A_150, %add3A_152 : vector<16xf32>
        %mul3A_154 = arith.mulf %get3A_14, %add3A_153 : vector<16xf32>
        %exp3A_155 = math.exp %mul3A_154 : vector<16xf32>
        %swap3A_156 = arith.index_cast %scan3A_84 : i32 to index
        %swap3A_157 = arith.constant 32 : index
        %swap3A_158 = tpu.vector_load %arg11[%swap3A_156, %swap3A_157] {strides = array<i32>} : memref<200x64xf32, #tpu.memory_space<vmem>>, vector<1x16xf32>,
        %swap3A_159 = vector.shape_cast %swap3A_158 : vector<1x16xf32> to vector<16xf32>
        %swap3A_160 = vector.shape_cast %exp3A_155 : vector<16xf32> to vector<1x16xf32>
        tpu.vector_store %arg11[%swap3A_156, %swap3A_157], %swap3A_160 {strides = array<i32>} : memref<200x64xf32, #tpu.memory_space<vmem>>, vector<1x16xf32>,
        %mul3A_161 = arith.mulf %add3A_153, %exp3A_155 : vector<16xf32>
        %swap3A_162 = arith.index_cast %scan3A_84 : i32 to index
        %swap3A_163 = arith.constant 32 : index
        %swap3A_164 = tpu.vector_load %arg10[%swap3A_162, %swap3A_163] {strides = array<i32>} : memref<200x64xf32, #tpu.memory_space<vmem>>, vector<1x16xf32>,
        %swap3A_165 = vector.shape_cast %swap3A_164 : vector<1x16xf32> to vector<16xf32>
        %swap3A_166 = vector.shape_cast %mul3A_161 : vector<16xf32> to vector<1x16xf32>
        tpu.vector_store %arg10[%swap3A_162, %swap3A_163], %swap3A_166 {strides = array<i32>} : memref<200x64xf32, #tpu.memory_space<vmem>>, vector<1x16xf32>,
        %get3A_167 = arith.index_cast %scan3A_84 : i32 to index
        %get3A_168 = arith.constant 48 : index
        %get3A_169 = tpu.vector_load %arg10[%get3A_167, %get3A_168] {strides = array<i32>} : memref<200x64xf32, #tpu.memory_space<vmem>>, vector<1x16xf32>,
        %get3A_170 = vector.shape_cast %get3A_169 : vector<1x16xf32> to vector<16xf32>
        %get3A_171 = arith.index_cast %scan3A_84 : i32 to index
        %get3A_172 = arith.constant 48 : index
        %get3A_173 = tpu.vector_load %arg11[%get3A_171, %get3A_172] {strides = array<i32>} : memref<200x64xf32, #tpu.memory_space<vmem>>, vector<1x16xf32>,
        %get3A_174 = vector.shape_cast %get3A_173 : vector<1x16xf32> to vector<16xf32>
        %add3A_175 = arith.addf %get3A_170, %get3A_174 : vector<16xf32>
        %max3A_176 = arith.constant 0.000000e+00 : f32
        %max3A_177 = vector.broadcast %max3A_176 : f32 to vector<16xf32>
        %max3A_178 = arith.maximumf %add3A_175, %max3A_177 : vector<16xf32>
        %add3A_179 = arith.constant 1.000000e-07 : f32
        %add3A_180 = vector.broadcast %add3A_179 : f32 to vector<16xf32>
        %add3A_181 = arith.addf %max3A_178, %add3A_180 : vector<16xf32>
        %mul3A_182 = arith.mulf %get3A_14, %add3A_181 : vector<16xf32>
        %exp3A_183 = math.exp %mul3A_182 : vector<16xf32>
        %swap3A_184 = arith.index_cast %scan3A_84 : i32 to index
        %swap3A_185 = arith.constant 48 : index
        %swap3A_186 = tpu.vector_load %arg11[%swap3A_184, %swap3A_185] {strides = array<i32>} : memref<200x64xf32, #tpu.memory_space<vmem>>, vector<1x16xf32>,
        %swap3A_187 = vector.shape_cast %swap3A_186 : vector<1x16xf32> to vector<16xf32>
        %swap3A_188 = vector.shape_cast %exp3A_183 : vector<16xf32> to vector<1x16xf32>
        tpu.vector_store %arg11[%swap3A_184, %swap3A_185], %swap3A_188 {strides = array<i32>} : memref<200x64xf32, #tpu.memory_space<vmem>>, vector<1x16xf32>,
        %mul3A_189 = arith.mulf %add3A_181, %exp3A_183 : vector<16xf32>
        %swap3A_190 = arith.index_cast %scan3A_84 : i32 to index
        %swap3A_191 = arith.constant 48 : index
        %swap3A_192 = tpu.vector_load %arg10[%swap3A_190, %swap3A_191] {strides = array<i32>} : memref<200x64xf32, #tpu.memory_space<vmem>>, vector<1x16xf32>,
        %swap3A_193 = vector.shape_cast %swap3A_192 : vector<1x16xf32> to vector<16xf32>
        %swap3A_194 = vector.shape_cast %mul3A_189 : vector<16xf32> to vector<1x16xf32>
        tpu.vector_store %arg10[%swap3A_190, %swap3A_191], %swap3A_194 {strides = array<i32>} : memref<200x64xf32, #tpu.memory_space<vmem>>, vector<1x16xf32>,
        %scan3A_195 = arith.constant 0 : i32
        scf.yield %scan3A_195 : i32
      }
      %scan3A_82 = arith.constant 200 : i32
      "tpu.region"() ({
        %run_scoped3A = tpu.sem_alloc : memref<!tpu.dma_semaphore, #tpu.memory_space<semaphore_mem>>
        %dma_start3A_84 = arith.constant 0 : i32
        %dma_start3A_85 = arith.constant 0 : i32
        %dma_start3A_86 = tpu.memref_slice %arg14[%dma_start3A_84, %dma_start3A_85] : memref<10000x64xf32, #tpu.memory_space<vmem_shared>> -> memref<10000x64xf32, #tpu.memory_space<vmem_shared>>
        tpu.enqueue_indirect_dma source(%arg11 : memref<200x64xf32, #tpu.memory_space<vmem>>) target(%dma_start3A_86 : memref<10000x64xf32, #tpu.memory_space<vmem_shared>>) offsets(%arg9 : memref<200xi32, #tpu.memory_space<vmem>>) semaphore(%run_scoped3A : memref<!tpu.dma_semaphore, #tpu.memory_space<semaphore_mem>>) {add = true}
        %dma_wait3A_87 = arith.constant 0 : i32
        %dma_wait3A_88 = arith.constant 0 : i32
        %dma_wait3A_89 = tpu.memref_slice %arg14[%dma_wait3A_87, %dma_wait3A_88] : memref<10000x64xf32, #tpu.memory_space<vmem_shared>> -> memref<10000x64xf32, #tpu.memory_space<vmem_shared>>
        tpu.wait_indirect_dma semaphore(%run_scoped3A : memref<!tpu.dma_semaphore, #tpu.memory_space<semaphore_mem>>) src(%arg11 : memref<200x64xf32, #tpu.memory_space<vmem>>) dst(%dma_wait3A_89 : memref<10000x64xf32, #tpu.memory_space<vmem_shared>>)
        tpu.yield
      }) : () -> ()
      "tpu.region"() ({
        %run_scoped3A = tpu.sem_alloc : memref<!tpu.dma_semaphore, #tpu.memory_space<semaphore_mem>>
        %dma_start3A_84 = arith.constant 0 : i32
        %dma_start3A_85 = arith.constant 0 : i32
        %dma_start3A_86 = tpu.memref_slice %arg13[%dma_start3A_84, %dma_start3A_85] : memref<10000x64xf32, #tpu.memory_space<vmem_shared>> -> memref<10000x64xf32, #tpu.memory_space<vmem_shared>>
        tpu.enqueue_indirect_dma source(%arg10 : memref<200x64xf32, #tpu.memory_space<vmem>>) target(%dma_start3A_86 : memref<10000x64xf32, #tpu.memory_space<vmem_shared>>) offsets(%arg9 : memref<200xi32, #tpu.memory_space<vmem>>) semaphore(%run_scoped3A : memref<!tpu.dma_semaphore, #tpu.memory_space<semaphore_mem>>) {add = true}
        %dma_wait3A_87 = arith.constant 0 : i32
        %dma_wait3A_88 = arith.constant 0 : i32
        %dma_wait3A_89 = tpu.memref_slice %arg13[%dma_wait3A_87, %dma_wait3A_88] : memref<10000x64xf32, #tpu.memory_space<vmem_shared>> -> memref<10000x64xf32, #tpu.memory_space<vmem_shared>>
        tpu.wait_indirect_dma semaphore(%run_scoped3A : memref<!tpu.dma_semaphore, #tpu.memory_space<semaphore_mem>>) src(%arg10 : memref<200x64xf32, #tpu.memory_space<vmem>>) dst(%dma_wait3A_89 : memref<10000x64xf32, #tpu.memory_space<vmem_shared>>)
        tpu.yield
      }) : () -> ()
      %scan3A_83 = arith.constant 0 : i32
      scf.yield %scan3A_83 : i32
    }
    %scan3A_23 = arith.constant 100 : i32
    %barrier3A_24 = arith.constant 0 : index
    tpu.barrier barrier_id(%barrier3A_24)
    %add3A_25 = arith.constant 0 : i32
    %add3A_26 = arith.addi %multiple_of3A, %add3A_25 : i32
    "tpu.region"() ({
      %run_scoped3A = tpu.sem_alloc : memref<!tpu.dma_semaphore, #tpu.memory_space<semaphore_mem>>
      %dma_start3A = arith.constant 0 : i32
      %dma_start3A_55 = arith.constant 0 : i32
      %dma_start3A_56 = tpu.memref_slice %arg10[%dma_start3A, %dma_start3A_55] : memref<200x64xf32, #tpu.memory_space<vmem>> -> memref<200x64xf32, #tpu.memory_space<vmem>>
      %dma_start3A_57 = arith.constant 0 : i32
      %dma_start3A_58 = tpu.memref_slice %arg13[%add3A_26, %dma_start3A_57] : memref<10000x64xf32, #tpu.memory_space<vmem_shared>> -> memref<200x64xf32, #tpu.memory_space<vmem_shared>>
      %dma_start3A_59 = arith.constant 0 : i32
      %dma_start3A_60 = arith.constant 0 : i32
      %dma_start3A_61 = tpu.memref_slice %arg10[%dma_start3A_59, %dma_start3A_60] : memref<200x64xf32, #tpu.memory_space<vmem>> -> memref<200x64xf32, #tpu.memory_space<vmem>>
      %dma_start3A_62 = arith.constant 0 : i32
      %dma_start3A_63 = tpu.memref_slice %arg13[%add3A_26, %dma_start3A_62] : memref<10000x64xf32, #tpu.memory_space<vmem_shared>> -> memref<200x64xf32, #tpu.memory_space<vmem_shared>>
      tpu.enqueue_dma source(%dma_start3A_63 : memref<200x64xf32, #tpu.memory_space<vmem_shared>>) target(%dma_start3A_61 : memref<200x64xf32, #tpu.memory_space<vmem>>) target_semaphore(%run_scoped3A : memref<!tpu.dma_semaphore, #tpu.memory_space<semaphore_mem>>)
      %dma_wait3A = arith.constant 0 : i32
      %dma_wait3A_64 = arith.constant 0 : i32
      %dma_wait3A_65 = tpu.memref_slice %arg10[%dma_wait3A, %dma_wait3A_64] : memref<200x64xf32, #tpu.memory_space<vmem>> -> memref<200x64xf32, #tpu.memory_space<vmem>>
      %dma_wait3A_66 = arith.constant 0 : i32
      %dma_wait3A_67 = tpu.memref_slice %arg13[%add3A_26, %dma_wait3A_66] : memref<10000x64xf32, #tpu.memory_space<vmem_shared>> -> memref<200x64xf32, #tpu.memory_space<vmem_shared>>
      %dma_wait3A_68 = arith.constant 0 : i32
      %dma_wait3A_69 = arith.constant 0 : i32
      %dma_wait3A_70 = tpu.memref_slice %arg10[%dma_wait3A_68, %dma_wait3A_69] : memref<200x64xf32, #tpu.memory_space<vmem>> -> memref<200x64xf32, #tpu.memory_space<vmem>>
      %dma_wait3A_71 = arith.constant 0 : i32
      %dma_wait3A_72 = tpu.memref_slice %arg13[%add3A_26, %dma_wait3A_71] : memref<10000x64xf32, #tpu.memory_space<vmem_shared>> -> memref<200x64xf32, #tpu.memory_space<vmem_shared>>
      tpu.wait_dma2 semaphore(%run_scoped3A : memref<!tpu.dma_semaphore, #tpu.memory_space<semaphore_mem>>) src(%dma_wait3A_72 : memref<200x64xf32, #tpu.memory_space<vmem_shared>>) dst(%dma_wait3A_70 : memref<200x64xf32, #tpu.memory_space<vmem>>)
      tpu.yield
    }) : () -> ()
    %add3A_27 = arith.constant 0 : i32
    %add3A_28 = arith.addi %multiple_of3A, %add3A_27 : i32
    "tpu.region"() ({
      %run_scoped3A = tpu.sem_alloc : memref<!tpu.dma_semaphore, #tpu.memory_space<semaphore_mem>>
      %dma_start3A = arith.constant 0 : i32
      %dma_start3A_55 = arith.constant 0 : i32
      %dma_start3A_56 = tpu.memref_slice %arg11[%dma_start3A, %dma_start3A_55] : memref<200x64xf32, #tpu.memory_space<vmem>> -> memref<200x64xf32, #tpu.memory_space<vmem>>
      %dma_start3A_57 = arith.constant 0 : i32
      %dma_start3A_58 = tpu.memref_slice %arg14[%add3A_28, %dma_start3A_57] : memref<10000x64xf32, #tpu.memory_space<vmem_shared>> -> memref<200x64xf32, #tpu.memory_space<vmem_shared>>
      %dma_start3A_59 = arith.constant 0 : i32
      %dma_start3A_60 = arith.constant 0 : i32
      %dma_start3A_61 = tpu.memref_slice %arg11[%dma_start3A_59, %dma_start3A_60] : memref<200x64xf32, #tpu.memory_space<vmem>> -> memref<200x64xf32, #tpu.memory_space<vmem>>
      %dma_start3A_62 = arith.constant 0 : i32
      %dma_start3A_63 = tpu.memref_slice %arg14[%add3A_28, %dma_start3A_62] : memref<10000x64xf32, #tpu.memory_space<vmem_shared>> -> memref<200x64xf32, #tpu.memory_space<vmem_shared>>
      tpu.enqueue_dma source(%dma_start3A_63 : memref<200x64xf32, #tpu.memory_space<vmem_shared>>) target(%dma_start3A_61 : memref<200x64xf32, #tpu.memory_space<vmem>>) target_semaphore(%run_scoped3A : memref<!tpu.dma_semaphore, #tpu.memory_space<semaphore_mem>>)
      %dma_wait3A = arith.constant 0 : i32
      %dma_wait3A_64 = arith.constant 0 : i32
      %dma_wait3A_65 = tpu.memref_slice %arg11[%dma_wait3A, %dma_wait3A_64] : memref<200x64xf32, #tpu.memory_space<vmem>> -> memref<200x64xf32, #tpu.memory_space<vmem>>
      %dma_wait3A_66 = arith.constant 0 : i32
      %dma_wait3A_67 = tpu.memref_slice %arg14[%add3A_28, %dma_wait3A_66] : memref<10000x64xf32, #tpu.memory_space<vmem_shared>> -> memref<200x64xf32, #tpu.memory_space<vmem_shared>>
      %dma_wait3A_68 = arith.constant 0 : i32
      %dma_wait3A_69 = arith.constant 0 : i32
      %dma_wait3A_70 = tpu.memref_slice %arg11[%dma_wait3A_68, %dma_wait3A_69] : memref<200x64xf32, #tpu.memory_space<vmem>> -> memref<200x64xf32, #tpu.memory_space<vmem>>
      %dma_wait3A_71 = arith.constant 0 : i32
      %dma_wait3A_72 = tpu.memref_slice %arg14[%add3A_28, %dma_wait3A_71] : memref<10000x64xf32, #tpu.memory_space<vmem_shared>> -> memref<200x64xf32, #tpu.memory_space<vmem_shared>>
      tpu.wait_dma2 semaphore(%run_scoped3A : memref<!tpu.dma_semaphore, #tpu.memory_space<semaphore_mem>>) src(%dma_wait3A_72 : memref<200x64xf32, #tpu.memory_space<vmem_shared>>) dst(%dma_wait3A_70 : memref<200x64xf32, #tpu.memory_space<vmem>>)
      tpu.yield
    }) : () -> ()
    %scan3A_29 = arith.constant 0 : i32
    %scan3A_30 = arith.constant 0 : i32
    %scan3A_31 = arith.constant 200 : i32
    %scan3A_32 = arith.addi %scan3A_30, %scan3A_31 : i32
    %scan3A_33 = arith.constant 1 : i32
    %scan3A_34 = scf.for %scan3A_55 = %scan3A_30 to %scan3A_32 step %scan3A_33 iter_args(%scan3A_56 = %scan3A_29) -> (i32)  : i32 {
      %get3A_57 = arith.index_cast %scan3A_55 : i32 to index
      %get3A_58 = arith.constant 0 : index
      %get3A_59 = tpu.vector_load %arg10[%get3A_57, %get3A_58] {strides = array<i32>} : memref<200x64xf32, #tpu.memory_space<vmem>>, vector<1x16xf32>,
      %get3A_60 = vector.shape_cast %get3A_59 : vector<1x16xf32> to vector<16xf32>
      %get3A_61 = arith.index_cast %scan3A_55 : i32 to index
      %get3A_62 = arith.constant 0 : index
      %get3A_63 = tpu.vector_load %arg11[%get3A_61, %get3A_62] {strides = array<i32>} : memref<200x64xf32, #tpu.memory_space<vmem>>, vector<1x16xf32>,
      %get3A_64 = vector.shape_cast %get3A_63 : vector<1x16xf32> to vector<16xf32>
      %add3A_65 = arith.constant 1.000000e-16 : f32
      %add3A_66 = vector.broadcast %add3A_65 : f32 to vector<16xf32>
      %add3A_67 = arith.addf %get3A_64, %add3A_66 : vector<16xf32>
      %div3A = arith.divf %get3A_60, %add3A_67 : vector<16xf32>
      %swap3A = arith.index_cast %scan3A_55 : i32 to index
      %swap3A_68 = arith.constant 0 : index
      %swap3A_69 = tpu.vector_load %arg10[%swap3A, %swap3A_68] {strides = array<i32>} : memref<200x64xf32, #tpu.memory_space<vmem>>, vector<1x16xf32>,
      %swap3A_70 = vector.shape_cast %swap3A_69 : vector<1x16xf32> to vector<16xf32>
      %swap3A_71 = vector.shape_cast %div3A : vector<16xf32> to vector<1x16xf32>
      tpu.vector_store %arg10[%swap3A, %swap3A_68], %swap3A_71 {strides = array<i32>} : memref<200x64xf32, #tpu.memory_space<vmem>>, vector<1x16xf32>,
      %get3A_72 = arith.index_cast %scan3A_55 : i32 to index
      %get3A_73 = arith.constant 16 : index
      %get3A_74 = tpu.vector_load %arg10[%get3A_72, %get3A_73] {strides = array<i32>} : memref<200x64xf32, #tpu.memory_space<vmem>>, vector<1x16xf32>,
      %get3A_75 = vector.shape_cast %get3A_74 : vector<1x16xf32> to vector<16xf32>
      %get3A_76 = arith.index_cast %scan3A_55 : i32 to index
      %get3A_77 = arith.constant 16 : index
      %get3A_78 = tpu.vector_load %arg11[%get3A_76, %get3A_77] {strides = array<i32>} : memref<200x64xf32, #tpu.memory_space<vmem>>, vector<1x16xf32>,
      %get3A_79 = vector.shape_cast %get3A_78 : vector<1x16xf32> to vector<16xf32>
      %add3A_80 = arith.constant 1.000000e-16 : f32
      %add3A_81 = vector.broadcast %add3A_80 : f32 to vector<16xf32>
      %add3A_82 = arith.addf %get3A_79, %add3A_81 : vector<16xf32>
      %div3A_83 = arith.divf %get3A_75, %add3A_82 : vector<16xf32>
      %swap3A_84 = arith.index_cast %scan3A_55 : i32 to index
      %swap3A_85 = arith.constant 16 : index
      %swap3A_86 = tpu.vector_load %arg10[%swap3A_84, %swap3A_85] {strides = array<i32>} : memref<200x64xf32, #tpu.memory_space<vmem>>, vector<1x16xf32>,
      %swap3A_87 = vector.shape_cast %swap3A_86 : vector<1x16xf32> to vector<16xf32>
      %swap3A_88 = vector.shape_cast %div3A_83 : vector<16xf32> to vector<1x16xf32>
      tpu.vector_store %arg10[%swap3A_84, %swap3A_85], %swap3A_88 {strides = array<i32>} : memref<200x64xf32, #tpu.memory_space<vmem>>, vector<1x16xf32>,
      %get3A_89 = arith.index_cast %scan3A_55 : i32 to index
      %get3A_90 = arith.constant 32 : index
      %get3A_91 = tpu.vector_load %arg10[%get3A_89, %get3A_90] {strides = array<i32>} : memref<200x64xf32, #tpu.memory_space<vmem>>, vector<1x16xf32>,
      %get3A_92 = vector.shape_cast %get3A_91 : vector<1x16xf32> to vector<16xf32>
      %get3A_93 = arith.index_cast %scan3A_55 : i32 to index
      %get3A_94 = arith.constant 32 : index
      %get3A_95 = tpu.vector_load %arg11[%get3A_93, %get3A_94] {strides = array<i32>} : memref<200x64xf32, #tpu.memory_space<vmem>>, vector<1x16xf32>,
      %get3A_96 = vector.shape_cast %get3A_95 : vector<1x16xf32> to vector<16xf32>
      %add3A_97 = arith.constant 1.000000e-16 : f32
      %add3A_98 = vector.broadcast %add3A_97 : f32 to vector<16xf32>
      %add3A_99 = arith.addf %get3A_96, %add3A_98 : vector<16xf32>
      %div3A_100 = arith.divf %get3A_92, %add3A_99 : vector<16xf32>
      %swap3A_101 = arith.index_cast %scan3A_55 : i32 to index
      %swap3A_102 = arith.constant 32 : index
      %swap3A_103 = tpu.vector_load %arg10[%swap3A_101, %swap3A_102] {strides = array<i32>} : memref<200x64xf32, #tpu.memory_space<vmem>>, vector<1x16xf32>,
      %swap3A_104 = vector.shape_cast %swap3A_103 : vector<1x16xf32> to vector<16xf32>
      %swap3A_105 = vector.shape_cast %div3A_100 : vector<16xf32> to vector<1x16xf32>
      tpu.vector_store %arg10[%swap3A_101, %swap3A_102], %swap3A_105 {strides = array<i32>} : memref<200x64xf32, #tpu.memory_space<vmem>>, vector<1x16xf32>,
      %get3A_106 = arith.index_cast %scan3A_55 : i32 to index
      %get3A_107 = arith.constant 48 : index
      %get3A_108 = tpu.vector_load %arg10[%get3A_106, %get3A_107] {strides = array<i32>} : memref<200x64xf32, #tpu.memory_space<vmem>>, vector<1x16xf32>,
      %get3A_109 = vector.shape_cast %get3A_108 : vector<1x16xf32> to vector<16xf32>
      %get3A_110 = arith.index_cast %scan3A_55 : i32 to index
      %get3A_111 = arith.constant 48 : index
      %get3A_112 = tpu.vector_load %arg11[%get3A_110, %get3A_111] {strides = array<i32>} : memref<200x64xf32, #tpu.memory_space<vmem>>, vector<1x16xf32>,
      %get3A_113 = vector.shape_cast %get3A_112 : vector<1x16xf32> to vector<16xf32>
      %add3A_114 = arith.constant 1.000000e-16 : f32
      %add3A_115 = vector.broadcast %add3A_114 : f32 to vector<16xf32>
      %add3A_116 = arith.addf %get3A_113, %add3A_115 : vector<16xf32>
      %div3A_117 = arith.divf %get3A_109, %add3A_116 : vector<16xf32>
      %swap3A_118 = arith.index_cast %scan3A_55 : i32 to index
      %swap3A_119 = arith.constant 48 : index
      %swap3A_120 = tpu.vector_load %arg10[%swap3A_118, %swap3A_119] {strides = array<i32>} : memref<200x64xf32, #tpu.memory_space<vmem>>, vector<1x16xf32>,
      %swap3A_121 = vector.shape_cast %swap3A_120 : vector<1x16xf32> to vector<16xf32>
      %swap3A_122 = vector.shape_cast %div3A_117 : vector<16xf32> to vector<1x16xf32>
      tpu.vector_store %arg10[%swap3A_118, %swap3A_119], %swap3A_122 {strides = array<i32>} : memref<200x64xf32, #tpu.memory_space<vmem>>, vector<1x16xf32>,
      %scan3A_123 = arith.constant 0 : i32
      scf.yield %scan3A_123 : i32
    }
    %scan3A_35 = arith.constant 200 : i32
    %add3A_36 = arith.addi %mul3A_0, %multiple_of3A : i32
    %add3A_37 = arith.constant 0 : i32
    %add3A_38 = arith.addi %add3A_36, %add3A_37 : i32
    %multiple_of3A_39 = tpu.assume_multiple %add3A_38, 8 : i32
    "tpu.region"() ({
      %run_scoped3A = tpu.sem_alloc : memref<!tpu.dma_semaphore, #tpu.memory_space<semaphore_mem>>
      %dma_start3A = arith.constant 0 : i32
      %dma_start3A_55 = arith.constant 0 : i32
      %dma_start3A_56 = tpu.memref_slice %arg10[%dma_start3A, %dma_start3A_55] : memref<200x64xf32, #tpu.memory_space<vmem>> -> memref<200x64xf32, #tpu.memory_space<vmem>>
      %dma_start3A_57 = arith.constant 0 : i32
      %dma_start3A_58 = tpu.memref_slice %arg7[%multiple_of3A_39, %dma_start3A_57] : memref<20000x64xf32, #tpu.memory_space<hbm>> -> memref<200x64xf32, #tpu.memory_space<hbm>>
      %dma_start3A_59 = arith.constant 0 : i32
      %dma_start3A_60 = tpu.memref_slice %arg7[%multiple_of3A_39, %dma_start3A_59] : memref<20000x64xf32, #tpu.memory_space<hbm>> -> memref<200x64xf32, #tpu.memory_space<hbm>>
      %dma_start3A_61 = arith.constant 0 : i32
      %dma_start3A_62 = arith.constant 0 : i32
      %dma_start3A_63 = tpu.memref_slice %arg10[%dma_start3A_61, %dma_start3A_62] : memref<200x64xf32, #tpu.memory_space<vmem>> -> memref<200x64xf32, #tpu.memory_space<vmem>>
      tpu.enqueue_dma source(%dma_start3A_63 : memref<200x64xf32, #tpu.memory_space<vmem>>) target(%dma_start3A_60 : memref<200x64xf32, #tpu.memory_space<hbm>>) target_semaphore(%run_scoped3A : memref<!tpu.dma_semaphore, #tpu.memory_space<semaphore_mem>>)
      %dma_wait3A = arith.constant 0 : i32
      %dma_wait3A_64 = arith.constant 0 : i32
      %dma_wait3A_65 = tpu.memref_slice %arg10[%dma_wait3A, %dma_wait3A_64] : memref<200x64xf32, #tpu.memory_space<vmem>> -> memref<200x64xf32, #tpu.memory_space<vmem>>
      %dma_wait3A_66 = arith.constant 0 : i32
      %dma_wait3A_67 = tpu.memref_slice %arg7[%multiple_of3A_39, %dma_wait3A_66] : memref<20000x64xf32, #tpu.memory_space<hbm>> -> memref<200x64xf32, #tpu.memory_space<hbm>>
      %dma_wait3A_68 = arith.constant 0 : i32
      %dma_wait3A_69 = tpu.memref_slice %arg7[%multiple_of3A_39, %dma_wait3A_68] : memref<20000x64xf32, #tpu.memory_space<hbm>> -> memref<200x64xf32, #tpu.memory_space<hbm>>
      %dma_wait3A_70 = arith.constant 0 : i32
      %dma_wait3A_71 = arith.constant 0 : i32
      %dma_wait3A_72 = tpu.memref_slice %arg10[%dma_wait3A_70, %dma_wait3A_71] : memref<200x64xf32, #tpu.memory_space<vmem>> -> memref<200x64xf32, #tpu.memory_space<vmem>>
      tpu.wait_dma2 semaphore(%run_scoped3A : memref<!tpu.dma_semaphore, #tpu.memory_space<semaphore_mem>>) src(%dma_wait3A_72 : memref<200x64xf32, #tpu.memory_space<vmem>>) dst(%dma_wait3A_69 : memref<200x64xf32, #tpu.memory_space<hbm>>)
      tpu.yield
    }) : () -> ()
    %add3A_40 = arith.constant 200 : i32
    %add3A_41 = arith.addi %multiple_of3A, %add3A_40 : i32
    "tpu.region"() ({
      %run_scoped3A = tpu.sem_alloc : memref<!tpu.dma_semaphore, #tpu.memory_space<semaphore_mem>>
      %dma_start3A = arith.constant 0 : i32
      %dma_start3A_55 = arith.constant 0 : i32
      %dma_start3A_56 = tpu.memref_slice %arg10[%dma_start3A, %dma_start3A_55] : memref<200x64xf32, #tpu.memory_space<vmem>> -> memref<440x64xf32, #tpu.memory_space<vmem>>
      %dma_start3A_57 = arith.constant 0 : i32
      %dma_start3A_58 = tpu.memref_slice %arg13[%add3A_41, %dma_start3A_57] : memref<10000x64xf32, #tpu.memory_space<vmem_shared>> -> memref<440x64xf32, #tpu.memory_space<vmem_shared>>
      %dma_start3A_59 = arith.constant 0 : i32
      %dma_start3A_60 = arith.constant 0 : i32
      %dma_start3A_61 = tpu.memref_slice %arg10[%dma_start3A_59, %dma_start3A_60] : memref<200x64xf32, #tpu.memory_space<vmem>> -> memref<440x64xf32, #tpu.memory_space<vmem>>
      %dma_start3A_62 = arith.constant 0 : i32
      %dma_start3A_63 = tpu.memref_slice %arg13[%add3A_41, %dma_start3A_62] : memref<10000x64xf32, #tpu.memory_space<vmem_shared>> -> memref<440x64xf32, #tpu.memory_space<vmem_shared>>
      tpu.enqueue_dma source(%dma_start3A_63 : memref<440x64xf32, #tpu.memory_space<vmem_shared>>) target(%dma_start3A_61 : memref<440x64xf32, #tpu.memory_space<vmem>>) target_semaphore(%run_scoped3A : memref<!tpu.dma_semaphore, #tpu.memory_space<semaphore_mem>>)
      %dma_wait3A = arith.constant 0 : i32
      %dma_wait3A_64 = arith.constant 0 : i32
      %dma_wait3A_65 = tpu.memref_slice %arg10[%dma_wait3A, %dma_wait3A_64] : memref<200x64xf32, #tpu.memory_space<vmem>> -> memref<440x64xf32, #tpu.memory_space<vmem>>
      %dma_wait3A_66 = arith.constant 0 : i32
      %dma_wait3A_67 = tpu.memref_slice %arg13[%add3A_41, %dma_wait3A_66] : memref<10000x64xf32, #tpu.memory_space<vmem_shared>> -> memref<440x64xf32, #tpu.memory_space<vmem_shared>>
      %dma_wait3A_68 = arith.constant 0 : i32
      %dma_wait3A_69 = arith.constant 0 : i32
      %dma_wait3A_70 = tpu.memref_slice %arg10[%dma_wait3A_68, %dma_wait3A_69] : memref<200x64xf32, #tpu.memory_space<vmem>> -> memref<440x64xf32, #tpu.memory_space<vmem>>
      %dma_wait3A_71 = arith.constant 0 : i32
      %dma_wait3A_72 = tpu.memref_slice %arg13[%add3A_41, %dma_wait3A_71] : memref<10000x64xf32, #tpu.memory_space<vmem_shared>> -> memref<440x64xf32, #tpu.memory_space<vmem_shared>>
      tpu.wait_dma2 semaphore(%run_scoped3A : memref<!tpu.dma_semaphore, #tpu.memory_space<semaphore_mem>>) src(%dma_wait3A_72 : memref<440x64xf32, #tpu.memory_space<vmem_shared>>) dst(%dma_wait3A_70 : memref<440x64xf32, #tpu.memory_space<vmem>>)
      tpu.yield
    }) : () -> ()
    %add3A_42 = arith.constant 200 : i32
    %add3A_43 = arith.addi %multiple_of3A, %add3A_42 : i32
    "tpu.region"() ({
      %run_scoped3A = tpu.sem_alloc : memref<!tpu.dma_semaphore, #tpu.memory_space<semaphore_mem>>
      %dma_start3A = arith.constant 0 : i32
      %dma_start3A_55 = arith.constant 0 : i32
      %dma_start3A_56 = tpu.memref_slice %arg11[%dma_start3A, %dma_start3A_55] : memref<200x64xf32, #tpu.memory_space<vmem>> -> memref<440x64xf32, #tpu.memory_space<vmem>>
      %dma_start3A_57 = arith.constant 0 : i32
      %dma_start3A_58 = tpu.memref_slice %arg14[%add3A_43, %dma_start3A_57] : memref<10000x64xf32, #tpu.memory_space<vmem_shared>> -> memref<440x64xf32, #tpu.memory_space<vmem_shared>>
      %dma_start3A_59 = arith.constant 0 : i32
      %dma_start3A_60 = arith.constant 0 : i32
      %dma_start3A_61 = tpu.memref_slice %arg11[%dma_start3A_59, %dma_start3A_60] : memref<200x64xf32, #tpu.memory_space<vmem>> -> memref<440x64xf32, #tpu.memory_space<vmem>>
      %dma_start3A_62 = arith.constant 0 : i32
      %dma_start3A_63 = tpu.memref_slice %arg14[%add3A_43, %dma_start3A_62] : memref<10000x64xf32, #tpu.memory_space<vmem_shared>> -> memref<440x64xf32, #tpu.memory_space<vmem_shared>>
      tpu.enqueue_dma source(%dma_start3A_63 : memref<440x64xf32, #tpu.memory_space<vmem_shared>>) target(%dma_start3A_61 : memref<440x64xf32, #tpu.memory_space<vmem>>) target_semaphore(%run_scoped3A : memref<!tpu.dma_semaphore, #tpu.memory_space<semaphore_mem>>)
      %dma_wait3A = arith.constant 0 : i32
      %dma_wait3A_64 = arith.constant 0 : i32
      %dma_wait3A_65 = tpu.memref_slice %arg11[%dma_wait3A, %dma_wait3A_64] : memref<200x64xf32, #tpu.memory_space<vmem>> -> memref<440x64xf32, #tpu.memory_space<vmem>>
      %dma_wait3A_66 = arith.constant 0 : i32
      %dma_wait3A_67 = tpu.memref_slice %arg14[%add3A_43, %dma_wait3A_66] : memref<10000x64xf32, #tpu.memory_space<vmem_shared>> -> memref<440x64xf32, #tpu.memory_space<vmem_shared>>
      %dma_wait3A_68 = arith.constant 0 : i32
      %dma_wait3A_69 = arith.constant 0 : i32
      %dma_wait3A_70 = tpu.memref_slice %arg11[%dma_wait3A_68, %dma_wait3A_69] : memref<200x64xf32, #tpu.memory_space<vmem>> -> memref<440x64xf32, #tpu.memory_space<vmem>>
      %dma_wait3A_71 = arith.constant 0 : i32
      %dma_wait3A_72 = tpu.memref_slice %arg14[%add3A_43, %dma_wait3A_71] : memref<10000x64xf32, #tpu.memory_space<vmem_shared>> -> memref<440x64xf32, #tpu.memory_space<vmem_shared>>
      tpu.wait_dma2 semaphore(%run_scoped3A : memref<!tpu.dma_semaphore, #tpu.memory_space<semaphore_mem>>) src(%dma_wait3A_72 : memref<440x64xf32, #tpu.memory_space<vmem_shared>>) dst(%dma_wait3A_70 : memref<440x64xf32, #tpu.memory_space<vmem>>)
      tpu.yield
    }) : () -> ()
    %scan3A_44 = arith.constant 0 : i32
    %scan3A_45 = arith.constant 0 : i32
    %scan3A_46 = arith.constant 440 : i32
    %scan3A_47 = arith.addi %scan3A_45, %scan3A_46 : i32
    %scan3A_48 = arith.constant 1 : i32
    %scan3A_49 = scf.for %scan3A_55 = %scan3A_45 to %scan3A_47 step %scan3A_48 iter_args(%scan3A_56 = %scan3A_44) -> (i32)  : i32 {
      %get3A_57 = arith.index_cast %scan3A_55 : i32 to index
      %get3A_58 = arith.constant 0 : index
      %get3A_59 = tpu.vector_load %arg10[%get3A_57, %get3A_58] {strides = array<i32>} : memref<200x64xf32, #tpu.memory_space<vmem>>, vector<1x16xf32>,
      %get3A_60 = vector.shape_cast %get3A_59 : vector<1x16xf32> to vector<16xf32>
      %get3A_61 = arith.index_cast %scan3A_55 : i32 to index
      %get3A_62 = arith.constant 0 : index
      %get3A_63 = tpu.vector_load %arg11[%get3A_61, %get3A_62] {strides = array<i32>} : memref<200x64xf32, #tpu.memory_space<vmem>>, vector<1x16xf32>,
      %get3A_64 = vector.shape_cast %get3A_63 : vector<1x16xf32> to vector<16xf32>
      %add3A_65 = arith.constant 1.000000e-16 : f32
      %add3A_66 = vector.broadcast %add3A_65 : f32 to vector<16xf32>
      %add3A_67 = arith.addf %get3A_64, %add3A_66 : vector<16xf32>
      %div3A = arith.divf %get3A_60, %add3A_67 : vector<16xf32>
      %swap3A = arith.index_cast %scan3A_55 : i32 to index
      %swap3A_68 = arith.constant 0 : index
      %swap3A_69 = tpu.vector_load %arg10[%swap3A, %swap3A_68] {strides = array<i32>} : memref<200x64xf32, #tpu.memory_space<vmem>>, vector<1x16xf32>,
      %swap3A_70 = vector.shape_cast %swap3A_69 : vector<1x16xf32> to vector<16xf32>
      %swap3A_71 = vector.shape_cast %div3A : vector<16xf32> to vector<1x16xf32>
      tpu.vector_store %arg10[%swap3A, %swap3A_68], %swap3A_71 {strides = array<i32>} : memref<200x64xf32, #tpu.memory_space<vmem>>, vector<1x16xf32>,
      %get3A_72 = arith.index_cast %scan3A_55 : i32 to index
      %get3A_73 = arith.constant 16 : index
      %get3A_74 = tpu.vector_load %arg10[%get3A_72, %get3A_73] {strides = array<i32>} : memref<200x64xf32, #tpu.memory_space<vmem>>, vector<1x16xf32>,
      %get3A_75 = vector.shape_cast %get3A_74 : vector<1x16xf32> to vector<16xf32>
      %get3A_76 = arith.index_cast %scan3A_55 : i32 to index
      %get3A_77 = arith.constant 16 : index
      %get3A_78 = tpu.vector_load %arg11[%get3A_76, %get3A_77] {strides = array<i32>} : memref<200x64xf32, #tpu.memory_space<vmem>>, vector<1x16xf32>,
      %get3A_79 = vector.shape_cast %get3A_78 : vector<1x16xf32> to vector<16xf32>
      %add3A_80 = arith.constant 1.000000e-16 : f32
      %add3A_81 = vector.broadcast %add3A_80 : f32 to vector<16xf32>
      %add3A_82 = arith.addf %get3A_79, %add3A_81 : vector<16xf32>
      %div3A_83 = arith.divf %get3A_75, %add3A_82 : vector<16xf32>
      %swap3A_84 = arith.index_cast %scan3A_55 : i32 to index
      %swap3A_85 = arith.constant 16 : index
      %swap3A_86 = tpu.vector_load %arg10[%swap3A_84, %swap3A_85] {strides = array<i32>} : memref<200x64xf32, #tpu.memory_space<vmem>>, vector<1x16xf32>,
      %swap3A_87 = vector.shape_cast %swap3A_86 : vector<1x16xf32> to vector<16xf32>
      %swap3A_88 = vector.shape_cast %div3A_83 : vector<16xf32> to vector<1x16xf32>
      tpu.vector_store %arg10[%swap3A_84, %swap3A_85], %swap3A_88 {strides = array<i32>} : memref<200x64xf32, #tpu.memory_space<vmem>>, vector<1x16xf32>,
      %get3A_89 = arith.index_cast %scan3A_55 : i32 to index
      %get3A_90 = arith.constant 32 : index
      %get3A_91 = tpu.vector_load %arg10[%get3A_89, %get3A_90] {strides = array<i32>} : memref<200x64xf32, #tpu.memory_space<vmem>>, vector<1x16xf32>,
      %get3A_92 = vector.shape_cast %get3A_91 : vector<1x16xf32> to vector<16xf32>
      %get3A_93 = arith.index_cast %scan3A_55 : i32 to index
      %get3A_94 = arith.constant 32 : index
      %get3A_95 = tpu.vector_load %arg11[%get3A_93, %get3A_94] {strides = array<i32>} : memref<200x64xf32, #tpu.memory_space<vmem>>, vector<1x16xf32>,
      %get3A_96 = vector.shape_cast %get3A_95 : vector<1x16xf32> to vector<16xf32>
      %add3A_97 = arith.constant 1.000000e-16 : f32
      %add3A_98 = vector.broadcast %add3A_97 : f32 to vector<16xf32>
      %add3A_99 = arith.addf %get3A_96, %add3A_98 : vector<16xf32>
      %div3A_100 = arith.divf %get3A_92, %add3A_99 : vector<16xf32>
      %swap3A_101 = arith.index_cast %scan3A_55 : i32 to index
      %swap3A_102 = arith.constant 32 : index
      %swap3A_103 = tpu.vector_load %arg10[%swap3A_101, %swap3A_102] {strides = array<i32>} : memref<200x64xf32, #tpu.memory_space<vmem>>, vector<1x16xf32>,
      %swap3A_104 = vector.shape_cast %swap3A_103 : vector<1x16xf32> to vector<16xf32>
      %swap3A_105 = vector.shape_cast %div3A_100 : vector<16xf32> to vector<1x16xf32>
      tpu.vector_store %arg10[%swap3A_101, %swap3A_102], %swap3A_105 {strides = array<i32>} : memref<200x64xf32, #tpu.memory_space<vmem>>, vector<1x16xf32>,
      %get3A_106 = arith.index_cast %scan3A_55 : i32 to index
      %get3A_107 = arith.constant 48 : index
      %get3A_108 = tpu.vector_load %arg10[%get3A_106, %get3A_107] {strides = array<i32>} : memref<200x64xf32, #tpu.memory_space<vmem>>, vector<1x16xf32>,
      %get3A_109 = vector.shape_cast %get3A_108 : vector<1x16xf32> to vector<16xf32>
      %get3A_110 = arith.index_cast %scan3A_55 : i32 to index
      %get3A_111 = arith.constant 48 : index
      %get3A_112 = tpu.vector_load %arg11[%get3A_110, %get3A_111] {strides = array<i32>} : memref<200x64xf32, #tpu.memory_space<vmem>>, vector<1x16xf32>,
      %get3A_113 = vector.shape_cast %get3A_112 : vector<1x16xf32> to vector<16xf32>
      %add3A_114 = arith.constant 1.000000e-16 : f32
      %add3A_115 = vector.broadcast %add3A_114 : f32 to vector<16xf32>
      %add3A_116 = arith.addf %get3A_113, %add3A_115 : vector<16xf32>
      %div3A_117 = arith.divf %get3A_109, %add3A_116 : vector<16xf32>
      %swap3A_118 = arith.index_cast %scan3A_55 : i32 to index
      %swap3A_119 = arith.constant 48 : index
      %swap3A_120 = tpu.vector_load %arg10[%swap3A_118, %swap3A_119] {strides = array<i32>} : memref<200x64xf32, #tpu.memory_space<vmem>>, vector<1x16xf32>,
      %swap3A_121 = vector.shape_cast %swap3A_120 : vector<1x16xf32> to vector<16xf32>
      %swap3A_122 = vector.shape_cast %div3A_117 : vector<16xf32> to vector<1x16xf32>
      tpu.vector_store %arg10[%swap3A_118, %swap3A_119], %swap3A_122 {strides = array<i32>} : memref<200x64xf32, #tpu.memory_space<vmem>>, vector<1x16xf32>,
      %scan3A_123 = arith.constant 0 : i32
      scf.yield %scan3A_123 : i32
    }
    %scan3A_50 = arith.constant 440 : i32
    %add3A_51 = arith.addi %mul3A_0, %multiple_of3A : i32
    %add3A_52 = arith.constant 200 : i32
    %add3A_53 = arith.addi %add3A_51, %add3A_52 : i32
    %multiple_of3A_54 = tpu.assume_multiple %add3A_53, 8 : i32
    "tpu.region"() ({
      %run_scoped3A = tpu.sem_alloc : memref<!tpu.dma_semaphore, #tpu.memory_space<semaphore_mem>>
      %dma_start3A = arith.constant 0 : i32
      %dma_start3A_55 = arith.constant 0 : i32
      %dma_start3A_56 = tpu.memref_slice %arg10[%dma_start3A, %dma_start3A_55] : memref<200x64xf32, #tpu.memory_space<vmem>> -> memref<440x64xf32, #tpu.memory_space<vmem>>
      %dma_start3A_57 = arith.constant 0 : i32
      %dma_start3A_58 = tpu.memref_slice %arg7[%multiple_of3A_54, %dma_start3A_57] : memref<20000x64xf32, #tpu.memory_space<hbm>> -> memref<440x64xf32, #tpu.memory_space<hbm>>
      %dma_start3A_59 = arith.constant 0 : i32
      %dma_start3A_60 = tpu.memref_slice %arg7[%multiple_of3A_54, %dma_start3A_59] : memref<20000x64xf32, #tpu.memory_space<hbm>> -> memref<440x64xf32, #tpu.memory_space<hbm>>
      %dma_start3A_61 = arith.constant 0 : i32
      %dma_start3A_62 = arith.constant 0 : i32
      %dma_start3A_63 = tpu.memref_slice %arg10[%dma_start3A_61, %dma_start3A_62] : memref<200x64xf32, #tpu.memory_space<vmem>> -> memref<440x64xf32, #tpu.memory_space<vmem>>
      tpu.enqueue_dma source(%dma_start3A_63 : memref<440x64xf32, #tpu.memory_space<vmem>>) target(%dma_start3A_60 : memref<440x64xf32, #tpu.memory_space<hbm>>) target_semaphore(%run_scoped3A : memref<!tpu.dma_semaphore, #tpu.memory_space<semaphore_mem>>)
      %dma_wait3A = arith.constant 0 : i32
      %dma_wait3A_64 = arith.constant 0 : i32
      %dma_wait3A_65 = tpu.memref_slice %arg10[%dma_wait3A, %dma_wait3A_64] : memref<200x64xf32, #tpu.memory_space<vmem>> -> memref<440x64xf32, #tpu.memory_space<vmem>>
      %dma_wait3A_66 = arith.constant 0 : i32
      %dma_wait3A_67 = tpu.memref_slice %arg7[%multiple_of3A_54, %dma_wait3A_66] : memref<20000x64xf32, #tpu.memory_space<hbm>> -> memref<440x64xf32, #tpu.memory_space<hbm>>
      %dma_wait3A_68 = arith.constant 0 : i32
      %dma_wait3A_69 = tpu.memref_slice %arg7[%multiple_of3A_54, %dma_wait3A_68] : memref<20000x64xf32, #tpu.memory_space<hbm>> -> memref<440x64xf32, #tpu.memory_space<hbm>>
      %dma_wait3A_70 = arith.constant 0 : i32
      %dma_wait3A_71 = arith.constant 0 : i32
      %dma_wait3A_72 = tpu.memref_slice %arg10[%dma_wait3A_70, %dma_wait3A_71] : memref<200x64xf32, #tpu.memory_space<vmem>> -> memref<440x64xf32, #tpu.memory_space<vmem>>
      tpu.wait_dma2 semaphore(%run_scoped3A : memref<!tpu.dma_semaphore, #tpu.memory_space<semaphore_mem>>) src(%dma_wait3A_72 : memref<440x64xf32, #tpu.memory_space<vmem>>) dst(%dma_wait3A_69 : memref<440x64xf32, #tpu.memory_space<hbm>>)
      tpu.yield
    }) : () -> ()
    return
  }
}

#map = affine_map<(d0, d1) -> (0, 0)>
#map1 = affine_map<(d0, d1) -> (0)>
module attributes {stable_mosaic.version = 14 : i64} {
  func.func @_agg_body(%arg0: i32, %arg1: i32, %arg2: memref<20000x64xf32, #tpu.memory_space<hbm>>, %arg3: memref<640000x64xf32, #tpu.memory_space<hbm>>, %arg4: memref<320000xi32, #tpu.memory_space<hbm>>, %arg5: memref<320000xi32, #tpu.memory_space<hbm>>, %arg6: memref<16xf32, #tpu.memory_space<hbm>>, %arg7: memref<20000x64xf32, #tpu.memory_space<hbm>>, %arg8: memref<200xi32, #tpu.memory_space<vmem>>, %arg9: memref<200xi32, #tpu.memory_space<vmem>>, %arg10: memref<200x64xf32, #tpu.memory_space<vmem>>, %arg11: memref<200x64xf32, #tpu.memory_space<vmem>>, %arg12: memref<16xf32, #tpu.memory_space<vmem>>, %arg13: memref<10000x64xf32, #tpu.memory_space<vmem_shared>>, %arg14: memref<10000x64xf32, #tpu.memory_space<vmem_shared>>, %arg15: memref<!tpu.dma_semaphore, #tpu.memory_space<semaphore_mem>>) attributes {dimension_semantics = [#tpu.dimension_semantics<core_parallel>, #tpu.dimension_semantics<subcore_parallel>], iteration_bounds = array<i64: 2, 16>, scalar_prefetch = 0 : i64, scratch_operands = 8 : i64, tpu.core_type = #tpu.core_type<sc_vector_subcore>, window_params = [{transform_indices = #map}, {transform_indices = #map}, {transform_indices = #map1}, {transform_indices = #map1}, {transform_indices = #map1}, {transform_indices = #map}]} {
    %mul3A = arith.constant 10000 : i32
    %mul3A_0 = arith.muli %arg0, %mul3A : i32
    %scan3A = arith.constant 0 : i32
    %scan3A_1 = arith.constant 0 : i32
    %scan3A_2 = arith.constant 200 : i32
    %scan3A_3 = arith.addi %scan3A_1, %scan3A_2 : i32
    %scan3A_4 = arith.constant 1 : i32
    %scan3A_5 = scf.for %scan3A_55 = %scan3A_1 to %scan3A_3 step %scan3A_4 iter_args(%scan3A_56 = %scan3A) -> (i32)  : i32 {
      %broadcast_in_dim3A = arith.constant 0.000000e+00 : f32
      %broadcast_in_dim3A_57 = vector.broadcast %broadcast_in_dim3A : f32 to vector<16xf32>
      %swap3A = arith.index_cast %scan3A_55 : i32 to index
      %swap3A_58 = arith.constant 0 : index
      %swap3A_59 = tpu.vector_load %arg10[%swap3A, %swap3A_58] {strides = array<i32>} : memref<200x64xf32, #tpu.memory_space<vmem>>, vector<1x16xf32>,
      %swap3A_60 = vector.shape_cast %swap3A_59 : vector<1x16xf32> to vector<16xf32>
      %swap3A_61 = vector.shape_cast %broadcast_in_dim3A_57 : vector<16xf32> to vector<1x16xf32>
      tpu.vector_store %arg10[%swap3A, %swap3A_58], %swap3A_61 {strides = array<i32>} : memref<200x64xf32, #tpu.memory_space<vmem>>, vector<1x16xf32>,
      %broadcast_in_dim3A_62 = arith.constant 0.000000e+00 : f32
      %broadcast_in_dim3A_63 = vector.broadcast %broadcast_in_dim3A_62 : f32 to vector<16xf32>
      %swap3A_64 = arith.index_cast %scan3A_55 : i32 to index
      %swap3A_65 = arith.constant 16 : index
      %swap3A_66 = tpu.vector_load %arg10[%swap3A_64, %swap3A_65] {strides = array<i32>} : memref<200x64xf32, #tpu.memory_space<vmem>>, vector<1x16xf32>,
      %swap3A_67 = vector.shape_cast %swap3A_66 : vector<1x16xf32> to vector<16xf32>
      %swap3A_68 = vector.shape_cast %broadcast_in_dim3A_63 : vector<16xf32> to vector<1x16xf32>
      tpu.vector_store %arg10[%swap3A_64, %swap3A_65], %swap3A_68 {strides = array<i32>} : memref<200x64xf32, #tpu.memory_space<vmem>>, vector<1x16xf32>,
      %broadcast_in_dim3A_69 = arith.constant 0.000000e+00 : f32
      %broadcast_in_dim3A_70 = vector.broadcast %broadcast_in_dim3A_69 : f32 to vector<16xf32>
      %swap3A_71 = arith.index_cast %scan3A_55 : i32 to index
      %swap3A_72 = arith.constant 32 : index
      %swap3A_73 = tpu.vector_load %arg10[%swap3A_71, %swap3A_72] {strides = array<i32>} : memref<200x64xf32, #tpu.memory_space<vmem>>, vector<1x16xf32>,
      %swap3A_74 = vector.shape_cast %swap3A_73 : vector<1x16xf32> to vector<16xf32>
      %swap3A_75 = vector.shape_cast %broadcast_in_dim3A_70 : vector<16xf32> to vector<1x16xf32>
      tpu.vector_store %arg10[%swap3A_71, %swap3A_72], %swap3A_75 {strides = array<i32>} : memref<200x64xf32, #tpu.memory_space<vmem>>, vector<1x16xf32>,
      %broadcast_in_dim3A_76 = arith.constant 0.000000e+00 : f32
      %broadcast_in_dim3A_77 = vector.broadcast %broadcast_in_dim3A_76 : f32 to vector<16xf32>
      %swap3A_78 = arith.index_cast %scan3A_55 : i32 to index
      %swap3A_79 = arith.constant 48 : index
      %swap3A_80 = tpu.vector_load %arg10[%swap3A_78, %swap3A_79] {strides = array<i32>} : memref<200x64xf32, #tpu.memory_space<vmem>>, vector<1x16xf32>,
      %swap3A_81 = vector.shape_cast %swap3A_80 : vector<1x16xf32> to vector<16xf32>
      %swap3A_82 = vector.shape_cast %broadcast_in_dim3A_77 : vector<16xf32> to vector<1x16xf32>
      tpu.vector_store %arg10[%swap3A_78, %swap3A_79], %swap3A_82 {strides = array<i32>} : memref<200x64xf32, #tpu.memory_space<vmem>>, vector<1x16xf32>,
      %scan3A_83 = arith.constant 0 : i32
      scf.yield %scan3A_83 : i32
    }
    %scan3A_6 = arith.constant 200 : i32
    %mul3A_7 = arith.constant 640 : i32
    %mul3A_8 = arith.muli %arg1, %mul3A_7 : i32
    %min3A = arith.constant 9360 : i32
    %min3A_9 = arith.minsi %mul3A_8, %min3A : i32
    %multiple_of3A = tpu.assume_multiple %min3A_9, 8 : i32
    "tpu.region"() ({
      %run_scoped3A = tpu.sem_alloc : memref<!tpu.dma_semaphore, #tpu.memory_space<semaphore_mem>>
      %dma_start3A = arith.constant 0 : i32
      %dma_start3A_55 = tpu.memref_slice %arg13[%multiple_of3A, %dma_start3A] : memref<10000x64xf32, #tpu.memory_space<vmem_shared>> -> memref<200x64xf32, #tpu.memory_space<vmem_shared>>
      %dma_start3A_56 = arith.constant 0 : i32
      %dma_start3A_57 = tpu.memref_slice %arg13[%multiple_of3A, %dma_start3A_56] : memref<10000x64xf32, #tpu.memory_space<vmem_shared>> -> memref<200x64xf32, #tpu.memory_space<vmem_shared>>
      tpu.enqueue_dma source(%arg10 : memref<200x64xf32, #tpu.memory_space<vmem>>) target(%dma_start3A_57 : memref<200x64xf32, #tpu.memory_space<vmem_shared>>) target_semaphore(%run_scoped3A : memref<!tpu.dma_semaphore, #tpu.memory_space<semaphore_mem>>)
      %dma_wait3A = arith.constant 0 : i32
      %dma_wait3A_58 = tpu.memref_slice %arg13[%multiple_of3A, %dma_wait3A] : memref<10000x64xf32, #tpu.memory_space<vmem_shared>> -> memref<200x64xf32, #tpu.memory_space<vmem_shared>>
      %dma_wait3A_59 = arith.constant 0 : i32
      %dma_wait3A_60 = tpu.memref_slice %arg13[%multiple_of3A, %dma_wait3A_59] : memref<10000x64xf32, #tpu.memory_space<vmem_shared>> -> memref<200x64xf32, #tpu.memory_space<vmem_shared>>
      tpu.wait_dma2 semaphore(%run_scoped3A : memref<!tpu.dma_semaphore, #tpu.memory_space<semaphore_mem>>) src(%arg10 : memref<200x64xf32, #tpu.memory_space<vmem>>) dst(%dma_wait3A_60 : memref<200x64xf32, #tpu.memory_space<vmem_shared>>)
      tpu.yield
    }) : () -> ()
    "tpu.region"() ({
      %run_scoped3A = tpu.sem_alloc : memref<!tpu.dma_semaphore, #tpu.memory_space<semaphore_mem>>
      %dma_start3A = arith.constant 0 : i32
      %dma_start3A_55 = tpu.memref_slice %arg14[%multiple_of3A, %dma_start3A] : memref<10000x64xf32, #tpu.memory_space<vmem_shared>> -> memref<200x64xf32, #tpu.memory_space<vmem_shared>>
      %dma_start3A_56 = arith.constant 0 : i32
      %dma_start3A_57 = tpu.memref_slice %arg14[%multiple_of3A, %dma_start3A_56] : memref<10000x64xf32, #tpu.memory_space<vmem_shared>> -> memref<200x64xf32, #tpu.memory_space<vmem_shared>>
      tpu.enqueue_dma source(%arg10 : memref<200x64xf32, #tpu.memory_space<vmem>>) target(%dma_start3A_57 : memref<200x64xf32, #tpu.memory_space<vmem_shared>>) target_semaphore(%run_scoped3A : memref<!tpu.dma_semaphore, #tpu.memory_space<semaphore_mem>>)
      %dma_wait3A = arith.constant 0 : i32
      %dma_wait3A_58 = tpu.memref_slice %arg14[%multiple_of3A, %dma_wait3A] : memref<10000x64xf32, #tpu.memory_space<vmem_shared>> -> memref<200x64xf32, #tpu.memory_space<vmem_shared>>
      %dma_wait3A_59 = arith.constant 0 : i32
      %dma_wait3A_60 = tpu.memref_slice %arg14[%multiple_of3A, %dma_wait3A_59] : memref<10000x64xf32, #tpu.memory_space<vmem_shared>> -> memref<200x64xf32, #tpu.memory_space<vmem_shared>>
      tpu.wait_dma2 semaphore(%run_scoped3A : memref<!tpu.dma_semaphore, #tpu.memory_space<semaphore_mem>>) src(%arg10 : memref<200x64xf32, #tpu.memory_space<vmem>>) dst(%dma_wait3A_60 : memref<200x64xf32, #tpu.memory_space<vmem_shared>>)
      tpu.yield
    }) : () -> ()
    %add3A = arith.constant 200 : i32
    %add3A_10 = arith.addi %multiple_of3A, %add3A : i32
    "tpu.region"() ({
      %run_scoped3A = tpu.sem_alloc : memref<!tpu.dma_semaphore, #tpu.memory_space<semaphore_mem>>
      %dma_start3A = arith.constant 0 : i32
      %dma_start3A_55 = arith.constant 0 : i32
      %dma_start3A_56 = tpu.memref_slice %arg10[%dma_start3A, %dma_start3A_55] : memref<200x64xf32, #tpu.memory_space<vmem>> -> memref<440x64xf32, #tpu.memory_space<vmem>>
      %dma_start3A_57 = arith.constant 0 : i32
      %dma_start3A_58 = tpu.memref_slice %arg13[%add3A_10, %dma_start3A_57] : memref<10000x64xf32, #tpu.memory_space<vmem_shared>> -> memref<440x64xf32, #tpu.memory_space<vmem_shared>>
      %dma_start3A_59 = arith.constant 0 : i32
      %dma_start3A_60 = tpu.memref_slice %arg13[%add3A_10, %dma_start3A_59] : memref<10000x64xf32, #tpu.memory_space<vmem_shared>> -> memref<440x64xf32, #tpu.memory_space<vmem_shared>>
      %dma_start3A_61 = arith.constant 0 : i32
      %dma_start3A_62 = arith.constant 0 : i32
      %dma_start3A_63 = tpu.memref_slice %arg10[%dma_start3A_61, %dma_start3A_62] : memref<200x64xf32, #tpu.memory_space<vmem>> -> memref<440x64xf32, #tpu.memory_space<vmem>>
      tpu.enqueue_dma source(%dma_start3A_63 : memref<440x64xf32, #tpu.memory_space<vmem>>) target(%dma_start3A_60 : memref<440x64xf32, #tpu.memory_space<vmem_shared>>) target_semaphore(%run_scoped3A : memref<!tpu.dma_semaphore, #tpu.memory_space<semaphore_mem>>)
      %dma_wait3A = arith.constant 0 : i32
      %dma_wait3A_64 = arith.constant 0 : i32
      %dma_wait3A_65 = tpu.memref_slice %arg10[%dma_wait3A, %dma_wait3A_64] : memref<200x64xf32, #tpu.memory_space<vmem>> -> memref<440x64xf32, #tpu.memory_space<vmem>>
      %dma_wait3A_66 = arith.constant 0 : i32
      %dma_wait3A_67 = tpu.memref_slice %arg13[%add3A_10, %dma_wait3A_66] : memref<10000x64xf32, #tpu.memory_space<vmem_shared>> -> memref<440x64xf32, #tpu.memory_space<vmem_shared>>
      %dma_wait3A_68 = arith.constant 0 : i32
      %dma_wait3A_69 = tpu.memref_slice %arg13[%add3A_10, %dma_wait3A_68] : memref<10000x64xf32, #tpu.memory_space<vmem_shared>> -> memref<440x64xf32, #tpu.memory_space<vmem_shared>>
      %dma_wait3A_70 = arith.constant 0 : i32
      %dma_wait3A_71 = arith.constant 0 : i32
      %dma_wait3A_72 = tpu.memref_slice %arg10[%dma_wait3A_70, %dma_wait3A_71] : memref<200x64xf32, #tpu.memory_space<vmem>> -> memref<440x64xf32, #tpu.memory_space<vmem>>
      tpu.wait_dma2 semaphore(%run_scoped3A : memref<!tpu.dma_semaphore, #tpu.memory_space<semaphore_mem>>) src(%dma_wait3A_72 : memref<440x64xf32, #tpu.memory_space<vmem>>) dst(%dma_wait3A_69 : memref<440x64xf32, #tpu.memory_space<vmem_shared>>)
      tpu.yield
    }) : () -> ()
    %add3A_11 = arith.constant 200 : i32
    %add3A_12 = arith.addi %multiple_of3A, %add3A_11 : i32
    "tpu.region"() ({
      %run_scoped3A = tpu.sem_alloc : memref<!tpu.dma_semaphore, #tpu.memory_space<semaphore_mem>>
      %dma_start3A = arith.constant 0 : i32
      %dma_start3A_55 = arith.constant 0 : i32
      %dma_start3A_56 = tpu.memref_slice %arg10[%dma_start3A, %dma_start3A_55] : memref<200x64xf32, #tpu.memory_space<vmem>> -> memref<440x64xf32, #tpu.memory_space<vmem>>
      %dma_start3A_57 = arith.constant 0 : i32
      %dma_start3A_58 = tpu.memref_slice %arg14[%add3A_12, %dma_start3A_57] : memref<10000x64xf32, #tpu.memory_space<vmem_shared>> -> memref<440x64xf32, #tpu.memory_space<vmem_shared>>
      %dma_start3A_59 = arith.constant 0 : i32
      %dma_start3A_60 = tpu.memref_slice %arg14[%add3A_12, %dma_start3A_59] : memref<10000x64xf32, #tpu.memory_space<vmem_shared>> -> memref<440x64xf32, #tpu.memory_space<vmem_shared>>
      %dma_start3A_61 = arith.constant 0 : i32
      %dma_start3A_62 = arith.constant 0 : i32
      %dma_start3A_63 = tpu.memref_slice %arg10[%dma_start3A_61, %dma_start3A_62] : memref<200x64xf32, #tpu.memory_space<vmem>> -> memref<440x64xf32, #tpu.memory_space<vmem>>
      tpu.enqueue_dma source(%dma_start3A_63 : memref<440x64xf32, #tpu.memory_space<vmem>>) target(%dma_start3A_60 : memref<440x64xf32, #tpu.memory_space<vmem_shared>>) target_semaphore(%run_scoped3A : memref<!tpu.dma_semaphore, #tpu.memory_space<semaphore_mem>>)
      %dma_wait3A = arith.constant 0 : i32
      %dma_wait3A_64 = arith.constant 0 : i32
      %dma_wait3A_65 = tpu.memref_slice %arg10[%dma_wait3A, %dma_wait3A_64] : memref<200x64xf32, #tpu.memory_space<vmem>> -> memref<440x64xf32, #tpu.memory_space<vmem>>
      %dma_wait3A_66 = arith.constant 0 : i32
      %dma_wait3A_67 = tpu.memref_slice %arg14[%add3A_12, %dma_wait3A_66] : memref<10000x64xf32, #tpu.memory_space<vmem_shared>> -> memref<440x64xf32, #tpu.memory_space<vmem_shared>>
      %dma_wait3A_68 = arith.constant 0 : i32
      %dma_wait3A_69 = tpu.memref_slice %arg14[%add3A_12, %dma_wait3A_68] : memref<10000x64xf32, #tpu.memory_space<vmem_shared>> -> memref<440x64xf32, #tpu.memory_space<vmem_shared>>
      %dma_wait3A_70 = arith.constant 0 : i32
      %dma_wait3A_71 = arith.constant 0 : i32
      %dma_wait3A_72 = tpu.memref_slice %arg10[%dma_wait3A_70, %dma_wait3A_71] : memref<200x64xf32, #tpu.memory_space<vmem>> -> memref<440x64xf32, #tpu.memory_space<vmem>>
      tpu.wait_dma2 semaphore(%run_scoped3A : memref<!tpu.dma_semaphore, #tpu.memory_space<semaphore_mem>>) src(%dma_wait3A_72 : memref<440x64xf32, #tpu.memory_space<vmem>>) dst(%dma_wait3A_69 : memref<440x64xf32, #tpu.memory_space<vmem_shared>>)
      tpu.yield
    }) : () -> ()
    %barrier3A = arith.constant 0 : index
    tpu.barrier barrier_id(%barrier3A)
    "tpu.region"() ({
      %run_scoped3A = tpu.sem_alloc : memref<!tpu.dma_semaphore, #tpu.memory_space<semaphore_mem>>
      tpu.enqueue_dma source(%arg6 : memref<16xf32, #tpu.memory_space<hbm>>) target(%arg12 : memref<16xf32, #tpu.memory_space<vmem>>) target_semaphore(%run_scoped3A : memref<!tpu.dma_semaphore, #tpu.memory_space<semaphore_mem>>)
      tpu.wait_dma2 semaphore(%run_scoped3A : memref<!tpu.dma_semaphore, #tpu.memory_space<semaphore_mem>>) src(%arg6 : memref<16xf32, #tpu.memory_space<hbm>>) dst(%arg12 : memref<16xf32, #tpu.memory_space<vmem>>)
      tpu.yield
    }) : () -> ()
    %get3A = arith.constant 0 : index
    %get3A_13 = tpu.vector_load %arg12[%get3A] {strides = array<i32>} : memref<16xf32, #tpu.memory_space<vmem>>, vector<16xf32>,
    %get3A_14 = vector.shape_cast %get3A_13 : vector<16xf32> to vector<16xf32>
    %mul3A_15 = arith.constant 20000 : i32
    %mul3A_16 = arith.muli %arg1, %mul3A_15 : i32
    %scan3A_17 = arith.constant 0 : i32
    %scan3A_18 = arith.constant 0 : i32
    %scan3A_19 = arith.constant 100 : i32
    %scan3A_20 = arith.addi %scan3A_18, %scan3A_19 : i32
    %scan3A_21 = arith.constant 1 : i32
    %scan3A_22 = scf.for %scan3A_55 = %scan3A_18 to %scan3A_20 step %scan3A_21 iter_args(%scan3A_56 = %scan3A_17) -> (i32)  : i32 {
      %mul3A_57 = arith.constant 200 : i32
      %mul3A_58 = arith.muli %scan3A_55, %mul3A_57 : i32
      %add3A_59 = arith.addi %mul3A_16, %mul3A_58 : i32
      %multiple_of3A_60 = tpu.assume_multiple %add3A_59, 8 : i32
      "tpu.region"() ({
        %run_scoped3A = tpu.sem_alloc : memref<!tpu.dma_semaphore, #tpu.memory_space<semaphore_mem>>
        %dma_start3A_84 = tpu.memref_slice %arg4[%multiple_of3A_60] : memref<320000xi32, #tpu.memory_space<hbm>> -> memref<200xi32, #tpu.memory_space<hbm>>
        %dma_start3A_85 = tpu.memref_slice %arg4[%multiple_of3A_60] : memref<320000xi32, #tpu.memory_space<hbm>> -> memref<200xi32, #tpu.memory_space<hbm>>
        tpu.enqueue_dma source(%dma_start3A_85 : memref<200xi32, #tpu.memory_space<hbm>>) target(%arg8 : memref<200xi32, #tpu.memory_space<vmem>>) target_semaphore(%run_scoped3A : memref<!tpu.dma_semaphore, #tpu.memory_space<semaphore_mem>>)
        %dma_wait3A_86 = tpu.memref_slice %arg4[%multiple_of3A_60] : memref<320000xi32, #tpu.memory_space<hbm>> -> memref<200xi32, #tpu.memory_space<hbm>>
        %dma_wait3A_87 = tpu.memref_slice %arg4[%multiple_of3A_60] : memref<320000xi32, #tpu.memory_space<hbm>> -> memref<200xi32, #tpu.memory_space<hbm>>
        tpu.wait_dma2 semaphore(%run_scoped3A : memref<!tpu.dma_semaphore, #tpu.memory_space<semaphore_mem>>) src(%dma_wait3A_87 : memref<200xi32, #tpu.memory_space<hbm>>) dst(%arg8 : memref<200xi32, #tpu.memory_space<vmem>>)
        tpu.yield
      }) : () -> ()
      "tpu.region"() ({
        %run_scoped3A = tpu.sem_alloc : memref<!tpu.dma_semaphore, #tpu.memory_space<semaphore_mem>>
        %dma_start3A_84 = tpu.memref_slice %arg5[%multiple_of3A_60] : memref<320000xi32, #tpu.memory_space<hbm>> -> memref<200xi32, #tpu.memory_space<hbm>>
        %dma_start3A_85 = tpu.memref_slice %arg5[%multiple_of3A_60] : memref<320000xi32, #tpu.memory_space<hbm>> -> memref<200xi32, #tpu.memory_space<hbm>>
        tpu.enqueue_dma source(%dma_start3A_85 : memref<200xi32, #tpu.memory_space<hbm>>) target(%arg9 : memref<200xi32, #tpu.memory_space<vmem>>) target_semaphore(%run_scoped3A : memref<!tpu.dma_semaphore, #tpu.memory_space<semaphore_mem>>)
        %dma_wait3A_86 = tpu.memref_slice %arg5[%multiple_of3A_60] : memref<320000xi32, #tpu.memory_space<hbm>> -> memref<200xi32, #tpu.memory_space<hbm>>
        %dma_wait3A_87 = tpu.memref_slice %arg5[%multiple_of3A_60] : memref<320000xi32, #tpu.memory_space<hbm>> -> memref<200xi32, #tpu.memory_space<hbm>>
        tpu.wait_dma2 semaphore(%run_scoped3A : memref<!tpu.dma_semaphore, #tpu.memory_space<semaphore_mem>>) src(%dma_wait3A_87 : memref<200xi32, #tpu.memory_space<hbm>>) dst(%arg9 : memref<200xi32, #tpu.memory_space<vmem>>)
        tpu.yield
      }) : () -> ()
      %scan3A_61 = arith.constant 0 : i32
      %scan3A_62 = arith.constant 0 : i32
      %scan3A_63 = arith.constant 12 : i32
      %scan3A_64 = arith.addi %scan3A_62, %scan3A_63 : i32
      %scan3A_65 = arith.constant 1 : i32
      %scan3A_66 = scf.for %scan3A_84 = %scan3A_62 to %scan3A_64 step %scan3A_65 iter_args(%scan3A_85 = %scan3A_61) -> (i32)  : i32 {
        %mul3A_86 = arith.constant 16 : i32
        %mul3A_87 = arith.muli %scan3A_84, %mul3A_86 : i32
        %get3A_88 = arith.index_cast %mul3A_87 : i32 to index
        %get3A_89 = tpu.vector_load %arg8[%get3A_88] {strides = array<i32>} : memref<200xi32, #tpu.memory_space<vmem>>, vector<16xi32>,
        %get3A_90 = vector.shape_cast %get3A_89 : vector<16xi32> to vector<16xi32>
        %add3A_91 = vector.broadcast %mul3A_0 : i32 to vector<16xi32>
        %add3A_92 = arith.addi %get3A_90, %add3A_91 : vector<16xi32>
        %swap3A = arith.index_cast %mul3A_87 : i32 to index
        %swap3A_93 = tpu.vector_load %arg8[%swap3A] {strides = array<i32>} : memref<200xi32, #tpu.memory_space<vmem>>, vector<16xi32>,
        %swap3A_94 = vector.shape_cast %swap3A_93 : vector<16xi32> to vector<16xi32>
        %swap3A_95 = vector.shape_cast %add3A_92 : vector<16xi32> to vector<16xi32>
        tpu.vector_store %arg8[%swap3A], %swap3A_95 {strides = array<i32>} : memref<200xi32, #tpu.memory_space<vmem>>, vector<16xi32>,
        %scan3A_96 = arith.constant 0 : i32
        scf.yield %scan3A_96 : i32
      }
      %scan3A_67 = arith.constant 12 : i32
      %dma_start3A = arith.constant 0 : i32
      %dma_start3A_68 = arith.constant 0 : i32
      %dma_start3A_69 = tpu.memref_slice %arg2[%dma_start3A, %dma_start3A_68] : memref<20000x64xf32, #tpu.memory_space<hbm>> -> memref<20000x64xf32, #tpu.memory_space<hbm>>
      tpu.enqueue_indirect_dma source(%dma_start3A_69 : memref<20000x64xf32, #tpu.memory_space<hbm>>) target(%arg10 : memref<200x64xf32, #tpu.memory_space<vmem>>) offsets(%arg8 : memref<200xi32, #tpu.memory_space<vmem>>) semaphore(%arg15 : memref<!tpu.dma_semaphore, #tpu.memory_space<semaphore_mem>>)
      %dma_wait3A = arith.constant 0 : i32
      %dma_wait3A_70 = arith.constant 0 : i32
      %dma_wait3A_71 = tpu.memref_slice %arg2[%dma_wait3A, %dma_wait3A_70] : memref<20000x64xf32, #tpu.memory_space<hbm>> -> memref<20000x64xf32, #tpu.memory_space<hbm>>
      tpu.wait_indirect_dma semaphore(%arg15 : memref<!tpu.dma_semaphore, #tpu.memory_space<semaphore_mem>>) src(%dma_wait3A_71 : memref<20000x64xf32, #tpu.memory_space<hbm>>) dst(%arg10 : memref<200x64xf32, #tpu.memory_space<vmem>>)
      %mul3A_72 = arith.constant 320000 : i32
      %mul3A_73 = arith.muli %arg0, %mul3A_72 : i32
      %add3A_74 = arith.addi %mul3A_73, %multiple_of3A_60 : i32
      %multiple_of3A_75 = tpu.assume_multiple %add3A_74, 8 : i32
      "tpu.region"() ({
        %run_scoped3A = tpu.sem_alloc : memref<!tpu.dma_semaphore, #tpu.memory_space<semaphore_mem>>
        %dma_start3A_84 = arith.constant 0 : i32
        %dma_start3A_85 = tpu.memref_slice %arg3[%multiple_of3A_75, %dma_start3A_84] : memref<640000x64xf32, #tpu.memory_space<hbm>> -> memref<200x64xf32, #tpu.memory_space<hbm>>
        %dma_start3A_86 = arith.constant 0 : i32
        %dma_start3A_87 = tpu.memref_slice %arg3[%multiple_of3A_75, %dma_start3A_86] : memref<640000x64xf32, #tpu.memory_space<hbm>> -> memref<200x64xf32, #tpu.memory_space<hbm>>
        tpu.enqueue_dma source(%dma_start3A_87 : memref<200x64xf32, #tpu.memory_space<hbm>>) target(%arg11 : memref<200x64xf32, #tpu.memory_space<vmem>>) target_semaphore(%run_scoped3A : memref<!tpu.dma_semaphore, #tpu.memory_space<semaphore_mem>>)
        %dma_wait3A_88 = arith.constant 0 : i32
        %dma_wait3A_89 = tpu.memref_slice %arg3[%multiple_of3A_75, %dma_wait3A_88] : memref<640000x64xf32, #tpu.memory_space<hbm>> -> memref<200x64xf32, #tpu.memory_space<hbm>>
        %dma_wait3A_90 = arith.constant 0 : i32
        %dma_wait3A_91 = tpu.memref_slice %arg3[%multiple_of3A_75, %dma_wait3A_90] : memref<640000x64xf32, #tpu.memory_space<hbm>> -> memref<200x64xf32, #tpu.memory_space<hbm>>
        tpu.wait_dma2 semaphore(%run_scoped3A : memref<!tpu.dma_semaphore, #tpu.memory_space<semaphore_mem>>) src(%dma_wait3A_91 : memref<200x64xf32, #tpu.memory_space<hbm>>) dst(%arg11 : memref<200x64xf32, #tpu.memory_space<vmem>>)
        tpu.yield
      }) : () -> ()
      %scan3A_76 = arith.constant 0 : i32
      %scan3A_77 = arith.constant 0 : i32
      %scan3A_78 = arith.constant 200 : i32
      %scan3A_79 = arith.addi %scan3A_77, %scan3A_78 : i32
      %scan3A_80 = arith.constant 1 : i32
      %scan3A_81 = scf.for %scan3A_84 = %scan3A_77 to %scan3A_79 step %scan3A_80 iter_args(%scan3A_85 = %scan3A_76) -> (i32)  : i32 {
        %get3A_86 = arith.index_cast %scan3A_84 : i32 to index
        %get3A_87 = arith.constant 0 : index
        %get3A_88 = tpu.vector_load %arg10[%get3A_86, %get3A_87] {strides = array<i32>} : memref<200x64xf32, #tpu.memory_space<vmem>>, vector<1x16xf32>,
        %get3A_89 = vector.shape_cast %get3A_88 : vector<1x16xf32> to vector<16xf32>
        %get3A_90 = arith.index_cast %scan3A_84 : i32 to index
        %get3A_91 = arith.constant 0 : index
        %get3A_92 = tpu.vector_load %arg11[%get3A_90, %get3A_91] {strides = array<i32>} : memref<200x64xf32, #tpu.memory_space<vmem>>, vector<1x16xf32>,
        %get3A_93 = vector.shape_cast %get3A_92 : vector<1x16xf32> to vector<16xf32>
        %add3A_94 = arith.addf %get3A_89, %get3A_93 : vector<16xf32>
        %max3A = arith.constant 0.000000e+00 : f32
        %max3A_95 = vector.broadcast %max3A : f32 to vector<16xf32>
        %max3A_96 = arith.maximumf %add3A_94, %max3A_95 : vector<16xf32>
        %add3A_97 = arith.constant 1.000000e-07 : f32
        %add3A_98 = vector.broadcast %add3A_97 : f32 to vector<16xf32>
        %add3A_99 = arith.addf %max3A_96, %add3A_98 : vector<16xf32>
        %mul3A_100 = arith.mulf %get3A_14, %add3A_99 : vector<16xf32>
        %exp3A = math.exp %mul3A_100 : vector<16xf32>
        %swap3A = arith.index_cast %scan3A_84 : i32 to index
        %swap3A_101 = arith.constant 0 : index
        %swap3A_102 = tpu.vector_load %arg11[%swap3A, %swap3A_101] {strides = array<i32>} : memref<200x64xf32, #tpu.memory_space<vmem>>, vector<1x16xf32>,
        %swap3A_103 = vector.shape_cast %swap3A_102 : vector<1x16xf32> to vector<16xf32>
        %swap3A_104 = vector.shape_cast %exp3A : vector<16xf32> to vector<1x16xf32>
        tpu.vector_store %arg11[%swap3A, %swap3A_101], %swap3A_104 {strides = array<i32>} : memref<200x64xf32, #tpu.memory_space<vmem>>, vector<1x16xf32>,
        %mul3A_105 = arith.mulf %add3A_99, %exp3A : vector<16xf32>
        %swap3A_106 = arith.index_cast %scan3A_84 : i32 to index
        %swap3A_107 = arith.constant 0 : index
        %swap3A_108 = tpu.vector_load %arg10[%swap3A_106, %swap3A_107] {strides = array<i32>} : memref<200x64xf32, #tpu.memory_space<vmem>>, vector<1x16xf32>,
        %swap3A_109 = vector.shape_cast %swap3A_108 : vector<1x16xf32> to vector<16xf32>
        %swap3A_110 = vector.shape_cast %mul3A_105 : vector<16xf32> to vector<1x16xf32>
        tpu.vector_store %arg10[%swap3A_106, %swap3A_107], %swap3A_110 {strides = array<i32>} : memref<200x64xf32, #tpu.memory_space<vmem>>, vector<1x16xf32>,
        %get3A_111 = arith.index_cast %scan3A_84 : i32 to index
        %get3A_112 = arith.constant 16 : index
        %get3A_113 = tpu.vector_load %arg10[%get3A_111, %get3A_112] {strides = array<i32>} : memref<200x64xf32, #tpu.memory_space<vmem>>, vector<1x16xf32>,
        %get3A_114 = vector.shape_cast %get3A_113 : vector<1x16xf32> to vector<16xf32>
        %get3A_115 = arith.index_cast %scan3A_84 : i32 to index
        %get3A_116 = arith.constant 16 : index
        %get3A_117 = tpu.vector_load %arg11[%get3A_115, %get3A_116] {strides = array<i32>} : memref<200x64xf32, #tpu.memory_space<vmem>>, vector<1x16xf32>,
        %get3A_118 = vector.shape_cast %get3A_117 : vector<1x16xf32> to vector<16xf32>
        %add3A_119 = arith.addf %get3A_114, %get3A_118 : vector<16xf32>
        %max3A_120 = arith.constant 0.000000e+00 : f32
        %max3A_121 = vector.broadcast %max3A_120 : f32 to vector<16xf32>
        %max3A_122 = arith.maximumf %add3A_119, %max3A_121 : vector<16xf32>
        %add3A_123 = arith.constant 1.000000e-07 : f32
        %add3A_124 = vector.broadcast %add3A_123 : f32 to vector<16xf32>
        %add3A_125 = arith.addf %max3A_122, %add3A_124 : vector<16xf32>
        %mul3A_126 = arith.mulf %get3A_14, %add3A_125 : vector<16xf32>
        %exp3A_127 = math.exp %mul3A_126 : vector<16xf32>
        %swap3A_128 = arith.index_cast %scan3A_84 : i32 to index
        %swap3A_129 = arith.constant 16 : index
        %swap3A_130 = tpu.vector_load %arg11[%swap3A_128, %swap3A_129] {strides = array<i32>} : memref<200x64xf32, #tpu.memory_space<vmem>>, vector<1x16xf32>,
        %swap3A_131 = vector.shape_cast %swap3A_130 : vector<1x16xf32> to vector<16xf32>
        %swap3A_132 = vector.shape_cast %exp3A_127 : vector<16xf32> to vector<1x16xf32>
        tpu.vector_store %arg11[%swap3A_128, %swap3A_129], %swap3A_132 {strides = array<i32>} : memref<200x64xf32, #tpu.memory_space<vmem>>, vector<1x16xf32>,
        %mul3A_133 = arith.mulf %add3A_125, %exp3A_127 : vector<16xf32>
        %swap3A_134 = arith.index_cast %scan3A_84 : i32 to index
        %swap3A_135 = arith.constant 16 : index
        %swap3A_136 = tpu.vector_load %arg10[%swap3A_134, %swap3A_135] {strides = array<i32>} : memref<200x64xf32, #tpu.memory_space<vmem>>, vector<1x16xf32>,
        %swap3A_137 = vector.shape_cast %swap3A_136 : vector<1x16xf32> to vector<16xf32>
        %swap3A_138 = vector.shape_cast %mul3A_133 : vector<16xf32> to vector<1x16xf32>
        tpu.vector_store %arg10[%swap3A_134, %swap3A_135], %swap3A_138 {strides = array<i32>} : memref<200x64xf32, #tpu.memory_space<vmem>>, vector<1x16xf32>,
        %get3A_139 = arith.index_cast %scan3A_84 : i32 to index
        %get3A_140 = arith.constant 32 : index
        %get3A_141 = tpu.vector_load %arg10[%get3A_139, %get3A_140] {strides = array<i32>} : memref<200x64xf32, #tpu.memory_space<vmem>>, vector<1x16xf32>,
        %get3A_142 = vector.shape_cast %get3A_141 : vector<1x16xf32> to vector<16xf32>
        %get3A_143 = arith.index_cast %scan3A_84 : i32 to index
        %get3A_144 = arith.constant 32 : index
        %get3A_145 = tpu.vector_load %arg11[%get3A_143, %get3A_144] {strides = array<i32>} : memref<200x64xf32, #tpu.memory_space<vmem>>, vector<1x16xf32>,
        %get3A_146 = vector.shape_cast %get3A_145 : vector<1x16xf32> to vector<16xf32>
        %add3A_147 = arith.addf %get3A_142, %get3A_146 : vector<16xf32>
        %max3A_148 = arith.constant 0.000000e+00 : f32
        %max3A_149 = vector.broadcast %max3A_148 : f32 to vector<16xf32>
        %max3A_150 = arith.maximumf %add3A_147, %max3A_149 : vector<16xf32>
        %add3A_151 = arith.constant 1.000000e-07 : f32
        %add3A_152 = vector.broadcast %add3A_151 : f32 to vector<16xf32>
        %add3A_153 = arith.addf %max3A_150, %add3A_152 : vector<16xf32>
        %mul3A_154 = arith.mulf %get3A_14, %add3A_153 : vector<16xf32>
        %exp3A_155 = math.exp %mul3A_154 : vector<16xf32>
        %swap3A_156 = arith.index_cast %scan3A_84 : i32 to index
        %swap3A_157 = arith.constant 32 : index
        %swap3A_158 = tpu.vector_load %arg11[%swap3A_156, %swap3A_157] {strides = array<i32>} : memref<200x64xf32, #tpu.memory_space<vmem>>, vector<1x16xf32>,
        %swap3A_159 = vector.shape_cast %swap3A_158 : vector<1x16xf32> to vector<16xf32>
        %swap3A_160 = vector.shape_cast %exp3A_155 : vector<16xf32> to vector<1x16xf32>
        tpu.vector_store %arg11[%swap3A_156, %swap3A_157], %swap3A_160 {strides = array<i32>} : memref<200x64xf32, #tpu.memory_space<vmem>>, vector<1x16xf32>,
        %mul3A_161 = arith.mulf %add3A_153, %exp3A_155 : vector<16xf32>
        %swap3A_162 = arith.index_cast %scan3A_84 : i32 to index
        %swap3A_163 = arith.constant 32 : index
        %swap3A_164 = tpu.vector_load %arg10[%swap3A_162, %swap3A_163] {strides = array<i32>} : memref<200x64xf32, #tpu.memory_space<vmem>>, vector<1x16xf32>,
        %swap3A_165 = vector.shape_cast %swap3A_164 : vector<1x16xf32> to vector<16xf32>
        %swap3A_166 = vector.shape_cast %mul3A_161 : vector<16xf32> to vector<1x16xf32>
        tpu.vector_store %arg10[%swap3A_162, %swap3A_163], %swap3A_166 {strides = array<i32>} : memref<200x64xf32, #tpu.memory_space<vmem>>, vector<1x16xf32>,
        %get3A_167 = arith.index_cast %scan3A_84 : i32 to index
        %get3A_168 = arith.constant 48 : index
        %get3A_169 = tpu.vector_load %arg10[%get3A_167, %get3A_168] {strides = array<i32>} : memref<200x64xf32, #tpu.memory_space<vmem>>, vector<1x16xf32>,
        %get3A_170 = vector.shape_cast %get3A_169 : vector<1x16xf32> to vector<16xf32>
        %get3A_171 = arith.index_cast %scan3A_84 : i32 to index
        %get3A_172 = arith.constant 48 : index
        %get3A_173 = tpu.vector_load %arg11[%get3A_171, %get3A_172] {strides = array<i32>} : memref<200x64xf32, #tpu.memory_space<vmem>>, vector<1x16xf32>,
        %get3A_174 = vector.shape_cast %get3A_173 : vector<1x16xf32> to vector<16xf32>
        %add3A_175 = arith.addf %get3A_170, %get3A_174 : vector<16xf32>
        %max3A_176 = arith.constant 0.000000e+00 : f32
        %max3A_177 = vector.broadcast %max3A_176 : f32 to vector<16xf32>
        %max3A_178 = arith.maximumf %add3A_175, %max3A_177 : vector<16xf32>
        %add3A_179 = arith.constant 1.000000e-07 : f32
        %add3A_180 = vector.broadcast %add3A_179 : f32 to vector<16xf32>
        %add3A_181 = arith.addf %max3A_178, %add3A_180 : vector<16xf32>
        %mul3A_182 = arith.mulf %get3A_14, %add3A_181 : vector<16xf32>
        %exp3A_183 = math.exp %mul3A_182 : vector<16xf32>
        %swap3A_184 = arith.index_cast %scan3A_84 : i32 to index
        %swap3A_185 = arith.constant 48 : index
        %swap3A_186 = tpu.vector_load %arg11[%swap3A_184, %swap3A_185] {strides = array<i32>} : memref<200x64xf32, #tpu.memory_space<vmem>>, vector<1x16xf32>,
        %swap3A_187 = vector.shape_cast %swap3A_186 : vector<1x16xf32> to vector<16xf32>
        %swap3A_188 = vector.shape_cast %exp3A_183 : vector<16xf32> to vector<1x16xf32>
        tpu.vector_store %arg11[%swap3A_184, %swap3A_185], %swap3A_188 {strides = array<i32>} : memref<200x64xf32, #tpu.memory_space<vmem>>, vector<1x16xf32>,
        %mul3A_189 = arith.mulf %add3A_181, %exp3A_183 : vector<16xf32>
        %swap3A_190 = arith.index_cast %scan3A_84 : i32 to index
        %swap3A_191 = arith.constant 48 : index
        %swap3A_192 = tpu.vector_load %arg10[%swap3A_190, %swap3A_191] {strides = array<i32>} : memref<200x64xf32, #tpu.memory_space<vmem>>, vector<1x16xf32>,
        %swap3A_193 = vector.shape_cast %swap3A_192 : vector<1x16xf32> to vector<16xf32>
        %swap3A_194 = vector.shape_cast %mul3A_189 : vector<16xf32> to vector<1x16xf32>
        tpu.vector_store %arg10[%swap3A_190, %swap3A_191], %swap3A_194 {strides = array<i32>} : memref<200x64xf32, #tpu.memory_space<vmem>>, vector<1x16xf32>,
        %scan3A_195 = arith.constant 0 : i32
        scf.yield %scan3A_195 : i32
      }
      %scan3A_82 = arith.constant 200 : i32
      "tpu.region"() ({
        %run_scoped3A = tpu.sem_alloc : memref<!tpu.dma_semaphore, #tpu.memory_space<semaphore_mem>>
        %dma_start3A_84 = arith.constant 0 : i32
        %dma_start3A_85 = arith.constant 0 : i32
        %dma_start3A_86 = tpu.memref_slice %arg14[%dma_start3A_84, %dma_start3A_85] : memref<10000x64xf32, #tpu.memory_space<vmem_shared>> -> memref<10000x64xf32, #tpu.memory_space<vmem_shared>>
        tpu.enqueue_indirect_dma source(%arg11 : memref<200x64xf32, #tpu.memory_space<vmem>>) target(%dma_start3A_86 : memref<10000x64xf32, #tpu.memory_space<vmem_shared>>) offsets(%arg9 : memref<200xi32, #tpu.memory_space<vmem>>) semaphore(%run_scoped3A : memref<!tpu.dma_semaphore, #tpu.memory_space<semaphore_mem>>) {add = true}
        %dma_wait3A_87 = arith.constant 0 : i32
        %dma_wait3A_88 = arith.constant 0 : i32
        %dma_wait3A_89 = tpu.memref_slice %arg14[%dma_wait3A_87, %dma_wait3A_88] : memref<10000x64xf32, #tpu.memory_space<vmem_shared>> -> memref<10000x64xf32, #tpu.memory_space<vmem_shared>>
        tpu.wait_indirect_dma semaphore(%run_scoped3A : memref<!tpu.dma_semaphore, #tpu.memory_space<semaphore_mem>>) src(%arg11 : memref<200x64xf32, #tpu.memory_space<vmem>>) dst(%dma_wait3A_89 : memref<10000x64xf32, #tpu.memory_space<vmem_shared>>)
        tpu.yield
      }) : () -> ()
      "tpu.region"() ({
        %run_scoped3A = tpu.sem_alloc : memref<!tpu.dma_semaphore, #tpu.memory_space<semaphore_mem>>
        %dma_start3A_84 = arith.constant 0 : i32
        %dma_start3A_85 = arith.constant 0 : i32
        %dma_start3A_86 = tpu.memref_slice %arg13[%dma_start3A_84, %dma_start3A_85] : memref<10000x64xf32, #tpu.memory_space<vmem_shared>> -> memref<10000x64xf32, #tpu.memory_space<vmem_shared>>
        tpu.enqueue_indirect_dma source(%arg10 : memref<200x64xf32, #tpu.memory_space<vmem>>) target(%dma_start3A_86 : memref<10000x64xf32, #tpu.memory_space<vmem_shared>>) offsets(%arg9 : memref<200xi32, #tpu.memory_space<vmem>>) semaphore(%run_scoped3A : memref<!tpu.dma_semaphore, #tpu.memory_space<semaphore_mem>>) {add = true}
        %dma_wait3A_87 = arith.constant 0 : i32
        %dma_wait3A_88 = arith.constant 0 : i32
        %dma_wait3A_89 = tpu.memref_slice %arg13[%dma_wait3A_87, %dma_wait3A_88] : memref<10000x64xf32, #tpu.memory_space<vmem_shared>> -> memref<10000x64xf32, #tpu.memory_space<vmem_shared>>
        tpu.wait_indirect_dma semaphore(%run_scoped3A : memref<!tpu.dma_semaphore, #tpu.memory_space<semaphore_mem>>) src(%arg10 : memref<200x64xf32, #tpu.memory_space<vmem>>) dst(%dma_wait3A_89 : memref<10000x64xf32, #tpu.memory_space<vmem_shared>>)
        tpu.yield
      }) : () -> ()
      %scan3A_83 = arith.constant 0 : i32
      scf.yield %scan3A_83 : i32
    }
    %scan3A_23 = arith.constant 100 : i32
    %barrier3A_24 = arith.constant 0 : index
    tpu.barrier barrier_id(%barrier3A_24)
    %add3A_25 = arith.constant 0 : i32
    %add3A_26 = arith.addi %multiple_of3A, %add3A_25 : i32
    "tpu.region"() ({
      %run_scoped3A = tpu.sem_alloc : memref<!tpu.dma_semaphore, #tpu.memory_space<semaphore_mem>>
      %dma_start3A = arith.constant 0 : i32
      %dma_start3A_55 = arith.constant 0 : i32
      %dma_start3A_56 = tpu.memref_slice %arg10[%dma_start3A, %dma_start3A_55] : memref<200x64xf32, #tpu.memory_space<vmem>> -> memref<200x64xf32, #tpu.memory_space<vmem>>
      %dma_start3A_57 = arith.constant 0 : i32
      %dma_start3A_58 = tpu.memref_slice %arg13[%add3A_26, %dma_start3A_57] : memref<10000x64xf32, #tpu.memory_space<vmem_shared>> -> memref<200x64xf32, #tpu.memory_space<vmem_shared>>
      %dma_start3A_59 = arith.constant 0 : i32
      %dma_start3A_60 = arith.constant 0 : i32
      %dma_start3A_61 = tpu.memref_slice %arg10[%dma_start3A_59, %dma_start3A_60] : memref<200x64xf32, #tpu.memory_space<vmem>> -> memref<200x64xf32, #tpu.memory_space<vmem>>
      %dma_start3A_62 = arith.constant 0 : i32
      %dma_start3A_63 = tpu.memref_slice %arg13[%add3A_26, %dma_start3A_62] : memref<10000x64xf32, #tpu.memory_space<vmem_shared>> -> memref<200x64xf32, #tpu.memory_space<vmem_shared>>
      tpu.enqueue_dma source(%dma_start3A_63 : memref<200x64xf32, #tpu.memory_space<vmem_shared>>) target(%dma_start3A_61 : memref<200x64xf32, #tpu.memory_space<vmem>>) target_semaphore(%run_scoped3A : memref<!tpu.dma_semaphore, #tpu.memory_space<semaphore_mem>>)
      %dma_wait3A = arith.constant 0 : i32
      %dma_wait3A_64 = arith.constant 0 : i32
      %dma_wait3A_65 = tpu.memref_slice %arg10[%dma_wait3A, %dma_wait3A_64] : memref<200x64xf32, #tpu.memory_space<vmem>> -> memref<200x64xf32, #tpu.memory_space<vmem>>
      %dma_wait3A_66 = arith.constant 0 : i32
      %dma_wait3A_67 = tpu.memref_slice %arg13[%add3A_26, %dma_wait3A_66] : memref<10000x64xf32, #tpu.memory_space<vmem_shared>> -> memref<200x64xf32, #tpu.memory_space<vmem_shared>>
      %dma_wait3A_68 = arith.constant 0 : i32
      %dma_wait3A_69 = arith.constant 0 : i32
      %dma_wait3A_70 = tpu.memref_slice %arg10[%dma_wait3A_68, %dma_wait3A_69] : memref<200x64xf32, #tpu.memory_space<vmem>> -> memref<200x64xf32, #tpu.memory_space<vmem>>
      %dma_wait3A_71 = arith.constant 0 : i32
      %dma_wait3A_72 = tpu.memref_slice %arg13[%add3A_26, %dma_wait3A_71] : memref<10000x64xf32, #tpu.memory_space<vmem_shared>> -> memref<200x64xf32, #tpu.memory_space<vmem_shared>>
      tpu.wait_dma2 semaphore(%run_scoped3A : memref<!tpu.dma_semaphore, #tpu.memory_space<semaphore_mem>>) src(%dma_wait3A_72 : memref<200x64xf32, #tpu.memory_space<vmem_shared>>) dst(%dma_wait3A_70 : memref<200x64xf32, #tpu.memory_space<vmem>>)
      tpu.yield
    }) : () -> ()
    %add3A_27 = arith.constant 0 : i32
    %add3A_28 = arith.addi %multiple_of3A, %add3A_27 : i32
    "tpu.region"() ({
      %run_scoped3A = tpu.sem_alloc : memref<!tpu.dma_semaphore, #tpu.memory_space<semaphore_mem>>
      %dma_start3A = arith.constant 0 : i32
      %dma_start3A_55 = arith.constant 0 : i32
      %dma_start3A_56 = tpu.memref_slice %arg11[%dma_start3A, %dma_start3A_55] : memref<200x64xf32, #tpu.memory_space<vmem>> -> memref<200x64xf32, #tpu.memory_space<vmem>>
      %dma_start3A_57 = arith.constant 0 : i32
      %dma_start3A_58 = tpu.memref_slice %arg14[%add3A_28, %dma_start3A_57] : memref<10000x64xf32, #tpu.memory_space<vmem_shared>> -> memref<200x64xf32, #tpu.memory_space<vmem_shared>>
      %dma_start3A_59 = arith.constant 0 : i32
      %dma_start3A_60 = arith.constant 0 : i32
      %dma_start3A_61 = tpu.memref_slice %arg11[%dma_start3A_59, %dma_start3A_60] : memref<200x64xf32, #tpu.memory_space<vmem>> -> memref<200x64xf32, #tpu.memory_space<vmem>>
      %dma_start3A_62 = arith.constant 0 : i32
      %dma_start3A_63 = tpu.memref_slice %arg14[%add3A_28, %dma_start3A_62] : memref<10000x64xf32, #tpu.memory_space<vmem_shared>> -> memref<200x64xf32, #tpu.memory_space<vmem_shared>>
      tpu.enqueue_dma source(%dma_start3A_63 : memref<200x64xf32, #tpu.memory_space<vmem_shared>>) target(%dma_start3A_61 : memref<200x64xf32, #tpu.memory_space<vmem>>) target_semaphore(%run_scoped3A : memref<!tpu.dma_semaphore, #tpu.memory_space<semaphore_mem>>)
      %dma_wait3A = arith.constant 0 : i32
      %dma_wait3A_64 = arith.constant 0 : i32
      %dma_wait3A_65 = tpu.memref_slice %arg11[%dma_wait3A, %dma_wait3A_64] : memref<200x64xf32, #tpu.memory_space<vmem>> -> memref<200x64xf32, #tpu.memory_space<vmem>>
      %dma_wait3A_66 = arith.constant 0 : i32
      %dma_wait3A_67 = tpu.memref_slice %arg14[%add3A_28, %dma_wait3A_66] : memref<10000x64xf32, #tpu.memory_space<vmem_shared>> -> memref<200x64xf32, #tpu.memory_space<vmem_shared>>
      %dma_wait3A_68 = arith.constant 0 : i32
      %dma_wait3A_69 = arith.constant 0 : i32
      %dma_wait3A_70 = tpu.memref_slice %arg11[%dma_wait3A_68, %dma_wait3A_69] : memref<200x64xf32, #tpu.memory_space<vmem>> -> memref<200x64xf32, #tpu.memory_space<vmem>>
      %dma_wait3A_71 = arith.constant 0 : i32
      %dma_wait3A_72 = tpu.memref_slice %arg14[%add3A_28, %dma_wait3A_71] : memref<10000x64xf32, #tpu.memory_space<vmem_shared>> -> memref<200x64xf32, #tpu.memory_space<vmem_shared>>
      tpu.wait_dma2 semaphore(%run_scoped3A : memref<!tpu.dma_semaphore, #tpu.memory_space<semaphore_mem>>) src(%dma_wait3A_72 : memref<200x64xf32, #tpu.memory_space<vmem_shared>>) dst(%dma_wait3A_70 : memref<200x64xf32, #tpu.memory_space<vmem>>)
      tpu.yield
    }) : () -> ()
    %scan3A_29 = arith.constant 0 : i32
    %scan3A_30 = arith.constant 0 : i32
    %scan3A_31 = arith.constant 200 : i32
    %scan3A_32 = arith.addi %scan3A_30, %scan3A_31 : i32
    %scan3A_33 = arith.constant 1 : i32
    %scan3A_34 = scf.for %scan3A_55 = %scan3A_30 to %scan3A_32 step %scan3A_33 iter_args(%scan3A_56 = %scan3A_29) -> (i32)  : i32 {
      %get3A_57 = arith.index_cast %scan3A_55 : i32 to index
      %get3A_58 = arith.constant 0 : index
      %get3A_59 = tpu.vector_load %arg10[%get3A_57, %get3A_58] {strides = array<i32>} : memref<200x64xf32, #tpu.memory_space<vmem>>, vector<1x16xf32>,
      %get3A_60 = vector.shape_cast %get3A_59 : vector<1x16xf32> to vector<16xf32>
      %get3A_61 = arith.index_cast %scan3A_55 : i32 to index
      %get3A_62 = arith.constant 0 : index
      %get3A_63 = tpu.vector_load %arg11[%get3A_61, %get3A_62] {strides = array<i32>} : memref<200x64xf32, #tpu.memory_space<vmem>>, vector<1x16xf32>,
      %get3A_64 = vector.shape_cast %get3A_63 : vector<1x16xf32> to vector<16xf32>
      %add3A_65 = arith.constant 1.000000e-16 : f32
      %add3A_66 = vector.broadcast %add3A_65 : f32 to vector<16xf32>
      %add3A_67 = arith.addf %get3A_64, %add3A_66 : vector<16xf32>
      %div3A = arith.divf %get3A_60, %add3A_67 : vector<16xf32>
      %swap3A = arith.index_cast %scan3A_55 : i32 to index
      %swap3A_68 = arith.constant 0 : index
      %swap3A_69 = tpu.vector_load %arg10[%swap3A, %swap3A_68] {strides = array<i32>} : memref<200x64xf32, #tpu.memory_space<vmem>>, vector<1x16xf32>,
      %swap3A_70 = vector.shape_cast %swap3A_69 : vector<1x16xf32> to vector<16xf32>
      %swap3A_71 = vector.shape_cast %div3A : vector<16xf32> to vector<1x16xf32>
      tpu.vector_store %arg10[%swap3A, %swap3A_68], %swap3A_71 {strides = array<i32>} : memref<200x64xf32, #tpu.memory_space<vmem>>, vector<1x16xf32>,
      %get3A_72 = arith.index_cast %scan3A_55 : i32 to index
      %get3A_73 = arith.constant 16 : index
      %get3A_74 = tpu.vector_load %arg10[%get3A_72, %get3A_73] {strides = array<i32>} : memref<200x64xf32, #tpu.memory_space<vmem>>, vector<1x16xf32>,
      %get3A_75 = vector.shape_cast %get3A_74 : vector<1x16xf32> to vector<16xf32>
      %get3A_76 = arith.index_cast %scan3A_55 : i32 to index
      %get3A_77 = arith.constant 16 : index
      %get3A_78 = tpu.vector_load %arg11[%get3A_76, %get3A_77] {strides = array<i32>} : memref<200x64xf32, #tpu.memory_space<vmem>>, vector<1x16xf32>,
      %get3A_79 = vector.shape_cast %get3A_78 : vector<1x16xf32> to vector<16xf32>
      %add3A_80 = arith.constant 1.000000e-16 : f32
      %add3A_81 = vector.broadcast %add3A_80 : f32 to vector<16xf32>
      %add3A_82 = arith.addf %get3A_79, %add3A_81 : vector<16xf32>
      %div3A_83 = arith.divf %get3A_75, %add3A_82 : vector<16xf32>
      %swap3A_84 = arith.index_cast %scan3A_55 : i32 to index
      %swap3A_85 = arith.constant 16 : index
      %swap3A_86 = tpu.vector_load %arg10[%swap3A_84, %swap3A_85] {strides = array<i32>} : memref<200x64xf32, #tpu.memory_space<vmem>>, vector<1x16xf32>,
      %swap3A_87 = vector.shape_cast %swap3A_86 : vector<1x16xf32> to vector<16xf32>
      %swap3A_88 = vector.shape_cast %div3A_83 : vector<16xf32> to vector<1x16xf32>
      tpu.vector_store %arg10[%swap3A_84, %swap3A_85], %swap3A_88 {strides = array<i32>} : memref<200x64xf32, #tpu.memory_space<vmem>>, vector<1x16xf32>,
      %get3A_89 = arith.index_cast %scan3A_55 : i32 to index
      %get3A_90 = arith.constant 32 : index
      %get3A_91 = tpu.vector_load %arg10[%get3A_89, %get3A_90] {strides = array<i32>} : memref<200x64xf32, #tpu.memory_space<vmem>>, vector<1x16xf32>,
      %get3A_92 = vector.shape_cast %get3A_91 : vector<1x16xf32> to vector<16xf32>
      %get3A_93 = arith.index_cast %scan3A_55 : i32 to index
      %get3A_94 = arith.constant 32 : index
      %get3A_95 = tpu.vector_load %arg11[%get3A_93, %get3A_94] {strides = array<i32>} : memref<200x64xf32, #tpu.memory_space<vmem>>, vector<1x16xf32>,
      %get3A_96 = vector.shape_cast %get3A_95 : vector<1x16xf32> to vector<16xf32>
      %add3A_97 = arith.constant 1.000000e-16 : f32
      %add3A_98 = vector.broadcast %add3A_97 : f32 to vector<16xf32>
      %add3A_99 = arith.addf %get3A_96, %add3A_98 : vector<16xf32>
      %div3A_100 = arith.divf %get3A_92, %add3A_99 : vector<16xf32>
      %swap3A_101 = arith.index_cast %scan3A_55 : i32 to index
      %swap3A_102 = arith.constant 32 : index
      %swap3A_103 = tpu.vector_load %arg10[%swap3A_101, %swap3A_102] {strides = array<i32>} : memref<200x64xf32, #tpu.memory_space<vmem>>, vector<1x16xf32>,
      %swap3A_104 = vector.shape_cast %swap3A_103 : vector<1x16xf32> to vector<16xf32>
      %swap3A_105 = vector.shape_cast %div3A_100 : vector<16xf32> to vector<1x16xf32>
      tpu.vector_store %arg10[%swap3A_101, %swap3A_102], %swap3A_105 {strides = array<i32>} : memref<200x64xf32, #tpu.memory_space<vmem>>, vector<1x16xf32>,
      %get3A_106 = arith.index_cast %scan3A_55 : i32 to index
      %get3A_107 = arith.constant 48 : index
      %get3A_108 = tpu.vector_load %arg10[%get3A_106, %get3A_107] {strides = array<i32>} : memref<200x64xf32, #tpu.memory_space<vmem>>, vector<1x16xf32>,
      %get3A_109 = vector.shape_cast %get3A_108 : vector<1x16xf32> to vector<16xf32>
      %get3A_110 = arith.index_cast %scan3A_55 : i32 to index
      %get3A_111 = arith.constant 48 : index
      %get3A_112 = tpu.vector_load %arg11[%get3A_110, %get3A_111] {strides = array<i32>} : memref<200x64xf32, #tpu.memory_space<vmem>>, vector<1x16xf32>,
      %get3A_113 = vector.shape_cast %get3A_112 : vector<1x16xf32> to vector<16xf32>
      %add3A_114 = arith.constant 1.000000e-16 : f32
      %add3A_115 = vector.broadcast %add3A_114 : f32 to vector<16xf32>
      %add3A_116 = arith.addf %get3A_113, %add3A_115 : vector<16xf32>
      %div3A_117 = arith.divf %get3A_109, %add3A_116 : vector<16xf32>
      %swap3A_118 = arith.index_cast %scan3A_55 : i32 to index
      %swap3A_119 = arith.constant 48 : index
      %swap3A_120 = tpu.vector_load %arg10[%swap3A_118, %swap3A_119] {strides = array<i32>} : memref<200x64xf32, #tpu.memory_space<vmem>>, vector<1x16xf32>,
      %swap3A_121 = vector.shape_cast %swap3A_120 : vector<1x16xf32> to vector<16xf32>
      %swap3A_122 = vector.shape_cast %div3A_117 : vector<16xf32> to vector<1x16xf32>
      tpu.vector_store %arg10[%swap3A_118, %swap3A_119], %swap3A_122 {strides = array<i32>} : memref<200x64xf32, #tpu.memory_space<vmem>>, vector<1x16xf32>,
      %scan3A_123 = arith.constant 0 : i32
      scf.yield %scan3A_123 : i32
    }
    %scan3A_35 = arith.constant 200 : i32
    %add3A_36 = arith.addi %mul3A_0, %multiple_of3A : i32
    %add3A_37 = arith.constant 0 : i32
    %add3A_38 = arith.addi %add3A_36, %add3A_37 : i32
    %multiple_of3A_39 = tpu.assume_multiple %add3A_38, 8 : i32
    "tpu.region"() ({
      %run_scoped3A = tpu.sem_alloc : memref<!tpu.dma_semaphore, #tpu.memory_space<semaphore_mem>>
      %dma_start3A = arith.constant 0 : i32
      %dma_start3A_55 = arith.constant 0 : i32
      %dma_start3A_56 = tpu.memref_slice %arg10[%dma_start3A, %dma_start3A_55] : memref<200x64xf32, #tpu.memory_space<vmem>> -> memref<200x64xf32, #tpu.memory_space<vmem>>
      %dma_start3A_57 = arith.constant 0 : i32
      %dma_start3A_58 = tpu.memref_slice %arg7[%multiple_of3A_39, %dma_start3A_57] : memref<20000x64xf32, #tpu.memory_space<hbm>> -> memref<200x64xf32, #tpu.memory_space<hbm>>
      %dma_start3A_59 = arith.constant 0 : i32
      %dma_start3A_60 = tpu.memref_slice %arg7[%multiple_of3A_39, %dma_start3A_59] : memref<20000x64xf32, #tpu.memory_space<hbm>> -> memref<200x64xf32, #tpu.memory_space<hbm>>
      %dma_start3A_61 = arith.constant 0 : i32
      %dma_start3A_62 = arith.constant 0 : i32
      %dma_start3A_63 = tpu.memref_slice %arg10[%dma_start3A_61, %dma_start3A_62] : memref<200x64xf32, #tpu.memory_space<vmem>> -> memref<200x64xf32, #tpu.memory_space<vmem>>
      tpu.enqueue_dma source(%dma_start3A_63 : memref<200x64xf32, #tpu.memory_space<vmem>>) target(%dma_start3A_60 : memref<200x64xf32, #tpu.memory_space<hbm>>) target_semaphore(%run_scoped3A : memref<!tpu.dma_semaphore, #tpu.memory_space<semaphore_mem>>)
      %dma_wait3A = arith.constant 0 : i32
      %dma_wait3A_64 = arith.constant 0 : i32
      %dma_wait3A_65 = tpu.memref_slice %arg10[%dma_wait3A, %dma_wait3A_64] : memref<200x64xf32, #tpu.memory_space<vmem>> -> memref<200x64xf32, #tpu.memory_space<vmem>>
      %dma_wait3A_66 = arith.constant 0 : i32
      %dma_wait3A_67 = tpu.memref_slice %arg7[%multiple_of3A_39, %dma_wait3A_66] : memref<20000x64xf32, #tpu.memory_space<hbm>> -> memref<200x64xf32, #tpu.memory_space<hbm>>
      %dma_wait3A_68 = arith.constant 0 : i32
      %dma_wait3A_69 = tpu.memref_slice %arg7[%multiple_of3A_39, %dma_wait3A_68] : memref<20000x64xf32, #tpu.memory_space<hbm>> -> memref<200x64xf32, #tpu.memory_space<hbm>>
      %dma_wait3A_70 = arith.constant 0 : i32
      %dma_wait3A_71 = arith.constant 0 : i32
      %dma_wait3A_72 = tpu.memref_slice %arg10[%dma_wait3A_70, %dma_wait3A_71] : memref<200x64xf32, #tpu.memory_space<vmem>> -> memref<200x64xf32, #tpu.memory_space<vmem>>
      tpu.wait_dma2 semaphore(%run_scoped3A : memref<!tpu.dma_semaphore, #tpu.memory_space<semaphore_mem>>) src(%dma_wait3A_72 : memref<200x64xf32, #tpu.memory_space<vmem>>) dst(%dma_wait3A_69 : memref<200x64xf32, #tpu.memory_space<hbm>>)
      tpu.yield
    }) : () -> ()
    %add3A_40 = arith.constant 200 : i32
    %add3A_41 = arith.addi %multiple_of3A, %add3A_40 : i32
    "tpu.region"() ({
      %run_scoped3A = tpu.sem_alloc : memref<!tpu.dma_semaphore, #tpu.memory_space<semaphore_mem>>
      %dma_start3A = arith.constant 0 : i32
      %dma_start3A_55 = arith.constant 0 : i32
      %dma_start3A_56 = tpu.memref_slice %arg10[%dma_start3A, %dma_start3A_55] : memref<200x64xf32, #tpu.memory_space<vmem>> -> memref<440x64xf32, #tpu.memory_space<vmem>>
      %dma_start3A_57 = arith.constant 0 : i32
      %dma_start3A_58 = tpu.memref_slice %arg13[%add3A_41, %dma_start3A_57] : memref<10000x64xf32, #tpu.memory_space<vmem_shared>> -> memref<440x64xf32, #tpu.memory_space<vmem_shared>>
      %dma_start3A_59 = arith.constant 0 : i32
      %dma_start3A_60 = arith.constant 0 : i32
      %dma_start3A_61 = tpu.memref_slice %arg10[%dma_start3A_59, %dma_start3A_60] : memref<200x64xf32, #tpu.memory_space<vmem>> -> memref<440x64xf32, #tpu.memory_space<vmem>>
      %dma_start3A_62 = arith.constant 0 : i32
      %dma_start3A_63 = tpu.memref_slice %arg13[%add3A_41, %dma_start3A_62] : memref<10000x64xf32, #tpu.memory_space<vmem_shared>> -> memref<440x64xf32, #tpu.memory_space<vmem_shared>>
      tpu.enqueue_dma source(%dma_start3A_63 : memref<440x64xf32, #tpu.memory_space<vmem_shared>>) target(%dma_start3A_61 : memref<440x64xf32, #tpu.memory_space<vmem>>) target_semaphore(%run_scoped3A : memref<!tpu.dma_semaphore, #tpu.memory_space<semaphore_mem>>)
      %dma_wait3A = arith.constant 0 : i32
      %dma_wait3A_64 = arith.constant 0 : i32
      %dma_wait3A_65 = tpu.memref_slice %arg10[%dma_wait3A, %dma_wait3A_64] : memref<200x64xf32, #tpu.memory_space<vmem>> -> memref<440x64xf32, #tpu.memory_space<vmem>>
      %dma_wait3A_66 = arith.constant 0 : i32
      %dma_wait3A_67 = tpu.memref_slice %arg13[%add3A_41, %dma_wait3A_66] : memref<10000x64xf32, #tpu.memory_space<vmem_shared>> -> memref<440x64xf32, #tpu.memory_space<vmem_shared>>
      %dma_wait3A_68 = arith.constant 0 : i32
      %dma_wait3A_69 = arith.constant 0 : i32
      %dma_wait3A_70 = tpu.memref_slice %arg10[%dma_wait3A_68, %dma_wait3A_69] : memref<200x64xf32, #tpu.memory_space<vmem>> -> memref<440x64xf32, #tpu.memory_space<vmem>>
      %dma_wait3A_71 = arith.constant 0 : i32
      %dma_wait3A_72 = tpu.memref_slice %arg13[%add3A_41, %dma_wait3A_71] : memref<10000x64xf32, #tpu.memory_space<vmem_shared>> -> memref<440x64xf32, #tpu.memory_space<vmem_shared>>
      tpu.wait_dma2 semaphore(%run_scoped3A : memref<!tpu.dma_semaphore, #tpu.memory_space<semaphore_mem>>) src(%dma_wait3A_72 : memref<440x64xf32, #tpu.memory_space<vmem_shared>>) dst(%dma_wait3A_70 : memref<440x64xf32, #tpu.memory_space<vmem>>)
      tpu.yield
    }) : () -> ()
    %add3A_42 = arith.constant 200 : i32
    %add3A_43 = arith.addi %multiple_of3A, %add3A_42 : i32
    "tpu.region"() ({
      %run_scoped3A = tpu.sem_alloc : memref<!tpu.dma_semaphore, #tpu.memory_space<semaphore_mem>>
      %dma_start3A = arith.constant 0 : i32
      %dma_start3A_55 = arith.constant 0 : i32
      %dma_start3A_56 = tpu.memref_slice %arg11[%dma_start3A, %dma_start3A_55] : memref<200x64xf32, #tpu.memory_space<vmem>> -> memref<440x64xf32, #tpu.memory_space<vmem>>
      %dma_start3A_57 = arith.constant 0 : i32
      %dma_start3A_58 = tpu.memref_slice %arg14[%add3A_43, %dma_start3A_57] : memref<10000x64xf32, #tpu.memory_space<vmem_shared>> -> memref<440x64xf32, #tpu.memory_space<vmem_shared>>
      %dma_start3A_59 = arith.constant 0 : i32
      %dma_start3A_60 = arith.constant 0 : i32
      %dma_start3A_61 = tpu.memref_slice %arg11[%dma_start3A_59, %dma_start3A_60] : memref<200x64xf32, #tpu.memory_space<vmem>> -> memref<440x64xf32, #tpu.memory_space<vmem>>
      %dma_start3A_62 = arith.constant 0 : i32
      %dma_start3A_63 = tpu.memref_slice %arg14[%add3A_43, %dma_start3A_62] : memref<10000x64xf32, #tpu.memory_space<vmem_shared>> -> memref<440x64xf32, #tpu.memory_space<vmem_shared>>
      tpu.enqueue_dma source(%dma_start3A_63 : memref<440x64xf32, #tpu.memory_space<vmem_shared>>) target(%dma_start3A_61 : memref<440x64xf32, #tpu.memory_space<vmem>>) target_semaphore(%run_scoped3A : memref<!tpu.dma_semaphore, #tpu.memory_space<semaphore_mem>>)
      %dma_wait3A = arith.constant 0 : i32
      %dma_wait3A_64 = arith.constant 0 : i32
      %dma_wait3A_65 = tpu.memref_slice %arg11[%dma_wait3A, %dma_wait3A_64] : memref<200x64xf32, #tpu.memory_space<vmem>> -> memref<440x64xf32, #tpu.memory_space<vmem>>
      %dma_wait3A_66 = arith.constant 0 : i32
      %dma_wait3A_67 = tpu.memref_slice %arg14[%add3A_43, %dma_wait3A_66] : memref<10000x64xf32, #tpu.memory_space<vmem_shared>> -> memref<440x64xf32, #tpu.memory_space<vmem_shared>>
      %dma_wait3A_68 = arith.constant 0 : i32
      %dma_wait3A_69 = arith.constant 0 : i32
      %dma_wait3A_70 = tpu.memref_slice %arg11[%dma_wait3A_68, %dma_wait3A_69] : memref<200x64xf32, #tpu.memory_space<vmem>> -> memref<440x64xf32, #tpu.memory_space<vmem>>
      %dma_wait3A_71 = arith.constant 0 : i32
      %dma_wait3A_72 = tpu.memref_slice %arg14[%add3A_43, %dma_wait3A_71] : memref<10000x64xf32, #tpu.memory_space<vmem_shared>> -> memref<440x64xf32, #tpu.memory_space<vmem_shared>>
      tpu.wait_dma2 semaphore(%run_scoped3A : memref<!tpu.dma_semaphore, #tpu.memory_space<semaphore_mem>>) src(%dma_wait3A_72 : memref<440x64xf32, #tpu.memory_space<vmem_shared>>) dst(%dma_wait3A_70 : memref<440x64xf32, #tpu.memory_space<vmem>>)
      tpu.yield
    }) : () -> ()
    %scan3A_44 = arith.constant 0 : i32
    %scan3A_45 = arith.constant 0 : i32
    %scan3A_46 = arith.constant 440 : i32
    %scan3A_47 = arith.addi %scan3A_45, %scan3A_46 : i32
    %scan3A_48 = arith.constant 1 : i32
    %scan3A_49 = scf.for %scan3A_55 = %scan3A_45 to %scan3A_47 step %scan3A_48 iter_args(%scan3A_56 = %scan3A_44) -> (i32)  : i32 {
      %get3A_57 = arith.index_cast %scan3A_55 : i32 to index
      %get3A_58 = arith.constant 0 : index
      %get3A_59 = tpu.vector_load %arg10[%get3A_57, %get3A_58] {strides = array<i32>} : memref<200x64xf32, #tpu.memory_space<vmem>>, vector<1x16xf32>,
      %get3A_60 = vector.shape_cast %get3A_59 : vector<1x16xf32> to vector<16xf32>
      %get3A_61 = arith.index_cast %scan3A_55 : i32 to index
      %get3A_62 = arith.constant 0 : index
      %get3A_63 = tpu.vector_load %arg11[%get3A_61, %get3A_62] {strides = array<i32>} : memref<200x64xf32, #tpu.memory_space<vmem>>, vector<1x16xf32>,
      %get3A_64 = vector.shape_cast %get3A_63 : vector<1x16xf32> to vector<16xf32>
      %add3A_65 = arith.constant 1.000000e-16 : f32
      %add3A_66 = vector.broadcast %add3A_65 : f32 to vector<16xf32>
      %add3A_67 = arith.addf %get3A_64, %add3A_66 : vector<16xf32>
      %div3A = arith.divf %get3A_60, %add3A_67 : vector<16xf32>
      %swap3A = arith.index_cast %scan3A_55 : i32 to index
      %swap3A_68 = arith.constant 0 : index
      %swap3A_69 = tpu.vector_load %arg10[%swap3A, %swap3A_68] {strides = array<i32>} : memref<200x64xf32, #tpu.memory_space<vmem>>, vector<1x16xf32>,
      %swap3A_70 = vector.shape_cast %swap3A_69 : vector<1x16xf32> to vector<16xf32>
      %swap3A_71 = vector.shape_cast %div3A : vector<16xf32> to vector<1x16xf32>
      tpu.vector_store %arg10[%swap3A, %swap3A_68], %swap3A_71 {strides = array<i32>} : memref<200x64xf32, #tpu.memory_space<vmem>>, vector<1x16xf32>,
      %get3A_72 = arith.index_cast %scan3A_55 : i32 to index
      %get3A_73 = arith.constant 16 : index
      %get3A_74 = tpu.vector_load %arg10[%get3A_72, %get3A_73] {strides = array<i32>} : memref<200x64xf32, #tpu.memory_space<vmem>>, vector<1x16xf32>,
      %get3A_75 = vector.shape_cast %get3A_74 : vector<1x16xf32> to vector<16xf32>
      %get3A_76 = arith.index_cast %scan3A_55 : i32 to index
      %get3A_77 = arith.constant 16 : index
      %get3A_78 = tpu.vector_load %arg11[%get3A_76, %get3A_77] {strides = array<i32>} : memref<200x64xf32, #tpu.memory_space<vmem>>, vector<1x16xf32>,
      %get3A_79 = vector.shape_cast %get3A_78 : vector<1x16xf32> to vector<16xf32>
      %add3A_80 = arith.constant 1.000000e-16 : f32
      %add3A_81 = vector.broadcast %add3A_80 : f32 to vector<16xf32>
      %add3A_82 = arith.addf %get3A_79, %add3A_81 : vector<16xf32>
      %div3A_83 = arith.divf %get3A_75, %add3A_82 : vector<16xf32>
      %swap3A_84 = arith.index_cast %scan3A_55 : i32 to index
      %swap3A_85 = arith.constant 16 : index
      %swap3A_86 = tpu.vector_load %arg10[%swap3A_84, %swap3A_85] {strides = array<i32>} : memref<200x64xf32, #tpu.memory_space<vmem>>, vector<1x16xf32>,
      %swap3A_87 = vector.shape_cast %swap3A_86 : vector<1x16xf32> to vector<16xf32>
      %swap3A_88 = vector.shape_cast %div3A_83 : vector<16xf32> to vector<1x16xf32>
      tpu.vector_store %arg10[%swap3A_84, %swap3A_85], %swap3A_88 {strides = array<i32>} : memref<200x64xf32, #tpu.memory_space<vmem>>, vector<1x16xf32>,
      %get3A_89 = arith.index_cast %scan3A_55 : i32 to index
      %get3A_90 = arith.constant 32 : index
      %get3A_91 = tpu.vector_load %arg10[%get3A_89, %get3A_90] {strides = array<i32>} : memref<200x64xf32, #tpu.memory_space<vmem>>, vector<1x16xf32>,
      %get3A_92 = vector.shape_cast %get3A_91 : vector<1x16xf32> to vector<16xf32>
      %get3A_93 = arith.index_cast %scan3A_55 : i32 to index
      %get3A_94 = arith.constant 32 : index
      %get3A_95 = tpu.vector_load %arg11[%get3A_93, %get3A_94] {strides = array<i32>} : memref<200x64xf32, #tpu.memory_space<vmem>>, vector<1x16xf32>,
      %get3A_96 = vector.shape_cast %get3A_95 : vector<1x16xf32> to vector<16xf32>
      %add3A_97 = arith.constant 1.000000e-16 : f32
      %add3A_98 = vector.broadcast %add3A_97 : f32 to vector<16xf32>
      %add3A_99 = arith.addf %get3A_96, %add3A_98 : vector<16xf32>
      %div3A_100 = arith.divf %get3A_92, %add3A_99 : vector<16xf32>
      %swap3A_101 = arith.index_cast %scan3A_55 : i32 to index
      %swap3A_102 = arith.constant 32 : index
      %swap3A_103 = tpu.vector_load %arg10[%swap3A_101, %swap3A_102] {strides = array<i32>} : memref<200x64xf32, #tpu.memory_space<vmem>>, vector<1x16xf32>,
      %swap3A_104 = vector.shape_cast %swap3A_103 : vector<1x16xf32> to vector<16xf32>
      %swap3A_105 = vector.shape_cast %div3A_100 : vector<16xf32> to vector<1x16xf32>
      tpu.vector_store %arg10[%swap3A_101, %swap3A_102], %swap3A_105 {strides = array<i32>} : memref<200x64xf32, #tpu.memory_space<vmem>>, vector<1x16xf32>,
      %get3A_106 = arith.index_cast %scan3A_55 : i32 to index
      %get3A_107 = arith.constant 48 : index
      %get3A_108 = tpu.vector_load %arg10[%get3A_106, %get3A_107] {strides = array<i32>} : memref<200x64xf32, #tpu.memory_space<vmem>>, vector<1x16xf32>,
      %get3A_109 = vector.shape_cast %get3A_108 : vector<1x16xf32> to vector<16xf32>
      %get3A_110 = arith.index_cast %scan3A_55 : i32 to index
      %get3A_111 = arith.constant 48 : index
      %get3A_112 = tpu.vector_load %arg11[%get3A_110, %get3A_111] {strides = array<i32>} : memref<200x64xf32, #tpu.memory_space<vmem>>, vector<1x16xf32>,
      %get3A_113 = vector.shape_cast %get3A_112 : vector<1x16xf32> to vector<16xf32>
      %add3A_114 = arith.constant 1.000000e-16 : f32
      %add3A_115 = vector.broadcast %add3A_114 : f32 to vector<16xf32>
      %add3A_116 = arith.addf %get3A_113, %add3A_115 : vector<16xf32>
      %div3A_117 = arith.divf %get3A_109, %add3A_116 : vector<16xf32>
      %swap3A_118 = arith.index_cast %scan3A_55 : i32 to index
      %swap3A_119 = arith.constant 48 : index
      %swap3A_120 = tpu.vector_load %arg10[%swap3A_118, %swap3A_119] {strides = array<i32>} : memref<200x64xf32, #tpu.memory_space<vmem>>, vector<1x16xf32>,
      %swap3A_121 = vector.shape_cast %swap3A_120 : vector<1x16xf32> to vector<16xf32>
      %swap3A_122 = vector.shape_cast %div3A_117 : vector<16xf32> to vector<1x16xf32>
      tpu.vector_store %arg10[%swap3A_118, %swap3A_119], %swap3A_122 {strides = array<i32>} : memref<200x64xf32, #tpu.memory_space<vmem>>, vector<1x16xf32>,
      %scan3A_123 = arith.constant 0 : i32
      scf.yield %scan3A_123 : i32
    }
    %scan3A_50 = arith.constant 440 : i32
    %add3A_51 = arith.addi %mul3A_0, %multiple_of3A : i32
    %add3A_52 = arith.constant 200 : i32
    %add3A_53 = arith.addi %add3A_51, %add3A_52 : i32
    %multiple_of3A_54 = tpu.assume_multiple %add3A_53, 8 : i32
    "tpu.region"() ({
      %run_scoped3A = tpu.sem_alloc : memref<!tpu.dma_semaphore, #tpu.memory_space<semaphore_mem>>
      %dma_start3A = arith.constant 0 : i32
      %dma_start3A_55 = arith.constant 0 : i32
      %dma_start3A_56 = tpu.memref_slice %arg10[%dma_start3A, %dma_start3A_55] : memref<200x64xf32, #tpu.memory_space<vmem>> -> memref<440x64xf32, #tpu.memory_space<vmem>>
      %dma_start3A_57 = arith.constant 0 : i32
      %dma_start3A_58 = tpu.memref_slice %arg7[%multiple_of3A_54, %dma_start3A_57] : memref<20000x64xf32, #tpu.memory_space<hbm>> -> memref<440x64xf32, #tpu.memory_space<hbm>>
      %dma_start3A_59 = arith.constant 0 : i32
      %dma_start3A_60 = tpu.memref_slice %arg7[%multiple_of3A_54, %dma_start3A_59] : memref<20000x64xf32, #tpu.memory_space<hbm>> -> memref<440x64xf32, #tpu.memory_space<hbm>>
      %dma_start3A_61 = arith.constant 0 : i32
      %dma_start3A_62 = arith.constant 0 : i32
      %dma_start3A_63 = tpu.memref_slice %arg10[%dma_start3A_61, %dma_start3A_62] : memref<200x64xf32, #tpu.memory_space<vmem>> -> memref<440x64xf32, #tpu.memory_space<vmem>>
      tpu.enqueue_dma source(%dma_start3A_63 : memref<440x64xf32, #tpu.memory_space<vmem>>) target(%dma_start3A_60 : memref<440x64xf32, #tpu.memory_space<hbm>>) target_semaphore(%run_scoped3A : memref<!tpu.dma_semaphore, #tpu.memory_space<semaphore_mem>>)
      %dma_wait3A = arith.constant 0 : i32
      %dma_wait3A_64 = arith.constant 0 : i32
      %dma_wait3A_65 = tpu.memref_slice %arg10[%dma_wait3A, %dma_wait3A_64] : memref<200x64xf32, #tpu.memory_space<vmem>> -> memref<440x64xf32, #tpu.memory_space<vmem>>
      %dma_wait3A_66 = arith.constant 0 : i32
      %dma_wait3A_67 = tpu.memref_slice %arg7[%multiple_of3A_54, %dma_wait3A_66] : memref<20000x64xf32, #tpu.memory_space<hbm>> -> memref<440x64xf32, #tpu.memory_space<hbm>>
      %dma_wait3A_68 = arith.constant 0 : i32
      %dma_wait3A_69 = tpu.memref_slice %arg7[%multiple_of3A_54, %dma_wait3A_68] : memref<20000x64xf32, #tpu.memory_space<hbm>> -> memref<440x64xf32, #tpu.memory_space<hbm>>
      %dma_wait3A_70 = arith.constant 0 : i32
      %dma_wait3A_71 = arith.constant 0 : i32
      %dma_wait3A_72 = tpu.memref_slice %arg10[%dma_wait3A_70, %dma_wait3A_71] : memref<200x64xf32, #tpu.memory_space<vmem>> -> memref<440x64xf32, #tpu.memory_space<vmem>>
      tpu.wait_dma2 semaphore(%run_scoped3A : memref<!tpu.dma_semaphore, #tpu.memory_space<semaphore_mem>>) src(%dma_wait3A_72 : memref<440x64xf32, #tpu.memory_space<vmem>>) dst(%dma_wait3A_69 : memref<440x64xf32, #tpu.memory_space<hbm>>)
      tpu.yield
    }) : () -> ()
    return
  }
}

module attributes {stable_mosaic.version = 14 : i64} {
  func.func @_enc_body(%arg0: i32, %arg1: memref<4000x3xf32, #tpu.memory_space<vmem>>, %arg2: memref<3x128xf32, #tpu.memory_space<vmem>>, %arg3: memref<1x128xf32, #tpu.memory_space<vmem>>, %arg4: memref<4000x128xf32, #tpu.memory_space<vmem>>, %arg5: memref<2x4000x64xf32, #tpu.memory_space<vmem>>) attributes {dimension_semantics = [#tpu.dimension_semantics<arbitrary>], iteration_bounds = array<i64: 80>, scalar_prefetch = 0 : i64, scratch_operands = 0 : i64, tpu.core_type = #tpu.core_type<tc>, window_params = [{transform_indices = @transform_0, window_bounds = array<i64: 4000, 3>}, {pipeline_mode = #tpu.pipeline_mode<synchronous>, transform_indices = @transform_1, window_bounds = array<i64: 3, 128>}, {pipeline_mode = #tpu.pipeline_mode<synchronous>, transform_indices = @transform_2, window_bounds = array<i64: 1, 128>}, {transform_indices = @transform_3, window_bounds = array<i64: 4000, 128>}, {transform_indices = @transform_4, window_bounds = array<i64: 2, 4000, 64>}]} {
    %get3A = arith.constant 0 : index
    %get3A_0 = arith.constant 0 : index
    %get3A_1 = vector.load %arg1[%get3A, %get3A_0] : memref<4000x3xf32, #tpu.memory_space<vmem>>, vector<4000x3xf32>
    %get3A_2 = arith.constant 0 : index
    %get3A_3 = arith.constant 0 : index
    %get3A_4 = vector.load %arg2[%get3A_2, %get3A_3] : memref<3x128xf32, #tpu.memory_space<vmem>>, vector<3x128xf32>
    %dot_general3A = arith.constant dense<0.000000e+00> : vector<4000x128xf32>
    %dot_general3A_5 = tpu.matmul %get3A_1, %get3A_4, %dot_general3A {dimension_numbers = #tpu.dot_dimension_numbers<[1], [0], [0], [1], [0, 0, 1, 1], [], []>, transpose_lhs_hint = false} : vector<4000x3xf32>, vector<3x128xf32>, vector<4000x128xf32> -> vector<4000x128xf32>
    %get3A_6 = arith.constant 0 : index
    %get3A_7 = arith.constant 0 : index
    %get3A_8 = vector.load %arg3[%get3A_6, %get3A_7] : memref<1x128xf32, #tpu.memory_space<vmem>>, vector<1x128xf32>
    %add3A = vector.broadcast %get3A_8 : vector<1x128xf32> to vector<4000x128xf32>
    %add3A_9 = arith.addf %dot_general3A_5, %add3A : vector<4000x128xf32>
    %swap3A = arith.constant 0 : index
    %swap3A_10 = arith.constant 0 : index
    %swap3A_11 = vector.load %arg4[%swap3A, %swap3A_10] : memref<4000x128xf32, #tpu.memory_space<vmem>>, vector<4000x128xf32>
    tpu.vector_store %arg4[%swap3A, %swap3A_10], %add3A_9 {strides = array<i32>} : memref<4000x128xf32, #tpu.memory_space<vmem>>, vector<4000x128xf32>,
    %slice3A = vector.extract_strided_slice %add3A_9 {offsets = [0, 0], sizes = [4000, 64], strides = [1, 1]} : vector<4000x128xf32> to vector<4000x64xf32>
    %swap3A_12 = arith.constant 0 : index
    %swap3A_13 = arith.constant 0 : index
    %swap3A_14 = arith.constant 0 : index
    %swap3A_15 = vector.load %arg5[%swap3A_12, %swap3A_13, %swap3A_14] : memref<2x4000x64xf32, #tpu.memory_space<vmem>>, vector<1x4000x64xf32>
    %swap3A_16 = vector.shape_cast %swap3A_15 : vector<1x4000x64xf32> to vector<4000x64xf32>
    %swap3A_17 = vector.shape_cast %slice3A : vector<4000x64xf32> to vector<1x4000x64xf32>
    tpu.vector_store %arg5[%swap3A_12, %swap3A_13, %swap3A_14], %swap3A_17 {strides = array<i32>} : memref<2x4000x64xf32, #tpu.memory_space<vmem>>, vector<1x4000x64xf32>,
    %slice3A_18 = vector.extract_strided_slice %add3A_9 {offsets = [0, 64], sizes = [4000, 64], strides = [1, 1]} : vector<4000x128xf32> to vector<4000x64xf32>
    %swap3A_19 = arith.constant 1 : index
    %swap3A_20 = arith.constant 0 : index
    %swap3A_21 = arith.constant 0 : index
    %swap3A_22 = vector.load %arg5[%swap3A_19, %swap3A_20, %swap3A_21] : memref<2x4000x64xf32, #tpu.memory_space<vmem>>, vector<1x4000x64xf32>
    %swap3A_23 = vector.shape_cast %swap3A_22 : vector<1x4000x64xf32> to vector<4000x64xf32>
    %swap3A_24 = vector.shape_cast %slice3A_18 : vector<4000x64xf32> to vector<1x4000x64xf32>
    tpu.vector_store %arg5[%swap3A_19, %swap3A_20, %swap3A_21], %swap3A_24 {strides = array<i32>} : memref<2x4000x64xf32, #tpu.memory_space<vmem>>, vector<1x4000x64xf32>,
    return
  }
  func.func @transform_0(%arg0: i32) -> (i32, i32) {
    %c0_i32 = arith.constant 0 : i32
    %c0_i32_0 = arith.constant 0 : i32
    return %arg0, %c0_i32 : i32, i32
  }
  func.func @transform_1(%arg0: i32) -> (i32, i32) {
    %c0_i32 = arith.constant 0 : i32
    %c0_i32_0 = arith.constant 0 : i32
    %c0_i32_1 = arith.constant 0 : i32
    return %c0_i32, %c0_i32_0 : i32, i32
  }
  func.func @transform_2(%arg0: i32) -> (i32, i32) {
    %c0_i32 = arith.constant 0 : i32
    %c0_i32_0 = arith.constant 0 : i32
    %c0_i32_1 = arith.constant 0 : i32
    return %c0_i32, %c0_i32_0 : i32, i32
  }
  func.func @transform_3(%arg0: i32) -> (i32, i32) {
    %c0_i32 = arith.constant 0 : i32
    %c0_i32_0 = arith.constant 0 : i32
    return %arg0, %c0_i32 : i32, i32
  }
  func.func @transform_4(%arg0: i32) -> (i32, i32, i32) {
    %c0_i32 = arith.constant 0 : i32
    %c0_i32_0 = arith.constant 0 : i32
    %c0_i32_1 = arith.constant 0 : i32
    return %c0_i32, %arg0, %c0_i32_0 : i32, i32, i32
  }
}

module attributes {stable_mosaic.version = 14 : i64} {
  func.func @_enc_body(%arg0: i32, %arg1: memref<1000x9xf32, #tpu.memory_space<vmem>>, %arg2: memref<9x128xf32, #tpu.memory_space<vmem>>, %arg3: memref<1x128xf32, #tpu.memory_space<vmem>>, %arg4: memref<1000x128xf32, #tpu.memory_space<vmem>>, %arg5: memref<2x1000x64xf32, #tpu.memory_space<vmem>>) attributes {dimension_semantics = [#tpu.dimension_semantics<arbitrary>], iteration_bounds = array<i64: 10>, scalar_prefetch = 0 : i64, scratch_operands = 0 : i64, tpu.core_type = #tpu.core_type<tc>, window_params = [{transform_indices = @transform_0, window_bounds = array<i64: 1000, 9>}, {pipeline_mode = #tpu.pipeline_mode<synchronous>, transform_indices = @transform_1, window_bounds = array<i64: 9, 128>}, {pipeline_mode = #tpu.pipeline_mode<synchronous>, transform_indices = @transform_2, window_bounds = array<i64: 1, 128>}, {transform_indices = @transform_3, window_bounds = array<i64: 1000, 128>}, {transform_indices = @transform_4, window_bounds = array<i64: 2, 1000, 64>}]} {
    %get3A = arith.constant 0 : index
    %get3A_0 = arith.constant 0 : index
    %get3A_1 = vector.load %arg1[%get3A, %get3A_0] : memref<1000x9xf32, #tpu.memory_space<vmem>>, vector<1000x9xf32>
    %get3A_2 = arith.constant 0 : index
    %get3A_3 = arith.constant 0 : index
    %get3A_4 = vector.load %arg2[%get3A_2, %get3A_3] : memref<9x128xf32, #tpu.memory_space<vmem>>, vector<9x128xf32>
    %dot_general3A = arith.constant dense<0.000000e+00> : vector<1000x128xf32>
    %dot_general3A_5 = tpu.matmul %get3A_1, %get3A_4, %dot_general3A {dimension_numbers = #tpu.dot_dimension_numbers<[1], [0], [0], [1], [0, 0, 1, 1], [], []>, transpose_lhs_hint = false} : vector<1000x9xf32>, vector<9x128xf32>, vector<1000x128xf32> -> vector<1000x128xf32>
    %get3A_6 = arith.constant 0 : index
    %get3A_7 = arith.constant 0 : index
    %get3A_8 = vector.load %arg3[%get3A_6, %get3A_7] : memref<1x128xf32, #tpu.memory_space<vmem>>, vector<1x128xf32>
    %add3A = vector.broadcast %get3A_8 : vector<1x128xf32> to vector<1000x128xf32>
    %add3A_9 = arith.addf %dot_general3A_5, %add3A : vector<1000x128xf32>
    %swap3A = arith.constant 0 : index
    %swap3A_10 = arith.constant 0 : index
    %swap3A_11 = vector.load %arg4[%swap3A, %swap3A_10] : memref<1000x128xf32, #tpu.memory_space<vmem>>, vector<1000x128xf32>
    tpu.vector_store %arg4[%swap3A, %swap3A_10], %add3A_9 {strides = array<i32>} : memref<1000x128xf32, #tpu.memory_space<vmem>>, vector<1000x128xf32>,
    %slice3A = vector.extract_strided_slice %add3A_9 {offsets = [0, 0], sizes = [1000, 64], strides = [1, 1]} : vector<1000x128xf32> to vector<1000x64xf32>
    %swap3A_12 = arith.constant 0 : index
    %swap3A_13 = arith.constant 0 : index
    %swap3A_14 = arith.constant 0 : index
    %swap3A_15 = vector.load %arg5[%swap3A_12, %swap3A_13, %swap3A_14] : memref<2x1000x64xf32, #tpu.memory_space<vmem>>, vector<1x1000x64xf32>
    %swap3A_16 = vector.shape_cast %swap3A_15 : vector<1x1000x64xf32> to vector<1000x64xf32>
    %swap3A_17 = vector.shape_cast %slice3A : vector<1000x64xf32> to vector<1x1000x64xf32>
    tpu.vector_store %arg5[%swap3A_12, %swap3A_13, %swap3A_14], %swap3A_17 {strides = array<i32>} : memref<2x1000x64xf32, #tpu.memory_space<vmem>>, vector<1x1000x64xf32>,
    %slice3A_18 = vector.extract_strided_slice %add3A_9 {offsets = [0, 64], sizes = [1000, 64], strides = [1, 1]} : vector<1000x128xf32> to vector<1000x64xf32>
    %swap3A_19 = arith.constant 1 : index
    %swap3A_20 = arith.constant 0 : index
    %swap3A_21 = arith.constant 0 : index
    %swap3A_22 = vector.load %arg5[%swap3A_19, %swap3A_20, %swap3A_21] : memref<2x1000x64xf32, #tpu.memory_space<vmem>>, vector<1x1000x64xf32>
    %swap3A_23 = vector.shape_cast %swap3A_22 : vector<1x1000x64xf32> to vector<1000x64xf32>
    %swap3A_24 = vector.shape_cast %slice3A_18 : vector<1000x64xf32> to vector<1x1000x64xf32>
    tpu.vector_store %arg5[%swap3A_19, %swap3A_20, %swap3A_21], %swap3A_24 {strides = array<i32>} : memref<2x1000x64xf32, #tpu.memory_space<vmem>>, vector<1x1000x64xf32>,
    return
  }
  func.func @transform_0(%arg0: i32) -> (i32, i32) {
    %c0_i32 = arith.constant 0 : i32
    %c0_i32_0 = arith.constant 0 : i32
    return %arg0, %c0_i32 : i32, i32
  }
  func.func @transform_1(%arg0: i32) -> (i32, i32) {
    %c0_i32 = arith.constant 0 : i32
    %c0_i32_0 = arith.constant 0 : i32
    %c0_i32_1 = arith.constant 0 : i32
    return %c0_i32, %c0_i32_0 : i32, i32
  }
  func.func @transform_2(%arg0: i32) -> (i32, i32) {
    %c0_i32 = arith.constant 0 : i32
    %c0_i32_0 = arith.constant 0 : i32
    %c0_i32_1 = arith.constant 0 : i32
    return %c0_i32, %c0_i32_0 : i32, i32
  }
  func.func @transform_3(%arg0: i32) -> (i32, i32) {
    %c0_i32 = arith.constant 0 : i32
    %c0_i32_0 = arith.constant 0 : i32
    return %arg0, %c0_i32 : i32, i32
  }
  func.func @transform_4(%arg0: i32) -> (i32, i32, i32) {
    %c0_i32 = arith.constant 0 : i32
    %c0_i32_0 = arith.constant 0 : i32
    %c0_i32_1 = arith.constant 0 : i32
    return %c0_i32, %arg0, %c0_i32_0 : i32, i32, i32
  }
}

module attributes {stable_mosaic.version = 14 : i64} {
  func.func @_mlp_body(%arg0: i32, %arg1: memref<2x1000x64xf32, #tpu.memory_space<vmem>>, %arg2: memref<1000x128xf32, #tpu.memory_space<vmem>>, %arg3: memref<1000x128xf32, #tpu.memory_space<vmem>>, %arg4: memref<128x256xf32, #tpu.memory_space<vmem>>, %arg5: memref<1x256xf32, #tpu.memory_space<vmem>>, %arg6: memref<1x256xf32, #tpu.memory_space<vmem>>, %arg7: memref<1x256xf32, #tpu.memory_space<vmem>>, %arg8: memref<256x128xf32, #tpu.memory_space<vmem>>, %arg9: memref<1x128xf32, #tpu.memory_space<vmem>>, %arg10: memref<1x128xf32, #tpu.memory_space<vmem>>, %arg11: memref<1x128xf32, #tpu.memory_space<vmem>>, %arg12: memref<1000x128xf32, #tpu.memory_space<vmem>>, %arg13: memref<1000x128xf32, #tpu.memory_space<vmem>>, %arg14: memref<2x1000x64xf32, #tpu.memory_space<vmem>>) attributes {dimension_semantics = [#tpu.dimension_semantics<arbitrary>], iteration_bounds = array<i64: 10>, scalar_prefetch = 0 : i64, scratch_operands = 0 : i64, tpu.core_type = #tpu.core_type<tc>, window_params = [{transform_indices = @transform_0, window_bounds = array<i64: 2, 1000, 64>}, {transform_indices = @transform_1, window_bounds = array<i64: 1000, 128>}, {transform_indices = @transform_2, window_bounds = array<i64: 1000, 128>}, {pipeline_mode = #tpu.pipeline_mode<synchronous>, transform_indices = @transform_3, window_bounds = array<i64: 128, 256>}, {pipeline_mode = #tpu.pipeline_mode<synchronous>, transform_indices = @transform_4, window_bounds = array<i64: 1, 256>}, {pipeline_mode = #tpu.pipeline_mode<synchronous>, transform_indices = @transform_5, window_bounds = array<i64: 1, 256>}, {pipeline_mode = #tpu.pipeline_mode<synchronous>, transform_indices = @transform_6, window_bounds = array<i64: 1, 256>}, {pipeline_mode = #tpu.pipeline_mode<synchronous>, transform_indices = @transform_7, window_bounds = array<i64: 256, 128>}, {pipeline_mode = #tpu.pipeline_mode<synchronous>, transform_indices = @transform_8, window_bounds = array<i64: 1, 128>}, {pipeline_mode = #tpu.pipeline_mode<synchronous>, transform_indices = @transform_9, window_bounds = array<i64: 1, 128>}, {pipeline_mode = #tpu.pipeline_mode<synchronous>, transform_indices = @transform_10, window_bounds = array<i64: 1, 128>}, {transform_indices = @transform_11, window_bounds = array<i64: 1000, 128>}, {transform_indices = @transform_12, window_bounds = array<i64: 1000, 128>}, {transform_indices = @transform_13, window_bounds = array<i64: 2, 1000, 64>}]} {
    %get3A = arith.constant 0 : index
    %get3A_0 = arith.constant 0 : index
    %get3A_1 = arith.constant 0 : index
    %get3A_2 = vector.load %arg1[%get3A, %get3A_0, %get3A_1] : memref<2x1000x64xf32, #tpu.memory_space<vmem>>, vector<1x1000x64xf32>
    %get3A_3 = vector.shape_cast %get3A_2 : vector<1x1000x64xf32> to vector<1000x64xf32>
    %get3A_4 = arith.constant 1 : index
    %get3A_5 = arith.constant 0 : index
    %get3A_6 = arith.constant 0 : index
    %get3A_7 = vector.load %arg1[%get3A_4, %get3A_5, %get3A_6] : memref<2x1000x64xf32, #tpu.memory_space<vmem>>, vector<1x1000x64xf32>
    %get3A_8 = vector.shape_cast %get3A_7 : vector<1x1000x64xf32> to vector<1000x64xf32>
    %concatenate3A = tpu.concatenate %get3A_3, %get3A_8 in 1 : vector<1000x64xf32>, vector<1000x64xf32> -> vector<1000x128xf32>
    %get3A_9 = arith.constant 0 : index
    %get3A_10 = arith.constant 0 : index
    %get3A_11 = vector.load %arg2[%get3A_9, %get3A_10] : memref<1000x128xf32, #tpu.memory_space<vmem>>, vector<1000x128xf32>
    %add3A = arith.addf %concatenate3A, %get3A_11 : vector<1000x128xf32>
    %get3A_12 = arith.constant 0 : index
    %get3A_13 = arith.constant 0 : index
    %get3A_14 = vector.load %arg4[%get3A_12, %get3A_13] : memref<128x256xf32, #tpu.memory_space<vmem>>, vector<128x256xf32>
    %dot_general3A = arith.constant dense<0.000000e+00> : vector<1000x256xf32>
    %dot_general3A_15 = tpu.matmul %add3A, %get3A_14, %dot_general3A {dimension_numbers = #tpu.dot_dimension_numbers<[1], [0], [0], [1], [0, 0, 1, 1], [], []>, transpose_lhs_hint = false} : vector<1000x128xf32>, vector<128x256xf32>, vector<1000x256xf32> -> vector<1000x256xf32>
    %get3A_16 = arith.constant 0 : index
    %get3A_17 = arith.constant 0 : index
    %get3A_18 = vector.load %arg5[%get3A_16, %get3A_17] : memref<1x256xf32, #tpu.memory_space<vmem>>, vector<1x256xf32>
    %add3A_19 = vector.broadcast %get3A_18 : vector<1x256xf32> to vector<1000x256xf32>
    %add3A_20 = arith.addf %dot_general3A_15, %add3A_19 : vector<1000x256xf32>
    %reduce_sum3A = arith.constant dense<0.000000e+00> : vector<1000xf32>
    %reduce_sum3A_21 = vector.multi_reduction <add>, %add3A_20, %reduce_sum3A [1] : vector<1000x256xf32> to vector<1000xf32>
    %broadcast_in_dim3A = vector.shape_cast %reduce_sum3A_21 : vector<1000xf32> to vector<1000x1xf32>
    %div3A = arith.constant 2.560000e+02 : f32
    %div3A_22 = vector.broadcast %div3A : f32 to vector<1000x1xf32>
    %div3A_23 = arith.divf %broadcast_in_dim3A, %div3A_22 : vector<1000x1xf32>
    %sub3A = vector.broadcast %div3A_23 : vector<1000x1xf32> to vector<1000x256xf32>
    %sub3A_24 = arith.subf %add3A_20, %sub3A : vector<1000x256xf32>
    %integer_pow3A = arith.mulf %sub3A_24, %sub3A_24 : vector<1000x256xf32>
    %reduce_sum3A_25 = arith.constant dense<0.000000e+00> : vector<1000xf32>
    %reduce_sum3A_26 = vector.multi_reduction <add>, %integer_pow3A, %reduce_sum3A_25 [1] : vector<1000x256xf32> to vector<1000xf32>
    %broadcast_in_dim3A_27 = vector.shape_cast %reduce_sum3A_26 : vector<1000xf32> to vector<1000x1xf32>
    %div3A_28 = arith.constant 2.560000e+02 : f32
    %div3A_29 = vector.broadcast %div3A_28 : f32 to vector<1000x1xf32>
    %div3A_30 = arith.divf %broadcast_in_dim3A_27, %div3A_29 : vector<1000x1xf32>
    %sub3A_31 = vector.broadcast %div3A_23 : vector<1000x1xf32> to vector<1000x256xf32>
    %sub3A_32 = arith.subf %add3A_20, %sub3A_31 : vector<1000x256xf32>
    %add3A_33 = arith.constant 9.99999974E-6 : f32
    %add3A_34 = vector.broadcast %add3A_33 : f32 to vector<1000x1xf32>
    %add3A_35 = arith.addf %div3A_30, %add3A_34 : vector<1000x1xf32>
    %rsqrt3A = math.rsqrt %add3A_35 : vector<1000x1xf32>
    %mul3A = vector.broadcast %rsqrt3A : vector<1000x1xf32> to vector<1000x256xf32>
    %mul3A_36 = arith.mulf %sub3A_32, %mul3A : vector<1000x256xf32>
    %get3A_37 = arith.constant 0 : index
    %get3A_38 = arith.constant 0 : index
    %get3A_39 = vector.load %arg6[%get3A_37, %get3A_38] : memref<1x256xf32, #tpu.memory_space<vmem>>, vector<1x256xf32>
    %mul3A_40 = vector.broadcast %get3A_39 : vector<1x256xf32> to vector<1000x256xf32>
    %mul3A_41 = arith.mulf %mul3A_36, %mul3A_40 : vector<1000x256xf32>
    %get3A_42 = arith.constant 0 : index
    %get3A_43 = arith.constant 0 : index
    %get3A_44 = vector.load %arg7[%get3A_42, %get3A_43] : memref<1x256xf32, #tpu.memory_space<vmem>>, vector<1x256xf32>
    %add3A_45 = vector.broadcast %get3A_44 : vector<1x256xf32> to vector<1000x256xf32>
    %add3A_46 = arith.addf %mul3A_41, %add3A_45 : vector<1000x256xf32>
    %max3A = arith.constant 0.000000e+00 : f32
    %max3A_47 = vector.broadcast %max3A : f32 to vector<1000x256xf32>
    %max3A_48 = arith.maximumf %add3A_46, %max3A_47 : vector<1000x256xf32>
    %get3A_49 = arith.constant 0 : index
    %get3A_50 = arith.constant 0 : index
    %get3A_51 = vector.load %arg8[%get3A_49, %get3A_50] : memref<256x128xf32, #tpu.memory_space<vmem>>, vector<256x128xf32>
    %dot_general3A_52 = arith.constant dense<0.000000e+00> : vector<1000x128xf32>
    %dot_general3A_53 = tpu.matmul %max3A_48, %get3A_51, %dot_general3A_52 {dimension_numbers = #tpu.dot_dimension_numbers<[1], [0], [0], [1], [0, 0, 1, 1], [], []>, transpose_lhs_hint = false} : vector<1000x256xf32>, vector<256x128xf32>, vector<1000x128xf32> -> vector<1000x128xf32>
    %get3A_54 = arith.constant 0 : index
    %get3A_55 = arith.constant 0 : index
    %get3A_56 = vector.load %arg9[%get3A_54, %get3A_55] : memref<1x128xf32, #tpu.memory_space<vmem>>, vector<1x128xf32>
    %add3A_57 = vector.broadcast %get3A_56 : vector<1x128xf32> to vector<1000x128xf32>
    %add3A_58 = arith.addf %dot_general3A_53, %add3A_57 : vector<1000x128xf32>
    %get3A_59 = arith.constant 0 : index
    %get3A_60 = arith.constant 0 : index
    %get3A_61 = vector.load %arg3[%get3A_59, %get3A_60] : memref<1000x128xf32, #tpu.memory_space<vmem>>, vector<1000x128xf32>
    %add3A_62 = arith.addf %add3A_58, %get3A_61 : vector<1000x128xf32>
    %swap3A = arith.constant 0 : index
    %swap3A_63 = arith.constant 0 : index
    %swap3A_64 = vector.load %arg12[%swap3A, %swap3A_63] : memref<1000x128xf32, #tpu.memory_space<vmem>>, vector<1000x128xf32>
    tpu.vector_store %arg12[%swap3A, %swap3A_63], %add3A_62 {strides = array<i32>} : memref<1000x128xf32, #tpu.memory_space<vmem>>, vector<1000x128xf32>,
    %reduce_sum3A_65 = arith.constant dense<0.000000e+00> : vector<1000xf32>
    %reduce_sum3A_66 = vector.multi_reduction <add>, %add3A_62, %reduce_sum3A_65 [1] : vector<1000x128xf32> to vector<1000xf32>
    %broadcast_in_dim3A_67 = vector.shape_cast %reduce_sum3A_66 : vector<1000xf32> to vector<1000x1xf32>
    %div3A_68 = arith.constant 1.280000e+02 : f32
    %div3A_69 = vector.broadcast %div3A_68 : f32 to vector<1000x1xf32>
    %div3A_70 = arith.divf %broadcast_in_dim3A_67, %div3A_69 : vector<1000x1xf32>
    %sub3A_71 = vector.broadcast %div3A_70 : vector<1000x1xf32> to vector<1000x128xf32>
    %sub3A_72 = arith.subf %add3A_62, %sub3A_71 : vector<1000x128xf32>
    %integer_pow3A_73 = arith.mulf %sub3A_72, %sub3A_72 : vector<1000x128xf32>
    %reduce_sum3A_74 = arith.constant dense<0.000000e+00> : vector<1000xf32>
    %reduce_sum3A_75 = vector.multi_reduction <add>, %integer_pow3A_73, %reduce_sum3A_74 [1] : vector<1000x128xf32> to vector<1000xf32>
    %broadcast_in_dim3A_76 = vector.shape_cast %reduce_sum3A_75 : vector<1000xf32> to vector<1000x1xf32>
    %div3A_77 = arith.constant 1.280000e+02 : f32
    %div3A_78 = vector.broadcast %div3A_77 : f32 to vector<1000x1xf32>
    %div3A_79 = arith.divf %broadcast_in_dim3A_76, %div3A_78 : vector<1000x1xf32>
    %sub3A_80 = vector.broadcast %div3A_70 : vector<1000x1xf32> to vector<1000x128xf32>
    %sub3A_81 = arith.subf %add3A_62, %sub3A_80 : vector<1000x128xf32>
    %add3A_82 = arith.constant 9.99999974E-6 : f32
    %add3A_83 = vector.broadcast %add3A_82 : f32 to vector<1000x1xf32>
    %add3A_84 = arith.addf %div3A_79, %add3A_83 : vector<1000x1xf32>
    %rsqrt3A_85 = math.rsqrt %add3A_84 : vector<1000x1xf32>
    %mul3A_86 = vector.broadcast %rsqrt3A_85 : vector<1000x1xf32> to vector<1000x128xf32>
    %mul3A_87 = arith.mulf %sub3A_81, %mul3A_86 : vector<1000x128xf32>
    %get3A_88 = arith.constant 0 : index
    %get3A_89 = arith.constant 0 : index
    %get3A_90 = vector.load %arg10[%get3A_88, %get3A_89] : memref<1x128xf32, #tpu.memory_space<vmem>>, vector<1x128xf32>
    %mul3A_91 = vector.broadcast %get3A_90 : vector<1x128xf32> to vector<1000x128xf32>
    %mul3A_92 = arith.mulf %mul3A_87, %mul3A_91 : vector<1000x128xf32>
    %get3A_93 = arith.constant 0 : index
    %get3A_94 = arith.constant 0 : index
    %get3A_95 = vector.load %arg11[%get3A_93, %get3A_94] : memref<1x128xf32, #tpu.memory_space<vmem>>, vector<1x128xf32>
    %add3A_96 = vector.broadcast %get3A_95 : vector<1x128xf32> to vector<1000x128xf32>
    %add3A_97 = arith.addf %mul3A_92, %add3A_96 : vector<1000x128xf32>
    %max3A_98 = arith.constant 0.000000e+00 : f32
    %max3A_99 = vector.broadcast %max3A_98 : f32 to vector<1000x128xf32>
    %max3A_100 = arith.maximumf %add3A_97, %max3A_99 : vector<1000x128xf32>
    %swap3A_101 = arith.constant 0 : index
    %swap3A_102 = arith.constant 0 : index
    %swap3A_103 = vector.load %arg13[%swap3A_101, %swap3A_102] : memref<1000x128xf32, #tpu.memory_space<vmem>>, vector<1000x128xf32>
    tpu.vector_store %arg13[%swap3A_101, %swap3A_102], %max3A_100 {strides = array<i32>} : memref<1000x128xf32, #tpu.memory_space<vmem>>, vector<1000x128xf32>,
    %slice3A = vector.extract_strided_slice %max3A_100 {offsets = [0, 0], sizes = [1000, 64], strides = [1, 1]} : vector<1000x128xf32> to vector<1000x64xf32>
    %swap3A_104 = arith.constant 0 : index
    %swap3A_105 = arith.constant 0 : index
    %swap3A_106 = arith.constant 0 : index
    %swap3A_107 = vector.load %arg14[%swap3A_104, %swap3A_105, %swap3A_106] : memref<2x1000x64xf32, #tpu.memory_space<vmem>>, vector<1x1000x64xf32>
    %swap3A_108 = vector.shape_cast %swap3A_107 : vector<1x1000x64xf32> to vector<1000x64xf32>
    %swap3A_109 = vector.shape_cast %slice3A : vector<1000x64xf32> to vector<1x1000x64xf32>
    tpu.vector_store %arg14[%swap3A_104, %swap3A_105, %swap3A_106], %swap3A_109 {strides = array<i32>} : memref<2x1000x64xf32, #tpu.memory_space<vmem>>, vector<1x1000x64xf32>,
    %slice3A_110 = vector.extract_strided_slice %max3A_100 {offsets = [0, 64], sizes = [1000, 64], strides = [1, 1]} : vector<1000x128xf32> to vector<1000x64xf32>
    %swap3A_111 = arith.constant 1 : index
    %swap3A_112 = arith.constant 0 : index
    %swap3A_113 = arith.constant 0 : index
    %swap3A_114 = vector.load %arg14[%swap3A_111, %swap3A_112, %swap3A_113] : memref<2x1000x64xf32, #tpu.memory_space<vmem>>, vector<1x1000x64xf32>
    %swap3A_115 = vector.shape_cast %swap3A_114 : vector<1x1000x64xf32> to vector<1000x64xf32>
    %swap3A_116 = vector.shape_cast %slice3A_110 : vector<1000x64xf32> to vector<1x1000x64xf32>
    tpu.vector_store %arg14[%swap3A_111, %swap3A_112, %swap3A_113], %swap3A_116 {strides = array<i32>} : memref<2x1000x64xf32, #tpu.memory_space<vmem>>, vector<1x1000x64xf32>,
    return
  }
  func.func @transform_0(%arg0: i32) -> (i32, i32, i32) {
    %c0_i32 = arith.constant 0 : i32
    %c0_i32_0 = arith.constant 0 : i32
    %c0_i32_1 = arith.constant 0 : i32
    return %c0_i32, %arg0, %c0_i32_0 : i32, i32, i32
  }
  func.func @transform_1(%arg0: i32) -> (i32, i32) {
    %c0_i32 = arith.constant 0 : i32
    %c0_i32_0 = arith.constant 0 : i32
    return %arg0, %c0_i32 : i32, i32
  }
  func.func @transform_2(%arg0: i32) -> (i32, i32) {
    %c0_i32 = arith.constant 0 : i32
    %c0_i32_0 = arith.constant 0 : i32
    return %arg0, %c0_i32 : i32, i32
  }
  func.func @transform_3(%arg0: i32) -> (i32, i32) {
    %c0_i32 = arith.constant 0 : i32
    %c0_i32_0 = arith.constant 0 : i32
    %c0_i32_1 = arith.constant 0 : i32
    return %c0_i32, %c0_i32_0 : i32, i32
  }
  func.func @transform_4(%arg0: i32) -> (i32, i32) {
    %c0_i32 = arith.constant 0 : i32
    %c0_i32_0 = arith.constant 0 : i32
    %c0_i32_1 = arith.constant 0 : i32
    return %c0_i32, %c0_i32_0 : i32, i32
  }
  func.func @transform_5(%arg0: i32) -> (i32, i32) {
    %c0_i32 = arith.constant 0 : i32
    %c0_i32_0 = arith.constant 0 : i32
    %c0_i32_1 = arith.constant 0 : i32
    return %c0_i32, %c0_i32_0 : i32, i32
  }
  func.func @transform_6(%arg0: i32) -> (i32, i32) {
    %c0_i32 = arith.constant 0 : i32
    %c0_i32_0 = arith.constant 0 : i32
    %c0_i32_1 = arith.constant 0 : i32
    return %c0_i32, %c0_i32_0 : i32, i32
  }
  func.func @transform_7(%arg0: i32) -> (i32, i32) {
    %c0_i32 = arith.constant 0 : i32
    %c0_i32_0 = arith.constant 0 : i32
    %c0_i32_1 = arith.constant 0 : i32
    return %c0_i32, %c0_i32_0 : i32, i32
  }
  func.func @transform_8(%arg0: i32) -> (i32, i32) {
    %c0_i32 = arith.constant 0 : i32
    %c0_i32_0 = arith.constant 0 : i32
    %c0_i32_1 = arith.constant 0 : i32
    return %c0_i32, %c0_i32_0 : i32, i32
  }
  func.func @transform_9(%arg0: i32) -> (i32, i32) {
    %c0_i32 = arith.constant 0 : i32
    %c0_i32_0 = arith.constant 0 : i32
    %c0_i32_1 = arith.constant 0 : i32
    return %c0_i32, %c0_i32_0 : i32, i32
  }
  func.func @transform_10(%arg0: i32) -> (i32, i32) {
    %c0_i32 = arith.constant 0 : i32
    %c0_i32_0 = arith.constant 0 : i32
    %c0_i32_1 = arith.constant 0 : i32
    return %c0_i32, %c0_i32_0 : i32, i32
  }
  func.func @transform_11(%arg0: i32) -> (i32, i32) {
    %c0_i32 = arith.constant 0 : i32
    %c0_i32_0 = arith.constant 0 : i32
    return %arg0, %c0_i32 : i32, i32
  }
  func.func @transform_12(%arg0: i32) -> (i32, i32) {
    %c0_i32 = arith.constant 0 : i32
    %c0_i32_0 = arith.constant 0 : i32
    return %arg0, %c0_i32 : i32, i32
  }
  func.func @transform_13(%arg0: i32) -> (i32, i32, i32) {
    %c0_i32 = arith.constant 0 : i32
    %c0_i32_0 = arith.constant 0 : i32
    %c0_i32_1 = arith.constant 0 : i32
    return %c0_i32, %arg0, %c0_i32_0 : i32, i32, i32
  }
}

module attributes {stable_mosaic.version = 14 : i64} {
  func.func @_mlp_body(%arg0: i32, %arg1: memref<2x1000x64xf32, #tpu.memory_space<vmem>>, %arg2: memref<1000x128xf32, #tpu.memory_space<vmem>>, %arg3: memref<1000x128xf32, #tpu.memory_space<vmem>>, %arg4: memref<128x256xf32, #tpu.memory_space<vmem>>, %arg5: memref<1x256xf32, #tpu.memory_space<vmem>>, %arg6: memref<1x256xf32, #tpu.memory_space<vmem>>, %arg7: memref<1x256xf32, #tpu.memory_space<vmem>>, %arg8: memref<256x128xf32, #tpu.memory_space<vmem>>, %arg9: memref<1x128xf32, #tpu.memory_space<vmem>>, %arg10: memref<1x128xf32, #tpu.memory_space<vmem>>, %arg11: memref<1x128xf32, #tpu.memory_space<vmem>>, %arg12: memref<1000x128xf32, #tpu.memory_space<vmem>>, %arg13: memref<1000x128xf32, #tpu.memory_space<vmem>>, %arg14: memref<2x1000x64xf32, #tpu.memory_space<vmem>>) attributes {dimension_semantics = [#tpu.dimension_semantics<arbitrary>], iteration_bounds = array<i64: 10>, scalar_prefetch = 0 : i64, scratch_operands = 0 : i64, tpu.core_type = #tpu.core_type<tc>, window_params = [{transform_indices = @transform_0, window_bounds = array<i64: 2, 1000, 64>}, {transform_indices = @transform_1, window_bounds = array<i64: 1000, 128>}, {transform_indices = @transform_2, window_bounds = array<i64: 1000, 128>}, {pipeline_mode = #tpu.pipeline_mode<synchronous>, transform_indices = @transform_3, window_bounds = array<i64: 128, 256>}, {pipeline_mode = #tpu.pipeline_mode<synchronous>, transform_indices = @transform_4, window_bounds = array<i64: 1, 256>}, {pipeline_mode = #tpu.pipeline_mode<synchronous>, transform_indices = @transform_5, window_bounds = array<i64: 1, 256>}, {pipeline_mode = #tpu.pipeline_mode<synchronous>, transform_indices = @transform_6, window_bounds = array<i64: 1, 256>}, {pipeline_mode = #tpu.pipeline_mode<synchronous>, transform_indices = @transform_7, window_bounds = array<i64: 256, 128>}, {pipeline_mode = #tpu.pipeline_mode<synchronous>, transform_indices = @transform_8, window_bounds = array<i64: 1, 128>}, {pipeline_mode = #tpu.pipeline_mode<synchronous>, transform_indices = @transform_9, window_bounds = array<i64: 1, 128>}, {pipeline_mode = #tpu.pipeline_mode<synchronous>, transform_indices = @transform_10, window_bounds = array<i64: 1, 128>}, {transform_indices = @transform_11, window_bounds = array<i64: 1000, 128>}, {transform_indices = @transform_12, window_bounds = array<i64: 1000, 128>}, {transform_indices = @transform_13, window_bounds = array<i64: 2, 1000, 64>}]} {
    %get3A = arith.constant 0 : index
    %get3A_0 = arith.constant 0 : index
    %get3A_1 = arith.constant 0 : index
    %get3A_2 = vector.load %arg1[%get3A, %get3A_0, %get3A_1] : memref<2x1000x64xf32, #tpu.memory_space<vmem>>, vector<1x1000x64xf32>
    %get3A_3 = vector.shape_cast %get3A_2 : vector<1x1000x64xf32> to vector<1000x64xf32>
    %get3A_4 = arith.constant 1 : index
    %get3A_5 = arith.constant 0 : index
    %get3A_6 = arith.constant 0 : index
    %get3A_7 = vector.load %arg1[%get3A_4, %get3A_5, %get3A_6] : memref<2x1000x64xf32, #tpu.memory_space<vmem>>, vector<1x1000x64xf32>
    %get3A_8 = vector.shape_cast %get3A_7 : vector<1x1000x64xf32> to vector<1000x64xf32>
    %concatenate3A = tpu.concatenate %get3A_3, %get3A_8 in 1 : vector<1000x64xf32>, vector<1000x64xf32> -> vector<1000x128xf32>
    %get3A_9 = arith.constant 0 : index
    %get3A_10 = arith.constant 0 : index
    %get3A_11 = vector.load %arg2[%get3A_9, %get3A_10] : memref<1000x128xf32, #tpu.memory_space<vmem>>, vector<1000x128xf32>
    %add3A = arith.addf %concatenate3A, %get3A_11 : vector<1000x128xf32>
    %get3A_12 = arith.constant 0 : index
    %get3A_13 = arith.constant 0 : index
    %get3A_14 = vector.load %arg4[%get3A_12, %get3A_13] : memref<128x256xf32, #tpu.memory_space<vmem>>, vector<128x256xf32>
    %dot_general3A = arith.constant dense<0.000000e+00> : vector<1000x256xf32>
    %dot_general3A_15 = tpu.matmul %add3A, %get3A_14, %dot_general3A {dimension_numbers = #tpu.dot_dimension_numbers<[1], [0], [0], [1], [0, 0, 1, 1], [], []>, transpose_lhs_hint = false} : vector<1000x128xf32>, vector<128x256xf32>, vector<1000x256xf32> -> vector<1000x256xf32>
    %get3A_16 = arith.constant 0 : index
    %get3A_17 = arith.constant 0 : index
    %get3A_18 = vector.load %arg5[%get3A_16, %get3A_17] : memref<1x256xf32, #tpu.memory_space<vmem>>, vector<1x256xf32>
    %add3A_19 = vector.broadcast %get3A_18 : vector<1x256xf32> to vector<1000x256xf32>
    %add3A_20 = arith.addf %dot_general3A_15, %add3A_19 : vector<1000x256xf32>
    %reduce_sum3A = arith.constant dense<0.000000e+00> : vector<1000xf32>
    %reduce_sum3A_21 = vector.multi_reduction <add>, %add3A_20, %reduce_sum3A [1] : vector<1000x256xf32> to vector<1000xf32>
    %broadcast_in_dim3A = vector.shape_cast %reduce_sum3A_21 : vector<1000xf32> to vector<1000x1xf32>
    %div3A = arith.constant 2.560000e+02 : f32
    %div3A_22 = vector.broadcast %div3A : f32 to vector<1000x1xf32>
    %div3A_23 = arith.divf %broadcast_in_dim3A, %div3A_22 : vector<1000x1xf32>
    %sub3A = vector.broadcast %div3A_23 : vector<1000x1xf32> to vector<1000x256xf32>
    %sub3A_24 = arith.subf %add3A_20, %sub3A : vector<1000x256xf32>
    %integer_pow3A = arith.mulf %sub3A_24, %sub3A_24 : vector<1000x256xf32>
    %reduce_sum3A_25 = arith.constant dense<0.000000e+00> : vector<1000xf32>
    %reduce_sum3A_26 = vector.multi_reduction <add>, %integer_pow3A, %reduce_sum3A_25 [1] : vector<1000x256xf32> to vector<1000xf32>
    %broadcast_in_dim3A_27 = vector.shape_cast %reduce_sum3A_26 : vector<1000xf32> to vector<1000x1xf32>
    %div3A_28 = arith.constant 2.560000e+02 : f32
    %div3A_29 = vector.broadcast %div3A_28 : f32 to vector<1000x1xf32>
    %div3A_30 = arith.divf %broadcast_in_dim3A_27, %div3A_29 : vector<1000x1xf32>
    %sub3A_31 = vector.broadcast %div3A_23 : vector<1000x1xf32> to vector<1000x256xf32>
    %sub3A_32 = arith.subf %add3A_20, %sub3A_31 : vector<1000x256xf32>
    %add3A_33 = arith.constant 9.99999974E-6 : f32
    %add3A_34 = vector.broadcast %add3A_33 : f32 to vector<1000x1xf32>
    %add3A_35 = arith.addf %div3A_30, %add3A_34 : vector<1000x1xf32>
    %rsqrt3A = math.rsqrt %add3A_35 : vector<1000x1xf32>
    %mul3A = vector.broadcast %rsqrt3A : vector<1000x1xf32> to vector<1000x256xf32>
    %mul3A_36 = arith.mulf %sub3A_32, %mul3A : vector<1000x256xf32>
    %get3A_37 = arith.constant 0 : index
    %get3A_38 = arith.constant 0 : index
    %get3A_39 = vector.load %arg6[%get3A_37, %get3A_38] : memref<1x256xf32, #tpu.memory_space<vmem>>, vector<1x256xf32>
    %mul3A_40 = vector.broadcast %get3A_39 : vector<1x256xf32> to vector<1000x256xf32>
    %mul3A_41 = arith.mulf %mul3A_36, %mul3A_40 : vector<1000x256xf32>
    %get3A_42 = arith.constant 0 : index
    %get3A_43 = arith.constant 0 : index
    %get3A_44 = vector.load %arg7[%get3A_42, %get3A_43] : memref<1x256xf32, #tpu.memory_space<vmem>>, vector<1x256xf32>
    %add3A_45 = vector.broadcast %get3A_44 : vector<1x256xf32> to vector<1000x256xf32>
    %add3A_46 = arith.addf %mul3A_41, %add3A_45 : vector<1000x256xf32>
    %max3A = arith.constant 0.000000e+00 : f32
    %max3A_47 = vector.broadcast %max3A : f32 to vector<1000x256xf32>
    %max3A_48 = arith.maximumf %add3A_46, %max3A_47 : vector<1000x256xf32>
    %get3A_49 = arith.constant 0 : index
    %get3A_50 = arith.constant 0 : index
    %get3A_51 = vector.load %arg8[%get3A_49, %get3A_50] : memref<256x128xf32, #tpu.memory_space<vmem>>, vector<256x128xf32>
    %dot_general3A_52 = arith.constant dense<0.000000e+00> : vector<1000x128xf32>
    %dot_general3A_53 = tpu.matmul %max3A_48, %get3A_51, %dot_general3A_52 {dimension_numbers = #tpu.dot_dimension_numbers<[1], [0], [0], [1], [0, 0, 1, 1], [], []>, transpose_lhs_hint = false} : vector<1000x256xf32>, vector<256x128xf32>, vector<1000x128xf32> -> vector<1000x128xf32>
    %get3A_54 = arith.constant 0 : index
    %get3A_55 = arith.constant 0 : index
    %get3A_56 = vector.load %arg9[%get3A_54, %get3A_55] : memref<1x128xf32, #tpu.memory_space<vmem>>, vector<1x128xf32>
    %add3A_57 = vector.broadcast %get3A_56 : vector<1x128xf32> to vector<1000x128xf32>
    %add3A_58 = arith.addf %dot_general3A_53, %add3A_57 : vector<1000x128xf32>
    %get3A_59 = arith.constant 0 : index
    %get3A_60 = arith.constant 0 : index
    %get3A_61 = vector.load %arg3[%get3A_59, %get3A_60] : memref<1000x128xf32, #tpu.memory_space<vmem>>, vector<1000x128xf32>
    %add3A_62 = arith.addf %add3A_58, %get3A_61 : vector<1000x128xf32>
    %swap3A = arith.constant 0 : index
    %swap3A_63 = arith.constant 0 : index
    %swap3A_64 = vector.load %arg12[%swap3A, %swap3A_63] : memref<1000x128xf32, #tpu.memory_space<vmem>>, vector<1000x128xf32>
    tpu.vector_store %arg12[%swap3A, %swap3A_63], %add3A_62 {strides = array<i32>} : memref<1000x128xf32, #tpu.memory_space<vmem>>, vector<1000x128xf32>,
    %reduce_sum3A_65 = arith.constant dense<0.000000e+00> : vector<1000xf32>
    %reduce_sum3A_66 = vector.multi_reduction <add>, %add3A_62, %reduce_sum3A_65 [1] : vector<1000x128xf32> to vector<1000xf32>
    %broadcast_in_dim3A_67 = vector.shape_cast %reduce_sum3A_66 : vector<1000xf32> to vector<1000x1xf32>
    %div3A_68 = arith.constant 1.280000e+02 : f32
    %div3A_69 = vector.broadcast %div3A_68 : f32 to vector<1000x1xf32>
    %div3A_70 = arith.divf %broadcast_in_dim3A_67, %div3A_69 : vector<1000x1xf32>
    %sub3A_71 = vector.broadcast %div3A_70 : vector<1000x1xf32> to vector<1000x128xf32>
    %sub3A_72 = arith.subf %add3A_62, %sub3A_71 : vector<1000x128xf32>
    %integer_pow3A_73 = arith.mulf %sub3A_72, %sub3A_72 : vector<1000x128xf32>
    %reduce_sum3A_74 = arith.constant dense<0.000000e+00> : vector<1000xf32>
    %reduce_sum3A_75 = vector.multi_reduction <add>, %integer_pow3A_73, %reduce_sum3A_74 [1] : vector<1000x128xf32> to vector<1000xf32>
    %broadcast_in_dim3A_76 = vector.shape_cast %reduce_sum3A_75 : vector<1000xf32> to vector<1000x1xf32>
    %div3A_77 = arith.constant 1.280000e+02 : f32
    %div3A_78 = vector.broadcast %div3A_77 : f32 to vector<1000x1xf32>
    %div3A_79 = arith.divf %broadcast_in_dim3A_76, %div3A_78 : vector<1000x1xf32>
    %sub3A_80 = vector.broadcast %div3A_70 : vector<1000x1xf32> to vector<1000x128xf32>
    %sub3A_81 = arith.subf %add3A_62, %sub3A_80 : vector<1000x128xf32>
    %add3A_82 = arith.constant 9.99999974E-6 : f32
    %add3A_83 = vector.broadcast %add3A_82 : f32 to vector<1000x1xf32>
    %add3A_84 = arith.addf %div3A_79, %add3A_83 : vector<1000x1xf32>
    %rsqrt3A_85 = math.rsqrt %add3A_84 : vector<1000x1xf32>
    %mul3A_86 = vector.broadcast %rsqrt3A_85 : vector<1000x1xf32> to vector<1000x128xf32>
    %mul3A_87 = arith.mulf %sub3A_81, %mul3A_86 : vector<1000x128xf32>
    %get3A_88 = arith.constant 0 : index
    %get3A_89 = arith.constant 0 : index
    %get3A_90 = vector.load %arg10[%get3A_88, %get3A_89] : memref<1x128xf32, #tpu.memory_space<vmem>>, vector<1x128xf32>
    %mul3A_91 = vector.broadcast %get3A_90 : vector<1x128xf32> to vector<1000x128xf32>
    %mul3A_92 = arith.mulf %mul3A_87, %mul3A_91 : vector<1000x128xf32>
    %get3A_93 = arith.constant 0 : index
    %get3A_94 = arith.constant 0 : index
    %get3A_95 = vector.load %arg11[%get3A_93, %get3A_94] : memref<1x128xf32, #tpu.memory_space<vmem>>, vector<1x128xf32>
    %add3A_96 = vector.broadcast %get3A_95 : vector<1x128xf32> to vector<1000x128xf32>
    %add3A_97 = arith.addf %mul3A_92, %add3A_96 : vector<1000x128xf32>
    %max3A_98 = arith.constant 0.000000e+00 : f32
    %max3A_99 = vector.broadcast %max3A_98 : f32 to vector<1000x128xf32>
    %max3A_100 = arith.maximumf %add3A_97, %max3A_99 : vector<1000x128xf32>
    %swap3A_101 = arith.constant 0 : index
    %swap3A_102 = arith.constant 0 : index
    %swap3A_103 = vector.load %arg13[%swap3A_101, %swap3A_102] : memref<1000x128xf32, #tpu.memory_space<vmem>>, vector<1000x128xf32>
    tpu.vector_store %arg13[%swap3A_101, %swap3A_102], %max3A_100 {strides = array<i32>} : memref<1000x128xf32, #tpu.memory_space<vmem>>, vector<1000x128xf32>,
    %slice3A = vector.extract_strided_slice %max3A_100 {offsets = [0, 0], sizes = [1000, 64], strides = [1, 1]} : vector<1000x128xf32> to vector<1000x64xf32>
    %swap3A_104 = arith.constant 0 : index
    %swap3A_105 = arith.constant 0 : index
    %swap3A_106 = arith.constant 0 : index
    %swap3A_107 = vector.load %arg14[%swap3A_104, %swap3A_105, %swap3A_106] : memref<2x1000x64xf32, #tpu.memory_space<vmem>>, vector<1x1000x64xf32>
    %swap3A_108 = vector.shape_cast %swap3A_107 : vector<1x1000x64xf32> to vector<1000x64xf32>
    %swap3A_109 = vector.shape_cast %slice3A : vector<1000x64xf32> to vector<1x1000x64xf32>
    tpu.vector_store %arg14[%swap3A_104, %swap3A_105, %swap3A_106], %swap3A_109 {strides = array<i32>} : memref<2x1000x64xf32, #tpu.memory_space<vmem>>, vector<1x1000x64xf32>,
    %slice3A_110 = vector.extract_strided_slice %max3A_100 {offsets = [0, 64], sizes = [1000, 64], strides = [1, 1]} : vector<1000x128xf32> to vector<1000x64xf32>
    %swap3A_111 = arith.constant 1 : index
    %swap3A_112 = arith.constant 0 : index
    %swap3A_113 = arith.constant 0 : index
    %swap3A_114 = vector.load %arg14[%swap3A_111, %swap3A_112, %swap3A_113] : memref<2x1000x64xf32, #tpu.memory_space<vmem>>, vector<1x1000x64xf32>
    %swap3A_115 = vector.shape_cast %swap3A_114 : vector<1x1000x64xf32> to vector<1000x64xf32>
    %swap3A_116 = vector.shape_cast %slice3A_110 : vector<1000x64xf32> to vector<1x1000x64xf32>
    tpu.vector_store %arg14[%swap3A_111, %swap3A_112, %swap3A_113], %swap3A_116 {strides = array<i32>} : memref<2x1000x64xf32, #tpu.memory_space<vmem>>, vector<1x1000x64xf32>,
    return
  }
  func.func @transform_0(%arg0: i32) -> (i32, i32, i32) {
    %c0_i32 = arith.constant 0 : i32
    %c0_i32_0 = arith.constant 0 : i32
    %c0_i32_1 = arith.constant 0 : i32
    return %c0_i32, %arg0, %c0_i32_0 : i32, i32, i32
  }
  func.func @transform_1(%arg0: i32) -> (i32, i32) {
    %c0_i32 = arith.constant 0 : i32
    %c0_i32_0 = arith.constant 0 : i32
    return %arg0, %c0_i32 : i32, i32
  }
  func.func @transform_2(%arg0: i32) -> (i32, i32) {
    %c0_i32 = arith.constant 0 : i32
    %c0_i32_0 = arith.constant 0 : i32
    return %arg0, %c0_i32 : i32, i32
  }
  func.func @transform_3(%arg0: i32) -> (i32, i32) {
    %c0_i32 = arith.constant 0 : i32
    %c0_i32_0 = arith.constant 0 : i32
    %c0_i32_1 = arith.constant 0 : i32
    return %c0_i32, %c0_i32_0 : i32, i32
  }
  func.func @transform_4(%arg0: i32) -> (i32, i32) {
    %c0_i32 = arith.constant 0 : i32
    %c0_i32_0 = arith.constant 0 : i32
    %c0_i32_1 = arith.constant 0 : i32
    return %c0_i32, %c0_i32_0 : i32, i32
  }
  func.func @transform_5(%arg0: i32) -> (i32, i32) {
    %c0_i32 = arith.constant 0 : i32
    %c0_i32_0 = arith.constant 0 : i32
    %c0_i32_1 = arith.constant 0 : i32
    return %c0_i32, %c0_i32_0 : i32, i32
  }
  func.func @transform_6(%arg0: i32) -> (i32, i32) {
    %c0_i32 = arith.constant 0 : i32
    %c0_i32_0 = arith.constant 0 : i32
    %c0_i32_1 = arith.constant 0 : i32
    return %c0_i32, %c0_i32_0 : i32, i32
  }
  func.func @transform_7(%arg0: i32) -> (i32, i32) {
    %c0_i32 = arith.constant 0 : i32
    %c0_i32_0 = arith.constant 0 : i32
    %c0_i32_1 = arith.constant 0 : i32
    return %c0_i32, %c0_i32_0 : i32, i32
  }
  func.func @transform_8(%arg0: i32) -> (i32, i32) {
    %c0_i32 = arith.constant 0 : i32
    %c0_i32_0 = arith.constant 0 : i32
    %c0_i32_1 = arith.constant 0 : i32
    return %c0_i32, %c0_i32_0 : i32, i32
  }
  func.func @transform_9(%arg0: i32) -> (i32, i32) {
    %c0_i32 = arith.constant 0 : i32
    %c0_i32_0 = arith.constant 0 : i32
    %c0_i32_1 = arith.constant 0 : i32
    return %c0_i32, %c0_i32_0 : i32, i32
  }
  func.func @transform_10(%arg0: i32) -> (i32, i32) {
    %c0_i32 = arith.constant 0 : i32
    %c0_i32_0 = arith.constant 0 : i32
    %c0_i32_1 = arith.constant 0 : i32
    return %c0_i32, %c0_i32_0 : i32, i32
  }
  func.func @transform_11(%arg0: i32) -> (i32, i32) {
    %c0_i32 = arith.constant 0 : i32
    %c0_i32_0 = arith.constant 0 : i32
    return %arg0, %c0_i32 : i32, i32
  }
  func.func @transform_12(%arg0: i32) -> (i32, i32) {
    %c0_i32 = arith.constant 0 : i32
    %c0_i32_0 = arith.constant 0 : i32
    return %arg0, %c0_i32 : i32, i32
  }
  func.func @transform_13(%arg0: i32) -> (i32, i32, i32) {
    %c0_i32 = arith.constant 0 : i32
    %c0_i32_0 = arith.constant 0 : i32
    %c0_i32_1 = arith.constant 0 : i32
    return %c0_i32, %arg0, %c0_i32_0 : i32, i32, i32
  }
}

module attributes {stable_mosaic.version = 14 : i64} {
  func.func @_pool_body(%arg0: i32, %arg1: memref<1000x128xf32, #tpu.memory_space<vmem>>, %arg2: memref<1000x1xi32, #tpu.memory_space<vmem>>, %arg3: memref<128x128xf32, #tpu.memory_space<vmem>>, %arg4: memref<128x128xf32, #tpu.memory_space<vmem>>, %arg5: memref<128x128xf32, #tpu.memory_space<vmem>>) attributes {dimension_semantics = [#tpu.dimension_semantics<arbitrary>], iteration_bounds = array<i64: 10>, scalar_prefetch = 0 : i64, scratch_operands = 2 : i64, tpu.core_type = #tpu.core_type<tc>, window_params = [{transform_indices = @transform_0, window_bounds = array<i64: 1000, 128>}, {transform_indices = @transform_1, window_bounds = array<i64: 1000, 1>}, {pipeline_mode = #tpu.pipeline_mode<synchronous>, transform_indices = @transform_2, window_bounds = array<i64: 128, 128>}]} {
    %eq3A = arith.constant 0 : i32
    %eq3A_0 = arith.cmpi eq, %arg0, %eq3A : i32
    %convert_element_type3A = arith.extui %eq3A_0 : i1 to i32
    %cond3A = arith.constant 0 : i32
    %cond3A_1 = arith.cmpi ne, %convert_element_type3A, %cond3A : i32
    scf.if %cond3A_1 {
      %broadcast_in_dim3A_33 = arith.constant 0.000000e+00 : f32
      %broadcast_in_dim3A_34 = vector.broadcast %broadcast_in_dim3A_33 : f32 to vector<128x128xf32>
      %swap3A_35 = arith.constant 0 : index
      %swap3A_36 = arith.constant 0 : index
      %swap3A_37 = vector.load %arg4[%swap3A_35, %swap3A_36] : memref<128x128xf32, #tpu.memory_space<vmem>>, vector<128x128xf32>
      tpu.vector_store %arg4[%swap3A_35, %swap3A_36], %broadcast_in_dim3A_34 {strides = array<i32>} : memref<128x128xf32, #tpu.memory_space<vmem>>, vector<128x128xf32>,
      %broadcast_in_dim3A_38 = arith.constant 0.000000e+00 : f32
      %broadcast_in_dim3A_39 = vector.broadcast %broadcast_in_dim3A_38 : f32 to vector<128x128xf32>
      %swap3A_40 = arith.constant 0 : index
      %swap3A_41 = arith.constant 0 : index
      %swap3A_42 = vector.load %arg5[%swap3A_40, %swap3A_41] : memref<128x128xf32, #tpu.memory_space<vmem>>, vector<128x128xf32>
      tpu.vector_store %arg5[%swap3A_40, %swap3A_41], %broadcast_in_dim3A_39 {strides = array<i32>} : memref<128x128xf32, #tpu.memory_space<vmem>>, vector<128x128xf32>,
    } else {
    }
    %get3A = arith.constant 0 : index
    %get3A_2 = arith.constant 0 : index
    %get3A_3 = vector.load %arg2[%get3A, %get3A_2] : memref<1000x1xi32, #tpu.memory_space<vmem>>, vector<1000x1xi32>
    %iota3A = tpu.iota {dimensions = array<i32: 1>} : vector<1x128xi32>
    %eq3A_4 = vector.broadcast %get3A_3 : vector<1000x1xi32> to vector<1000x128xi32>
    %eq3A_5 = vector.broadcast %iota3A : vector<1x128xi32> to vector<1000x128xi32>
    %eq3A_6 = arith.cmpi eq, %eq3A_4, %eq3A_5 : vector<1000x128xi32>
    %convert_element_type3A_7 = arith.extui %eq3A_6 : vector<1000x128xi1> to vector<1000x128xi32>
    %convert_element_type3A_8 = arith.sitofp %convert_element_type3A_7 : vector<1000x128xi32> to vector<1000x128xf32>
    %get3A_9 = arith.constant 0 : index
    %get3A_10 = arith.constant 0 : index
    %get3A_11 = vector.load %arg4[%get3A_9, %get3A_10] : memref<128x128xf32, #tpu.memory_space<vmem>>, vector<128x128xf32>
    %get3A_12 = arith.constant 0 : index
    %get3A_13 = arith.constant 0 : index
    %get3A_14 = vector.load %arg1[%get3A_12, %get3A_13] : memref<1000x128xf32, #tpu.memory_space<vmem>>, vector<1000x128xf32>
    %dot_general3A = arith.constant dense<0.000000e+00> : vector<128x128xf32>
    %dot_general3A_15 = tpu.matmul %convert_element_type3A_8, %get3A_14, %dot_general3A {dimension_numbers = #tpu.dot_dimension_numbers<[0], [0], [1], [1], [0, 1, 1, 1], [], []>, transpose_lhs_hint = false} : vector<1000x128xf32>, vector<1000x128xf32>, vector<128x128xf32> -> vector<128x128xf32>
    %add3A = arith.addf %get3A_11, %dot_general3A_15 : vector<128x128xf32>
    %swap3A = arith.constant 0 : index
    %swap3A_16 = arith.constant 0 : index
    %swap3A_17 = vector.load %arg4[%swap3A, %swap3A_16] : memref<128x128xf32, #tpu.memory_space<vmem>>, vector<128x128xf32>
    tpu.vector_store %arg4[%swap3A, %swap3A_16], %add3A {strides = array<i32>} : memref<128x128xf32, #tpu.memory_space<vmem>>, vector<128x128xf32>,
    %get3A_18 = arith.constant 0 : index
    %get3A_19 = arith.constant 0 : index
    %get3A_20 = vector.load %arg5[%get3A_18, %get3A_19] : memref<128x128xf32, #tpu.memory_space<vmem>>, vector<128x128xf32>
    %broadcast_in_dim3A = arith.constant 1.000000e+00 : f32
    %broadcast_in_dim3A_21 = vector.broadcast %broadcast_in_dim3A : f32 to vector<1000x128xf32>
    %dot_general3A_22 = arith.constant dense<0.000000e+00> : vector<128x128xf32>
    %dot_general3A_23 = tpu.matmul %convert_element_type3A_8, %broadcast_in_dim3A_21, %dot_general3A_22 {dimension_numbers = #tpu.dot_dimension_numbers<[0], [0], [1], [1], [0, 1, 1, 1], [], []>, transpose_lhs_hint = false} : vector<1000x128xf32>, vector<1000x128xf32>, vector<128x128xf32> -> vector<128x128xf32>
    %add3A_24 = arith.addf %get3A_20, %dot_general3A_23 : vector<128x128xf32>
    %swap3A_25 = arith.constant 0 : index
    %swap3A_26 = arith.constant 0 : index
    %swap3A_27 = vector.load %arg5[%swap3A_25, %swap3A_26] : memref<128x128xf32, #tpu.memory_space<vmem>>, vector<128x128xf32>
    tpu.vector_store %arg5[%swap3A_25, %swap3A_26], %add3A_24 {strides = array<i32>} : memref<128x128xf32, #tpu.memory_space<vmem>>, vector<128x128xf32>,
    %eq3A_28 = arith.constant 9 : i32
    %eq3A_29 = arith.cmpi eq, %arg0, %eq3A_28 : i32
    %convert_element_type3A_30 = arith.extui %eq3A_29 : i1 to i32
    %cond3A_31 = arith.constant 0 : i32
    %cond3A_32 = arith.cmpi ne, %convert_element_type3A_30, %cond3A_31 : i32
    scf.if %cond3A_32 {
      %get3A_33 = arith.constant 0 : index
      %get3A_34 = arith.constant 0 : index
      %get3A_35 = vector.load %arg4[%get3A_33, %get3A_34] : memref<128x128xf32, #tpu.memory_space<vmem>>, vector<128x128xf32>
      %get3A_36 = arith.constant 0 : index
      %get3A_37 = arith.constant 0 : index
      %get3A_38 = vector.load %arg5[%get3A_36, %get3A_37] : memref<128x128xf32, #tpu.memory_space<vmem>>, vector<128x128xf32>
      %max3A = arith.constant 1.000000e+00 : f32
      %max3A_39 = vector.broadcast %max3A : f32 to vector<128x128xf32>
      %max3A_40 = arith.maximumf %get3A_38, %max3A_39 : vector<128x128xf32>
      %div3A = arith.divf %get3A_35, %max3A_40 : vector<128x128xf32>
      %swap3A_41 = arith.constant 0 : index
      %swap3A_42 = arith.constant 0 : index
      %swap3A_43 = vector.load %arg3[%swap3A_41, %swap3A_42] : memref<128x128xf32, #tpu.memory_space<vmem>>, vector<128x128xf32>
      tpu.vector_store %arg3[%swap3A_41, %swap3A_42], %div3A {strides = array<i32>} : memref<128x128xf32, #tpu.memory_space<vmem>>, vector<128x128xf32>,
    } else {
    }
    return
  }
  func.func @transform_0(%arg0: i32) -> (i32, i32) {
    %c0_i32 = arith.constant 0 : i32
    %c0_i32_0 = arith.constant 0 : i32
    return %arg0, %c0_i32 : i32, i32
  }
  func.func @transform_1(%arg0: i32) -> (i32, i32) {
    %c0_i32 = arith.constant 0 : i32
    %c0_i32_0 = arith.constant 0 : i32
    return %arg0, %c0_i32 : i32, i32
  }
  func.func @transform_2(%arg0: i32) -> (i32, i32) {
    %c0_i32 = arith.constant 0 : i32
    %c0_i32_0 = arith.constant 0 : i32
    %c0_i32_1 = arith.constant 0 : i32
    return %c0_i32, %c0_i32_0 : i32, i32
  }
}

</mosaic_0001>

<sc_bundles>
// kernel: kernel.13.cloned.1.call-start
scs
__scs_entry_jumppad:
0x0: {  	(pc) =	sbr.rel $0x88, $3  }
0x1: {  	(tag) =	ssettag $0x0;
	lr =	simm.s32 $0x1  }
0x2: {  	[smem:$0x3F90] =	sst lr;
	_ =	strace $0xD0000000  }
0x3: {  	_ = 	snop  }
0x4: {  	_ = 	snop  }
0x5: {  	_ = 	snop  }
0x6: {  	_ = 	snop  }
0x7: {  	_ = 	snop  }
__scs_overlays_trampoline_lowered:
0x8: {  	[smem:$0x3F9F] =	sst s0  }
0x9: {  	[smem:$0x3FA0] =	sst s1  }
0xa: {  	[smem:$0x3FA1] =	sst s2  }
0xb: {  	[smem:$0x3FA2] =	sst s3  }
0xc: {  	[smem:$0x3FA3] =	sst s4  }
0xd: {  	[smem:$0x3FA4] =	sst s5  }
0xe: {  	[smem:$0x3FA5] =	sst s6  }
0xf: {  	[smem:$0x3FA6] =	sst s7  }
0x10: {  	[smem:$0x3FA7] =	sst s8  }
0x11: {  	[smem:$0x3FA8] =	sst s9;
	s0 =	simm.s32 @!p0 $0x0  }
0x12: {  	s1 =	sld [smem:$0x3F8E];
	s0 =	simm.s32 @p0 $0x1  }
0x13: {  	[smem:$0x3FA9] =	sst s0;
	s0 =	simm.s32 @!p1 $0x0  }
0x14: {  	s2 =	sld [smem:$0x3F8D];
	s0 =	simm.s32 @p1 $0x1  }
0x15: {  	[smem:$0x3FAA] =	sst s0;
	s0 =	simm.s32 @!p2 $0x0  }
0x16: {  	s3 =	sld [smem:$0x3FDB];
	s0 =	simm.s32 @p2 $0x1  }
0x17: {  	s4 =	simm.s32 $0x1BF5;
	[smem:$0x3FAC] =	sst s0  }
0x18: {  	s0 =	sld [smem:$0x3F8F];
	_ =	swait.ge [sflag:s4], $0x0  }
0x19: {  	s7 =	sld [smem:$0x3F90]  }
0x1a: {  	s8 =	sadd.s32 $0xFFFFE003, lr  }
0x1b: {  	s9 =	sadd.s32 $0xFFFFFEF7, lr;
	s5 =	simm.s32 $0xFFFFFFFF;
	p2 =	slt.u32 s8, $0xFFFFF086  }
0x1c: {  	p1 =	slt.u32 s9, $0xF7A;
	s5 =	simm.s32 @!p2 $0x0  }
0x1d: {  	s5 =	simm.s32 @p1 $0x1;
	p0 =	seq.s32 s7, s2  }
0x1e: {  	s7 =	smul.u32 @!p0 $0xF7A, s2;
	p2 =	seq.s32 @!p0 s5, $0x0  }
0x1f: {  	s9 =	smul.u32 $0xF7A, s1;
	s8 =	simm.s32 @!p0 $0x1BF5;
	p2 =	por !p2, p0  }
0x20: {  	[sflag:s8] =	ssyncset.s32 @!p0 $0xFFFFF086;
	s6 =	sadd.s32 @!p0 s3, s7;
	s7 =	simm.s32 @!p0 $0x108  }
0x21: {  	s3 =	sadd.s32 s3, s9;
	s6 =	sadd.s32 @!p0 $0x88, s6;
	s7 =	simm.s32 @p2 $0x1082  }
0x22: {  	[simem:s7], [sflag:s8] =	dma.local @!p0 [hbm:s6], $0xF7A  }
0x23: {  	s9 =	sor.u32 $0xD0000000, s2;
	s6 =	simm.s32 $0x108;
	_ =	swait.ge @!p0 [sflag:s8], $0x0  }
0x24: {  	s3 =	sadd.s32 $0x88, s3;
	s6 =	simm.s32 @!p1 $0x1082;
	[sflag:s4] =	ssyncset.s32 $0xFFFFF086  }
0x25: {  	[simem:s6], [sflag:s4] =	dma.local [hbm:s3], $0xF7A  }
0x26: {  	[smem:$0x3F90] =	sst s1;
	(tag) =	ssettag s2;
	_ =	strace s9  }
0x27: {  	s1 =	sld [smem:$0x3FA0]  }
0x28: {  	s2 =	sld [smem:$0x3FA1]  }
0x29: {  	s4 =	sld [smem:$0x3FA3]  }
0x2a: {  	p0 =	seq.s32 s5, $0x0;
	s5 =	sld [smem:$0x3FA4]  }
0x2b: {  	s6 =	sld [smem:$0x3FA5]  }
0x2c: {  	s7 =	sld [smem:$0x3FA6]  }
0x2d: {  	s3 =	simm.s32 $0x108;
	s8 =	sld [smem:$0x3FA7]  }
0x2e: {  	s3 =	simm.s32 @!p0 $0x1082;
	s9 =	sld [smem:$0x3FA8]  }
0x2f: {  	lr =	sadd.s32 s0, s3;
	s0 =	sld [smem:$0x3F9F]  }
0x30: {  	s3 =	sld [smem:$0x3FA2]  }
0x31: {  	[smem:$0x3FAB] =	sst s10  }
0x32: {  	s10 =	sld [smem:$0x3FA9];
	_ =	sdelay $0x3  }
0x33: {  	p0 =	seq.s32 s10, $0x1;
	s10 =	sld [smem:$0x3FAB];
	_ =	sdelay $0x3  }
0x34: {  	[smem:$0x3FAB] =	sst s10  }
0x35: {  	s10 =	sld [smem:$0x3FAA];
	_ =	sdelay $0x3  }
0x36: {  	p1 =	seq.s32 s10, $0x1;
	s10 =	sld [smem:$0x3FAB];
	_ =	sdelay $0x3  }
0x37: {  	[smem:$0x3FAB] =	sst s10  }
0x38: {  	s10 =	sld [smem:$0x3FAC]  }
0x39: {  	_ = 	snop;
	(pc) =	sbr.ind lr, $3  }
0x3a: {  	_ = 	snop  }
0x3b: {  	_ = 	snop  }
0x3c: {  	p2 =	seq.s32 s10, $0x1;
	s10 =	sld [smem:$0x3FAB]  }
0x3d: {  	_ =	shalt  }
0x3e: {  	_ =	shalt  }
0x3f: {  	_ =	shalt  }
0x40: {  	_ =	shalt  }
0x41: {  	_ =	shalt  }
0x42: {  	_ =	shalt  }
0x43: {  	_ =	shalt  }
0x44: {  	_ =	shalt  }
0x45: {  	_ =	shalt  }
0x46: {  	_ =	shalt  }
0x47: {  	_ =	shalt  }
0x48: {  	_ =	shalt  }
0x49: {  	_ =	shalt  }
0x4a: {  	_ =	shalt  }
0x4b: {  	_ =	shalt  }
0x4c: {  	_ =	shalt  }
0x4d: {  	_ =	shalt  }
0x4e: {  	_ =	shalt  }
0x4f: {  	_ =	shalt  }
0x50: {  	_ =	shalt  }
0x51: {  	_ =	shalt  }
0x52: {  	_ =	shalt  }
0x53: {  	_ =	shalt  }
0x54: {  	_ =	shalt  }
0x55: {  	_ =	shalt  }
0x56: {  	_ =	shalt  }
0x57: {  	_ =	shalt  }
0x58: {  	_ =	shalt  }
0x59: {  	_ =	shalt  }
0x5a: {  	_ =	shalt  }
0x5b: {  	_ =	shalt  }
0x5c: {  	_ =	shalt  }
0x5d: {  	_ =	shalt  }
0x5e: {  	_ =	shalt  }
0x5f: {  	_ =	shalt  }
0x60: {  	_ =	shalt  }
0x61: {  	_ =	shalt  }
0x62: {  	_ =	shalt  }
0x63: {  	_ =	shalt  }
0x64: {  	_ =	shalt  }
0x65: {  	_ =	shalt  }
0x66: {  	_ =	shalt  }
0x67: {  	_ =	shalt  }
0x68: {  	_ =	shalt  }
0x69: {  	_ =	shalt  }
0x6a: {  	_ =	shalt  }
0x6b: {  	_ =	shalt  }
0x6c: {  	_ =	shalt  }
0x6d: {  	_ =	shalt  }
0x6e: {  	_ =	shalt  }
0x6f: {  	_ =	shalt  }
0x70: {  	_ =	shalt  }
0x71: {  	_ =	shalt  }
0x72: {  	_ =	shalt  }
0x73: {  	_ =	shalt  }
0x74: {  	_ =	shalt  }
0x75: {  	_ =	shalt  }
0x76: {  	_ =	shalt  }
0x77: {  	_ =	shalt  }
0x78: {  	_ =	shalt  }
0x79: {  	_ =	shalt  }
0x7a: {  	_ =	shalt  }
0x7b: {  	_ =	shalt  }
0x7c: {  	_ =	shalt  }
0x7d: {  	_ =	shalt  }
0x7e: {  	_ =	shalt  }
0x7f: {  	_ =	shalt  }
0x80: {  	_ =	shalt  }
0x81: {  	_ =	shalt  }
0x82: {  	_ =	shalt  }
0x83: {  	_ =	shalt  }
0x84: {  	_ =	shalt  }
0x85: {  	_ =	shalt  }
0x86: {  	_ =	shalt  }
0x87: {  	_ =	shalt  }
.Lfunc_end0:
.L_simem_size_0:
called_computation_lowered:
.L_overlay_start_0:
0x88: {  	s2 =	sld [smem:$0x3FD9]  }
0x89: {  	s3 =	sld [smem:$0x3FFE];
	_ =	sdelay $0x1  }
0x8a: {  	s1 =	srdreg.scid  }
0x8b: {  	s0 =	sand.u32 $0x1, s1  }
0x8c: {  	s16 =	sshll.u32 s0, $0xA;
	s2 =	sadd.s32 s3, s2  }
0x8d: {  	s2 =	sadd.s32 s2, s16  }
0x8e: {  	[smem:$0x3FB7] =	sst s2  }
0x8f: {  	_ = 	snop  }
0x90: {  	(tm) =	ssettm $0x1  }
0x91: {  	s17 =	sld [smem:$0x3FFB];
	_ =	sdelay $0x3  }
0x92: {  	_ =	strace s17  }
0x93: {  	s2 =	sld [smem:$0x3FFC];
	_ =	sdelay $0x3  }
0x94: {  	_ =	strace s2  }
0x95: {  	s2 =	sld [smem:$0x3FFD];
	_ =	sdelay $0x3  }
0x96: {  	_ =	strace s2  }
0x97: {  	_ =	strace $0x8FFFFFFF  }
0x98: {  	s18 =	sld [smem:$0x3FDB];
	_ =	sdelay $0x1  }
0x99: {  	s19 =	simm.s32 $_scs_section_size  }
0x9a: {  	s4 =	simm.s32 $_size__tile_overlayer_lowered;
	s5 =	simm.s32 $_tile_overlayer_lowered  }
0x9b: {  	s22 =	simm.s32 $0x1BFF;
	s21 =	sshll.u32 s5, $0x1;
	s2 =	sadd.s32 s19, s18  }
0x9c: {  	s6 =	simm.s32 $0x0;
	s20 =	sshll.u32 s4, $0x1;
	s4 =	sadd.s32 s21, s2  }
0x9d: {  	[timem:s6], [sflag:s22] =	dma.local [hbm:s4], s20  }
0x9e: {  	_ =	swait.ge [sflag:s22], s20  }
0x9f: {  	s3 =	ssub.s32 $0x0, s20;
	[sflag:s22] =	ssyncset.done $0x0  }
0xa0: {  	[sflag:s22] =	ssyncadd.s32 s3;
	_ =	sdelay $0x1  }
0xa1: {  	s23 =	simm.s32 $0x1B8B  }
0xa2: {  	_ =	swait.ge [sflag:s23], $0x1  }
0xa3: {  	[sflag:s23] =	ssyncset.done $0x0  }
0xa4: {  	s25 =	simm.s32 $0x1B8E;
	s24 =	sld [smem:$0x3FFE];
	[sflag:s23] =	ssyncadd.s32 $0xFFFFFFFF  }
0xa5: {  	s26 =	simm.s32 $execute0_lowered;
	[smem:$0x3FD2] =	sst s25  }
0xa6: {  	s4 =	sshll.u32 s26, $0x1;
	_ =	strace $0x80000046;
	[dreg:$0x1] =	wrdreg $0xFFFFFFFF  }
0xa7: {  	s28 =	simm.s32 $_size_execute0_lowered;
	s2 =	sadd.s32 s2, s4;
	[dreg:$0x0] =	wrdreg $0x0  }
0xa8: {  	s4 =	sshll.u32 s28, $0x1;
	[dreg:$0x2] =	wrdreg s2  }
0xa9: {  	[dreg:$0x3] =	wrdreg s4  }
0xaa: {  	[dreg:$0x4] =	wrdreg $0xC0  }
0xab: {  	_ =	task [dreg:s6], $0x5FFFF  }
0xac: {  	[dreg:$0x1] =	wrdreg $0xFFFFFFFF  }
0xad: {  	[dreg:$0x0] =	wrdreg $0x60  }
0xae: {  	[dreg:$0x2] =	wrdreg s24  }
0xaf: {  	[dreg:$0x3] =	wrdreg $0x65A00  }
0xb0: {  	[dreg:$0x4] =	wrdreg $0x101E00  }
0xb1: {  	[dreg:$0x5] =	wrdreg $0x9  }
0xb2: {  	_ =	task.clear_ibuf [dreg:s6], $0x6FFFF;
	_ =	strace $0x90000046  }
0xb3: {  	s29 =	simm.s32 $0x9;
	_ =	strace $0x80000048  }
0xb4: {  	_ =	swait.ge [sflag:s29], $0x1  }
0xb5: {  	[sflag:s29] =	ssyncadd.s32 $0xFFFFFFFF  }
0xb6: {  	_ =	strace $0x90000048  }
0xb7: {  	_ =	sfence  }
0xb8: {  	s30 =	sld [smem:$0x0];
	_ =	sdelay $0x2  }
0xb9: {  	s31 =	sshll.u32 s1, $0xD;
	s1 =	sshrl.u32 s1, $0x2  }
0xba: {  	s3 =	sand.u32 $0x4000, s31;
	s1 =	sadd.s32 s1, s30  }
0xbb: {  	s0 =	sor.u32 s3, s0;
	s1 =	sshll.u32 s1, $0x11  }
0xbc: {  	s0 =	sor.u32 s1, s0  }
0xbd: {  	s0 =	sadd.s32 $0x8F2B, s0  }
0xbe: {  	[sflag:s0] =	ssyncadd.remote.s32 $0x1  }
0xbf: {  	_ =	sfence.sel $0xFFFF  }
0xc0: {  	[dreg:$0x0] =	wrdreg $0xFFFFFFFF;
	(pc) =	sbr.abs _section_cstart, $3  }
0xc1: {  	[dreg:$0x1] =	wrdreg $0xFFFFFFFF  }
0xc2: {  	_ =	task.clear_ibuf [dreg:s6], $0x2FFFF;
	_ =	strace $0x9FFFFFFF  }
0xc3: {  	(tm) =	ssettm $0x7FFFFFFF  }
tec
execute0_lowered:
.L_overlay_start_1:
0x0: {  	(tag) =	ssettag $0x1  }
0x1: {  	s10 =	rddreg [dreg:$0x0]  }
0x2: {  	s1 =	rddreg [dreg:$0x1]  }
0x3: {  	s3 =	rddreg [dreg:$0x2];
	s4 =	simm.s32 $0x0;
	s5 =	srdreg.scid  }
0x4: {  	s2 =	stileid.u32;
	s19 =	simm.s32 $0x190;
	s20 =	simm.s32 $0x2  }
0x5: {  	s21 =	simm.s32 $0x6590;
	s22 =	simm.s32 $0xC8;
	s24 =	simm.s32 $0x3390  }
0x6: {  	s25 =	simm.s32 $0x0;
	[smem:$0x7FF] =	sst s4;
	s15 =	sand.u32 $0x1, s5  }
0x7: {  	s7 =	smul.u32 $0x280, s2;
	s5 =	sadd.s32 $0x527400, s10;
	s6 =	sadd.s32 $0x1DC00, s10  }
0x8: {  	s8 =	sadd.s32 $0xA000, s10;
	s9 =	sadd.s32 $0x54E600, s10;
	s23 =	smul.u32 $0x2710, s15  }
0x9: {  	_ =	strace $0x80000047;
	s13 =	ssub.s32 $0x2, s15;
	s15 =	smul.u32 $0x4E200, s15  }
0xa: {  	s11 =	smin.u32 s7, $0x2490;
	s7 =	sadd.s32 $0x13E00, s10;
	s31 =	sshrl.u32 s13, $0x1  }
0xb: {  	s12 =	sadd.s32 s23, s11;
	s11 =	sshll.u32 s11, $0x6;
	s18 =	ssub.s32 s13, s31  }
0xc: {  	s13 =	smul.u32 $0x4E20, s2;
	v0 =	vmov s23;
	s23 =	simm.s32 $0x1;
	s12 =	sshll.u32 s12, $0x3  }
0xd: {  	s14 =	sadd.s32 $0x3200, s11;
	s18 =	smax.u32 s18, $0x1;
	s17 =	sadd.s32 s12, s10  }
0xe: {  	s10 =	sadd.s32 s11, s1;
	s11 =	sadd.s32 s11, s3;
	s12 =	sadd.s32 s14, s1  }
0xf: {  	v1 =	vimm.f32 $0.0e+00;
	s14 =	sadd.s32 s14, s3;
	s16 =	sadd.s32 $0x54E800, s17;
	s17 =	sadd.s32 $0x54EE40, s17  }
.LBB2_1:
0x10: {  	s28 =	simm.s32 $0x100;
	s26 =	simm.s32 $0x0  }
.LBB2_2:
0x11: {  	p0 =	sne.s32 s28, $0xC700;
	[tilespmem:s26+$0x1C0] =	vst v1;
	s29 =	smov.u32 s28;
	s28 =	sadd.s32 $0x100, s28  }
.Ltmp0:
0x12: {  	[tilespmem:s26+$0x1B0] =	vst v1;
	(pc) =	sbr.rel @p0 .LBB2_2-.Ltmp0, $3  }
0x13: {  	[tilespmem:s26+$0x190] =	vst v1  }
0x14: {  	[tilespmem:s26+$0x1A0] =	vst v1;
	_ =	sdelay $0x1  }
0x15: {  	s26 =	sshra.s32 s29, $0x2  }
0x16: {  	[tilespmem:s26+$0x1C0] =	vst v1  }
0x17: {  	[tilespmem:s26+$0x1B0] =	vst v1  }
0x18: {  	[tilespmem:s26+$0x190] =	vst v1  }
0x19: {  	[tilespmem:s26+$0x1A0] =	vst v1  }
0x1a: {  	[spmem:s10] =	stream.linear.scatter [tilespmem:s19], [sflag:$0x2], $0x3200, $0x38;
	[tilespmem:$0x19E20] =	vst v63  }
0x1b: {  	_ =	swait.ge [sflag:s20], $0x3200  }
0x1c: {  	[sflag:s20] =	ssyncset.done $0x0  }
0x1d: {  	[sflag:s20] =	ssyncadd.s32 $0xFFFFCE00  }
0x1e: {  	[spmem:s11] =	stream.linear.scatter [tilespmem:s19], [sflag:$0x2], $0x3200, $0x38;
	[tilespmem:$0x19E20] =	vst v63  }
0x1f: {  	_ =	swait.ge [sflag:s20], $0x3200  }
0x20: {  	[sflag:s20] =	ssyncset.done $0x0  }
0x21: {  	[sflag:s20] =	ssyncadd.s32 $0xFFFFCE00  }
0x22: {  	[spmem:s12] =	stream.linear.scatter [tilespmem:s19], [sflag:$0x2], $0x6E00, $0x38;
	[tilespmem:$0x19E20] =	vst v63  }
0x23: {  	_ =	swait.ge [sflag:s20], $0x6E00  }
0x24: {  	[sflag:s20] =	ssyncset.done $0x0  }
0x25: {  	[sflag:s20] =	ssyncadd.s32 $0xFFFF9200  }
0x26: {  	[spmem:s14] =	stream.linear.scatter [tilespmem:s19], [sflag:$0x2], $0x6E00, $0x38;
	[tilespmem:$0x19E20] =	vst v63  }
0x27: {  	_ =	swait.ge [sflag:s20], $0x6E00  }
0x28: {  	[sflag:s20] =	ssyncset.done $0x0  }
0x29: {  	[sflag:s20] =	ssyncadd.s32 $0xFFFF9200  }
0x2a: {  	s26 =	simm.s32 $0x0;
	[bflag:$0x0] =	sbarrier.arrive $0xFFFF  }
0x2b: {  	[tilespmem:s21], [sflag:$0x2] =	stream.linear.gather [hbm4b:s9+s26], $0x10, $0x38;
	[tilespmem:$0x19E20] =	vst v63  }
0x2c: {  	_ =	swait.ge [sflag:s20], $0x10  }
0x2d: {  	[sflag:s20] =	ssyncset.done $0x0  }
0x2e: {  	[sflag:s20] =	ssyncadd.s32 $0xFFFFFFF0  }
0x2f: {  	s28 =	simm.s32 $0x0;
	v2 =	vld [tilespmem:$0x6590]  }
.LBB2_4:
0x30: {  	s29 =	smul.u32 $0xC8, s28;
	_ =	sdelay $0x1  }
0x31: {  	s29 =	sadd.s32 s13, s29  }
0x32: {  	s30 =	sshrl.u32 s29, $0x3  }
0x33: {  	s31 =	sadd.s32 s7, s30  }
0x34: {  	[tilespmem:s26], [sflag:$0x2] =	stream.linear.gather [hbm4b:s31+s26], $0xC8, $0x38;
	[tilespmem:$0x19E20] =	vst v63  }
0x35: {  	_ =	swait.ge [sflag:s20], $0xC8  }
0x36: {  	[sflag:s20] =	ssyncset.done $0x0  }
0x37: {  	s30 =	sadd.s32 s8, s30;
	[sflag:s20] =	ssyncadd.s32 $0xFFFFFF38  }
0x38: {  	[tilespmem:s22], [sflag:$0x2] =	stream.linear.gather [hbm4b:s30+s26], $0xC8, $0x38;
	[tilespmem:$0x19E20] =	vst v63  }
0x39: {  	_ =	swait.ge [sflag:s20], $0xC8  }
0x3a: {  	[sflag:s20] =	ssyncset.done $0x0  }
0x3b: {  	[sflag:s20] =	ssyncadd.s32 $0xFFFFFF38  }
0x3c: {  	v3 =	vld [tilespmem:$0x0]  }
0x3d: {  	v4 =	vld [tilespmem:$0x10]  }
0x3e: {  	v5 =	vld [tilespmem:$0x20]  }
0x3f: {  	v6 =	vld [tilespmem:$0x30]  }
0x40: {  	v7 =	vld [tilespmem:$0x40]  }
0x41: {  	v8 =	vld [tilespmem:$0x50];
	v3 =	vadd.s32 v0, v3  }
0x42: {  	[tilespmem:$0x0] =	vst v3;
	v3 =	vadd.s32 v0, v4;
	v4 =	vld [tilespmem:$0x60]  }
0x43: {  	[tilespmem:$0x10] =	vst v3;
	v3 =	vadd.s32 v0, v5;
	v5 =	vld [tilespmem:$0x70]  }
0x44: {  	[tilespmem:$0x20] =	vst v3;
	v3 =	vadd.s32 v0, v6;
	v6 =	vld [tilespmem:$0x80]  }
0x45: {  	[tilespmem:$0x30] =	vst v3;
	v3 =	vadd.s32 v0, v7;
	v7 =	vld [tilespmem:$0x90]  }
0x46: {  	[tilespmem:$0x40] =	vst v3;
	v3 =	vadd.s32 v0, v8;
	v8 =	vld [tilespmem:$0xA0]  }
0x47: {  	[tilespmem:$0x50] =	vst v3;
	v3 =	vadd.s32 v0, v4;
	v4 =	vld [tilespmem:$0xB0]  }
0x48: {  	[tilespmem:$0x60] =	vst v3;
	v3 =	vadd.s32 v0, v5  }
0x49: {  	[tilespmem:$0x70] =	vst v3;
	v3 =	vadd.s32 v0, v6  }
0x4a: {  	[tilespmem:$0x80] =	vst v3;
	v3 =	vadd.s32 v0, v7  }
0x4b: {  	[tilespmem:$0x90] =	vst v3;
	v3 =	vadd.s32 v0, v8  }
0x4c: {  	[tilespmem:$0xA0] =	vst v3;
	v3 =	vadd.s32 v0, v4  }
0x4d: {  	[tilespmem:$0xB0] =	vst v3  }
0x4e: {  	[tilespmem:s19], [sflag:$0x1] =	stream.indirect.gather [hbm4b:s5+s22], $0x40, s26, s22, $0xb8;
	[tilespmem:$0x19E20] =	vst v63  }
0x4f: {  	s29 =	sadd.s32 s15, s29;
	_ =	swait.ge [sflag:s23], $0x3200  }
0x50: {  	s29 =	sshll.u32 s29, $0x3;
	[sflag:s23] =	ssyncset.done $0x0  }
0x51: {  	s29 =	sadd.s32 s6, s29;
	[sflag:s23] =	ssyncadd.s32 $0xFFFFCE00  }
0x52: {  	[tilespmem:s24], [sflag:$0x2] =	stream.linear.gather [hbm4b:s29+s26], $0x3200, $0x38;
	[tilespmem:$0x19E20] =	vst v63  }
0x53: {  	_ =	swait.ge [sflag:s20], $0x3200  }
0x54: {  	[sflag:s20] =	ssyncset.done $0x0  }
0x55: {  	s29 =	simm.s32 $0x0;
	[sflag:s20] =	ssyncadd.s32 $0xFFFFCE00  }
0x56: {  	v3 =	vld [tilespmem:s29+$0x3390]  }
0x57: {  	v4 =	vld [tilespmem:s29+$0x190];
	_ =	sdelay $0x4  }
0x58: {  	v3 =	vadd.f32 v3, v4;
	_ =	sdelay $0x1  }
0x59: {  	v3 =	vmax.f32 v3, $0.0e+00  }
0x5a: {  	v6 =	vld [tilespmem:s29+$0x1B0];
	v8 =	vadd.f32 $1.000000010e-07, v3  }
0x5b: {  	v7 =	vld [tilespmem:s29+$0x1A0]  }
0x5c: {  	v3 =	vld [tilespmem:s29+$0x33B0];
	v5 =	vmul.f32 v8, v2  }
0x5d: {  	v4 =	vld [tilespmem:s29+$0x33A0]  }
0x5e: {  	v9 =	vld [tilespmem:s29+$0x33C0];
	v5 =	vmul.f32 $1.442695020e+00, v5  }
0x5f: {  	v10 =	vld [tilespmem:s29+$0x1C0]  }
0x60: {  	(erf) = vpow2.f32 v5  }
0x61: {  	v3 =	vadd.f32 v3, v6  }
0x62: {  	v4 =	vadd.f32 v4, v7  }
0x63: {  	v3 =	vmax.f32 v3, $0.0e+00  }
0x64: {  	v4 =	vmax.f32 v4, $0.0e+00;
	v5 =	vadd.f32 $1.000000010e-07, v3;
	v3 =	vadd.f32 v9, v10  }
0x65: {  	v4 =	vadd.f32 $1.000000010e-07, v4  }
0x66: {  	v6 =	vmul.f32 v5, v2;
	v3 =	vmax.f32 v3, $0.0e+00  }
0x67: {  	v7 =	vmul.f32 v4, v2;
	v3 =	vadd.f32 $1.000000010e-07, v3  }
0x68: {  	v9 =	vmul.f32 $1.442695020e+00, v6  }
0x69: {  	v6 =	vmul.f32 $1.442695020e+00, v7;
	v7 =	vmul.f32 v3, v2;
	v10 =	vpop (erf)  }
0x6a: {  	s31 =	simm.s32 $0x200;
	s30 =	simm.s32 $0x100;
	(erf) = vpow2.f32 v9;
	[tilespmem:s29+$0x3390] =	vst v10;
	v8 =	vmul.f32 v10, v8  }
.LBB2_5:
0x6b: {  	p0 =	sne.s32 s31, $0xC700  }
0x6c: {  	s0 =	sshra.s32 s30, $0x2;
	v7 =	vmul.f32 $1.442695020e+00, v7;
	(erf) = vpow2.f32 v6;
	s30 =	smov.u32 s31;
	s31 =	sadd.s32 $0x100, s31  }
0x6d: {  	v6 =	vld [tilespmem:s0+$0x3390];
	[tilespmem:s29+$0x190] =	vst v8  }
0x6e: {  	v8 =	vld [tilespmem:s0+$0x190];
	(erf) = vpow2.f32 v7;
	_ =	sdelay $0x4  }
0x6f: {  	v6 =	vadd.f32 v6, v8  }
0x70: {  	v7 =	vpop (erf)  }
0x71: {  	v6 =	vmax.f32 v6, $0.0e+00;
	[tilespmem:s29+$0x33B0] =	vst v7;
	v9 =	vmul.f32 v7, v5;
	v7 =	vpop (erf)  }
0x72: {  	v8 =	vadd.f32 $1.000000010e-07, v6;
	v6 =	vld [tilespmem:s0+$0x33B0];
	[tilespmem:s29+$0x33A0] =	vst v7;
	v4 =	vmul.f32 v7, v4  }
0x73: {  	v7 =	vld [tilespmem:s0+$0x33A0];
	[tilespmem:s29+$0x1B0] =	vst v9;
	v5 =	vpop (erf)  }
0x74: {  	v9 =	vmul.f32 v8, v2;
	v10 =	vld [tilespmem:s0+$0x1B0];
	[tilespmem:s29+$0x1A0] =	vst v4;
	v3 =	vmul.f32 v5, v3  }
0x75: {  	v4 =	vld [tilespmem:s0+$0x1A0];
	[tilespmem:s29+$0x33C0] =	vst v5  }
0x76: {  	v5 =	vmul.f32 $1.442695020e+00, v9;
	v9 =	vld [tilespmem:s0+$0x33C0];
	[tilespmem:s29+$0x1C0] =	vst v3;
	s29 =	smov.u32 s0  }
0x77: {  	v3 =	vld [tilespmem:s29+$0x1C0]  }
0x78: {  	(erf) = vpow2.f32 v5  }
0x79: {  	v5 =	vadd.f32 v6, v10  }
0x7a: {  	v4 =	vadd.f32 v7, v4  }
0x7b: {  	v5 =	vmax.f32 v5, $0.0e+00  }
0x7c: {  	v4 =	vmax.f32 v4, $0.0e+00;
	v5 =	vadd.f32 $1.000000010e-07, v5;
	v3 =	vadd.f32 v9, v3  }
0x7d: {  	v4 =	vadd.f32 $1.000000010e-07, v4  }
.Ltmp1:
0x7e: {  	v6 =	vmul.f32 v5, v2;
	v3 =	vmax.f32 v3, $0.0e+00;
	(pc) =	sbr.rel @p0 .LBB2_5-.Ltmp1, $4  }
0x7f: {  	v7 =	vmul.f32 v4, v2;
	v3 =	vadd.f32 $1.000000010e-07, v3  }
0x80: {  	v9 =	vmul.f32 $1.442695020e+00, v6  }
0x81: {  	v6 =	vmul.f32 $1.442695020e+00, v7;
	v7 =	vmul.f32 v3, v2;
	v10 =	vpop (erf)  }
0x82: {  	[tilespmem:s29+$0x3390] =	vst v10;
	v8 =	vmul.f32 v10, v8;
	(erf) = vpow2.f32 v9  }
0x83: {  	(erf) = vpow2.f32 v6;
	v46 =	vmul.f32 $1.442695020e+00, v7;
	_ =	sdelay $0x1  }
0x84: {  	(erf) = vpow2.f32 v46;
	_ =	sdelay $0x4  }
0x85: {  	s30 =	sshra.s32 s30, $0x2  }
0x86: {  	v47 =	vld [tilespmem:s30+$0x3390];
	[tilespmem:s29+$0x190] =	vst v8;
	v49 =	vpop (erf)  }
0x87: {  	v48 =	vld [tilespmem:s30+$0x190];
	[tilespmem:s29+$0x33B0] =	vst v49;
	v9 =	vpop (erf);
	v5 =	vmul.f32 v49, v5  }
0x88: {  	v10 =	vld [tilespmem:s30+$0x33B0];
	[tilespmem:s29+$0x33A0] =	vst v9;
	v4 =	vmul.f32 v9, v4  }
0x89: {  	v50 =	vld [tilespmem:s30+$0x33A0];
	[tilespmem:s29+$0x1B0] =	vst v5;
	v51 =	vpop (erf)  }
0x8a: {  	v5 =	vld [tilespmem:s30+$0x1B0];
	[tilespmem:s29+$0x1A0] =	vst v4;
	v3 =	vmul.f32 v51, v3  }
0x8b: {  	v52 =	vld [tilespmem:s30+$0x1A0];
	[tilespmem:s29+$0x33C0] =	vst v51  }
0x8c: {  	v6 =	vadd.f32 v47, v48;
	v4 =	vld [tilespmem:s30+$0x33C0];
	[tilespmem:s29+$0x1C0] =	vst v3  }
0x8d: {  	v3 =	vld [tilespmem:s30+$0x1C0]  }
0x8e: {  	v6 =	vmax.f32 v6, $0.0e+00  }
0x8f: {  	v6 =	vadd.f32 $1.000000010e-07, v6;
	v5 =	vadd.f32 v10, v5  }
0x90: {  	v53 =	vadd.f32 v50, v52  }
0x91: {  	v54 =	vmul.f32 v6, v2;
	v5 =	vmax.f32 v5, $0.0e+00  }
0x92: {  	v7 =	vmax.f32 v53, $0.0e+00;
	v5 =	vadd.f32 $1.000000010e-07, v5;
	v3 =	vadd.f32 v4, v3  }
0x93: {  	v55 =	vmul.f32 $1.442695020e+00, v54;
	v7 =	vadd.f32 $1.000000010e-07, v7  }
0x94: {  	v56 =	vmul.f32 v5, v2;
	v3 =	vmax.f32 v3, $0.0e+00  }
0x95: {  	(erf) = vpow2.f32 v55;
	v57 =	vmul.f32 v7, v2;
	v3 =	vadd.f32 $1.000000010e-07, v3  }
0x96: {  	v8 =	vmul.f32 $1.442695020e+00, v56  }
0x97: {  	v4 =	vmul.f32 $1.442695020e+00, v57;
	v58 =	vmul.f32 v3, v2  }
0x98: {  	(erf) = vpow2.f32 v8  }
0x99: {  	v59 =	vmul.f32 $1.442695020e+00, v58;
	(erf) = vpow2.f32 v4;
	_ =	sdelay $0x1  }
0x9a: {  	(erf) = vpow2.f32 v59;
	_ =	sdelay $0x2  }
0x9b: {  	v60 =	vpop (erf)  }
0x9c: {  	v6 =	vmul.f32 v60, v6  }
0x9d: {  	[tilespmem:s30+$0x3390] =	vst v60  }
0x9e: {  	[tilespmem:s30+$0x190] =	vst v6;
	v61 =	vpop (erf)  }
0x9f: {  	[tilespmem:s30+$0x33B0] =	vst v61;
	v4 =	vmul.f32 v61, v5;
	v62 =	vpop (erf)  }
0xa0: {  	[tilespmem:s30+$0x33A0] =	vst v62;
	v5 =	vmul.f32 v62, v7  }
0xa1: {  	[tilespmem:s30+$0x1B0] =	vst v4;
	v63 =	vpop (erf)  }
0xa2: {  	[tilespmem:s30+$0x1A0] =	vst v5;
	v3 =	vmul.f32 v63, v3  }
0xa3: {  	[tilespmem:s30+$0x33C0] =	vst v63  }
0xa4: {  	[tilespmem:s30+$0x1C0] =	vst v3  }
0xa5: {  	[spmem:s3] =	stream.indirect.scatter.add.f32 [tilespmem:s24], [sflag:$0x2], $0x40, s22, s22, $0xb8;
	[tilespmem:$0x19E20] =	vst v63  }
0xa6: {  	s28 =	sadd.s32 $0x1, s28;
	_ =	swait.ge [sflag:s20], $0x3200  }
0xa7: {  	p0 =	sne.s32 s28, $0x64;
	[sflag:s20] =	ssyncset.done $0x0  }
.Ltmp2:
0xa8: {  	[sflag:s20] =	ssyncadd.s32 $0xFFFFCE00;
	(pc) =	sbr.rel @p0 .LBB2_4-.Ltmp2, $4  }
0xa9: {  	[spmem:s1] =	stream.indirect.scatter.add.f32 [tilespmem:s19], [sflag:$0x2], $0x40, s22, s22, $0xb8;
	[tilespmem:$0x19E20] =	vst v63  }
0xaa: {  	_ =	swait.ge [sflag:s20], $0x3200  }
0xab: {  	[sflag:s20] =	ssyncset.done $0x0  }
0xac: {  	[sflag:s20] =	ssyncadd.s32 $0xFFFFCE00  }
0xad: {  	[bflag:$0x0] =	sbarrier.arrive $0xFFFF  }
0xae: {  	[tilespmem:s19], [sflag:$0x2] =	stream.linear.gather [spmem:s10], $0x3200, $0x38;
	[tilespmem:$0x19E20] =	vst v63  }
0xaf: {  	_ =	swait.ge [sflag:s20], $0x3200  }
0xb0: {  	[sflag:s20] =	ssyncset.done $0x0  }
0xb1: {  	[sflag:s20] =	ssyncadd.s32 $0xFFFFCE00  }
0xb2: {  	[tilespmem:s24], [sflag:$0x2] =	stream.linear.gather [spmem:s11], $0x3200, $0x38;
	[tilespmem:$0x19E20] =	vst v63  }
0xb3: {  	_ =	swait.ge [sflag:s20], $0x3200  }
0xb4: {  	[sflag:s20] =	ssyncset.done $0x0  }
0xb5: {  	s29 =	simm.s32 $0x0;
	[sflag:s20] =	ssyncadd.s32 $0xFFFFCE00  }
0xb6: {  	v2 =	vld [tilespmem:s29+$0x3390]  }
0xb7: {  	v3 =	vld [tilespmem:s29+$0x33A0]  }
0xb8: {  	v4 =	vld [tilespmem:s29+$0x33B0];
	_ =	sdelay $0x1  }
0xb9: {  	v5 =	vld [tilespmem:s29+$0x33C0]  }
0xba: {  	v2 =	vadd.f32 $1.000000020e-16, v2  }
0xbb: {  	s26 =	simm.s32 $0x40;
	v3 =	vadd.f32 $1.000000020e-16, v3  }
0xbc: {  	v4 =	vadd.f32 $1.000000020e-16, v4;
	(erf) = vrcp.f32 v2;
	v2 =	vld [tilespmem:s26+$0x3390]  }
0xbd: {  	(erf) = vrcp.f32 v3;
	v3 =	vld [tilespmem:s26+$0x33A0]  }
0xbe: {  	v5 =	vadd.f32 $1.000000020e-16, v5;
	(erf) = vrcp.f32 v4;
	v4 =	vld [tilespmem:s26+$0x33B0];
	_ =	sdelay $0x1  }
0xbf: {  	v6 =	vld [tilespmem:s26+$0x33C0];
	(erf) = vrcp.f32 v5;
	_ =	sdelay $0x1  }
0xc0: {  	v7 =	vld [tilespmem:s29+$0x190];
	v8 =	vadd.f32 $1.000000020e-16, v2;
	v5 =	vadd.f32 $1.000000020e-16, v3  }
0xc1: {  	v9 =	vld [tilespmem:s29+$0x1A0];
	v10 =	vadd.f32 $1.000000020e-16, v4  }
0xc2: {  	v2 =	vld [tilespmem:s29+$0x1B0];
	(erf) = vrcp.f32 v8  }
0xc3: {  	s28 =	simm.s32 $0x80;
	v4 =	vld [tilespmem:s29+$0x1C0];
	v8 =	vadd.f32 $1.000000020e-16, v6;
	(erf) = vrcp.f32 v5  }
0xc4: {  	v3 =	vld [tilespmem:s28+$0x3390];
	v5 =	vpop (erf);
	(erf) = vrcp.f32 v10  }
0xc5: {  	v6 =	vld [tilespmem:s28+$0x33A0];
	v7 =	vmul.f32 v5, v7;
	v10 =	vpop (erf);
	(erf) = vrcp.f32 v8  }
0xc6: {  	s30 =	simm.s32 $0x300;
	v5 =	vld [tilespmem:s28+$0x33B0];
	v8 =	vmul.f32 v10, v9;
	v9 =	vpop (erf)  }
.LBB2_8:
0xc7: {  	p0 =	sne.s32 s30, $0xC700;
	v10 =	vld [tilespmem:s28+$0x33C0];
	[tilespmem:s29+$0x190] =	vst v7;
	v2 =	vmul.f32 v9, v2;
	v7 =	vpop (erf)  }
0xc8: {  	v9 =	vld [tilespmem:s26+$0x190];
	[tilespmem:s29+$0x1A0] =	vst v8;
	v4 =	vmul.f32 v7, v4  }
0xc9: {  	v3 =	vadd.f32 $1.000000020e-16, v3;
	v8 =	vld [tilespmem:s26+$0x1A0];
	[tilespmem:s29+$0x1B0] =	vst v2  }
.Ltmp3:
0xca: {  	v6 =	vadd.f32 $1.000000020e-16, v6;
	v2 =	vld [tilespmem:s26+$0x1B0];
	[tilespmem:s29+$0x1C0] =	vst v4;
	s29 =	smov.u32 s26;
	s26 =	smov.u32 s28;
	(pc) =	sbr.rel @p0 .LBB2_8-.Ltmp3, $4  }
0xcb: {  	s28 =	sshra.s32 s30, $0x2;
	v5 =	vadd.f32 $1.000000020e-16, v5;
	(erf) = vrcp.f32 v3;
	v4 =	vld [tilespmem:s29+$0x1C0]  }
0xcc: {  	v3 =	vld [tilespmem:s28+$0x3390];
	v10 =	vadd.f32 $1.000000020e-16, v10;
	(erf) = vrcp.f32 v6;
	v7 =	vpop (erf)  }
0xcd: {  	v6 =	vld [tilespmem:s28+$0x33A0];
	(erf) = vrcp.f32 v5;
	v7 =	vmul.f32 v7, v9;
	v9 =	vpop (erf)  }
0xce: {  	s30 =	sadd.s32 $0x100, s30;
	v5 =	vld [tilespmem:s28+$0x33B0];
	(erf) = vrcp.f32 v10;
	v8 =	vmul.f32 v9, v8;
	v9 =	vpop (erf)  }
0xcf: {  	v10 =	vld [tilespmem:s28+$0x33C0];
	[tilespmem:s29+$0x190] =	vst v7  }
0xd0: {  	v2 =	vmul.f32 v9, v2;
	v7 =	vld [tilespmem:s26+$0x190]  }
0xd1: {  	[tilespmem:s29+$0x1A0] =	vst v8  }
0xd2: {  	v8 =	vpop (erf);
	v9 =	vld [tilespmem:s26+$0x1A0];
	[tilespmem:s29+$0x1B0] =	vst v2;
	v2 =	vadd.f32 $1.000000020e-16, v3  }
0xd3: {  	v4 =	vmul.f32 v8, v4  }
0xd4: {  	(erf) = vrcp.f32 v2;
	v8 =	vpop (erf)  }
0xd5: {  	v3 =	vld [tilespmem:s26+$0x1B0];
	v6 =	vadd.f32 $1.000000020e-16, v6;
	[tilespmem:s29+$0x1C0] =	vst v4;
	v4 =	vmul.f32 v8, v7  }
0xd6: {  	v5 =	vadd.f32 $1.000000020e-16, v5;
	v2 =	vld [tilespmem:s26+$0x1C0]  }
0xd7: {  	(erf) = vrcp.f32 v6;
	v8 =	vadd.f32 $1.000000020e-16, v10  }
0xd8: {  	v7 =	vpop (erf);
	(erf) = vrcp.f32 v5;
	[tilespmem:s26+$0x190] =	vst v4  }
0xd9: {  	v6 =	vmul.f32 v7, v9;
	(erf) = vrcp.f32 v8;
	v5 =	vld [tilespmem:s28+$0x190];
	v4 =	vpop (erf)  }
0xda: {  	v3 =	vmul.f32 v4, v3;
	v4 =	vpop (erf)  }
0xdb: {  	[tilespmem:s26+$0x1A0] =	vst v6;
	v2 =	vmul.f32 v4, v2  }
0xdc: {  	v6 =	vld [tilespmem:s28+$0x1A0];
	[tilespmem:s26+$0x1B0] =	vst v3  }
0xdd: {  	v4 =	vpop (erf);
	v3 =	vld [tilespmem:s28+$0x1B0];
	[tilespmem:s26+$0x1C0] =	vst v2  }
0xde: {  	v4 =	vmul.f32 v4, v5;
	v2 =	vld [tilespmem:s28+$0x1C0];
	_ =	sdelay $0x1  }
0xdf: {  	v5 =	vpop (erf)  }
0xe0: {  	v5 =	vmul.f32 v5, v6;
	v6 =	vpop (erf)  }
0xe1: {  	[tilespmem:s28+$0x190] =	vst v4;
	v4 =	vpop (erf);
	v3 =	vmul.f32 v6, v3  }
0xe2: {  	[tilespmem:s28+$0x1A0] =	vst v5;
	v2 =	vmul.f32 v4, v2  }
0xe3: {  	[tilespmem:s28+$0x1B0] =	vst v3  }
0xe4: {  	s0 =	simm.s32 $0x0;
	[tilespmem:s28+$0x1C0] =	vst v2  }
0xe5: {  	[hbm4b:s16+s0] =	stream.linear.scatter [tilespmem:s19], [sflag:$0x2], $0x3200, $0x38;
	[tilespmem:$0x19E20] =	vst v63  }
0xe6: {  	_ =	swait.ge [sflag:s20], $0x3200  }
0xe7: {  	[sflag:s20] =	ssyncset.done $0x0  }
0xe8: {  	[sflag:s20] =	ssyncadd.s32 $0xFFFFCE00  }
0xe9: {  	[tilespmem:s19], [sflag:$0x2] =	stream.linear.gather [spmem:s12], $0x6E00, $0x38;
	[tilespmem:$0x19E20] =	vst v63  }
0xea: {  	_ =	swait.ge [sflag:s20], $0x6E00  }
0xeb: {  	[sflag:s20] =	ssyncset.done $0x0  }
0xec: {  	[sflag:s20] =	ssyncadd.s32 $0xFFFF9200  }
0xed: {  	[tilespmem:s24], [sflag:$0x2] =	stream.linear.gather [spmem:s14], $0x6E00, $0x38;
	[tilespmem:$0x19E20] =	vst v63  }
0xee: {  	_ =	swait.ge [sflag:s20], $0x6E00  }
0xef: {  	[sflag:s20] =	ssyncset.done $0x0  }
0xf0: {  	s29 =	simm.s32 $0x0;
	[sflag:s20] =	ssyncadd.s32 $0xFFFF9200  }
0xf1: {  	v2 =	vld [tilespmem:s29+$0x3390]  }
0xf2: {  	v3 =	vld [tilespmem:s29+$0x33A0]  }
0xf3: {  	v4 =	vld [tilespmem:s29+$0x33B0];
	_ =	sdelay $0x1  }
0xf4: {  	v5 =	vld [tilespmem:s29+$0x33C0]  }
0xf5: {  	v2 =	vadd.f32 $1.000000020e-16, v2  }
0xf6: {  	s26 =	simm.s32 $0x40;
	v3 =	vadd.f32 $1.000000020e-16, v3  }
0xf7: {  	v4 =	vadd.f32 $1.000000020e-16, v4;
	(erf) = vrcp.f32 v2;
	v2 =	vld [tilespmem:s26+$0x3390]  }
0xf8: {  	(erf) = vrcp.f32 v3;
	v3 =	vld [tilespmem:s26+$0x33A0]  }
0xf9: {  	v5 =	vadd.f32 $1.000000020e-16, v5;
	(erf) = vrcp.f32 v4;
	v4 =	vld [tilespmem:s26+$0x33B0];
	_ =	sdelay $0x1  }
0xfa: {  	v6 =	vld [tilespmem:s26+$0x33C0];
	(erf) = vrcp.f32 v5;
	_ =	sdelay $0x1  }
0xfb: {  	v7 =	vld [tilespmem:s29+$0x190];
	v8 =	vadd.f32 $1.000000020e-16, v2;
	v5 =	vadd.f32 $1.000000020e-16, v3  }
0xfc: {  	v9 =	vld [tilespmem:s29+$0x1A0];
	v10 =	vadd.f32 $1.000000020e-16, v4  }
0xfd: {  	v2 =	vld [tilespmem:s29+$0x1B0];
	(erf) = vrcp.f32 v8  }
0xfe: {  	s28 =	simm.s32 $0x80;
	v4 =	vld [tilespmem:s29+$0x1C0];
	v8 =	vadd.f32 $1.000000020e-16, v6;
	(erf) = vrcp.f32 v5  }
0xff: {  	v3 =	vld [tilespmem:s28+$0x3390];
	v5 =	vpop (erf);
	(erf) = vrcp.f32 v10  }
0x100: {  	v6 =	vld [tilespmem:s28+$0x33A0];
	v7 =	vmul.f32 v5, v7;
	v10 =	vpop (erf);
	(erf) = vrcp.f32 v8  }
0x101: {  	s30 =	simm.s32 $0x300;
	v5 =	vld [tilespmem:s28+$0x33B0];
	v8 =	vmul.f32 v10, v9;
	v9 =	vpop (erf)  }
.LBB2_10:
0x102: {  	p0 =	sne.s32 s30, $0x1B700;
	v10 =	vld [tilespmem:s28+$0x33C0];
	[tilespmem:s29+$0x190] =	vst v7;
	v2 =	vmul.f32 v9, v2;
	v7 =	vpop (erf)  }
0x103: {  	v9 =	vld [tilespmem:s26+$0x190];
	[tilespmem:s29+$0x1A0] =	vst v8;
	v4 =	vmul.f32 v7, v4  }
0x104: {  	v3 =	vadd.f32 $1.000000020e-16, v3;
	v8 =	vld [tilespmem:s26+$0x1A0];
	[tilespmem:s29+$0x1B0] =	vst v2  }
.Ltmp4:
0x105: {  	v6 =	vadd.f32 $1.000000020e-16, v6;
	v2 =	vld [tilespmem:s26+$0x1B0];
	[tilespmem:s29+$0x1C0] =	vst v4;
	s29 =	smov.u32 s26;
	s26 =	smov.u32 s28;
	(pc) =	sbr.rel @p0 .LBB2_10-.Ltmp4, $4  }
0x106: {  	s28 =	sshra.s32 s30, $0x2;
	v5 =	vadd.f32 $1.000000020e-16, v5;
	(erf) = vrcp.f32 v3;
	v4 =	vld [tilespmem:s29+$0x1C0]  }
0x107: {  	v3 =	vld [tilespmem:s28+$0x3390];
	v10 =	vadd.f32 $1.000000020e-16, v10;
	(erf) = vrcp.f32 v6;
	v7 =	vpop (erf)  }
0x108: {  	v6 =	vld [tilespmem:s28+$0x33A0];
	(erf) = vrcp.f32 v5;
	v7 =	vmul.f32 v7, v9;
	v9 =	vpop (erf)  }
0x109: {  	s30 =	sadd.s32 $0x100, s30;
	v5 =	vld [tilespmem:s28+$0x33B0];
	(erf) = vrcp.f32 v10;
	v8 =	vmul.f32 v9, v8;
	v9 =	vpop (erf)  }
0x10a: {  	v10 =	vld [tilespmem:s28+$0x33C0];
	[tilespmem:s29+$0x190] =	vst v7;
	v2 =	vmul.f32 v9, v2;
	v50 =	vpop (erf)  }
0x10b: {  	v7 =	vld [tilespmem:s26+$0x190];
	[tilespmem:s29+$0x1A0] =	vst v8;
	v4 =	vmul.f32 v50, v4  }
0x10c: {  	v51 =	vld [tilespmem:s26+$0x1A0];
	[tilespmem:s29+$0x1B0] =	vst v2;
	v2 =	vadd.f32 $1.000000020e-16, v3  }
0x10d: {  	v3 =	vld [tilespmem:s26+$0x1B0];
	v6 =	vadd.f32 $1.000000020e-16, v6;
	[tilespmem:s29+$0x1C0] =	vst v4  }
0x10e: {  	v5 =	vadd.f32 $1.000000020e-16, v5;
	(erf) = vrcp.f32 v2;
	v2 =	vld [tilespmem:s26+$0x1C0]  }
0x10f: {  	v52 =	vpop (erf);
	v55 =	vadd.f32 $1.000000020e-16, v10;
	(erf) = vrcp.f32 v6  }
0x110: {  	v53 =	vmul.f32 v52, v7;
	v54 =	vpop (erf);
	(erf) = vrcp.f32 v5  }
0x111: {  	v56 =	vmul.f32 v54, v51;
	v57 =	vpop (erf);
	(erf) = vrcp.f32 v55  }
0x112: {  	[tilespmem:s26+$0x190] =	vst v53;
	v3 =	vmul.f32 v57, v3;
	v59 =	vpop (erf)  }
0x113: {  	v58 =	vld [tilespmem:s28+$0x190];
	[tilespmem:s26+$0x1A0] =	vst v56;
	v2 =	vmul.f32 v59, v2  }
0x114: {  	v6 =	vld [tilespmem:s28+$0x1A0];
	[tilespmem:s26+$0x1B0] =	vst v3  }
0x115: {  	v3 =	vld [tilespmem:s28+$0x1B0];
	[tilespmem:s26+$0x1C0] =	vst v2  }
0x116: {  	v2 =	vld [tilespmem:s28+$0x1C0]  }
0x117: {  	v60 =	vpop (erf)  }
0x118: {  	v4 =	vmul.f32 v60, v58;
	v61 =	vpop (erf)  }
0x119: {  	v5 =	vmul.f32 v61, v6;
	v62 =	vpop (erf)  }
0x11a: {  	[tilespmem:s28+$0x190] =	vst v4;
	v3 =	vmul.f32 v62, v3;
	v63 =	vpop (erf)  }
0x11b: {  	s25 =	sadd.s32 $0x1, s25;
	[tilespmem:s28+$0x1A0] =	vst v5;
	v2 =	vmul.f32 v63, v2  }
0x11c: {  	p0 =	sne.s32 s25, s18;
	[tilespmem:s28+$0x1B0] =	vst v3  }
.Ltmp5:
0x11d: {  	[tilespmem:s28+$0x1C0] =	vst v2;
	(pc) =	sbr.rel @p0 .LBB2_1-.Ltmp5, $4  }
0x11e: {  	[hbm4b:s17+s4] =	stream.linear.scatter [tilespmem:s19], [sflag:$0x2], $0x6E00, $0x38;
	[tilespmem:$0x19E20] =	vst v63  }
0x11f: {  	_ =	swait.ge [sflag:s20], $0x6E00  }
0x120: {  	[sflag:s20] =	ssyncset.done $0x0  }
0x121: {  	[sflag:s20] =	ssyncadd.s32 $0xFFFF9200  }
0x122: {  	_ =	sfence.sel $0x180000  }
0x123: {  	[bflag:$0x0] =	sbarrier.arrive $0xFFFF  }
0x124: {  	_ =	strace $0x90000047  }
0x125: {  	[bflag:$0x2] =	sbarrier.arrive $0xFFFF  }
0x126: {  	p0 =	sne.s32 s2, $0x0;
	s0 =	rddreg [dreg:$0x3]  }
0x127: {  	s0 =	sadd.s32 @!p0 $0x100000, s0  }
0x128: {  	[sflag:s0] =	ssyncadd.tile.s32 @!p0 $0x1;
	_ =	shalt  }
.Lfunc_end2:
_tile_overlayer_lowered:
.L_overlay_start_2:
0x129: {  	(tag) =	ssettag $0x2  }
0x12a: {  	s0 =	rddreg [dreg:$0x0];
	s2 =	stileid.u32  }
0x12b: {  	s1 =	rddreg [dreg:$0x1];
	p0 =	sne.s32 s2, $0x0  }
0x12c: {  	s3 =	rddreg [dreg:$0x2];
	[bflag:$0x3] =	sbarrier.arrive $0xFFFF;
	s2 =	simm.s32 @!p0 $0x1C02  }
0x12d: {  	[timem:s3], [sflag:s2] =	dma.local @!p0 [hbm:s0], s1  }
0x12e: {  	s0 =	simm.s32 @!p0 $0x2  }
0x12f: {  	_ =	swait.ge @!p0 [sflag:s0], s1  }
0x130: {  	s1 =	ssub.s32 @!p0 $0x0, s1;
	[sflag:s0] =	ssyncset.done @!p0 $0x0  }
0x131: {  	[sflag:s0] =	ssyncadd.s32 @!p0 s1  }
0x132: {  	[bflag:$0x3] =	sbarrier.arrive $0xFFFF  }
0x133: {  	_ =	shalt  }

// kernel: kernel.16.cloned.1.call-start
scs
__scs_entry_jumppad:
0x0: {  	(pc) =	sbr.rel $0x88, $3  }
0x1: {  	(tag) =	ssettag $0x0;
	lr =	simm.s32 $0x1  }
0x2: {  	[smem:$0x3F90] =	sst lr;
	_ =	strace $0xD0000000  }
0x3: {  	_ = 	snop  }
0x4: {  	_ = 	snop  }
0x5: {  	_ = 	snop  }
0x6: {  	_ = 	snop  }
0x7: {  	_ = 	snop  }
__scs_overlays_trampoline_lowered:
0x8: {  	[smem:$0x3F9F] =	sst s0  }
0x9: {  	[smem:$0x3FA0] =	sst s1  }
0xa: {  	[smem:$0x3FA1] =	sst s2  }
0xb: {  	[smem:$0x3FA2] =	sst s3  }
0xc: {  	[smem:$0x3FA3] =	sst s4  }
0xd: {  	[smem:$0x3FA4] =	sst s5  }
0xe: {  	[smem:$0x3FA5] =	sst s6  }
0xf: {  	[smem:$0x3FA6] =	sst s7  }
0x10: {  	[smem:$0x3FA7] =	sst s8  }
0x11: {  	[smem:$0x3FA8] =	sst s9;
	s0 =	simm.s32 @!p0 $0x0  }
0x12: {  	s1 =	sld [smem:$0x3F8E];
	s0 =	simm.s32 @p0 $0x1  }
0x13: {  	[smem:$0x3FA9] =	sst s0;
	s0 =	simm.s32 @!p1 $0x0  }
0x14: {  	s2 =	sld [smem:$0x3F8D];
	s0 =	simm.s32 @p1 $0x1  }
0x15: {  	[smem:$0x3FAA] =	sst s0;
	s0 =	simm.s32 @!p2 $0x0  }
0x16: {  	s3 =	sld [smem:$0x3FDB];
	s0 =	simm.s32 @p2 $0x1  }
0x17: {  	s4 =	simm.s32 $0x1BF5;
	[smem:$0x3FAC] =	sst s0  }
0x18: {  	s0 =	sld [smem:$0x3F8F];
	_ =	swait.ge [sflag:s4], $0x0  }
0x19: {  	s7 =	sld [smem:$0x3F90]  }
0x1a: {  	s8 =	sadd.s32 $0xFFFFE003, lr  }
0x1b: {  	s9 =	sadd.s32 $0xFFFFFEF7, lr;
	s5 =	simm.s32 $0xFFFFFFFF;
	p2 =	slt.u32 s8, $0xFFFFF086  }
0x1c: {  	p1 =	slt.u32 s9, $0xF7A;
	s5 =	simm.s32 @!p2 $0x0  }
0x1d: {  	s5 =	simm.s32 @p1 $0x1;
	p0 =	seq.s32 s7, s2  }
0x1e: {  	s7 =	smul.u32 @!p0 $0xF7A, s2;
	p2 =	seq.s32 @!p0 s5, $0x0  }
0x1f: {  	s9 =	smul.u32 $0xF7A, s1;
	s8 =	simm.s32 @!p0 $0x1BF5;
	p2 =	por !p2, p0  }
0x20: {  	[sflag:s8] =	ssyncset.s32 @!p0 $0xFFFFF086;
	s6 =	sadd.s32 @!p0 s3, s7;
	s7 =	simm.s32 @!p0 $0x108  }
0x21: {  	s3 =	sadd.s32 s3, s9;
	s6 =	sadd.s32 @!p0 $0x88, s6;
	s7 =	simm.s32 @p2 $0x1082  }
0x22: {  	[simem:s7], [sflag:s8] =	dma.local @!p0 [hbm:s6], $0xF7A  }
0x23: {  	s9 =	sor.u32 $0xD0000000, s2;
	s6 =	simm.s32 $0x108;
	_ =	swait.ge @!p0 [sflag:s8], $0x0  }
0x24: {  	s3 =	sadd.s32 $0x88, s3;
	s6 =	simm.s32 @!p1 $0x1082;
	[sflag:s4] =	ssyncset.s32 $0xFFFFF086  }
0x25: {  	[simem:s6], [sflag:s4] =	dma.local [hbm:s3], $0xF7A  }
0x26: {  	[smem:$0x3F90] =	sst s1;
	(tag) =	ssettag s2;
	_ =	strace s9  }
0x27: {  	s1 =	sld [smem:$0x3FA0]  }
0x28: {  	s2 =	sld [smem:$0x3FA1]  }
0x29: {  	s4 =	sld [smem:$0x3FA3]  }
0x2a: {  	p0 =	seq.s32 s5, $0x0;
	s5 =	sld [smem:$0x3FA4]  }
0x2b: {  	s6 =	sld [smem:$0x3FA5]  }
0x2c: {  	s7 =	sld [smem:$0x3FA6]  }
0x2d: {  	s3 =	simm.s32 $0x108;
	s8 =	sld [smem:$0x3FA7]  }
0x2e: {  	s3 =	simm.s32 @!p0 $0x1082;
	s9 =	sld [smem:$0x3FA8]  }
0x2f: {  	lr =	sadd.s32 s0, s3;
	s0 =	sld [smem:$0x3F9F]  }
0x30: {  	s3 =	sld [smem:$0x3FA2]  }
0x31: {  	[smem:$0x3FAB] =	sst s10  }
0x32: {  	s10 =	sld [smem:$0x3FA9];
	_ =	sdelay $0x3  }
0x33: {  	p0 =	seq.s32 s10, $0x1;
	s10 =	sld [smem:$0x3FAB];
	_ =	sdelay $0x3  }
0x34: {  	[smem:$0x3FAB] =	sst s10  }
0x35: {  	s10 =	sld [smem:$0x3FAA];
	_ =	sdelay $0x3  }
0x36: {  	p1 =	seq.s32 s10, $0x1;
	s10 =	sld [smem:$0x3FAB];
	_ =	sdelay $0x3  }
0x37: {  	[smem:$0x3FAB] =	sst s10  }
0x38: {  	s10 =	sld [smem:$0x3FAC]  }
0x39: {  	_ = 	snop;
	(pc) =	sbr.ind lr, $3  }
0x3a: {  	_ = 	snop  }
0x3b: {  	_ = 	snop  }
0x3c: {  	p2 =	seq.s32 s10, $0x1;
	s10 =	sld [smem:$0x3FAB]  }
0x3d: {  	_ =	shalt  }
0x3e: {  	_ =	shalt  }
0x3f: {  	_ =	shalt  }
0x40: {  	_ =	shalt  }
0x41: {  	_ =	shalt  }
0x42: {  	_ =	shalt  }
0x43: {  	_ =	shalt  }
0x44: {  	_ =	shalt  }
0x45: {  	_ =	shalt  }
0x46: {  	_ =	shalt  }
0x47: {  	_ =	shalt  }
0x48: {  	_ =	shalt  }
0x49: {  	_ =	shalt  }
0x4a: {  	_ =	shalt  }
0x4b: {  	_ =	shalt  }
0x4c: {  	_ =	shalt  }
0x4d: {  	_ =	shalt  }
0x4e: {  	_ =	shalt  }
0x4f: {  	_ =	shalt  }
0x50: {  	_ =	shalt  }
0x51: {  	_ =	shalt  }
0x52: {  	_ =	shalt  }
0x53: {  	_ =	shalt  }
0x54: {  	_ =	shalt  }
0x55: {  	_ =	shalt  }
0x56: {  	_ =	shalt  }
0x57: {  	_ =	shalt  }
0x58: {  	_ =	shalt  }
0x59: {  	_ =	shalt  }
0x5a: {  	_ =	shalt  }
0x5b: {  	_ =	shalt  }
0x5c: {  	_ =	shalt  }
0x5d: {  	_ =	shalt  }
0x5e: {  	_ =	shalt  }
0x5f: {  	_ =	shalt  }
0x60: {  	_ =	shalt  }
0x61: {  	_ =	shalt  }
0x62: {  	_ =	shalt  }
0x63: {  	_ =	shalt  }
0x64: {  	_ =	shalt  }
0x65: {  	_ =	shalt  }
0x66: {  	_ =	shalt  }
0x67: {  	_ =	shalt  }
0x68: {  	_ =	shalt  }
0x69: {  	_ =	shalt  }
0x6a: {  	_ =	shalt  }
0x6b: {  	_ =	shalt  }
0x6c: {  	_ =	shalt  }
0x6d: {  	_ =	shalt  }
0x6e: {  	_ =	shalt  }
0x6f: {  	_ =	shalt  }
0x70: {  	_ =	shalt  }
0x71: {  	_ =	shalt  }
0x72: {  	_ =	shalt  }
0x73: {  	_ =	shalt  }
0x74: {  	_ =	shalt  }
0x75: {  	_ =	shalt  }
0x76: {  	_ =	shalt  }
0x77: {  	_ =	shalt  }
0x78: {  	_ =	shalt  }
0x79: {  	_ =	shalt  }
0x7a: {  	_ =	shalt  }
0x7b: {  	_ =	shalt  }
0x7c: {  	_ =	shalt  }
0x7d: {  	_ =	shalt  }
0x7e: {  	_ =	shalt  }
0x7f: {  	_ =	shalt  }
0x80: {  	_ =	shalt  }
0x81: {  	_ =	shalt  }
0x82: {  	_ =	shalt  }
0x83: {  	_ =	shalt  }
0x84: {  	_ =	shalt  }
0x85: {  	_ =	shalt  }
0x86: {  	_ =	shalt  }
0x87: {  	_ =	shalt  }
.Lfunc_end0:
.L_simem_size_0:
called_computation.1_lowered:
.L_overlay_start_0:
0x88: {  	s2 =	sld [smem:$0x3FD9]  }
0x89: {  	s3 =	sld [smem:$0x3FFE];
	_ =	sdelay $0x1  }
0x8a: {  	s1 =	srdreg.scid  }
0x8b: {  	s0 =	sand.u32 $0x1, s1  }
0x8c: {  	s16 =	sshll.u32 s0, $0xA;
	s2 =	sadd.s32 s3, s2  }
0x8d: {  	s2 =	sadd.s32 s2, s16  }
0x8e: {  	[smem:$0x3FB7] =	sst s2  }
0x8f: {  	_ = 	snop  }
0x90: {  	(tm) =	ssettm $0x1  }
0x91: {  	s17 =	sld [smem:$0x3FFB];
	_ =	sdelay $0x3  }
0x92: {  	_ =	strace s17  }
0x93: {  	s2 =	sld [smem:$0x3FFC];
	_ =	sdelay $0x3  }
0x94: {  	_ =	strace s2  }
0x95: {  	s2 =	sld [smem:$0x3FFD];
	_ =	sdelay $0x3  }
0x96: {  	_ =	strace s2  }
0x97: {  	_ =	strace $0x8FFFFFFF  }
0x98: {  	s18 =	sld [smem:$0x3FDB];
	_ =	sdelay $0x1  }
0x99: {  	s19 =	simm.s32 $_scs_section_size  }
0x9a: {  	s4 =	simm.s32 $_size__tile_overlayer_lowered;
	s5 =	simm.s32 $_tile_overlayer_lowered  }
0x9b: {  	s22 =	simm.s32 $0x1BFF;
	s21 =	sshll.u32 s5, $0x1;
	s2 =	sadd.s32 s19, s18  }
0x9c: {  	s6 =	simm.s32 $0x0;
	s20 =	sshll.u32 s4, $0x1;
	s4 =	sadd.s32 s21, s2  }
0x9d: {  	[timem:s6], [sflag:s22] =	dma.local [hbm:s4], s20  }
0x9e: {  	_ =	swait.ge [sflag:s22], s20  }
0x9f: {  	s3 =	ssub.s32 $0x0, s20;
	[sflag:s22] =	ssyncset.done $0x0  }
0xa0: {  	[sflag:s22] =	ssyncadd.s32 s3;
	_ =	sdelay $0x1  }
0xa1: {  	s23 =	simm.s32 $0x1B8B  }
0xa2: {  	_ =	swait.ge [sflag:s23], $0x1  }
0xa3: {  	[sflag:s23] =	ssyncset.done $0x0  }
0xa4: {  	s25 =	simm.s32 $0x1B8E;
	s24 =	sld [smem:$0x3FFE];
	[sflag:s23] =	ssyncadd.s32 $0xFFFFFFFF  }
0xa5: {  	s26 =	simm.s32 $execute0_lowered;
	[smem:$0x3FD2] =	sst s25  }
0xa6: {  	s4 =	sshll.u32 s26, $0x1;
	_ =	strace $0x80000049;
	[dreg:$0x1] =	wrdreg $0xFFFFFFFF  }
0xa7: {  	s28 =	simm.s32 $_size_execute0_lowered;
	s2 =	sadd.s32 s2, s4;
	[dreg:$0x0] =	wrdreg $0x0  }
0xa8: {  	s4 =	sshll.u32 s28, $0x1;
	[dreg:$0x2] =	wrdreg s2  }
0xa9: {  	[dreg:$0x3] =	wrdreg s4  }
0xaa: {  	[dreg:$0x4] =	wrdreg $0xC0  }
0xab: {  	_ =	task [dreg:s6], $0x5FFFF  }
0xac: {  	[dreg:$0x1] =	wrdreg $0xFFFFFFFF  }
0xad: {  	[dreg:$0x0] =	wrdreg $0x60  }
0xae: {  	[dreg:$0x2] =	wrdreg s24  }
0xaf: {  	[dreg:$0x3] =	wrdreg $0x65A00  }
0xb0: {  	[dreg:$0x4] =	wrdreg $0x101E00  }
0xb1: {  	[dreg:$0x5] =	wrdreg $0x9  }
0xb2: {  	_ =	task.clear_ibuf [dreg:s6], $0x6FFFF;
	_ =	strace $0x90000049  }
0xb3: {  	s29 =	simm.s32 $0x9;
	_ =	strace $0x8000004B  }
0xb4: {  	_ =	swait.ge [sflag:s29], $0x1  }
0xb5: {  	[sflag:s29] =	ssyncadd.s32 $0xFFFFFFFF  }
0xb6: {  	_ =	strace $0x9000004B  }
0xb7: {  	_ =	sfence  }
0xb8: {  	s30 =	sld [smem:$0x0];
	_ =	sdelay $0x2  }
0xb9: {  	s31 =	sshll.u32 s1, $0xD;
	s1 =	sshrl.u32 s1, $0x2  }
0xba: {  	s3 =	sand.u32 $0x4000, s31;
	s1 =	sadd.s32 s1, s30  }
0xbb: {  	s0 =	sor.u32 s3, s0;
	s1 =	sshll.u32 s1, $0x11  }
0xbc: {  	s0 =	sor.u32 s1, s0  }
0xbd: {  	s0 =	sadd.s32 $0x8F2B, s0  }
0xbe: {  	[sflag:s0] =	ssyncadd.remote.s32 $0x1  }
0xbf: {  	_ =	sfence.sel $0xFFFF  }
0xc0: {  	[dreg:$0x0] =	wrdreg $0xFFFFFFFF;
	(pc) =	sbr.abs _section_cstart, $3  }
0xc1: {  	[dreg:$0x1] =	wrdreg $0xFFFFFFFF  }
0xc2: {  	_ =	task.clear_ibuf [dreg:s6], $0x2FFFF;
	_ =	strace $0x9FFFFFFF  }
0xc3: {  	(tm) =	ssettm $0x7FFFFFFF  }
tec
execute0_lowered:
.L_overlay_start_1:
0x0: {  	(tag) =	ssettag $0x1  }
0x1: {  	s10 =	rddreg [dreg:$0x0]  }
0x2: {  	s1 =	rddreg [dreg:$0x1]  }
0x3: {  	s3 =	rddreg [dreg:$0x2];
	s4 =	simm.s32 $0x0;
	s5 =	srdreg.scid  }
0x4: {  	s2 =	stileid.u32;
	s19 =	simm.s32 $0x190;
	s20 =	simm.s32 $0x2  }
0x5: {  	s21 =	simm.s32 $0x6590;
	s22 =	simm.s32 $0xC8;
	s24 =	simm.s32 $0x3390  }
0x6: {  	s25 =	simm.s32 $0x0;
	[smem:$0x7FF] =	sst s4;
	s15 =	sand.u32 $0x1, s5  }
0x7: {  	s7 =	smul.u32 $0x280, s2;
	s5 =	sadd.s32 $0x5A4E00, s10;
	s6 =	sadd.s32 $0x1DC00, s10  }
0x8: {  	s8 =	sadd.s32 $0xA000, s10;
	s9 =	sadd.s32 $0x575600, s10;
	s23 =	smul.u32 $0x2710, s15  }
0x9: {  	_ =	strace $0x8000004A;
	s13 =	ssub.s32 $0x2, s15;
	s15 =	smul.u32 $0x4E200, s15  }
0xa: {  	s11 =	smin.u32 s7, $0x2490;
	s7 =	sadd.s32 $0x13E00, s10;
	s31 =	sshrl.u32 s13, $0x1  }
0xb: {  	s12 =	sadd.s32 s23, s11;
	s11 =	sshll.u32 s11, $0x6;
	s18 =	ssub.s32 s13, s31  }
0xc: {  	s13 =	smul.u32 $0x4E20, s2;
	v0 =	vmov s23;
	s23 =	simm.s32 $0x1;
	s12 =	sshll.u32 s12, $0x3  }
0xd: {  	s14 =	sadd.s32 $0x3200, s11;
	s18 =	smax.u32 s18, $0x1;
	s17 =	sadd.s32 s12, s10  }
0xe: {  	s10 =	sadd.s32 s11, s1;
	s11 =	sadd.s32 s11, s3;
	s12 =	sadd.s32 s14, s1  }
0xf: {  	v1 =	vimm.f32 $0.0e+00;
	s14 =	sadd.s32 s14, s3;
	s16 =	sadd.s32 $0x500200, s17;
	s17 =	sadd.s32 $0x500840, s17  }
.LBB2_1:
0x10: {  	s28 =	simm.s32 $0x100;
	s26 =	simm.s32 $0x0  }
.LBB2_2:
0x11: {  	p0 =	sne.s32 s28, $0xC700;
	[tilespmem:s26+$0x1C0] =	vst v1;
	s29 =	smov.u32 s28;
	s28 =	sadd.s32 $0x100, s28  }
.Ltmp0:
0x12: {  	[tilespmem:s26+$0x1B0] =	vst v1;
	(pc) =	sbr.rel @p0 .LBB2_2-.Ltmp0, $3  }
0x13: {  	[tilespmem:s26+$0x190] =	vst v1  }
0x14: {  	[tilespmem:s26+$0x1A0] =	vst v1;
	_ =	sdelay $0x1  }
0x15: {  	s26 =	sshra.s32 s29, $0x2  }
0x16: {  	[tilespmem:s26+$0x1C0] =	vst v1  }
0x17: {  	[tilespmem:s26+$0x1B0] =	vst v1  }
0x18: {  	[tilespmem:s26+$0x190] =	vst v1  }
0x19: {  	[tilespmem:s26+$0x1A0] =	vst v1  }
0x1a: {  	[spmem:s10] =	stream.linear.scatter [tilespmem:s19], [sflag:$0x2], $0x3200, $0x38;
	[tilespmem:$0x19E20] =	vst v63  }
0x1b: {  	_ =	swait.ge [sflag:s20], $0x3200  }
0x1c: {  	[sflag:s20] =	ssyncset.done $0x0  }
0x1d: {  	[sflag:s20] =	ssyncadd.s32 $0xFFFFCE00  }
0x1e: {  	[spmem:s11] =	stream.linear.scatter [tilespmem:s19], [sflag:$0x2], $0x3200, $0x38;
	[tilespmem:$0x19E20] =	vst v63  }
0x1f: {  	_ =	swait.ge [sflag:s20], $0x3200  }
0x20: {  	[sflag:s20] =	ssyncset.done $0x0  }
0x21: {  	[sflag:s20] =	ssyncadd.s32 $0xFFFFCE00  }
0x22: {  	[spmem:s12] =	stream.linear.scatter [tilespmem:s19], [sflag:$0x2], $0x6E00, $0x38;
	[tilespmem:$0x19E20] =	vst v63  }
0x23: {  	_ =	swait.ge [sflag:s20], $0x6E00  }
0x24: {  	[sflag:s20] =	ssyncset.done $0x0  }
0x25: {  	[sflag:s20] =	ssyncadd.s32 $0xFFFF9200  }
0x26: {  	[spmem:s14] =	stream.linear.scatter [tilespmem:s19], [sflag:$0x2], $0x6E00, $0x38;
	[tilespmem:$0x19E20] =	vst v63  }
0x27: {  	_ =	swait.ge [sflag:s20], $0x6E00  }
0x28: {  	[sflag:s20] =	ssyncset.done $0x0  }
0x29: {  	[sflag:s20] =	ssyncadd.s32 $0xFFFF9200  }
0x2a: {  	s26 =	simm.s32 $0x0;
	[bflag:$0x0] =	sbarrier.arrive $0xFFFF  }
0x2b: {  	[tilespmem:s21], [sflag:$0x2] =	stream.linear.gather [hbm4b:s9+s26], $0x10, $0x38;
	[tilespmem:$0x19E20] =	vst v63  }
0x2c: {  	_ =	swait.ge [sflag:s20], $0x10  }
0x2d: {  	[sflag:s20] =	ssyncset.done $0x0  }
0x2e: {  	[sflag:s20] =	ssyncadd.s32 $0xFFFFFFF0  }
0x2f: {  	s28 =	simm.s32 $0x0;
	v2 =	vld [tilespmem:$0x6590]  }
.LBB2_4:
0x30: {  	s29 =	smul.u32 $0xC8, s28;
	_ =	sdelay $0x1  }
0x31: {  	s29 =	sadd.s32 s13, s29  }
0x32: {  	s30 =	sshrl.u32 s29, $0x3  }
0x33: {  	s31 =	sadd.s32 s7, s30  }
0x34: {  	[tilespmem:s26], [sflag:$0x2] =	stream.linear.gather [hbm4b:s31+s26], $0xC8, $0x38;
	[tilespmem:$0x19E20] =	vst v63  }
0x35: {  	_ =	swait.ge [sflag:s20], $0xC8  }
0x36: {  	[sflag:s20] =	ssyncset.done $0x0  }
0x37: {  	s30 =	sadd.s32 s8, s30;
	[sflag:s20] =	ssyncadd.s32 $0xFFFFFF38  }
0x38: {  	[tilespmem:s22], [sflag:$0x2] =	stream.linear.gather [hbm4b:s30+s26], $0xC8, $0x38;
	[tilespmem:$0x19E20] =	vst v63  }
0x39: {  	_ =	swait.ge [sflag:s20], $0xC8  }
0x3a: {  	[sflag:s20] =	ssyncset.done $0x0  }
0x3b: {  	[sflag:s20] =	ssyncadd.s32 $0xFFFFFF38  }
0x3c: {  	v3 =	vld [tilespmem:$0x0]  }
0x3d: {  	v4 =	vld [tilespmem:$0x10]  }
0x3e: {  	v5 =	vld [tilespmem:$0x20]  }
0x3f: {  	v6 =	vld [tilespmem:$0x30]  }
0x40: {  	v7 =	vld [tilespmem:$0x40]  }
0x41: {  	v8 =	vld [tilespmem:$0x50];
	v3 =	vadd.s32 v0, v3  }
0x42: {  	[tilespmem:$0x0] =	vst v3;
	v3 =	vadd.s32 v0, v4;
	v4 =	vld [tilespmem:$0x60]  }
0x43: {  	[tilespmem:$0x10] =	vst v3;
	v3 =	vadd.s32 v0, v5;
	v5 =	vld [tilespmem:$0x70]  }
0x44: {  	[tilespmem:$0x20] =	vst v3;
	v3 =	vadd.s32 v0, v6;
	v6 =	vld [tilespmem:$0x80]  }
0x45: {  	[tilespmem:$0x30] =	vst v3;
	v3 =	vadd.s32 v0, v7;
	v7 =	vld [tilespmem:$0x90]  }
0x46: {  	[tilespmem:$0x40] =	vst v3;
	v3 =	vadd.s32 v0, v8;
	v8 =	vld [tilespmem:$0xA0]  }
0x47: {  	[tilespmem:$0x50] =	vst v3;
	v3 =	vadd.s32 v0, v4;
	v4 =	vld [tilespmem:$0xB0]  }
0x48: {  	[tilespmem:$0x60] =	vst v3;
	v3 =	vadd.s32 v0, v5  }
0x49: {  	[tilespmem:$0x70] =	vst v3;
	v3 =	vadd.s32 v0, v6  }
0x4a: {  	[tilespmem:$0x80] =	vst v3;
	v3 =	vadd.s32 v0, v7  }
0x4b: {  	[tilespmem:$0x90] =	vst v3;
	v3 =	vadd.s32 v0, v8  }
0x4c: {  	[tilespmem:$0xA0] =	vst v3;
	v3 =	vadd.s32 v0, v4  }
0x4d: {  	[tilespmem:$0xB0] =	vst v3  }
0x4e: {  	[tilespmem:s19], [sflag:$0x1] =	stream.indirect.gather [hbm4b:s5+s22], $0x40, s26, s22, $0xb8;
	[tilespmem:$0x19E20] =	vst v63  }
0x4f: {  	s29 =	sadd.s32 s15, s29;
	_ =	swait.ge [sflag:s23], $0x3200  }
0x50: {  	s29 =	sshll.u32 s29, $0x3;
	[sflag:s23] =	ssyncset.done $0x0  }
0x51: {  	s29 =	sadd.s32 s6, s29;
	[sflag:s23] =	ssyncadd.s32 $0xFFFFCE00  }
0x52: {  	[tilespmem:s24], [sflag:$0x2] =	stream.linear.gather [hbm4b:s29+s26], $0x3200, $0x38;
	[tilespmem:$0x19E20] =	vst v63  }
0x53: {  	_ =	swait.ge [sflag:s20], $0x3200  }
0x54: {  	[sflag:s20] =	ssyncset.done $0x0  }
0x55: {  	s29 =	simm.s32 $0x0;
	[sflag:s20] =	ssyncadd.s32 $0xFFFFCE00  }
0x56: {  	v3 =	vld [tilespmem:s29+$0x3390]  }
0x57: {  	v4 =	vld [tilespmem:s29+$0x190];
	_ =	sdelay $0x4  }
0x58: {  	v3 =	vadd.f32 v3, v4;
	_ =	sdelay $0x1  }
0x59: {  	v3 =	vmax.f32 v3, $0.0e+00  }
0x5a: {  	v6 =	vld [tilespmem:s29+$0x1B0];
	v8 =	vadd.f32 $1.000000010e-07, v3  }
0x5b: {  	v7 =	vld [tilespmem:s29+$0x1A0]  }
0x5c: {  	v3 =	vld [tilespmem:s29+$0x33B0];
	v5 =	vmul.f32 v8, v2  }
0x5d: {  	v4 =	vld [tilespmem:s29+$0x33A0]  }
0x5e: {  	v9 =	vld [tilespmem:s29+$0x33C0];
	v5 =	vmul.f32 $1.442695020e+00, v5  }
0x5f: {  	v10 =	vld [tilespmem:s29+$0x1C0]  }
0x60: {  	(erf) = vpow2.f32 v5  }
0x61: {  	v3 =	vadd.f32 v3, v6  }
0x62: {  	v4 =	vadd.f32 v4, v7  }
0x63: {  	v3 =	vmax.f32 v3, $0.0e+00  }
0x64: {  	v4 =	vmax.f32 v4, $0.0e+00;
	v5 =	vadd.f32 $1.000000010e-07, v3;
	v3 =	vadd.f32 v9, v10  }
0x65: {  	v4 =	vadd.f32 $1.000000010e-07, v4  }
0x66: {  	v6 =	vmul.f32 v5, v2;
	v3 =	vmax.f32 v3, $0.0e+00  }
0x67: {  	v7 =	vmul.f32 v4, v2;
	v3 =	vadd.f32 $1.000000010e-07, v3  }
0x68: {  	v9 =	vmul.f32 $1.442695020e+00, v6  }
0x69: {  	v6 =	vmul.f32 $1.442695020e+00, v7;
	v7 =	vmul.f32 v3, v2;
	v10 =	vpop (erf)  }
0x6a: {  	s31 =	simm.s32 $0x200;
	s30 =	simm.s32 $0x100;
	(erf) = vpow2.f32 v9;
	[tilespmem:s29+$0x3390] =	vst v10;
	v8 =	vmul.f32 v10, v8  }
.LBB2_5:
0x6b: {  	p0 =	sne.s32 s31, $0xC700  }
0x6c: {  	s0 =	sshra.s32 s30, $0x2;
	v7 =	vmul.f32 $1.442695020e+00, v7;
	(erf) = vpow2.f32 v6;
	s30 =	smov.u32 s31;
	s31 =	sadd.s32 $0x100, s31  }
0x6d: {  	v6 =	vld [tilespmem:s0+$0x3390];
	[tilespmem:s29+$0x190] =	vst v8  }
0x6e: {  	v8 =	vld [tilespmem:s0+$0x190];
	(erf) = vpow2.f32 v7;
	_ =	sdelay $0x4  }
0x6f: {  	v6 =	vadd.f32 v6, v8  }
0x70: {  	v7 =	vpop (erf)  }
0x71: {  	v6 =	vmax.f32 v6, $0.0e+00;
	[tilespmem:s29+$0x33B0] =	vst v7;
	v9 =	vmul.f32 v7, v5;
	v7 =	vpop (erf)  }
0x72: {  	v8 =	vadd.f32 $1.000000010e-07, v6;
	v6 =	vld [tilespmem:s0+$0x33B0];
	[tilespmem:s29+$0x33A0] =	vst v7;
	v4 =	vmul.f32 v7, v4  }
0x73: {  	v7 =	vld [tilespmem:s0+$0x33A0];
	[tilespmem:s29+$0x1B0] =	vst v9;
	v5 =	vpop (erf)  }
0x74: {  	v9 =	vmul.f32 v8, v2;
	v10 =	vld [tilespmem:s0+$0x1B0];
	[tilespmem:s29+$0x1A0] =	vst v4;
	v3 =	vmul.f32 v5, v3  }
0x75: {  	v4 =	vld [tilespmem:s0+$0x1A0];
	[tilespmem:s29+$0x33C0] =	vst v5  }
0x76: {  	v5 =	vmul.f32 $1.442695020e+00, v9;
	v9 =	vld [tilespmem:s0+$0x33C0];
	[tilespmem:s29+$0x1C0] =	vst v3;
	s29 =	smov.u32 s0  }
0x77: {  	v3 =	vld [tilespmem:s29+$0x1C0]  }
0x78: {  	(erf) = vpow2.f32 v5  }
0x79: {  	v5 =	vadd.f32 v6, v10  }
0x7a: {  	v4 =	vadd.f32 v7, v4  }
0x7b: {  	v5 =	vmax.f32 v5, $0.0e+00  }
0x7c: {  	v4 =	vmax.f32 v4, $0.0e+00;
	v5 =	vadd.f32 $1.000000010e-07, v5;
	v3 =	vadd.f32 v9, v3  }
0x7d: {  	v4 =	vadd.f32 $1.000000010e-07, v4  }
.Ltmp1:
0x7e: {  	v6 =	vmul.f32 v5, v2;
	v3 =	vmax.f32 v3, $0.0e+00;
	(pc) =	sbr.rel @p0 .LBB2_5-.Ltmp1, $4  }
0x7f: {  	v7 =	vmul.f32 v4, v2;
	v3 =	vadd.f32 $1.000000010e-07, v3  }
0x80: {  	v9 =	vmul.f32 $1.442695020e+00, v6  }
0x81: {  	v6 =	vmul.f32 $1.442695020e+00, v7;
	v7 =	vmul.f32 v3, v2;
	v10 =	vpop (erf)  }
0x82: {  	[tilespmem:s29+$0x3390] =	vst v10;
	v8 =	vmul.f32 v10, v8;
	(erf) = vpow2.f32 v9  }
0x83: {  	(erf) = vpow2.f32 v6;
	v46 =	vmul.f32 $1.442695020e+00, v7;
	_ =	sdelay $0x1  }
0x84: {  	(erf) = vpow2.f32 v46;
	_ =	sdelay $0x4  }
0x85: {  	s30 =	sshra.s32 s30, $0x2  }
0x86: {  	v47 =	vld [tilespmem:s30+$0x3390];
	[tilespmem:s29+$0x190] =	vst v8;
	v49 =	vpop (erf)  }
0x87: {  	v48 =	vld [tilespmem:s30+$0x190];
	[tilespmem:s29+$0x33B0] =	vst v49;
	v9 =	vpop (erf);
	v5 =	vmul.f32 v49, v5  }
0x88: {  	v10 =	vld [tilespmem:s30+$0x33B0];
	[tilespmem:s29+$0x33A0] =	vst v9;
	v4 =	vmul.f32 v9, v4  }
0x89: {  	v50 =	vld [tilespmem:s30+$0x33A0];
	[tilespmem:s29+$0x1B0] =	vst v5;
	v51 =	vpop (erf)  }
0x8a: {  	v5 =	vld [tilespmem:s30+$0x1B0];
	[tilespmem:s29+$0x1A0] =	vst v4;
	v3 =	vmul.f32 v51, v3  }
0x8b: {  	v52 =	vld [tilespmem:s30+$0x1A0];
	[tilespmem:s29+$0x33C0] =	vst v51  }
0x8c: {  	v6 =	vadd.f32 v47, v48;
	v4 =	vld [tilespmem:s30+$0x33C0];
	[tilespmem:s29+$0x1C0] =	vst v3  }
0x8d: {  	v3 =	vld [tilespmem:s30+$0x1C0]  }
0x8e: {  	v6 =	vmax.f32 v6, $0.0e+00  }
0x8f: {  	v6 =	vadd.f32 $1.000000010e-07, v6;
	v5 =	vadd.f32 v10, v5  }
0x90: {  	v53 =	vadd.f32 v50, v52  }
0x91: {  	v54 =	vmul.f32 v6, v2;
	v5 =	vmax.f32 v5, $0.0e+00  }
0x92: {  	v7 =	vmax.f32 v53, $0.0e+00;
	v5 =	vadd.f32 $1.000000010e-07, v5;
	v3 =	vadd.f32 v4, v3  }
0x93: {  	v55 =	vmul.f32 $1.442695020e+00, v54;
	v7 =	vadd.f32 $1.000000010e-07, v7  }
0x94: {  	v56 =	vmul.f32 v5, v2;
	v3 =	vmax.f32 v3, $0.0e+00  }
0x95: {  	(erf) = vpow2.f32 v55;
	v57 =	vmul.f32 v7, v2;
	v3 =	vadd.f32 $1.000000010e-07, v3  }
0x96: {  	v8 =	vmul.f32 $1.442695020e+00, v56  }
0x97: {  	v4 =	vmul.f32 $1.442695020e+00, v57;
	v58 =	vmul.f32 v3, v2  }
0x98: {  	(erf) = vpow2.f32 v8  }
0x99: {  	v59 =	vmul.f32 $1.442695020e+00, v58;
	(erf) = vpow2.f32 v4;
	_ =	sdelay $0x1  }
0x9a: {  	(erf) = vpow2.f32 v59;
	_ =	sdelay $0x2  }
0x9b: {  	v60 =	vpop (erf)  }
0x9c: {  	v6 =	vmul.f32 v60, v6  }
0x9d: {  	[tilespmem:s30+$0x3390] =	vst v60  }
0x9e: {  	[tilespmem:s30+$0x190] =	vst v6;
	v61 =	vpop (erf)  }
0x9f: {  	[tilespmem:s30+$0x33B0] =	vst v61;
	v4 =	vmul.f32 v61, v5;
	v62 =	vpop (erf)  }
0xa0: {  	[tilespmem:s30+$0x33A0] =	vst v62;
	v5 =	vmul.f32 v62, v7  }
0xa1: {  	[tilespmem:s30+$0x1B0] =	vst v4;
	v63 =	vpop (erf)  }
0xa2: {  	[tilespmem:s30+$0x1A0] =	vst v5;
	v3 =	vmul.f32 v63, v3  }
0xa3: {  	[tilespmem:s30+$0x33C0] =	vst v63  }
0xa4: {  	[tilespmem:s30+$0x1C0] =	vst v3  }
0xa5: {  	[spmem:s3] =	stream.indirect.scatter.add.f32 [tilespmem:s24], [sflag:$0x2], $0x40, s22, s22, $0xb8;
	[tilespmem:$0x19E20] =	vst v63  }
0xa6: {  	s28 =	sadd.s32 $0x1, s28;
	_ =	swait.ge [sflag:s20], $0x3200  }
0xa7: {  	p0 =	sne.s32 s28, $0x64;
	[sflag:s20] =	ssyncset.done $0x0  }
.Ltmp2:
0xa8: {  	[sflag:s20] =	ssyncadd.s32 $0xFFFFCE00;
	(pc) =	sbr.rel @p0 .LBB2_4-.Ltmp2, $4  }
0xa9: {  	[spmem:s1] =	stream.indirect.scatter.add.f32 [tilespmem:s19], [sflag:$0x2], $0x40, s22, s22, $0xb8;
	[tilespmem:$0x19E20] =	vst v63  }
0xaa: {  	_ =	swait.ge [sflag:s20], $0x3200  }
0xab: {  	[sflag:s20] =	ssyncset.done $0x0  }
0xac: {  	[sflag:s20] =	ssyncadd.s32 $0xFFFFCE00  }
0xad: {  	[bflag:$0x0] =	sbarrier.arrive $0xFFFF  }
0xae: {  	[tilespmem:s19], [sflag:$0x2] =	stream.linear.gather [spmem:s10], $0x3200, $0x38;
	[tilespmem:$0x19E20] =	vst v63  }
0xaf: {  	_ =	swait.ge [sflag:s20], $0x3200  }
0xb0: {  	[sflag:s20] =	ssyncset.done $0x0  }
0xb1: {  	[sflag:s20] =	ssyncadd.s32 $0xFFFFCE00  }
0xb2: {  	[tilespmem:s24], [sflag:$0x2] =	stream.linear.gather [spmem:s11], $0x3200, $0x38;
	[tilespmem:$0x19E20] =	vst v63  }
0xb3: {  	_ =	swait.ge [sflag:s20], $0x3200  }
0xb4: {  	[sflag:s20] =	ssyncset.done $0x0  }
0xb5: {  	s29 =	simm.s32 $0x0;
	[sflag:s20] =	ssyncadd.s32 $0xFFFFCE00  }
0xb6: {  	v2 =	vld [tilespmem:s29+$0x3390]  }
0xb7: {  	v3 =	vld [tilespmem:s29+$0x33A0]  }
0xb8: {  	v4 =	vld [tilespmem:s29+$0x33B0];
	_ =	sdelay $0x1  }
0xb9: {  	v5 =	vld [tilespmem:s29+$0x33C0]  }
0xba: {  	v2 =	vadd.f32 $1.000000020e-16, v2  }
0xbb: {  	s26 =	simm.s32 $0x40;
	v3 =	vadd.f32 $1.000000020e-16, v3  }
0xbc: {  	v4 =	vadd.f32 $1.000000020e-16, v4;
	(erf) = vrcp.f32 v2;
	v2 =	vld [tilespmem:s26+$0x3390]  }
0xbd: {  	(erf) = vrcp.f32 v3;
	v3 =	vld [tilespmem:s26+$0x33A0]  }
0xbe: {  	v5 =	vadd.f32 $1.000000020e-16, v5;
	(erf) = vrcp.f32 v4;
	v4 =	vld [tilespmem:s26+$0x33B0];
	_ =	sdelay $0x1  }
0xbf: {  	v6 =	vld [tilespmem:s26+$0x33C0];
	(erf) = vrcp.f32 v5;
	_ =	sdelay $0x1  }
0xc0: {  	v7 =	vld [tilespmem:s29+$0x190];
	v8 =	vadd.f32 $1.000000020e-16, v2;
	v5 =	vadd.f32 $1.000000020e-16, v3  }
0xc1: {  	v9 =	vld [tilespmem:s29+$0x1A0];
	v10 =	vadd.f32 $1.000000020e-16, v4  }
0xc2: {  	v2 =	vld [tilespmem:s29+$0x1B0];
	(erf) = vrcp.f32 v8  }
0xc3: {  	s28 =	simm.s32 $0x80;
	v4 =	vld [tilespmem:s29+$0x1C0];
	v8 =	vadd.f32 $1.000000020e-16, v6;
	(erf) = vrcp.f32 v5  }
0xc4: {  	v3 =	vld [tilespmem:s28+$0x3390];
	v5 =	vpop (erf);
	(erf) = vrcp.f32 v10  }
0xc5: {  	v6 =	vld [tilespmem:s28+$0x33A0];
	v7 =	vmul.f32 v5, v7;
	v10 =	vpop (erf);
	(erf) = vrcp.f32 v8  }
0xc6: {  	s30 =	simm.s32 $0x300;
	v5 =	vld [tilespmem:s28+$0x33B0];
	v8 =	vmul.f32 v10, v9;
	v9 =	vpop (erf)  }
.LBB2_8:
0xc7: {  	p0 =	sne.s32 s30, $0xC700;
	v10 =	vld [tilespmem:s28+$0x33C0];
	[tilespmem:s29+$0x190] =	vst v7;
	v2 =	vmul.f32 v9, v2;
	v7 =	vpop (erf)  }
0xc8: {  	v9 =	vld [tilespmem:s26+$0x190];
	[tilespmem:s29+$0x1A0] =	vst v8;
	v4 =	vmul.f32 v7, v4  }
0xc9: {  	v3 =	vadd.f32 $1.000000020e-16, v3;
	v8 =	vld [tilespmem:s26+$0x1A0];
	[tilespmem:s29+$0x1B0] =	vst v2  }
.Ltmp3:
0xca: {  	v6 =	vadd.f32 $1.000000020e-16, v6;
	v2 =	vld [tilespmem:s26+$0x1B0];
	[tilespmem:s29+$0x1C0] =	vst v4;
	s29 =	smov.u32 s26;
	s26 =	smov.u32 s28;
	(pc) =	sbr.rel @p0 .LBB2_8-.Ltmp3, $4  }
0xcb: {  	s28 =	sshra.s32 s30, $0x2;
	v5 =	vadd.f32 $1.000000020e-16, v5;
	(erf) = vrcp.f32 v3;
	v4 =	vld [tilespmem:s29+$0x1C0]  }
0xcc: {  	v3 =	vld [tilespmem:s28+$0x3390];
	v10 =	vadd.f32 $1.000000020e-16, v10;
	(erf) = vrcp.f32 v6;
	v7 =	vpop (erf)  }
0xcd: {  	v6 =	vld [tilespmem:s28+$0x33A0];
	(erf) = vrcp.f32 v5;
	v7 =	vmul.f32 v7, v9;
	v9 =	vpop (erf)  }
0xce: {  	s30 =	sadd.s32 $0x100, s30;
	v5 =	vld [tilespmem:s28+$0x33B0];
	(erf) = vrcp.f32 v10;
	v8 =	vmul.f32 v9, v8;
	v9 =	vpop (erf)  }
0xcf: {  	v10 =	vld [tilespmem:s28+$0x33C0];
	[tilespmem:s29+$0x190] =	vst v7  }
0xd0: {  	v2 =	vmul.f32 v9, v2;
	v7 =	vld [tilespmem:s26+$0x190]  }
0xd1: {  	[tilespmem:s29+$0x1A0] =	vst v8  }
0xd2: {  	v8 =	vpop (erf);
	v9 =	vld [tilespmem:s26+$0x1A0];
	[tilespmem:s29+$0x1B0] =	vst v2;
	v2 =	vadd.f32 $1.000000020e-16, v3  }
0xd3: {  	v4 =	vmul.f32 v8, v4  }
0xd4: {  	(erf) = vrcp.f32 v2;
	v8 =	vpop (erf)  }
0xd5: {  	v3 =	vld [tilespmem:s26+$0x1B0];
	v6 =	vadd.f32 $1.000000020e-16, v6;
	[tilespmem:s29+$0x1C0] =	vst v4;
	v4 =	vmul.f32 v8, v7  }
0xd6: {  	v5 =	vadd.f32 $1.000000020e-16, v5;
	v2 =	vld [tilespmem:s26+$0x1C0]  }
0xd7: {  	(erf) = vrcp.f32 v6;
	v8 =	vadd.f32 $1.000000020e-16, v10  }
0xd8: {  	v7 =	vpop (erf);
	(erf) = vrcp.f32 v5;
	[tilespmem:s26+$0x190] =	vst v4  }
0xd9: {  	v6 =	vmul.f32 v7, v9;
	(erf) = vrcp.f32 v8;
	v5 =	vld [tilespmem:s28+$0x190];
	v4 =	vpop (erf)  }
0xda: {  	v3 =	vmul.f32 v4, v3;
	v4 =	vpop (erf)  }
0xdb: {  	[tilespmem:s26+$0x1A0] =	vst v6;
	v2 =	vmul.f32 v4, v2  }
0xdc: {  	v6 =	vld [tilespmem:s28+$0x1A0];
	[tilespmem:s26+$0x1B0] =	vst v3  }
0xdd: {  	v4 =	vpop (erf);
	v3 =	vld [tilespmem:s28+$0x1B0];
	[tilespmem:s26+$0x1C0] =	vst v2  }
0xde: {  	v4 =	vmul.f32 v4, v5;
	v2 =	vld [tilespmem:s28+$0x1C0];
	_ =	sdelay $0x1  }
0xdf: {  	v5 =	vpop (erf)  }
0xe0: {  	v5 =	vmul.f32 v5, v6;
	v6 =	vpop (erf)  }
0xe1: {  	[tilespmem:s28+$0x190] =	vst v4;
	v4 =	vpop (erf);
	v3 =	vmul.f32 v6, v3  }
0xe2: {  	[tilespmem:s28+$0x1A0] =	vst v5;
	v2 =	vmul.f32 v4, v2  }
0xe3: {  	[tilespmem:s28+$0x1B0] =	vst v3  }
0xe4: {  	s0 =	simm.s32 $0x0;
	[tilespmem:s28+$0x1C0] =	vst v2  }
0xe5: {  	[hbm4b:s16+s0] =	stream.linear.scatter [tilespmem:s19], [sflag:$0x2], $0x3200, $0x38;
	[tilespmem:$0x19E20] =	vst v63  }
0xe6: {  	_ =	swait.ge [sflag:s20], $0x3200  }
0xe7: {  	[sflag:s20] =	ssyncset.done $0x0  }
0xe8: {  	[sflag:s20] =	ssyncadd.s32 $0xFFFFCE00  }
0xe9: {  	[tilespmem:s19], [sflag:$0x2] =	stream.linear.gather [spmem:s12], $0x6E00, $0x38;
	[tilespmem:$0x19E20] =	vst v63  }
0xea: {  	_ =	swait.ge [sflag:s20], $0x6E00  }
0xeb: {  	[sflag:s20] =	ssyncset.done $0x0  }
0xec: {  	[sflag:s20] =	ssyncadd.s32 $0xFFFF9200  }
0xed: {  	[tilespmem:s24], [sflag:$0x2] =	stream.linear.gather [spmem:s14], $0x6E00, $0x38;
	[tilespmem:$0x19E20] =	vst v63  }
0xee: {  	_ =	swait.ge [sflag:s20], $0x6E00  }
0xef: {  	[sflag:s20] =	ssyncset.done $0x0  }
0xf0: {  	s29 =	simm.s32 $0x0;
	[sflag:s20] =	ssyncadd.s32 $0xFFFF9200  }
0xf1: {  	v2 =	vld [tilespmem:s29+$0x3390]  }
0xf2: {  	v3 =	vld [tilespmem:s29+$0x33A0]  }
0xf3: {  	v4 =	vld [tilespmem:s29+$0x33B0];
	_ =	sdelay $0x1  }
0xf4: {  	v5 =	vld [tilespmem:s29+$0x33C0]  }
0xf5: {  	v2 =	vadd.f32 $1.000000020e-16, v2  }
0xf6: {  	s26 =	simm.s32 $0x40;
	v3 =	vadd.f32 $1.000000020e-16, v3  }
0xf7: {  	v4 =	vadd.f32 $1.000000020e-16, v4;
	(erf) = vrcp.f32 v2;
	v2 =	vld [tilespmem:s26+$0x3390]  }
0xf8: {  	(erf) = vrcp.f32 v3;
	v3 =	vld [tilespmem:s26+$0x33A0]  }
0xf9: {  	v5 =	vadd.f32 $1.000000020e-16, v5;
	(erf) = vrcp.f32 v4;
	v4 =	vld [tilespmem:s26+$0x33B0];
	_ =	sdelay $0x1  }
0xfa: {  	v6 =	vld [tilespmem:s26+$0x33C0];
	(erf) = vrcp.f32 v5;
	_ =	sdelay $0x1  }
0xfb: {  	v7 =	vld [tilespmem:s29+$0x190];
	v8 =	vadd.f32 $1.000000020e-16, v2;
	v5 =	vadd.f32 $1.000000020e-16, v3  }
0xfc: {  	v9 =	vld [tilespmem:s29+$0x1A0];
	v10 =	vadd.f32 $1.000000020e-16, v4  }
0xfd: {  	v2 =	vld [tilespmem:s29+$0x1B0];
	(erf) = vrcp.f32 v8  }
0xfe: {  	s28 =	simm.s32 $0x80;
	v4 =	vld [tilespmem:s29+$0x1C0];
	v8 =	vadd.f32 $1.000000020e-16, v6;
	(erf) = vrcp.f32 v5  }
0xff: {  	v3 =	vld [tilespmem:s28+$0x3390];
	v5 =	vpop (erf);
	(erf) = vrcp.f32 v10  }
0x100: {  	v6 =	vld [tilespmem:s28+$0x33A0];
	v7 =	vmul.f32 v5, v7;
	v10 =	vpop (erf);
	(erf) = vrcp.f32 v8  }
0x101: {  	s30 =	simm.s32 $0x300;
	v5 =	vld [tilespmem:s28+$0x33B0];
	v8 =	vmul.f32 v10, v9;
	v9 =	vpop (erf)  }
.LBB2_10:
0x102: {  	p0 =	sne.s32 s30, $0x1B700;
	v10 =	vld [tilespmem:s28+$0x33C0];
	[tilespmem:s29+$0x190] =	vst v7;
	v2 =	vmul.f32 v9, v2;
	v7 =	vpop (erf)  }
0x103: {  	v9 =	vld [tilespmem:s26+$0x190];
	[tilespmem:s29+$0x1A0] =	vst v8;
	v4 =	vmul.f32 v7, v4  }
0x104: {  	v3 =	vadd.f32 $1.000000020e-16, v3;
	v8 =	vld [tilespmem:s26+$0x1A0];
	[tilespmem:s29+$0x1B0] =	vst v2  }
.Ltmp4:
0x105: {  	v6 =	vadd.f32 $1.000000020e-16, v6;
	v2 =	vld [tilespmem:s26+$0x1B0];
	[tilespmem:s29+$0x1C0] =	vst v4;
	s29 =	smov.u32 s26;
	s26 =	smov.u32 s28;
	(pc) =	sbr.rel @p0 .LBB2_10-.Ltmp4, $4  }
0x106: {  	s28 =	sshra.s32 s30, $0x2;
	v5 =	vadd.f32 $1.000000020e-16, v5;
	(erf) = vrcp.f32 v3;
	v4 =	vld [tilespmem:s29+$0x1C0]  }
0x107: {  	v3 =	vld [tilespmem:s28+$0x3390];
	v10 =	vadd.f32 $1.000000020e-16, v10;
	(erf) = vrcp.f32 v6;
	v7 =	vpop (erf)  }
0x108: {  	v6 =	vld [tilespmem:s28+$0x33A0];
	(erf) = vrcp.f32 v5;
	v7 =	vmul.f32 v7, v9;
	v9 =	vpop (erf)  }
0x109: {  	s30 =	sadd.s32 $0x100, s30;
	v5 =	vld [tilespmem:s28+$0x33B0];
	(erf) = vrcp.f32 v10;
	v8 =	vmul.f32 v9, v8;
	v9 =	vpop (erf)  }
0x10a: {  	v10 =	vld [tilespmem:s28+$0x33C0];
	[tilespmem:s29+$0x190] =	vst v7;
	v2 =	vmul.f32 v9, v2;
	v50 =	vpop (erf)  }
0x10b: {  	v7 =	vld [tilespmem:s26+$0x190];
	[tilespmem:s29+$0x1A0] =	vst v8;
	v4 =	vmul.f32 v50, v4  }
0x10c: {  	v51 =	vld [tilespmem:s26+$0x1A0];
	[tilespmem:s29+$0x1B0] =	vst v2;
	v2 =	vadd.f32 $1.000000020e-16, v3  }
0x10d: {  	v3 =	vld [tilespmem:s26+$0x1B0];
	v6 =	vadd.f32 $1.000000020e-16, v6;
	[tilespmem:s29+$0x1C0] =	vst v4  }
0x10e: {  	v5 =	vadd.f32 $1.000000020e-16, v5;
	(erf) = vrcp.f32 v2;
	v2 =	vld [tilespmem:s26+$0x1C0]  }
0x10f: {  	v52 =	vpop (erf);
	v55 =	vadd.f32 $1.000000020e-16, v10;
	(erf) = vrcp.f32 v6  }
0x110: {  	v53 =	vmul.f32 v52, v7;
	v54 =	vpop (erf);
	(erf) = vrcp.f32 v5  }
0x111: {  	v56 =	vmul.f32 v54, v51;
	v57 =	vpop (erf);
	(erf) = vrcp.f32 v55  }
0x112: {  	[tilespmem:s26+$0x190] =	vst v53;
	v3 =	vmul.f32 v57, v3;
	v59 =	vpop (erf)  }
0x113: {  	v58 =	vld [tilespmem:s28+$0x190];
	[tilespmem:s26+$0x1A0] =	vst v56;
	v2 =	vmul.f32 v59, v2  }
0x114: {  	v6 =	vld [tilespmem:s28+$0x1A0];
	[tilespmem:s26+$0x1B0] =	vst v3  }
0x115: {  	v3 =	vld [tilespmem:s28+$0x1B0];
	[tilespmem:s26+$0x1C0] =	vst v2  }
0x116: {  	v2 =	vld [tilespmem:s28+$0x1C0]  }
0x117: {  	v60 =	vpop (erf)  }
0x118: {  	v4 =	vmul.f32 v60, v58;
	v61 =	vpop (erf)  }
0x119: {  	v5 =	vmul.f32 v61, v6;
	v62 =	vpop (erf)  }
0x11a: {  	[tilespmem:s28+$0x190] =	vst v4;
	v3 =	vmul.f32 v62, v3;
	v63 =	vpop (erf)  }
0x11b: {  	s25 =	sadd.s32 $0x1, s25;
	[tilespmem:s28+$0x1A0] =	vst v5;
	v2 =	vmul.f32 v63, v2  }
0x11c: {  	p0 =	sne.s32 s25, s18;
	[tilespmem:s28+$0x1B0] =	vst v3  }
.Ltmp5:
0x11d: {  	[tilespmem:s28+$0x1C0] =	vst v2;
	(pc) =	sbr.rel @p0 .LBB2_1-.Ltmp5, $4  }
0x11e: {  	[hbm4b:s17+s4] =	stream.linear.scatter [tilespmem:s19], [sflag:$0x2], $0x6E00, $0x38;
	[tilespmem:$0x19E20] =	vst v63  }
0x11f: {  	_ =	swait.ge [sflag:s20], $0x6E00  }
0x120: {  	[sflag:s20] =	ssyncset.done $0x0  }
0x121: {  	[sflag:s20] =	ssyncadd.s32 $0xFFFF9200  }
0x122: {  	_ =	sfence.sel $0x180000  }
0x123: {  	[bflag:$0x0] =	sbarrier.arrive $0xFFFF  }
0x124: {  	_ =	strace $0x9000004A  }
0x125: {  	[bflag:$0x2] =	sbarrier.arrive $0xFFFF  }
0x126: {  	p0 =	sne.s32 s2, $0x0;
	s0 =	rddreg [dreg:$0x3]  }
0x127: {  	s0 =	sadd.s32 @!p0 $0x100000, s0  }
0x128: {  	[sflag:s0] =	ssyncadd.tile.s32 @!p0 $0x1;
	_ =	shalt  }
.Lfunc_end2:
_tile_overlayer_lowered:
.L_overlay_start_2:
0x129: {  	(tag) =	ssettag $0x2  }
0x12a: {  	s0 =	rddreg [dreg:$0x0];
	s2 =	stileid.u32  }
0x12b: {  	s1 =	rddreg [dreg:$0x1];
	p0 =	sne.s32 s2, $0x0  }
0x12c: {  	s3 =	rddreg [dreg:$0x2];
	[bflag:$0x3] =	sbarrier.arrive $0xFFFF;
	s2 =	simm.s32 @!p0 $0x1C02  }
0x12d: {  	[timem:s3], [sflag:s2] =	dma.local @!p0 [hbm:s0], s1  }
0x12e: {  	s0 =	simm.s32 @!p0 $0x2  }
0x12f: {  	_ =	swait.ge @!p0 [sflag:s0], s1  }
0x130: {  	s1 =	ssub.s32 @!p0 $0x0, s1;
	[sflag:s0] =	ssyncset.done @!p0 $0x0  }
0x131: {  	[sflag:s0] =	ssyncadd.s32 @!p0 s1  }
0x132: {  	[bflag:$0x3] =	sbarrier.arrive $0xFFFF  }
0x133: {  	_ =	shalt  }

// kernel: kernel.19.cloned.1.call-start
scs
__scs_entry_jumppad:
0x0: {  	(pc) =	sbr.rel $0x88, $3  }
0x1: {  	(tag) =	ssettag $0x0;
	lr =	simm.s32 $0x1  }
0x2: {  	[smem:$0x3F90] =	sst lr;
	_ =	strace $0xD0000000  }
0x3: {  	_ = 	snop  }
0x4: {  	_ = 	snop  }
0x5: {  	_ = 	snop  }
0x6: {  	_ = 	snop  }
0x7: {  	_ = 	snop  }
__scs_overlays_trampoline_lowered:
0x8: {  	[smem:$0x3F9F] =	sst s0  }
0x9: {  	[smem:$0x3FA0] =	sst s1  }
0xa: {  	[smem:$0x3FA1] =	sst s2  }
0xb: {  	[smem:$0x3FA2] =	sst s3  }
0xc: {  	[smem:$0x3FA3] =	sst s4  }
0xd: {  	[smem:$0x3FA4] =	sst s5  }
0xe: {  	[smem:$0x3FA5] =	sst s6  }
0xf: {  	[smem:$0x3FA6] =	sst s7  }
0x10: {  	[smem:$0x3FA7] =	sst s8  }
0x11: {  	[smem:$0x3FA8] =	sst s9;
	s0 =	simm.s32 @!p0 $0x0  }
0x12: {  	s1 =	sld [smem:$0x3F8E];
	s0 =	simm.s32 @p0 $0x1  }
0x13: {  	[smem:$0x3FA9] =	sst s0;
	s0 =	simm.s32 @!p1 $0x0  }
0x14: {  	s2 =	sld [smem:$0x3F8D];
	s0 =	simm.s32 @p1 $0x1  }
0x15: {  	[smem:$0x3FAA] =	sst s0;
	s0 =	simm.s32 @!p2 $0x0  }
0x16: {  	s3 =	sld [smem:$0x3FDB];
	s0 =	simm.s32 @p2 $0x1  }
0x17: {  	s4 =	simm.s32 $0x1BF5;
	[smem:$0x3FAC] =	sst s0  }
0x18: {  	s0 =	sld [smem:$0x3F8F];
	_ =	swait.ge [sflag:s4], $0x0  }
0x19: {  	s7 =	sld [smem:$0x3F90]  }
0x1a: {  	s8 =	sadd.s32 $0xFFFFE003, lr  }
0x1b: {  	s9 =	sadd.s32 $0xFFFFFEF7, lr;
	s5 =	simm.s32 $0xFFFFFFFF;
	p2 =	slt.u32 s8, $0xFFFFF086  }
0x1c: {  	p1 =	slt.u32 s9, $0xF7A;
	s5 =	simm.s32 @!p2 $0x0  }
0x1d: {  	s5 =	simm.s32 @p1 $0x1;
	p0 =	seq.s32 s7, s2  }
0x1e: {  	s7 =	smul.u32 @!p0 $0xF7A, s2;
	p2 =	seq.s32 @!p0 s5, $0x0  }
0x1f: {  	s9 =	smul.u32 $0xF7A, s1;
	s8 =	simm.s32 @!p0 $0x1BF5;
	p2 =	por !p2, p0  }
0x20: {  	[sflag:s8] =	ssyncset.s32 @!p0 $0xFFFFF086;
	s6 =	sadd.s32 @!p0 s3, s7;
	s7 =	simm.s32 @!p0 $0x108  }
0x21: {  	s3 =	sadd.s32 s3, s9;
	s6 =	sadd.s32 @!p0 $0x88, s6;
	s7 =	simm.s32 @p2 $0x1082  }
0x22: {  	[simem:s7], [sflag:s8] =	dma.local @!p0 [hbm:s6], $0xF7A  }
0x23: {  	s9 =	sor.u32 $0xD0000000, s2;
	s6 =	simm.s32 $0x108;
	_ =	swait.ge @!p0 [sflag:s8], $0x0  }
0x24: {  	s3 =	sadd.s32 $0x88, s3;
	s6 =	simm.s32 @!p1 $0x1082;
	[sflag:s4] =	ssyncset.s32 $0xFFFFF086  }
0x25: {  	[simem:s6], [sflag:s4] =	dma.local [hbm:s3], $0xF7A  }
0x26: {  	[smem:$0x3F90] =	sst s1;
	(tag) =	ssettag s2;
	_ =	strace s9  }
0x27: {  	s1 =	sld [smem:$0x3FA0]  }
0x28: {  	s2 =	sld [smem:$0x3FA1]  }
0x29: {  	s4 =	sld [smem:$0x3FA3]  }
0x2a: {  	p0 =	seq.s32 s5, $0x0;
	s5 =	sld [smem:$0x3FA4]  }
0x2b: {  	s6 =	sld [smem:$0x3FA5]  }
0x2c: {  	s7 =	sld [smem:$0x3FA6]  }
0x2d: {  	s3 =	simm.s32 $0x108;
	s8 =	sld [smem:$0x3FA7]  }
0x2e: {  	s3 =	simm.s32 @!p0 $0x1082;
	s9 =	sld [smem:$0x3FA8]  }
0x2f: {  	lr =	sadd.s32 s0, s3;
	s0 =	sld [smem:$0x3F9F]  }
0x30: {  	s3 =	sld [smem:$0x3FA2]  }
0x31: {  	[smem:$0x3FAB] =	sst s10  }
0x32: {  	s10 =	sld [smem:$0x3FA9];
	_ =	sdelay $0x3  }
0x33: {  	p0 =	seq.s32 s10, $0x1;
	s10 =	sld [smem:$0x3FAB];
	_ =	sdelay $0x3  }
0x34: {  	[smem:$0x3FAB] =	sst s10  }
0x35: {  	s10 =	sld [smem:$0x3FAA];
	_ =	sdelay $0x3  }
0x36: {  	p1 =	seq.s32 s10, $0x1;
	s10 =	sld [smem:$0x3FAB];
	_ =	sdelay $0x3  }
0x37: {  	[smem:$0x3FAB] =	sst s10  }
0x38: {  	s10 =	sld [smem:$0x3FAC]  }
0x39: {  	_ = 	snop;
	(pc) =	sbr.ind lr, $3  }
0x3a: {  	_ = 	snop  }
0x3b: {  	_ = 	snop  }
0x3c: {  	p2 =	seq.s32 s10, $0x1;
	s10 =	sld [smem:$0x3FAB]  }
0x3d: {  	_ =	shalt  }
0x3e: {  	_ =	shalt  }
0x3f: {  	_ =	shalt  }
0x40: {  	_ =	shalt  }
0x41: {  	_ =	shalt  }
0x42: {  	_ =	shalt  }
0x43: {  	_ =	shalt  }
0x44: {  	_ =	shalt  }
0x45: {  	_ =	shalt  }
0x46: {  	_ =	shalt  }
0x47: {  	_ =	shalt  }
0x48: {  	_ =	shalt  }
0x49: {  	_ =	shalt  }
0x4a: {  	_ =	shalt  }
0x4b: {  	_ =	shalt  }
0x4c: {  	_ =	shalt  }
0x4d: {  	_ =	shalt  }
0x4e: {  	_ =	shalt  }
0x4f: {  	_ =	shalt  }
0x50: {  	_ =	shalt  }
0x51: {  	_ =	shalt  }
0x52: {  	_ =	shalt  }
0x53: {  	_ =	shalt  }
0x54: {  	_ =	shalt  }
0x55: {  	_ =	shalt  }
0x56: {  	_ =	shalt  }
0x57: {  	_ =	shalt  }
0x58: {  	_ =	shalt  }
0x59: {  	_ =	shalt  }
0x5a: {  	_ =	shalt  }
0x5b: {  	_ =	shalt  }
0x5c: {  	_ =	shalt  }
0x5d: {  	_ =	shalt  }
0x5e: {  	_ =	shalt  }
0x5f: {  	_ =	shalt  }
0x60: {  	_ =	shalt  }
0x61: {  	_ =	shalt  }
0x62: {  	_ =	shalt  }
0x63: {  	_ =	shalt  }
0x64: {  	_ =	shalt  }
0x65: {  	_ =	shalt  }
0x66: {  	_ =	shalt  }
0x67: {  	_ =	shalt  }
0x68: {  	_ =	shalt  }
0x69: {  	_ =	shalt  }
0x6a: {  	_ =	shalt  }
0x6b: {  	_ =	shalt  }
0x6c: {  	_ =	shalt  }
0x6d: {  	_ =	shalt  }
0x6e: {  	_ =	shalt  }
0x6f: {  	_ =	shalt  }
0x70: {  	_ =	shalt  }
0x71: {  	_ =	shalt  }
0x72: {  	_ =	shalt  }
0x73: {  	_ =	shalt  }
0x74: {  	_ =	shalt  }
0x75: {  	_ =	shalt  }
0x76: {  	_ =	shalt  }
0x77: {  	_ =	shalt  }
0x78: {  	_ =	shalt  }
0x79: {  	_ =	shalt  }
0x7a: {  	_ =	shalt  }
0x7b: {  	_ =	shalt  }
0x7c: {  	_ =	shalt  }
0x7d: {  	_ =	shalt  }
0x7e: {  	_ =	shalt  }
0x7f: {  	_ =	shalt  }
0x80: {  	_ =	shalt  }
0x81: {  	_ =	shalt  }
0x82: {  	_ =	shalt  }
0x83: {  	_ =	shalt  }
0x84: {  	_ =	shalt  }
0x85: {  	_ =	shalt  }
0x86: {  	_ =	shalt  }
0x87: {  	_ =	shalt  }
.Lfunc_end0:
.L_simem_size_0:
called_computation.2_lowered:
.L_overlay_start_0:
0x88: {  	s2 =	sld [smem:$0x3FD9]  }
0x89: {  	s3 =	sld [smem:$0x3FFE];
	_ =	sdelay $0x1  }
0x8a: {  	s1 =	srdreg.scid  }
0x8b: {  	s0 =	sand.u32 $0x1, s1  }
0x8c: {  	s16 =	sshll.u32 s0, $0xA;
	s2 =	sadd.s32 s3, s2  }
0x8d: {  	s2 =	sadd.s32 s2, s16  }
0x8e: {  	[smem:$0x3FB7] =	sst s2  }
0x8f: {  	_ = 	snop  }
0x90: {  	(tm) =	ssettm $0x1  }
0x91: {  	s17 =	sld [smem:$0x3FFB];
	_ =	sdelay $0x3  }
0x92: {  	_ =	strace s17  }
0x93: {  	s2 =	sld [smem:$0x3FFC];
	_ =	sdelay $0x3  }
0x94: {  	_ =	strace s2  }
0x95: {  	s2 =	sld [smem:$0x3FFD];
	_ =	sdelay $0x3  }
0x96: {  	_ =	strace s2  }
0x97: {  	_ =	strace $0x8FFFFFFF  }
0x98: {  	s18 =	sld [smem:$0x3FDB];
	_ =	sdelay $0x1  }
0x99: {  	s19 =	simm.s32 $_scs_section_size  }
0x9a: {  	s4 =	simm.s32 $_size__tile_overlayer_lowered;
	s5 =	simm.s32 $_tile_overlayer_lowered  }
0x9b: {  	s22 =	simm.s32 $0x1BFF;
	s21 =	sshll.u32 s5, $0x1;
	s2 =	sadd.s32 s19, s18  }
0x9c: {  	s6 =	simm.s32 $0x0;
	s20 =	sshll.u32 s4, $0x1;
	s4 =	sadd.s32 s21, s2  }
0x9d: {  	[timem:s6], [sflag:s22] =	dma.local [hbm:s4], s20  }
0x9e: {  	_ =	swait.ge [sflag:s22], s20  }
0x9f: {  	s3 =	ssub.s32 $0x0, s20;
	[sflag:s22] =	ssyncset.done $0x0  }
0xa0: {  	[sflag:s22] =	ssyncadd.s32 s3;
	_ =	sdelay $0x1  }
0xa1: {  	s23 =	simm.s32 $0x1B8B  }
0xa2: {  	_ =	swait.ge [sflag:s23], $0x1  }
0xa3: {  	[sflag:s23] =	ssyncset.done $0x0  }
0xa4: {  	s25 =	simm.s32 $0x1B8E;
	s24 =	sld [smem:$0x3FFE];
	[sflag:s23] =	ssyncadd.s32 $0xFFFFFFFF  }
0xa5: {  	s26 =	simm.s32 $execute0_lowered;
	[smem:$0x3FD2] =	sst s25  }
0xa6: {  	s4 =	sshll.u32 s26, $0x1;
	_ =	strace $0x8000004C;
	[dreg:$0x1] =	wrdreg $0xFFFFFFFF  }
0xa7: {  	s28 =	simm.s32 $_size_execute0_lowered;
	s2 =	sadd.s32 s2, s4;
	[dreg:$0x0] =	wrdreg $0x0  }
0xa8: {  	s4 =	sshll.u32 s28, $0x1;
	[dreg:$0x2] =	wrdreg s2  }
0xa9: {  	[dreg:$0x3] =	wrdreg s4  }
0xaa: {  	[dreg:$0x4] =	wrdreg $0xC0  }
0xab: {  	_ =	task [dreg:s6], $0x5FFFF  }
0xac: {  	[dreg:$0x1] =	wrdreg $0xFFFFFFFF  }
0xad: {  	[dreg:$0x0] =	wrdreg $0x60  }
0xae: {  	[dreg:$0x2] =	wrdreg s24  }
0xaf: {  	[dreg:$0x3] =	wrdreg $0x65A00  }
0xb0: {  	[dreg:$0x4] =	wrdreg $0x101E00  }
0xb1: {  	[dreg:$0x5] =	wrdreg $0x9  }
0xb2: {  	_ =	task.clear_ibuf [dreg:s6], $0x6FFFF;
	_ =	strace $0x9000004C  }
0xb3: {  	s29 =	simm.s32 $0x9;
	_ =	strace $0x8000004E  }
0xb4: {  	_ =	swait.ge [sflag:s29], $0x1  }
0xb5: {  	[sflag:s29] =	ssyncadd.s32 $0xFFFFFFFF  }
0xb6: {  	_ =	strace $0x9000004E  }
0xb7: {  	_ =	sfence  }
0xb8: {  	s30 =	sld [smem:$0x0];
	_ =	sdelay $0x2  }
0xb9: {  	s31 =	sshll.u32 s1, $0xD;
	s1 =	sshrl.u32 s1, $0x2  }
0xba: {  	s3 =	sand.u32 $0x4000, s31;
	s1 =	sadd.s32 s1, s30  }
0xbb: {  	s0 =	sor.u32 s3, s0;
	s1 =	sshll.u32 s1, $0x11  }
0xbc: {  	s0 =	sor.u32 s1, s0  }
0xbd: {  	s0 =	sadd.s32 $0x8F2B, s0  }
0xbe: {  	[sflag:s0] =	ssyncadd.remote.s32 $0x1  }
0xbf: {  	_ =	sfence.sel $0xFFFF  }
0xc0: {  	[dreg:$0x0] =	wrdreg $0xFFFFFFFF;
	(pc) =	sbr.abs _section_cstart, $3  }
0xc1: {  	[dreg:$0x1] =	wrdreg $0xFFFFFFFF  }
0xc2: {  	_ =	task.clear_ibuf [dreg:s6], $0x2FFFF;
	_ =	strace $0x9FFFFFFF  }
0xc3: {  	(tm) =	ssettm $0x7FFFFFFF  }
tec
execute0_lowered:
.L_overlay_start_1:
0x0: {  	(tag) =	ssettag $0x1  }
0x1: {  	s10 =	rddreg [dreg:$0x0]  }
0x2: {  	s1 =	rddreg [dreg:$0x1]  }
0x3: {  	s3 =	rddreg [dreg:$0x2];
	s4 =	simm.s32 $0x0;
	s5 =	srdreg.scid  }
0x4: {  	s2 =	stileid.u32;
	s19 =	simm.s32 $0x190;
	s20 =	simm.s32 $0x2  }
0x5: {  	s21 =	simm.s32 $0x6590;
	s22 =	simm.s32 $0xC8;
	s24 =	simm.s32 $0x3390  }
0x6: {  	s25 =	simm.s32 $0x0;
	[smem:$0x7FF] =	sst s4;
	s15 =	sand.u32 $0x1, s5  }
0x7: {  	s7 =	smul.u32 $0x280, s2;
	s5 =	sadd.s32 $0x5A4E00, s10;
	s6 =	sadd.s32 $0x1DC00, s10  }
0x8: {  	s8 =	sadd.s32 $0xA000, s10;
	s9 =	sadd.s32 $0x4FFC00, s10;
	s23 =	smul.u32 $0x2710, s15  }
0x9: {  	_ =	strace $0x8000004D;
	s13 =	ssub.s32 $0x2, s15;
	s15 =	smul.u32 $0x4E200, s15  }
0xa: {  	s11 =	smin.u32 s7, $0x2490;
	s7 =	sadd.s32 $0x13E00, s10;
	s31 =	sshrl.u32 s13, $0x1  }
0xb: {  	s12 =	sadd.s32 s23, s11;
	s11 =	sshll.u32 s11, $0x6;
	s18 =	ssub.s32 s13, s31  }
0xc: {  	s13 =	smul.u32 $0x4E20, s2;
	v0 =	vmov s23;
	s23 =	simm.s32 $0x1;
	s12 =	sshll.u32 s12, $0x3  }
0xd: {  	s14 =	sadd.s32 $0x3200, s11;
	s18 =	smax.u32 s18, $0x1;
	s17 =	sadd.s32 s12, s10  }
0xe: {  	s10 =	sadd.s32 s11, s1;
	s11 =	sadd.s32 s11, s3;
	s12 =	sadd.s32 s14, s1  }
0xf: {  	v1 =	vimm.f32 $0.0e+00;
	s14 =	sadd.s32 s14, s3;
	s16 =	sadd.s32 $0x500200, s17;
	s17 =	sadd.s32 $0x500840, s17  }
.LBB2_1:
0x10: {  	s28 =	simm.s32 $0x100;
	s26 =	simm.s32 $0x0  }
.LBB2_2:
0x11: {  	p0 =	sne.s32 s28, $0xC700;
	[tilespmem:s26+$0x1C0] =	vst v1;
	s29 =	smov.u32 s28;
	s28 =	sadd.s32 $0x100, s28  }
.Ltmp0:
0x12: {  	[tilespmem:s26+$0x1B0] =	vst v1;
	(pc) =	sbr.rel @p0 .LBB2_2-.Ltmp0, $3  }
0x13: {  	[tilespmem:s26+$0x190] =	vst v1  }
0x14: {  	[tilespmem:s26+$0x1A0] =	vst v1;
	_ =	sdelay $0x1  }
0x15: {  	s26 =	sshra.s32 s29, $0x2  }
0x16: {  	[tilespmem:s26+$0x1C0] =	vst v1  }
0x17: {  	[tilespmem:s26+$0x1B0] =	vst v1  }
0x18: {  	[tilespmem:s26+$0x190] =	vst v1  }
0x19: {  	[tilespmem:s26+$0x1A0] =	vst v1  }
0x1a: {  	[spmem:s10] =	stream.linear.scatter [tilespmem:s19], [sflag:$0x2], $0x3200, $0x38;
	[tilespmem:$0x19E20] =	vst v63  }
0x1b: {  	_ =	swait.ge [sflag:s20], $0x3200  }
0x1c: {  	[sflag:s20] =	ssyncset.done $0x0  }
0x1d: {  	[sflag:s20] =	ssyncadd.s32 $0xFFFFCE00  }
0x1e: {  	[spmem:s11] =	stream.linear.scatter [tilespmem:s19], [sflag:$0x2], $0x3200, $0x38;
	[tilespmem:$0x19E20] =	vst v63  }
0x1f: {  	_ =	swait.ge [sflag:s20], $0x3200  }
0x20: {  	[sflag:s20] =	ssyncset.done $0x0  }
0x21: {  	[sflag:s20] =	ssyncadd.s32 $0xFFFFCE00  }
0x22: {  	[spmem:s12] =	stream.linear.scatter [tilespmem:s19], [sflag:$0x2], $0x6E00, $0x38;
	[tilespmem:$0x19E20] =	vst v63  }
0x23: {  	_ =	swait.ge [sflag:s20], $0x6E00  }
0x24: {  	[sflag:s20] =	ssyncset.done $0x0  }
0x25: {  	[sflag:s20] =	ssyncadd.s32 $0xFFFF9200  }
0x26: {  	[spmem:s14] =	stream.linear.scatter [tilespmem:s19], [sflag:$0x2], $0x6E00, $0x38;
	[tilespmem:$0x19E20] =	vst v63  }
0x27: {  	_ =	swait.ge [sflag:s20], $0x6E00  }
0x28: {  	[sflag:s20] =	ssyncset.done $0x0  }
0x29: {  	[sflag:s20] =	ssyncadd.s32 $0xFFFF9200  }
0x2a: {  	s26 =	simm.s32 $0x0;
	[bflag:$0x0] =	sbarrier.arrive $0xFFFF  }
0x2b: {  	[tilespmem:s21], [sflag:$0x2] =	stream.linear.gather [hbm4b:s9+s26], $0x10, $0x38;
	[tilespmem:$0x19E20] =	vst v63  }
0x2c: {  	_ =	swait.ge [sflag:s20], $0x10  }
0x2d: {  	[sflag:s20] =	ssyncset.done $0x0  }
0x2e: {  	[sflag:s20] =	ssyncadd.s32 $0xFFFFFFF0  }
0x2f: {  	s28 =	simm.s32 $0x0;
	v2 =	vld [tilespmem:$0x6590]  }
.LBB2_4:
0x30: {  	s29 =	smul.u32 $0xC8, s28;
	_ =	sdelay $0x1  }
0x31: {  	s29 =	sadd.s32 s13, s29  }
0x32: {  	s30 =	sshrl.u32 s29, $0x3  }
0x33: {  	s31 =	sadd.s32 s7, s30  }
0x34: {  	[tilespmem:s26], [sflag:$0x2] =	stream.linear.gather [hbm4b:s31+s26], $0xC8, $0x38;
	[tilespmem:$0x19E20] =	vst v63  }
0x35: {  	_ =	swait.ge [sflag:s20], $0xC8  }
0x36: {  	[sflag:s20] =	ssyncset.done $0x0  }
0x37: {  	s30 =	sadd.s32 s8, s30;
	[sflag:s20] =	ssyncadd.s32 $0xFFFFFF38  }
0x38: {  	[tilespmem:s22], [sflag:$0x2] =	stream.linear.gather [hbm4b:s30+s26], $0xC8, $0x38;
	[tilespmem:$0x19E20] =	vst v63  }
0x39: {  	_ =	swait.ge [sflag:s20], $0xC8  }
0x3a: {  	[sflag:s20] =	ssyncset.done $0x0  }
0x3b: {  	[sflag:s20] =	ssyncadd.s32 $0xFFFFFF38  }
0x3c: {  	v3 =	vld [tilespmem:$0x0]  }
0x3d: {  	v4 =	vld [tilespmem:$0x10]  }
0x3e: {  	v5 =	vld [tilespmem:$0x20]  }
0x3f: {  	v6 =	vld [tilespmem:$0x30]  }
0x40: {  	v7 =	vld [tilespmem:$0x40]  }
0x41: {  	v8 =	vld [tilespmem:$0x50];
	v3 =	vadd.s32 v0, v3  }
0x42: {  	[tilespmem:$0x0] =	vst v3;
	v3 =	vadd.s32 v0, v4;
	v4 =	vld [tilespmem:$0x60]  }
0x43: {  	[tilespmem:$0x10] =	vst v3;
	v3 =	vadd.s32 v0, v5;
	v5 =	vld [tilespmem:$0x70]  }
0x44: {  	[tilespmem:$0x20] =	vst v3;
	v3 =	vadd.s32 v0, v6;
	v6 =	vld [tilespmem:$0x80]  }
0x45: {  	[tilespmem:$0x30] =	vst v3;
	v3 =	vadd.s32 v0, v7;
	v7 =	vld [tilespmem:$0x90]  }
0x46: {  	[tilespmem:$0x40] =	vst v3;
	v3 =	vadd.s32 v0, v8;
	v8 =	vld [tilespmem:$0xA0]  }
0x47: {  	[tilespmem:$0x50] =	vst v3;
	v3 =	vadd.s32 v0, v4;
	v4 =	vld [tilespmem:$0xB0]  }
0x48: {  	[tilespmem:$0x60] =	vst v3;
	v3 =	vadd.s32 v0, v5  }
0x49: {  	[tilespmem:$0x70] =	vst v3;
	v3 =	vadd.s32 v0, v6  }
0x4a: {  	[tilespmem:$0x80] =	vst v3;
	v3 =	vadd.s32 v0, v7  }
0x4b: {  	[tilespmem:$0x90] =	vst v3;
	v3 =	vadd.s32 v0, v8  }
0x4c: {  	[tilespmem:$0xA0] =	vst v3;
	v3 =	vadd.s32 v0, v4  }
0x4d: {  	[tilespmem:$0xB0] =	vst v3  }
0x4e: {  	[tilespmem:s19], [sflag:$0x1] =	stream.indirect.gather [hbm4b:s5+s22], $0x40, s26, s22, $0xb8;
	[tilespmem:$0x19E20] =	vst v63  }
0x4f: {  	s29 =	sadd.s32 s15, s29;
	_ =	swait.ge [sflag:s23], $0x3200  }
0x50: {  	s29 =	sshll.u32 s29, $0x3;
	[sflag:s23] =	ssyncset.done $0x0  }
0x51: {  	s29 =	sadd.s32 s6, s29;
	[sflag:s23] =	ssyncadd.s32 $0xFFFFCE00  }
0x52: {  	[tilespmem:s24], [sflag:$0x2] =	stream.linear.gather [hbm4b:s29+s26], $0x3200, $0x38;
	[tilespmem:$0x19E20] =	vst v63  }
0x53: {  	_ =	swait.ge [sflag:s20], $0x3200  }
0x54: {  	[sflag:s20] =	ssyncset.done $0x0  }
0x55: {  	s29 =	simm.s32 $0x0;
	[sflag:s20] =	ssyncadd.s32 $0xFFFFCE00  }
0x56: {  	v3 =	vld [tilespmem:s29+$0x3390]  }
0x57: {  	v4 =	vld [tilespmem:s29+$0x190];
	_ =	sdelay $0x4  }
0x58: {  	v3 =	vadd.f32 v3, v4;
	_ =	sdelay $0x1  }
0x59: {  	v3 =	vmax.f32 v3, $0.0e+00  }
0x5a: {  	v6 =	vld [tilespmem:s29+$0x1B0];
	v8 =	vadd.f32 $1.000000010e-07, v3  }
0x5b: {  	v7 =	vld [tilespmem:s29+$0x1A0]  }
0x5c: {  	v3 =	vld [tilespmem:s29+$0x33B0];
	v5 =	vmul.f32 v8, v2  }
0x5d: {  	v4 =	vld [tilespmem:s29+$0x33A0]  }
0x5e: {  	v9 =	vld [tilespmem:s29+$0x33C0];
	v5 =	vmul.f32 $1.442695020e+00, v5  }
0x5f: {  	v10 =	vld [tilespmem:s29+$0x1C0]  }
0x60: {  	(erf) = vpow2.f32 v5  }
0x61: {  	v3 =	vadd.f32 v3, v6  }
0x62: {  	v4 =	vadd.f32 v4, v7  }
0x63: {  	v3 =	vmax.f32 v3, $0.0e+00  }
0x64: {  	v4 =	vmax.f32 v4, $0.0e+00;
	v5 =	vadd.f32 $1.000000010e-07, v3;
	v3 =	vadd.f32 v9, v10  }
0x65: {  	v4 =	vadd.f32 $1.000000010e-07, v4  }
0x66: {  	v6 =	vmul.f32 v5, v2;
	v3 =	vmax.f32 v3, $0.0e+00  }
0x67: {  	v7 =	vmul.f32 v4, v2;
	v3 =	vadd.f32 $1.000000010e-07, v3  }
0x68: {  	v9 =	vmul.f32 $1.442695020e+00, v6  }
0x69: {  	v6 =	vmul.f32 $1.442695020e+00, v7;
	v7 =	vmul.f32 v3, v2;
	v10 =	vpop (erf)  }
0x6a: {  	s31 =	simm.s32 $0x200;
	s30 =	simm.s32 $0x100;
	(erf) = vpow2.f32 v9;
	[tilespmem:s29+$0x3390] =	vst v10;
	v8 =	vmul.f32 v10, v8  }
.LBB2_5:
0x6b: {  	p0 =	sne.s32 s31, $0xC700  }
0x6c: {  	s0 =	sshra.s32 s30, $0x2;
	v7 =	vmul.f32 $1.442695020e+00, v7;
	(erf) = vpow2.f32 v6;
	s30 =	smov.u32 s31;
	s31 =	sadd.s32 $0x100, s31  }
0x6d: {  	v6 =	vld [tilespmem:s0+$0x3390];
	[tilespmem:s29+$0x190] =	vst v8  }
0x6e: {  	v8 =	vld [tilespmem:s0+$0x190];
	(erf) = vpow2.f32 v7;
	_ =	sdelay $0x4  }
0x6f: {  	v6 =	vadd.f32 v6, v8  }
0x70: {  	v7 =	vpop (erf)  }
0x71: {  	v6 =	vmax.f32 v6, $0.0e+00;
	[tilespmem:s29+$0x33B0] =	vst v7;
	v9 =	vmul.f32 v7, v5;
	v7 =	vpop (erf)  }
0x72: {  	v8 =	vadd.f32 $1.000000010e-07, v6;
	v6 =	vld [tilespmem:s0+$0x33B0];
	[tilespmem:s29+$0x33A0] =	vst v7;
	v4 =	vmul.f32 v7, v4  }
0x73: {  	v7 =	vld [tilespmem:s0+$0x33A0];
	[tilespmem:s29+$0x1B0] =	vst v9;
	v5 =	vpop (erf)  }
0x74: {  	v9 =	vmul.f32 v8, v2;
	v10 =	vld [tilespmem:s0+$0x1B0];
	[tilespmem:s29+$0x1A0] =	vst v4;
	v3 =	vmul.f32 v5, v3  }
0x75: {  	v4 =	vld [tilespmem:s0+$0x1A0];
	[tilespmem:s29+$0x33C0] =	vst v5  }
0x76: {  	v5 =	vmul.f32 $1.442695020e+00, v9;
	v9 =	vld [tilespmem:s0+$0x33C0];
	[tilespmem:s29+$0x1C0] =	vst v3;
	s29 =	smov.u32 s0  }
0x77: {  	v3 =	vld [tilespmem:s29+$0x1C0]  }
0x78: {  	(erf) = vpow2.f32 v5  }
0x79: {  	v5 =	vadd.f32 v6, v10  }
0x7a: {  	v4 =	vadd.f32 v7, v4  }
0x7b: {  	v5 =	vmax.f32 v5, $0.0e+00  }
0x7c: {  	v4 =	vmax.f32 v4, $0.0e+00;
	v5 =	vadd.f32 $1.000000010e-07, v5;
	v3 =	vadd.f32 v9, v3  }
0x7d: {  	v4 =	vadd.f32 $1.000000010e-07, v4  }
.Ltmp1:
0x7e: {  	v6 =	vmul.f32 v5, v2;
	v3 =	vmax.f32 v3, $0.0e+00;
	(pc) =	sbr.rel @p0 .LBB2_5-.Ltmp1, $4  }
0x7f: {  	v7 =	vmul.f32 v4, v2;
	v3 =	vadd.f32 $1.000000010e-07, v3  }
0x80: {  	v9 =	vmul.f32 $1.442695020e+00, v6  }
0x81: {  	v6 =	vmul.f32 $1.442695020e+00, v7;
	v7 =	vmul.f32 v3, v2;
	v10 =	vpop (erf)  }
0x82: {  	[tilespmem:s29+$0x3390] =	vst v10;
	v8 =	vmul.f32 v10, v8;
	(erf) = vpow2.f32 v9  }
0x83: {  	(erf) = vpow2.f32 v6;
	v46 =	vmul.f32 $1.442695020e+00, v7;
	_ =	sdelay $0x1  }
0x84: {  	(erf) = vpow2.f32 v46;
	_ =	sdelay $0x4  }
0x85: {  	s30 =	sshra.s32 s30, $0x2  }
0x86: {  	v47 =	vld [tilespmem:s30+$0x3390];
	[tilespmem:s29+$0x190] =	vst v8;
	v49 =	vpop (erf)  }
0x87: {  	v48 =	vld [tilespmem:s30+$0x190];
	[tilespmem:s29+$0x33B0] =	vst v49;
	v9 =	vpop (erf);
	v5 =	vmul.f32 v49, v5  }
0x88: {  	v10 =	vld [tilespmem:s30+$0x33B0];
	[tilespmem:s29+$0x33A0] =	vst v9;
	v4 =	vmul.f32 v9, v4  }
0x89: {  	v50 =	vld [tilespmem:s30+$0x33A0];
	[tilespmem:s29+$0x1B0] =	vst v5;
	v51 =	vpop (erf)  }
0x8a: {  	v5 =	vld [tilespmem:s30+$0x1B0];
	[tilespmem:s29+$0x1A0] =	vst v4;
	v3 =	vmul.f32 v51, v3  }
0x8b: {  	v52 =	vld [tilespmem:s30+$0x1A0];
	[tilespmem:s29+$0x33C0] =	vst v51  }
0x8c: {  	v6 =	vadd.f32 v47, v48;
	v4 =	vld [tilespmem:s30+$0x33C0];
	[tilespmem:s29+$0x1C0] =	vst v3  }
0x8d: {  	v3 =	vld [tilespmem:s30+$0x1C0]  }
0x8e: {  	v6 =	vmax.f32 v6, $0.0e+00  }
0x8f: {  	v6 =	vadd.f32 $1.000000010e-07, v6;
	v5 =	vadd.f32 v10, v5  }
0x90: {  	v53 =	vadd.f32 v50, v52  }
0x91: {  	v54 =	vmul.f32 v6, v2;
	v5 =	vmax.f32 v5, $0.0e+00  }
0x92: {  	v7 =	vmax.f32 v53, $0.0e+00;
	v5 =	vadd.f32 $1.000000010e-07, v5;
	v3 =	vadd.f32 v4, v3  }
0x93: {  	v55 =	vmul.f32 $1.442695020e+00, v54;
	v7 =	vadd.f32 $1.000000010e-07, v7  }
0x94: {  	v56 =	vmul.f32 v5, v2;
	v3 =	vmax.f32 v3, $0.0e+00  }
0x95: {  	(erf) = vpow2.f32 v55;
	v57 =	vmul.f32 v7, v2;
	v3 =	vadd.f32 $1.000000010e-07, v3  }
0x96: {  	v8 =	vmul.f32 $1.442695020e+00, v56  }
0x97: {  	v4 =	vmul.f32 $1.442695020e+00, v57;
	v58 =	vmul.f32 v3, v2  }
0x98: {  	(erf) = vpow2.f32 v8  }
0x99: {  	v59 =	vmul.f32 $1.442695020e+00, v58;
	(erf) = vpow2.f32 v4;
	_ =	sdelay $0x1  }
0x9a: {  	(erf) = vpow2.f32 v59;
	_ =	sdelay $0x2  }
0x9b: {  	v60 =	vpop (erf)  }
0x9c: {  	v6 =	vmul.f32 v60, v6  }
0x9d: {  	[tilespmem:s30+$0x3390] =	vst v60  }
0x9e: {  	[tilespmem:s30+$0x190] =	vst v6;
	v61 =	vpop (erf)  }
0x9f: {  	[tilespmem:s30+$0x33B0] =	vst v61;
	v4 =	vmul.f32 v61, v5;
	v62 =	vpop (erf)  }
0xa0: {  	[tilespmem:s30+$0x33A0] =	vst v62;
	v5 =	vmul.f32 v62, v7  }
0xa1: {  	[tilespmem:s30+$0x1B0] =	vst v4;
	v63 =	vpop (erf)  }
0xa2: {  	[tilespmem:s30+$0x1A0] =	vst v5;
	v3 =	vmul.f32 v63, v3  }
0xa3: {  	[tilespmem:s30+$0x33C0] =	vst v63  }
0xa4: {  	[tilespmem:s30+$0x1C0] =	vst v3  }
0xa5: {  	[spmem:s3] =	stream.indirect.scatter.add.f32 [tilespmem:s24], [sflag:$0x2], $0x40, s22, s22, $0xb8;
	[tilespmem:$0x19E20] =	vst v63  }
0xa6: {  	s28 =	sadd.s32 $0x1, s28;
	_ =	swait.ge [sflag:s20], $0x3200  }
0xa7: {  	p0 =	sne.s32 s28, $0x64;
	[sflag:s20] =	ssyncset.done $0x0  }
.Ltmp2:
0xa8: {  	[sflag:s20] =	ssyncadd.s32 $0xFFFFCE00;
	(pc) =	sbr.rel @p0 .LBB2_4-.Ltmp2, $4  }
0xa9: {  	[spmem:s1] =	stream.indirect.scatter.add.f32 [tilespmem:s19], [sflag:$0x2], $0x40, s22, s22, $0xb8;
	[tilespmem:$0x19E20] =	vst v63  }
0xaa: {  	_ =	swait.ge [sflag:s20], $0x3200  }
0xab: {  	[sflag:s20] =	ssyncset.done $0x0  }
0xac: {  	[sflag:s20] =	ssyncadd.s32 $0xFFFFCE00  }
0xad: {  	[bflag:$0x0] =	sbarrier.arrive $0xFFFF  }
0xae: {  	[tilespmem:s19], [sflag:$0x2] =	stream.linear.gather [spmem:s10], $0x3200, $0x38;
	[tilespmem:$0x19E20] =	vst v63  }
0xaf: {  	_ =	swait.ge [sflag:s20], $0x3200  }
0xb0: {  	[sflag:s20] =	ssyncset.done $0x0  }
0xb1: {  	[sflag:s20] =	ssyncadd.s32 $0xFFFFCE00  }
0xb2: {  	[tilespmem:s24], [sflag:$0x2] =	stream.linear.gather [spmem:s11], $0x3200, $0x38;
	[tilespmem:$0x19E20] =	vst v63  }
0xb3: {  	_ =	swait.ge [sflag:s20], $0x3200  }
0xb4: {  	[sflag:s20] =	ssyncset.done $0x0  }
0xb5: {  	s29 =	simm.s32 $0x0;
	[sflag:s20] =	ssyncadd.s32 $0xFFFFCE00  }
0xb6: {  	v2 =	vld [tilespmem:s29+$0x3390]  }
0xb7: {  	v3 =	vld [tilespmem:s29+$0x33A0]  }
0xb8: {  	v4 =	vld [tilespmem:s29+$0x33B0];
	_ =	sdelay $0x1  }
0xb9: {  	v5 =	vld [tilespmem:s29+$0x33C0]  }
0xba: {  	v2 =	vadd.f32 $1.000000020e-16, v2  }
0xbb: {  	s26 =	simm.s32 $0x40;
	v3 =	vadd.f32 $1.000000020e-16, v3  }
0xbc: {  	v4 =	vadd.f32 $1.000000020e-16, v4;
	(erf) = vrcp.f32 v2;
	v2 =	vld [tilespmem:s26+$0x3390]  }
0xbd: {  	(erf) = vrcp.f32 v3;
	v3 =	vld [tilespmem:s26+$0x33A0]  }
0xbe: {  	v5 =	vadd.f32 $1.000000020e-16, v5;
	(erf) = vrcp.f32 v4;
	v4 =	vld [tilespmem:s26+$0x33B0];
	_ =	sdelay $0x1  }
0xbf: {  	v6 =	vld [tilespmem:s26+$0x33C0];
	(erf) = vrcp.f32 v5;
	_ =	sdelay $0x1  }
0xc0: {  	v7 =	vld [tilespmem:s29+$0x190];
	v8 =	vadd.f32 $1.000000020e-16, v2;
	v5 =	vadd.f32 $1.000000020e-16, v3  }
0xc1: {  	v9 =	vld [tilespmem:s29+$0x1A0];
	v10 =	vadd.f32 $1.000000020e-16, v4  }
0xc2: {  	v2 =	vld [tilespmem:s29+$0x1B0];
	(erf) = vrcp.f32 v8  }
0xc3: {  	s28 =	simm.s32 $0x80;
	v4 =	vld [tilespmem:s29+$0x1C0];
	v8 =	vadd.f32 $1.000000020e-16, v6;
	(erf) = vrcp.f32 v5  }
0xc4: {  	v3 =	vld [tilespmem:s28+$0x3390];
	v5 =	vpop (erf);
	(erf) = vrcp.f32 v10  }
0xc5: {  	v6 =	vld [tilespmem:s28+$0x33A0];
	v7 =	vmul.f32 v5, v7;
	v10 =	vpop (erf);
	(erf) = vrcp.f32 v8  }
0xc6: {  	s30 =	simm.s32 $0x300;
	v5 =	vld [tilespmem:s28+$0x33B0];
	v8 =	vmul.f32 v10, v9;
	v9 =	vpop (erf)  }
.LBB2_8:
0xc7: {  	p0 =	sne.s32 s30, $0xC700;
	v10 =	vld [tilespmem:s28+$0x33C0];
	[tilespmem:s29+$0x190] =	vst v7;
	v2 =	vmul.f32 v9, v2;
	v7 =	vpop (erf)  }
0xc8: {  	v9 =	vld [tilespmem:s26+$0x190];
	[tilespmem:s29+$0x1A0] =	vst v8;
	v4 =	vmul.f32 v7, v4  }
0xc9: {  	v3 =	vadd.f32 $1.000000020e-16, v3;
	v8 =	vld [tilespmem:s26+$0x1A0];
	[tilespmem:s29+$0x1B0] =	vst v2  }
.Ltmp3:
0xca: {  	v6 =	vadd.f32 $1.000000020e-16, v6;
	v2 =	vld [tilespmem:s26+$0x1B0];
	[tilespmem:s29+$0x1C0] =	vst v4;
	s29 =	smov.u32 s26;
	s26 =	smov.u32 s28;
	(pc) =	sbr.rel @p0 .LBB2_8-.Ltmp3, $4  }
0xcb: {  	s28 =	sshra.s32 s30, $0x2;
	v5 =	vadd.f32 $1.000000020e-16, v5;
	(erf) = vrcp.f32 v3;
	v4 =	vld [tilespmem:s29+$0x1C0]  }
0xcc: {  	v3 =	vld [tilespmem:s28+$0x3390];
	v10 =	vadd.f32 $1.000000020e-16, v10;
	(erf) = vrcp.f32 v6;
	v7 =	vpop (erf)  }
0xcd: {  	v6 =	vld [tilespmem:s28+$0x33A0];
	(erf) = vrcp.f32 v5;
	v7 =	vmul.f32 v7, v9;
	v9 =	vpop (erf)  }
0xce: {  	s30 =	sadd.s32 $0x100, s30;
	v5 =	vld [tilespmem:s28+$0x33B0];
	(erf) = vrcp.f32 v10;
	v8 =	vmul.f32 v9, v8;
	v9 =	vpop (erf)  }
0xcf: {  	v10 =	vld [tilespmem:s28+$0x33C0];
	[tilespmem:s29+$0x190] =	vst v7  }
0xd0: {  	v2 =	vmul.f32 v9, v2;
	v7 =	vld [tilespmem:s26+$0x190]  }
0xd1: {  	[tilespmem:s29+$0x1A0] =	vst v8  }
0xd2: {  	v8 =	vpop (erf);
	v9 =	vld [tilespmem:s26+$0x1A0];
	[tilespmem:s29+$0x1B0] =	vst v2;
	v2 =	vadd.f32 $1.000000020e-16, v3  }
0xd3: {  	v4 =	vmul.f32 v8, v4  }
0xd4: {  	(erf) = vrcp.f32 v2;
	v8 =	vpop (erf)  }
0xd5: {  	v3 =	vld [tilespmem:s26+$0x1B0];
	v6 =	vadd.f32 $1.000000020e-16, v6;
	[tilespmem:s29+$0x1C0] =	vst v4;
	v4 =	vmul.f32 v8, v7  }
0xd6: {  	v5 =	vadd.f32 $1.000000020e-16, v5;
	v2 =	vld [tilespmem:s26+$0x1C0]  }
0xd7: {  	(erf) = vrcp.f32 v6;
	v8 =	vadd.f32 $1.000000020e-16, v10  }
0xd8: {  	v7 =	vpop (erf);
	(erf) = vrcp.f32 v5;
	[tilespmem:s26+$0x190] =	vst v4  }
0xd9: {  	v6 =	vmul.f32 v7, v9;
	(erf) = vrcp.f32 v8;
	v5 =	vld [tilespmem:s28+$0x190];
	v4 =	vpop (erf)  }
0xda: {  	v3 =	vmul.f32 v4, v3;
	v4 =	vpop (erf)  }
0xdb: {  	[tilespmem:s26+$0x1A0] =	vst v6;
	v2 =	vmul.f32 v4, v2  }
0xdc: {  	v6 =	vld [tilespmem:s28+$0x1A0];
	[tilespmem:s26+$0x1B0] =	vst v3  }
0xdd: {  	v4 =	vpop (erf);
	v3 =	vld [tilespmem:s28+$0x1B0];
	[tilespmem:s26+$0x1C0] =	vst v2  }
0xde: {  	v4 =	vmul.f32 v4, v5;
	v2 =	vld [tilespmem:s28+$0x1C0];
	_ =	sdelay $0x1  }
0xdf: {  	v5 =	vpop (erf)  }
0xe0: {  	v5 =	vmul.f32 v5, v6;
	v6 =	vpop (erf)  }
0xe1: {  	[tilespmem:s28+$0x190] =	vst v4;
	v4 =	vpop (erf);
	v3 =	vmul.f32 v6, v3  }
0xe2: {  	[tilespmem:s28+$0x1A0] =	vst v5;
	v2 =	vmul.f32 v4, v2  }
0xe3: {  	[tilespmem:s28+$0x1B0] =	vst v3  }
0xe4: {  	s0 =	simm.s32 $0x0;
	[tilespmem:s28+$0x1C0] =	vst v2  }
0xe5: {  	[hbm4b:s16+s0] =	stream.linear.scatter [tilespmem:s19], [sflag:$0x2], $0x3200, $0x38;
	[tilespmem:$0x19E20] =	vst v63  }
0xe6: {  	_ =	swait.ge [sflag:s20], $0x3200  }
0xe7: {  	[sflag:s20] =	ssyncset.done $0x0  }
0xe8: {  	[sflag:s20] =	ssyncadd.s32 $0xFFFFCE00  }
0xe9: {  	[tilespmem:s19], [sflag:$0x2] =	stream.linear.gather [spmem:s12], $0x6E00, $0x38;
	[tilespmem:$0x19E20] =	vst v63  }
0xea: {  	_ =	swait.ge [sflag:s20], $0x6E00  }
0xeb: {  	[sflag:s20] =	ssyncset.done $0x0  }
0xec: {  	[sflag:s20] =	ssyncadd.s32 $0xFFFF9200  }
0xed: {  	[tilespmem:s24], [sflag:$0x2] =	stream.linear.gather [spmem:s14], $0x6E00, $0x38;
	[tilespmem:$0x19E20] =	vst v63  }
0xee: {  	_ =	swait.ge [sflag:s20], $0x6E00  }
0xef: {  	[sflag:s20] =	ssyncset.done $0x0  }
0xf0: {  	s29 =	simm.s32 $0x0;
	[sflag:s20] =	ssyncadd.s32 $0xFFFF9200  }
0xf1: {  	v2 =	vld [tilespmem:s29+$0x3390]  }
0xf2: {  	v3 =	vld [tilespmem:s29+$0x33A0]  }
0xf3: {  	v4 =	vld [tilespmem:s29+$0x33B0];
	_ =	sdelay $0x1  }
0xf4: {  	v5 =	vld [tilespmem:s29+$0x33C0]  }
0xf5: {  	v2 =	vadd.f32 $1.000000020e-16, v2  }
0xf6: {  	s26 =	simm.s32 $0x40;
	v3 =	vadd.f32 $1.000000020e-16, v3  }
0xf7: {  	v4 =	vadd.f32 $1.000000020e-16, v4;
	(erf) = vrcp.f32 v2;
	v2 =	vld [tilespmem:s26+$0x3390]  }
0xf8: {  	(erf) = vrcp.f32 v3;
	v3 =	vld [tilespmem:s26+$0x33A0]  }
0xf9: {  	v5 =	vadd.f32 $1.000000020e-16, v5;
	(erf) = vrcp.f32 v4;
	v4 =	vld [tilespmem:s26+$0x33B0];
	_ =	sdelay $0x1  }
0xfa: {  	v6 =	vld [tilespmem:s26+$0x33C0];
	(erf) = vrcp.f32 v5;
	_ =	sdelay $0x1  }
0xfb: {  	v7 =	vld [tilespmem:s29+$0x190];
	v8 =	vadd.f32 $1.000000020e-16, v2;
	v5 =	vadd.f32 $1.000000020e-16, v3  }
0xfc: {  	v9 =	vld [tilespmem:s29+$0x1A0];
	v10 =	vadd.f32 $1.000000020e-16, v4  }
0xfd: {  	v2 =	vld [tilespmem:s29+$0x1B0];
	(erf) = vrcp.f32 v8  }
0xfe: {  	s28 =	simm.s32 $0x80;
	v4 =	vld [tilespmem:s29+$0x1C0];
	v8 =	vadd.f32 $1.000000020e-16, v6;
	(erf) = vrcp.f32 v5  }
0xff: {  	v3 =	vld [tilespmem:s28+$0x3390];
	v5 =	vpop (erf);
	(erf) = vrcp.f32 v10  }
0x100: {  	v6 =	vld [tilespmem:s28+$0x33A0];
	v7 =	vmul.f32 v5, v7;
	v10 =	vpop (erf);
	(erf) = vrcp.f32 v8  }
0x101: {  	s30 =	simm.s32 $0x300;
	v5 =	vld [tilespmem:s28+$0x33B0];
	v8 =	vmul.f32 v10, v9;
	v9 =	vpop (erf)  }
.LBB2_10:
0x102: {  	p0 =	sne.s32 s30, $0x1B700;
	v10 =	vld [tilespmem:s28+$0x33C0];
	[tilespmem:s29+$0x190] =	vst v7;
	v2 =	vmul.f32 v9, v2;
	v7 =	vpop (erf)  }
0x103: {  	v9 =	vld [tilespmem:s26+$0x190];
	[tilespmem:s29+$0x1A0] =	vst v8;
	v4 =	vmul.f32 v7, v4  }
0x104: {  	v3 =	vadd.f32 $1.000000020e-16, v3;
	v8 =	vld [tilespmem:s26+$0x1A0];
	[tilespmem:s29+$0x1B0] =	vst v2  }
.Ltmp4:
0x105: {  	v6 =	vadd.f32 $1.000000020e-16, v6;
	v2 =	vld [tilespmem:s26+$0x1B0];
	[tilespmem:s29+$0x1C0] =	vst v4;
	s29 =	smov.u32 s26;
	s26 =	smov.u32 s28;
	(pc) =	sbr.rel @p0 .LBB2_10-.Ltmp4, $4  }
0x106: {  	s28 =	sshra.s32 s30, $0x2;
	v5 =	vadd.f32 $1.000000020e-16, v5;
	(erf) = vrcp.f32 v3;
	v4 =	vld [tilespmem:s29+$0x1C0]  }
0x107: {  	v3 =	vld [tilespmem:s28+$0x3390];
	v10 =	vadd.f32 $1.000000020e-16, v10;
	(erf) = vrcp.f32 v6;
	v7 =	vpop (erf)  }
0x108: {  	v6 =	vld [tilespmem:s28+$0x33A0];
	(erf) = vrcp.f32 v5;
	v7 =	vmul.f32 v7, v9;
	v9 =	vpop (erf)  }
0x109: {  	s30 =	sadd.s32 $0x100, s30;
	v5 =	vld [tilespmem:s28+$0x33B0];
	(erf) = vrcp.f32 v10;
	v8 =	vmul.f32 v9, v8;
	v9 =	vpop (erf)  }
0x10a: {  	v10 =	vld [tilespmem:s28+$0x33C0];
	[tilespmem:s29+$0x190] =	vst v7;
	v2 =	vmul.f32 v9, v2;
	v50 =	vpop (erf)  }
0x10b: {  	v7 =	vld [tilespmem:s26+$0x190];
	[tilespmem:s29+$0x1A0] =	vst v8;
	v4 =	vmul.f32 v50, v4  }
0x10c: {  	v51 =	vld [tilespmem:s26+$0x1A0];
	[tilespmem:s29+$0x1B0] =	vst v2;
	v2 =	vadd.f32 $1.000000020e-16, v3  }
0x10d: {  	v3 =	vld [tilespmem:s26+$0x1B0];
	v6 =	vadd.f32 $1.000000020e-16, v6;
	[tilespmem:s29+$0x1C0] =	vst v4  }
0x10e: {  	v5 =	vadd.f32 $1.000000020e-16, v5;
	(erf) = vrcp.f32 v2;
	v2 =	vld [tilespmem:s26+$0x1C0]  }
0x10f: {  	v52 =	vpop (erf);
	v55 =	vadd.f32 $1.000000020e-16, v10;
	(erf) = vrcp.f32 v6  }
0x110: {  	v53 =	vmul.f32 v52, v7;
	v54 =	vpop (erf);
	(erf) = vrcp.f32 v5  }
0x111: {  	v56 =	vmul.f32 v54, v51;
	v57 =	vpop (erf);
	(erf) = vrcp.f32 v55  }
0x112: {  	[tilespmem:s26+$0x190] =	vst v53;
	v3 =	vmul.f32 v57, v3;
	v59 =	vpop (erf)  }
0x113: {  	v58 =	vld [tilespmem:s28+$0x190];
	[tilespmem:s26+$0x1A0] =	vst v56;
	v2 =	vmul.f32 v59, v2  }
0x114: {  	v6 =	vld [tilespmem:s28+$0x1A0];
	[tilespmem:s26+$0x1B0] =	vst v3  }
0x115: {  	v3 =	vld [tilespmem:s28+$0x1B0];
	[tilespmem:s26+$0x1C0] =	vst v2  }
0x116: {  	v2 =	vld [tilespmem:s28+$0x1C0]  }
0x117: {  	v60 =	vpop (erf)  }
0x118: {  	v4 =	vmul.f32 v60, v58;
	v61 =	vpop (erf)  }
0x119: {  	v5 =	vmul.f32 v61, v6;
	v62 =	vpop (erf)  }
0x11a: {  	[tilespmem:s28+$0x190] =	vst v4;
	v3 =	vmul.f32 v62, v3;
	v63 =	vpop (erf)  }
0x11b: {  	s25 =	sadd.s32 $0x1, s25;
	[tilespmem:s28+$0x1A0] =	vst v5;
	v2 =	vmul.f32 v63, v2  }
0x11c: {  	p0 =	sne.s32 s25, s18;
	[tilespmem:s28+$0x1B0] =	vst v3  }
.Ltmp5:
0x11d: {  	[tilespmem:s28+$0x1C0] =	vst v2;
	(pc) =	sbr.rel @p0 .LBB2_1-.Ltmp5, $4  }
0x11e: {  	[hbm4b:s17+s4] =	stream.linear.scatter [tilespmem:s19], [sflag:$0x2], $0x6E00, $0x38;
	[tilespmem:$0x19E20] =	vst v63  }
0x11f: {  	_ =	swait.ge [sflag:s20], $0x6E00  }
0x120: {  	[sflag:s20] =	ssyncset.done $0x0  }
0x121: {  	[sflag:s20] =	ssyncadd.s32 $0xFFFF9200  }
0x122: {  	_ =	sfence.sel $0x180000  }
0x123: {  	[bflag:$0x0] =	sbarrier.arrive $0xFFFF  }
0x124: {  	_ =	strace $0x9000004D  }
0x125: {  	[bflag:$0x2] =	sbarrier.arrive $0xFFFF  }
0x126: {  	p0 =	sne.s32 s2, $0x0;
	s0 =	rddreg [dreg:$0x3]  }
0x127: {  	s0 =	sadd.s32 @!p0 $0x100000, s0  }
0x128: {  	[sflag:s0] =	ssyncadd.tile.s32 @!p0 $0x1;
	_ =	shalt  }
.Lfunc_end2:
_tile_overlayer_lowered:
.L_overlay_start_2:
0x129: {  	(tag) =	ssettag $0x2  }
0x12a: {  	s0 =	rddreg [dreg:$0x0];
	s2 =	stileid.u32  }
0x12b: {  	s1 =	rddreg [dreg:$0x1];
	p0 =	sne.s32 s2, $0x0  }
0x12c: {  	s3 =	rddreg [dreg:$0x2];
	[bflag:$0x3] =	sbarrier.arrive $0xFFFF;
	s2 =	simm.s32 @!p0 $0x1C02  }
0x12d: {  	[timem:s3], [sflag:s2] =	dma.local @!p0 [hbm:s0], s1  }
0x12e: {  	s0 =	simm.s32 @!p0 $0x2  }
0x12f: {  	_ =	swait.ge @!p0 [sflag:s0], s1  }
0x130: {  	s1 =	ssub.s32 @!p0 $0x0, s1;
	[sflag:s0] =	ssyncset.done @!p0 $0x0  }
0x131: {  	[sflag:s0] =	ssyncadd.s32 @!p0 s1  }
0x132: {  	[bflag:$0x3] =	sbarrier.arrive $0xFFFF  }
0x133: {  	_ =	shalt  }

// kernel: kernel.22.cloned.1.call-start
scs
__scs_entry_jumppad:
0x0: {  	(pc) =	sbr.rel $0x88, $3  }
0x1: {  	(tag) =	ssettag $0x0;
	lr =	simm.s32 $0x1  }
0x2: {  	[smem:$0x3F90] =	sst lr;
	_ =	strace $0xD0000000  }
0x3: {  	_ = 	snop  }
0x4: {  	_ = 	snop  }
0x5: {  	_ = 	snop  }
0x6: {  	_ = 	snop  }
0x7: {  	_ = 	snop  }
__scs_overlays_trampoline_lowered:
0x8: {  	[smem:$0x3F9F] =	sst s0  }
0x9: {  	[smem:$0x3FA0] =	sst s1  }
0xa: {  	[smem:$0x3FA1] =	sst s2  }
0xb: {  	[smem:$0x3FA2] =	sst s3  }
0xc: {  	[smem:$0x3FA3] =	sst s4  }
0xd: {  	[smem:$0x3FA4] =	sst s5  }
0xe: {  	[smem:$0x3FA5] =	sst s6  }
0xf: {  	[smem:$0x3FA6] =	sst s7  }
0x10: {  	[smem:$0x3FA7] =	sst s8  }
0x11: {  	[smem:$0x3FA8] =	sst s9;
	s0 =	simm.s32 @!p0 $0x0  }
0x12: {  	s1 =	sld [smem:$0x3F8E];
	s0 =	simm.s32 @p0 $0x1  }
0x13: {  	[smem:$0x3FA9] =	sst s0;
	s0 =	simm.s32 @!p1 $0x0  }
0x14: {  	s2 =	sld [smem:$0x3F8D];
	s0 =	simm.s32 @p1 $0x1  }
0x15: {  	[smem:$0x3FAA] =	sst s0;
	s0 =	simm.s32 @!p2 $0x0  }
0x16: {  	s3 =	sld [smem:$0x3FDB];
	s0 =	simm.s32 @p2 $0x1  }
0x17: {  	s4 =	simm.s32 $0x1BF5;
	[smem:$0x3FAC] =	sst s0  }
0x18: {  	s0 =	sld [smem:$0x3F8F];
	_ =	swait.ge [sflag:s4], $0x0  }
0x19: {  	s7 =	sld [smem:$0x3F90]  }
0x1a: {  	s8 =	sadd.s32 $0xFFFFE003, lr  }
0x1b: {  	s9 =	sadd.s32 $0xFFFFFEF7, lr;
	s5 =	simm.s32 $0xFFFFFFFF;
	p2 =	slt.u32 s8, $0xFFFFF086  }
0x1c: {  	p1 =	slt.u32 s9, $0xF7A;
	s5 =	simm.s32 @!p2 $0x0  }
0x1d: {  	s5 =	simm.s32 @p1 $0x1;
	p0 =	seq.s32 s7, s2  }
0x1e: {  	s7 =	smul.u32 @!p0 $0xF7A, s2;
	p2 =	seq.s32 @!p0 s5, $0x0  }
0x1f: {  	s9 =	smul.u32 $0xF7A, s1;
	s8 =	simm.s32 @!p0 $0x1BF5;
	p2 =	por !p2, p0  }
0x20: {  	[sflag:s8] =	ssyncset.s32 @!p0 $0xFFFFF086;
	s6 =	sadd.s32 @!p0 s3, s7;
	s7 =	simm.s32 @!p0 $0x108  }
0x21: {  	s3 =	sadd.s32 s3, s9;
	s6 =	sadd.s32 @!p0 $0x88, s6;
	s7 =	simm.s32 @p2 $0x1082  }
0x22: {  	[simem:s7], [sflag:s8] =	dma.local @!p0 [hbm:s6], $0xF7A  }
0x23: {  	s9 =	sor.u32 $0xD0000000, s2;
	s6 =	simm.s32 $0x108;
	_ =	swait.ge @!p0 [sflag:s8], $0x0  }
0x24: {  	s3 =	sadd.s32 $0x88, s3;
	s6 =	simm.s32 @!p1 $0x1082;
	[sflag:s4] =	ssyncset.s32 $0xFFFFF086  }
0x25: {  	[simem:s6], [sflag:s4] =	dma.local [hbm:s3], $0xF7A  }
0x26: {  	[smem:$0x3F90] =	sst s1;
	(tag) =	ssettag s2;
	_ =	strace s9  }
0x27: {  	s1 =	sld [smem:$0x3FA0]  }
0x28: {  	s2 =	sld [smem:$0x3FA1]  }
0x29: {  	s4 =	sld [smem:$0x3FA3]  }
0x2a: {  	p0 =	seq.s32 s5, $0x0;
	s5 =	sld [smem:$0x3FA4]  }
0x2b: {  	s6 =	sld [smem:$0x3FA5]  }
0x2c: {  	s7 =	sld [smem:$0x3FA6]  }
0x2d: {  	s3 =	simm.s32 $0x108;
	s8 =	sld [smem:$0x3FA7]  }
0x2e: {  	s3 =	simm.s32 @!p0 $0x1082;
	s9 =	sld [smem:$0x3FA8]  }
0x2f: {  	lr =	sadd.s32 s0, s3;
	s0 =	sld [smem:$0x3F9F]  }
0x30: {  	s3 =	sld [smem:$0x3FA2]  }
0x31: {  	[smem:$0x3FAB] =	sst s10  }
0x32: {  	s10 =	sld [smem:$0x3FA9];
	_ =	sdelay $0x3  }
0x33: {  	p0 =	seq.s32 s10, $0x1;
	s10 =	sld [smem:$0x3FAB];
	_ =	sdelay $0x3  }
0x34: {  	[smem:$0x3FAB] =	sst s10  }
0x35: {  	s10 =	sld [smem:$0x3FAA];
	_ =	sdelay $0x3  }
0x36: {  	p1 =	seq.s32 s10, $0x1;
	s10 =	sld [smem:$0x3FAB];
	_ =	sdelay $0x3  }
0x37: {  	[smem:$0x3FAB] =	sst s10  }
0x38: {  	s10 =	sld [smem:$0x3FAC]  }
0x39: {  	_ = 	snop;
	(pc) =	sbr.ind lr, $3  }
0x3a: {  	_ = 	snop  }
0x3b: {  	_ = 	snop  }
0x3c: {  	p2 =	seq.s32 s10, $0x1;
	s10 =	sld [smem:$0x3FAB]  }
0x3d: {  	_ =	shalt  }
0x3e: {  	_ =	shalt  }
0x3f: {  	_ =	shalt  }
0x40: {  	_ =	shalt  }
0x41: {  	_ =	shalt  }
0x42: {  	_ =	shalt  }
0x43: {  	_ =	shalt  }
0x44: {  	_ =	shalt  }
0x45: {  	_ =	shalt  }
0x46: {  	_ =	shalt  }
0x47: {  	_ =	shalt  }
0x48: {  	_ =	shalt  }
0x49: {  	_ =	shalt  }
0x4a: {  	_ =	shalt  }
0x4b: {  	_ =	shalt  }
0x4c: {  	_ =	shalt  }
0x4d: {  	_ =	shalt  }
0x4e: {  	_ =	shalt  }
0x4f: {  	_ =	shalt  }
0x50: {  	_ =	shalt  }
0x51: {  	_ =	shalt  }
0x52: {  	_ =	shalt  }
0x53: {  	_ =	shalt  }
0x54: {  	_ =	shalt  }
0x55: {  	_ =	shalt  }
0x56: {  	_ =	shalt  }
0x57: {  	_ =	shalt  }
0x58: {  	_ =	shalt  }
0x59: {  	_ =	shalt  }
0x5a: {  	_ =	shalt  }
0x5b: {  	_ =	shalt  }
0x5c: {  	_ =	shalt  }
0x5d: {  	_ =	shalt  }
0x5e: {  	_ =	shalt  }
0x5f: {  	_ =	shalt  }
0x60: {  	_ =	shalt  }
0x61: {  	_ =	shalt  }
0x62: {  	_ =	shalt  }
0x63: {  	_ =	shalt  }
0x64: {  	_ =	shalt  }
0x65: {  	_ =	shalt  }
0x66: {  	_ =	shalt  }
0x67: {  	_ =	shalt  }
0x68: {  	_ =	shalt  }
0x69: {  	_ =	shalt  }
0x6a: {  	_ =	shalt  }
0x6b: {  	_ =	shalt  }
0x6c: {  	_ =	shalt  }
0x6d: {  	_ =	shalt  }
0x6e: {  	_ =	shalt  }
0x6f: {  	_ =	shalt  }
0x70: {  	_ =	shalt  }
0x71: {  	_ =	shalt  }
0x72: {  	_ =	shalt  }
0x73: {  	_ =	shalt  }
0x74: {  	_ =	shalt  }
0x75: {  	_ =	shalt  }
0x76: {  	_ =	shalt  }
0x77: {  	_ =	shalt  }
0x78: {  	_ =	shalt  }
0x79: {  	_ =	shalt  }
0x7a: {  	_ =	shalt  }
0x7b: {  	_ =	shalt  }
0x7c: {  	_ =	shalt  }
0x7d: {  	_ =	shalt  }
0x7e: {  	_ =	shalt  }
0x7f: {  	_ =	shalt  }
0x80: {  	_ =	shalt  }
0x81: {  	_ =	shalt  }
0x82: {  	_ =	shalt  }
0x83: {  	_ =	shalt  }
0x84: {  	_ =	shalt  }
0x85: {  	_ =	shalt  }
0x86: {  	_ =	shalt  }
0x87: {  	_ =	shalt  }
.Lfunc_end0:
.L_simem_size_0:
called_computation.3_lowered:
.L_overlay_start_0:
0x88: {  	s2 =	sld [smem:$0x3FD9]  }
0x89: {  	s3 =	sld [smem:$0x3FFE];
	_ =	sdelay $0x1  }
0x8a: {  	s1 =	srdreg.scid  }
0x8b: {  	s0 =	sand.u32 $0x1, s1  }
0x8c: {  	s16 =	sshll.u32 s0, $0xA;
	s2 =	sadd.s32 s3, s2  }
0x8d: {  	s2 =	sadd.s32 s2, s16  }
0x8e: {  	[smem:$0x3FB7] =	sst s2  }
0x8f: {  	_ = 	snop  }
0x90: {  	(tm) =	ssettm $0x1  }
0x91: {  	s17 =	sld [smem:$0x3FFB];
	_ =	sdelay $0x3  }
0x92: {  	_ =	strace s17  }
0x93: {  	s2 =	sld [smem:$0x3FFC];
	_ =	sdelay $0x3  }
0x94: {  	_ =	strace s2  }
0x95: {  	s2 =	sld [smem:$0x3FFD];
	_ =	sdelay $0x3  }
0x96: {  	_ =	strace s2  }
0x97: {  	_ =	strace $0x8FFFFFFF  }
0x98: {  	s18 =	sld [smem:$0x3FDB];
	_ =	sdelay $0x1  }
0x99: {  	s19 =	simm.s32 $_scs_section_size  }
0x9a: {  	s4 =	simm.s32 $_size__tile_overlayer_lowered;
	s5 =	simm.s32 $_tile_overlayer_lowered  }
0x9b: {  	s22 =	simm.s32 $0x1BFF;
	s21 =	sshll.u32 s5, $0x1;
	s2 =	sadd.s32 s19, s18  }
0x9c: {  	s6 =	simm.s32 $0x0;
	s20 =	sshll.u32 s4, $0x1;
	s4 =	sadd.s32 s21, s2  }
0x9d: {  	[timem:s6], [sflag:s22] =	dma.local [hbm:s4], s20  }
0x9e: {  	_ =	swait.ge [sflag:s22], s20  }
0x9f: {  	s3 =	ssub.s32 $0x0, s20;
	[sflag:s22] =	ssyncset.done $0x0  }
0xa0: {  	[sflag:s22] =	ssyncadd.s32 s3;
	_ =	sdelay $0x1  }
0xa1: {  	s23 =	simm.s32 $0x1B8B  }
0xa2: {  	_ =	swait.ge [sflag:s23], $0x1  }
0xa3: {  	[sflag:s23] =	ssyncset.done $0x0  }
0xa4: {  	s25 =	simm.s32 $0x1B8E;
	s24 =	sld [smem:$0x3FFE];
	[sflag:s23] =	ssyncadd.s32 $0xFFFFFFFF  }
0xa5: {  	s26 =	simm.s32 $execute0_lowered;
	[smem:$0x3FD2] =	sst s25  }
0xa6: {  	s4 =	sshll.u32 s26, $0x1;
	_ =	strace $0x8000004F;
	[dreg:$0x1] =	wrdreg $0xFFFFFFFF  }
0xa7: {  	s28 =	simm.s32 $_size_execute0_lowered;
	s2 =	sadd.s32 s2, s4;
	[dreg:$0x0] =	wrdreg $0x0  }
0xa8: {  	s4 =	sshll.u32 s28, $0x1;
	[dreg:$0x2] =	wrdreg s2  }
0xa9: {  	[dreg:$0x3] =	wrdreg s4  }
0xaa: {  	[dreg:$0x4] =	wrdreg $0xC0  }
0xab: {  	_ =	task [dreg:s6], $0x5FFFF  }
0xac: {  	[dreg:$0x1] =	wrdreg $0xFFFFFFFF  }
0xad: {  	[dreg:$0x0] =	wrdreg $0x60  }
0xae: {  	[dreg:$0x2] =	wrdreg s24  }
0xaf: {  	[dreg:$0x3] =	wrdreg $0x65A00  }
0xb0: {  	[dreg:$0x4] =	wrdreg $0x101E00  }
0xb1: {  	[dreg:$0x5] =	wrdreg $0x9  }
0xb2: {  	_ =	task.clear_ibuf [dreg:s6], $0x6FFFF;
	_ =	strace $0x9000004F  }
0xb3: {  	s29 =	simm.s32 $0x9;
	_ =	strace $0x80000051  }
0xb4: {  	_ =	swait.ge [sflag:s29], $0x1  }
0xb5: {  	[sflag:s29] =	ssyncadd.s32 $0xFFFFFFFF  }
0xb6: {  	_ =	strace $0x90000051  }
0xb7: {  	_ =	sfence  }
0xb8: {  	s30 =	sld [smem:$0x0];
	_ =	sdelay $0x2  }
0xb9: {  	s31 =	sshll.u32 s1, $0xD;
	s1 =	sshrl.u32 s1, $0x2  }
0xba: {  	s3 =	sand.u32 $0x4000, s31;
	s1 =	sadd.s32 s1, s30  }
0xbb: {  	s0 =	sor.u32 s3, s0;
	s1 =	sshll.u32 s1, $0x11  }
0xbc: {  	s0 =	sor.u32 s1, s0  }
0xbd: {  	s0 =	sadd.s32 $0x8F2B, s0  }
0xbe: {  	[sflag:s0] =	ssyncadd.remote.s32 $0x1  }
0xbf: {  	_ =	sfence.sel $0xFFFF  }
0xc0: {  	[dreg:$0x0] =	wrdreg $0xFFFFFFFF;
	(pc) =	sbr.abs _section_cstart, $3  }
0xc1: {  	[dreg:$0x1] =	wrdreg $0xFFFFFFFF  }
0xc2: {  	_ =	task.clear_ibuf [dreg:s6], $0x2FFFF;
	_ =	strace $0x9FFFFFFF  }
0xc3: {  	(tm) =	ssettm $0x7FFFFFFF  }
tec
execute0_lowered:
.L_overlay_start_1:
0x0: {  	(tag) =	ssettag $0x1  }
0x1: {  	s10 =	rddreg [dreg:$0x0]  }
0x2: {  	s1 =	rddreg [dreg:$0x1]  }
0x3: {  	s3 =	rddreg [dreg:$0x2];
	s4 =	simm.s32 $0x0;
	s5 =	srdreg.scid  }
0x4: {  	s2 =	stileid.u32;
	s19 =	simm.s32 $0x190;
	s20 =	simm.s32 $0x2  }
0x5: {  	s21 =	simm.s32 $0x6590;
	s22 =	simm.s32 $0xC8;
	s24 =	simm.s32 $0x3390  }
0x6: {  	s25 =	simm.s32 $0x0;
	[smem:$0x7FF] =	sst s4;
	s15 =	sand.u32 $0x1, s5  }
0x7: {  	s7 =	smul.u32 $0x280, s2;
	s5 =	sadd.s32 $0x5A4E00, s10;
	s6 =	sadd.s32 $0x1DC00, s10  }
0x8: {  	s8 =	sadd.s32 $0xA000, s10;
	s9 =	sadd.s32 $0x4FFC00, s10;
	s23 =	smul.u32 $0x2710, s15  }
0x9: {  	_ =	strace $0x80000050;
	s13 =	ssub.s32 $0x2, s15;
	s15 =	smul.u32 $0x4E200, s15  }
0xa: {  	s11 =	smin.u32 s7, $0x2490;
	s7 =	sadd.s32 $0x13E00, s10;
	s31 =	sshrl.u32 s13, $0x1  }
0xb: {  	s12 =	sadd.s32 s23, s11;
	s11 =	sshll.u32 s11, $0x6;
	s18 =	ssub.s32 s13, s31  }
0xc: {  	s13 =	smul.u32 $0x4E20, s2;
	v0 =	vmov s23;
	s23 =	simm.s32 $0x1;
	s12 =	sshll.u32 s12, $0x3  }
0xd: {  	s14 =	sadd.s32 $0x3200, s11;
	s18 =	smax.u32 s18, $0x1;
	s17 =	sadd.s32 s12, s10  }
0xe: {  	s10 =	sadd.s32 s11, s1;
	s11 =	sadd.s32 s11, s3;
	s12 =	sadd.s32 s14, s1  }
0xf: {  	v1 =	vimm.f32 $0.0e+00;
	s14 =	sadd.s32 s14, s3;
	s16 =	sadd.s32 $0x4FFE00, s17;
	s17 =	sadd.s32 $0x500440, s17  }
.LBB2_1:
0x10: {  	s28 =	simm.s32 $0x100;
	s26 =	simm.s32 $0x0  }
.LBB2_2:
0x11: {  	p0 =	sne.s32 s28, $0xC700;
	[tilespmem:s26+$0x1C0] =	vst v1;
	s29 =	smov.u32 s28;
	s28 =	sadd.s32 $0x100, s28  }
.Ltmp0:
0x12: {  	[tilespmem:s26+$0x1B0] =	vst v1;
	(pc) =	sbr.rel @p0 .LBB2_2-.Ltmp0, $3  }
0x13: {  	[tilespmem:s26+$0x190] =	vst v1  }
0x14: {  	[tilespmem:s26+$0x1A0] =	vst v1;
	_ =	sdelay $0x1  }
0x15: {  	s26 =	sshra.s32 s29, $0x2  }
0x16: {  	[tilespmem:s26+$0x1C0] =	vst v1  }
0x17: {  	[tilespmem:s26+$0x1B0] =	vst v1  }
0x18: {  	[tilespmem:s26+$0x190] =	vst v1  }
0x19: {  	[tilespmem:s26+$0x1A0] =	vst v1  }
0x1a: {  	[spmem:s10] =	stream.linear.scatter [tilespmem:s19], [sflag:$0x2], $0x3200, $0x38;
	[tilespmem:$0x19E20] =	vst v63  }
0x1b: {  	_ =	swait.ge [sflag:s20], $0x3200  }
0x1c: {  	[sflag:s20] =	ssyncset.done $0x0  }
0x1d: {  	[sflag:s20] =	ssyncadd.s32 $0xFFFFCE00  }
0x1e: {  	[spmem:s11] =	stream.linear.scatter [tilespmem:s19], [sflag:$0x2], $0x3200, $0x38;
	[tilespmem:$0x19E20] =	vst v63  }
0x1f: {  	_ =	swait.ge [sflag:s20], $0x3200  }
0x20: {  	[sflag:s20] =	ssyncset.done $0x0  }
0x21: {  	[sflag:s20] =	ssyncadd.s32 $0xFFFFCE00  }
0x22: {  	[spmem:s12] =	stream.linear.scatter [tilespmem:s19], [sflag:$0x2], $0x6E00, $0x38;
	[tilespmem:$0x19E20] =	vst v63  }
0x23: {  	_ =	swait.ge [sflag:s20], $0x6E00  }
0x24: {  	[sflag:s20] =	ssyncset.done $0x0  }
0x25: {  	[sflag:s20] =	ssyncadd.s32 $0xFFFF9200  }
0x26: {  	[spmem:s14] =	stream.linear.scatter [tilespmem:s19], [sflag:$0x2], $0x6E00, $0x38;
	[tilespmem:$0x19E20] =	vst v63  }
0x27: {  	_ =	swait.ge [sflag:s20], $0x6E00  }
0x28: {  	[sflag:s20] =	ssyncset.done $0x0  }
0x29: {  	[sflag:s20] =	ssyncadd.s32 $0xFFFF9200  }
0x2a: {  	s26 =	simm.s32 $0x0;
	[bflag:$0x0] =	sbarrier.arrive $0xFFFF  }
0x2b: {  	[tilespmem:s21], [sflag:$0x2] =	stream.linear.gather [hbm4b:s9+s26], $0x10, $0x38;
	[tilespmem:$0x19E20] =	vst v63  }
0x2c: {  	_ =	swait.ge [sflag:s20], $0x10  }
0x2d: {  	[sflag:s20] =	ssyncset.done $0x0  }
0x2e: {  	[sflag:s20] =	ssyncadd.s32 $0xFFFFFFF0  }
0x2f: {  	s28 =	simm.s32 $0x0;
	v2 =	vld [tilespmem:$0x6590]  }
.LBB2_4:
0x30: {  	s29 =	smul.u32 $0xC8, s28;
	_ =	sdelay $0x1  }
0x31: {  	s29 =	sadd.s32 s13, s29  }
0x32: {  	s30 =	sshrl.u32 s29, $0x3  }
0x33: {  	s31 =	sadd.s32 s7, s30  }
0x34: {  	[tilespmem:s26], [sflag:$0x2] =	stream.linear.gather [hbm4b:s31+s26], $0xC8, $0x38;
	[tilespmem:$0x19E20] =	vst v63  }
0x35: {  	_ =	swait.ge [sflag:s20], $0xC8  }
0x36: {  	[sflag:s20] =	ssyncset.done $0x0  }
0x37: {  	s30 =	sadd.s32 s8, s30;
	[sflag:s20] =	ssyncadd.s32 $0xFFFFFF38  }
0x38: {  	[tilespmem:s22], [sflag:$0x2] =	stream.linear.gather [hbm4b:s30+s26], $0xC8, $0x38;
	[tilespmem:$0x19E20] =	vst v63  }
0x39: {  	_ =	swait.ge [sflag:s20], $0xC8  }
0x3a: {  	[sflag:s20] =	ssyncset.done $0x0  }
0x3b: {  	[sflag:s20] =	ssyncadd.s32 $0xFFFFFF38  }
0x3c: {  	v3 =	vld [tilespmem:$0x0]  }
0x3d: {  	v4 =	vld [tilespmem:$0x10]  }
0x3e: {  	v5 =	vld [tilespmem:$0x20]  }
0x3f: {  	v6 =	vld [tilespmem:$0x30]  }
0x40: {  	v7 =	vld [tilespmem:$0x40]  }
0x41: {  	v8 =	vld [tilespmem:$0x50];
	v3 =	vadd.s32 v0, v3  }
0x42: {  	[tilespmem:$0x0] =	vst v3;
	v3 =	vadd.s32 v0, v4;
	v4 =	vld [tilespmem:$0x60]  }
0x43: {  	[tilespmem:$0x10] =	vst v3;
	v3 =	vadd.s32 v0, v5;
	v5 =	vld [tilespmem:$0x70]  }
0x44: {  	[tilespmem:$0x20] =	vst v3;
	v3 =	vadd.s32 v0, v6;
	v6 =	vld [tilespmem:$0x80]  }
0x45: {  	[tilespmem:$0x30] =	vst v3;
	v3 =	vadd.s32 v0, v7;
	v7 =	vld [tilespmem:$0x90]  }
0x46: {  	[tilespmem:$0x40] =	vst v3;
	v3 =	vadd.s32 v0, v8;
	v8 =	vld [tilespmem:$0xA0]  }
0x47: {  	[tilespmem:$0x50] =	vst v3;
	v3 =	vadd.s32 v0, v4;
	v4 =	vld [tilespmem:$0xB0]  }
0x48: {  	[tilespmem:$0x60] =	vst v3;
	v3 =	vadd.s32 v0, v5  }
0x49: {  	[tilespmem:$0x70] =	vst v3;
	v3 =	vadd.s32 v0, v6  }
0x4a: {  	[tilespmem:$0x80] =	vst v3;
	v3 =	vadd.s32 v0, v7  }
0x4b: {  	[tilespmem:$0x90] =	vst v3;
	v3 =	vadd.s32 v0, v8  }
0x4c: {  	[tilespmem:$0xA0] =	vst v3;
	v3 =	vadd.s32 v0, v4  }
0x4d: {  	[tilespmem:$0xB0] =	vst v3  }
0x4e: {  	[tilespmem:s19], [sflag:$0x1] =	stream.indirect.gather [hbm4b:s5+s22], $0x40, s26, s22, $0xb8;
	[tilespmem:$0x19E20] =	vst v63  }
0x4f: {  	s29 =	sadd.s32 s15, s29;
	_ =	swait.ge [sflag:s23], $0x3200  }
0x50: {  	s29 =	sshll.u32 s29, $0x3;
	[sflag:s23] =	ssyncset.done $0x0  }
0x51: {  	s29 =	sadd.s32 s6, s29;
	[sflag:s23] =	ssyncadd.s32 $0xFFFFCE00  }
0x52: {  	[tilespmem:s24], [sflag:$0x2] =	stream.linear.gather [hbm4b:s29+s26], $0x3200, $0x38;
	[tilespmem:$0x19E20] =	vst v63  }
0x53: {  	_ =	swait.ge [sflag:s20], $0x3200  }
0x54: {  	[sflag:s20] =	ssyncset.done $0x0  }
0x55: {  	s29 =	simm.s32 $0x0;
	[sflag:s20] =	ssyncadd.s32 $0xFFFFCE00  }
0x56: {  	v3 =	vld [tilespmem:s29+$0x3390]  }
0x57: {  	v4 =	vld [tilespmem:s29+$0x190];
	_ =	sdelay $0x4  }
0x58: {  	v3 =	vadd.f32 v3, v4;
	_ =	sdelay $0x1  }
0x59: {  	v3 =	vmax.f32 v3, $0.0e+00  }
0x5a: {  	v6 =	vld [tilespmem:s29+$0x1B0];
	v8 =	vadd.f32 $1.000000010e-07, v3  }
0x5b: {  	v7 =	vld [tilespmem:s29+$0x1A0]  }
0x5c: {  	v3 =	vld [tilespmem:s29+$0x33B0];
	v5 =	vmul.f32 v8, v2  }
0x5d: {  	v4 =	vld [tilespmem:s29+$0x33A0]  }
0x5e: {  	v9 =	vld [tilespmem:s29+$0x33C0];
	v5 =	vmul.f32 $1.442695020e+00, v5  }
0x5f: {  	v10 =	vld [tilespmem:s29+$0x1C0]  }
0x60: {  	(erf) = vpow2.f32 v5  }
0x61: {  	v3 =	vadd.f32 v3, v6  }
0x62: {  	v4 =	vadd.f32 v4, v7  }
0x63: {  	v3 =	vmax.f32 v3, $0.0e+00  }
0x64: {  	v4 =	vmax.f32 v4, $0.0e+00;
	v5 =	vadd.f32 $1.000000010e-07, v3;
	v3 =	vadd.f32 v9, v10  }
0x65: {  	v4 =	vadd.f32 $1.000000010e-07, v4  }
0x66: {  	v6 =	vmul.f32 v5, v2;
	v3 =	vmax.f32 v3, $0.0e+00  }
0x67: {  	v7 =	vmul.f32 v4, v2;
	v3 =	vadd.f32 $1.000000010e-07, v3  }
0x68: {  	v9 =	vmul.f32 $1.442695020e+00, v6  }
0x69: {  	v6 =	vmul.f32 $1.442695020e+00, v7;
	v7 =	vmul.f32 v3, v2;
	v10 =	vpop (erf)  }
0x6a: {  	s31 =	simm.s32 $0x200;
	s30 =	simm.s32 $0x100;
	(erf) = vpow2.f32 v9;
	[tilespmem:s29+$0x3390] =	vst v10;
	v8 =	vmul.f32 v10, v8  }
.LBB2_5:
0x6b: {  	p0 =	sne.s32 s31, $0xC700  }
0x6c: {  	s0 =	sshra.s32 s30, $0x2;
	v7 =	vmul.f32 $1.442695020e+00, v7;
	(erf) = vpow2.f32 v6;
	s30 =	smov.u32 s31;
	s31 =	sadd.s32 $0x100, s31  }
0x6d: {  	v6 =	vld [tilespmem:s0+$0x3390];
	[tilespmem:s29+$0x190] =	vst v8  }
0x6e: {  	v8 =	vld [tilespmem:s0+$0x190];
	(erf) = vpow2.f32 v7;
	_ =	sdelay $0x4  }
0x6f: {  	v6 =	vadd.f32 v6, v8  }
0x70: {  	v7 =	vpop (erf)  }
0x71: {  	v6 =	vmax.f32 v6, $0.0e+00;
	[tilespmem:s29+$0x33B0] =	vst v7;
	v9 =	vmul.f32 v7, v5;
	v7 =	vpop (erf)  }
0x72: {  	v8 =	vadd.f32 $1.000000010e-07, v6;
	v6 =	vld [tilespmem:s0+$0x33B0];
	[tilespmem:s29+$0x33A0] =	vst v7;
	v4 =	vmul.f32 v7, v4  }
0x73: {  	v7 =	vld [tilespmem:s0+$0x33A0];
	[tilespmem:s29+$0x1B0] =	vst v9;
	v5 =	vpop (erf)  }
0x74: {  	v9 =	vmul.f32 v8, v2;
	v10 =	vld [tilespmem:s0+$0x1B0];
	[tilespmem:s29+$0x1A0] =	vst v4;
	v3 =	vmul.f32 v5, v3  }
0x75: {  	v4 =	vld [tilespmem:s0+$0x1A0];
	[tilespmem:s29+$0x33C0] =	vst v5  }
0x76: {  	v5 =	vmul.f32 $1.442695020e+00, v9;
	v9 =	vld [tilespmem:s0+$0x33C0];
	[tilespmem:s29+$0x1C0] =	vst v3;
	s29 =	smov.u32 s0  }
0x77: {  	v3 =	vld [tilespmem:s29+$0x1C0]  }
0x78: {  	(erf) = vpow2.f32 v5  }
0x79: {  	v5 =	vadd.f32 v6, v10  }
0x7a: {  	v4 =	vadd.f32 v7, v4  }
0x7b: {  	v5 =	vmax.f32 v5, $0.0e+00  }
0x7c: {  	v4 =	vmax.f32 v4, $0.0e+00;
	v5 =	vadd.f32 $1.000000010e-07, v5;
	v3 =	vadd.f32 v9, v3  }
0x7d: {  	v4 =	vadd.f32 $1.000000010e-07, v4  }
.Ltmp1:
0x7e: {  	v6 =	vmul.f32 v5, v2;
	v3 =	vmax.f32 v3, $0.0e+00;
	(pc) =	sbr.rel @p0 .LBB2_5-.Ltmp1, $4  }
0x7f: {  	v7 =	vmul.f32 v4, v2;
	v3 =	vadd.f32 $1.000000010e-07, v3  }
0x80: {  	v9 =	vmul.f32 $1.442695020e+00, v6  }
0x81: {  	v6 =	vmul.f32 $1.442695020e+00, v7;
	v7 =	vmul.f32 v3, v2;
	v10 =	vpop (erf)  }
0x82: {  	[tilespmem:s29+$0x3390] =	vst v10;
	v8 =	vmul.f32 v10, v8;
	(erf) = vpow2.f32 v9  }
0x83: {  	(erf) = vpow2.f32 v6;
	v46 =	vmul.f32 $1.442695020e+00, v7;
	_ =	sdelay $0x1  }
0x84: {  	(erf) = vpow2.f32 v46;
	_ =	sdelay $0x4  }
0x85: {  	s30 =	sshra.s32 s30, $0x2  }
0x86: {  	v47 =	vld [tilespmem:s30+$0x3390];
	[tilespmem:s29+$0x190] =	vst v8;
	v49 =	vpop (erf)  }
0x87: {  	v48 =	vld [tilespmem:s30+$0x190];
	[tilespmem:s29+$0x33B0] =	vst v49;
	v9 =	vpop (erf);
	v5 =	vmul.f32 v49, v5  }
0x88: {  	v10 =	vld [tilespmem:s30+$0x33B0];
	[tilespmem:s29+$0x33A0] =	vst v9;
	v4 =	vmul.f32 v9, v4  }
0x89: {  	v50 =	vld [tilespmem:s30+$0x33A0];
	[tilespmem:s29+$0x1B0] =	vst v5;
	v51 =	vpop (erf)  }
0x8a: {  	v5 =	vld [tilespmem:s30+$0x1B0];
	[tilespmem:s29+$0x1A0] =	vst v4;
	v3 =	vmul.f32 v51, v3  }
0x8b: {  	v52 =	vld [tilespmem:s30+$0x1A0];
	[tilespmem:s29+$0x33C0] =	vst v51  }
0x8c: {  	v6 =	vadd.f32 v47, v48;
	v4 =	vld [tilespmem:s30+$0x33C0];
	[tilespmem:s29+$0x1C0] =	vst v3  }
0x8d: {  	v3 =	vld [tilespmem:s30+$0x1C0]  }
0x8e: {  	v6 =	vmax.f32 v6, $0.0e+00  }
0x8f: {  	v6 =	vadd.f32 $1.000000010e-07, v6;
	v5 =	vadd.f32 v10, v5  }
0x90: {  	v53 =	vadd.f32 v50, v52  }
0x91: {  	v54 =	vmul.f32 v6, v2;
	v5 =	vmax.f32 v5, $0.0e+00  }
0x92: {  	v7 =	vmax.f32 v53, $0.0e+00;
	v5 =	vadd.f32 $1.000000010e-07, v5;
	v3 =	vadd.f32 v4, v3  }
0x93: {  	v55 =	vmul.f32 $1.442695020e+00, v54;
	v7 =	vadd.f32 $1.000000010e-07, v7  }
0x94: {  	v56 =	vmul.f32 v5, v2;
	v3 =	vmax.f32 v3, $0.0e+00  }
0x95: {  	(erf) = vpow2.f32 v55;
	v57 =	vmul.f32 v7, v2;
	v3 =	vadd.f32 $1.000000010e-07, v3  }
0x96: {  	v8 =	vmul.f32 $1.442695020e+00, v56  }
0x97: {  	v4 =	vmul.f32 $1.442695020e+00, v57;
	v58 =	vmul.f32 v3, v2  }
0x98: {  	(erf) = vpow2.f32 v8  }
0x99: {  	v59 =	vmul.f32 $1.442695020e+00, v58;
	(erf) = vpow2.f32 v4;
	_ =	sdelay $0x1  }
0x9a: {  	(erf) = vpow2.f32 v59;
	_ =	sdelay $0x2  }
0x9b: {  	v60 =	vpop (erf)  }
0x9c: {  	v6 =	vmul.f32 v60, v6  }
0x9d: {  	[tilespmem:s30+$0x3390] =	vst v60  }
0x9e: {  	[tilespmem:s30+$0x190] =	vst v6;
	v61 =	vpop (erf)  }
0x9f: {  	[tilespmem:s30+$0x33B0] =	vst v61;
	v4 =	vmul.f32 v61, v5;
	v62 =	vpop (erf)  }
0xa0: {  	[tilespmem:s30+$0x33A0] =	vst v62;
	v5 =	vmul.f32 v62, v7  }
0xa1: {  	[tilespmem:s30+$0x1B0] =	vst v4;
	v63 =	vpop (erf)  }
0xa2: {  	[tilespmem:s30+$0x1A0] =	vst v5;
	v3 =	vmul.f32 v63, v3  }
0xa3: {  	[tilespmem:s30+$0x33C0] =	vst v63  }
0xa4: {  	[tilespmem:s30+$0x1C0] =	vst v3  }
0xa5: {  	[spmem:s3] =	stream.indirect.scatter.add.f32 [tilespmem:s24], [sflag:$0x2], $0x40, s22, s22, $0xb8;
	[tilespmem:$0x19E20] =	vst v63  }
0xa6: {  	s28 =	sadd.s32 $0x1, s28;
	_ =	swait.ge [sflag:s20], $0x3200  }
0xa7: {  	p0 =	sne.s32 s28, $0x64;
	[sflag:s20] =	ssyncset.done $0x0  }
.Ltmp2:
0xa8: {  	[sflag:s20] =	ssyncadd.s32 $0xFFFFCE00;
	(pc) =	sbr.rel @p0 .LBB2_4-.Ltmp2, $4  }
0xa9: {  	[spmem:s1] =	stream.indirect.scatter.add.f32 [tilespmem:s19], [sflag:$0x2], $0x40, s22, s22, $0xb8;
	[tilespmem:$0x19E20] =	vst v63  }
0xaa: {  	_ =	swait.ge [sflag:s20], $0x3200  }
0xab: {  	[sflag:s20] =	ssyncset.done $0x0  }
0xac: {  	[sflag:s20] =	ssyncadd.s32 $0xFFFFCE00  }
0xad: {  	[bflag:$0x0] =	sbarrier.arrive $0xFFFF  }
0xae: {  	[tilespmem:s19], [sflag:$0x2] =	stream.linear.gather [spmem:s10], $0x3200, $0x38;
	[tilespmem:$0x19E20] =	vst v63  }
0xaf: {  	_ =	swait.ge [sflag:s20], $0x3200  }
0xb0: {  	[sflag:s20] =	ssyncset.done $0x0  }
0xb1: {  	[sflag:s20] =	ssyncadd.s32 $0xFFFFCE00  }
0xb2: {  	[tilespmem:s24], [sflag:$0x2] =	stream.linear.gather [spmem:s11], $0x3200, $0x38;
	[tilespmem:$0x19E20] =	vst v63  }
0xb3: {  	_ =	swait.ge [sflag:s20], $0x3200  }
0xb4: {  	[sflag:s20] =	ssyncset.done $0x0  }
0xb5: {  	s29 =	simm.s32 $0x0;
	[sflag:s20] =	ssyncadd.s32 $0xFFFFCE00  }
0xb6: {  	v2 =	vld [tilespmem:s29+$0x3390]  }
0xb7: {  	v3 =	vld [tilespmem:s29+$0x33A0]  }
0xb8: {  	v4 =	vld [tilespmem:s29+$0x33B0];
	_ =	sdelay $0x1  }
0xb9: {  	v5 =	vld [tilespmem:s29+$0x33C0]  }
0xba: {  	v2 =	vadd.f32 $1.000000020e-16, v2  }
0xbb: {  	s26 =	simm.s32 $0x40;
	v3 =	vadd.f32 $1.000000020e-16, v3  }
0xbc: {  	v4 =	vadd.f32 $1.000000020e-16, v4;
	(erf) = vrcp.f32 v2;
	v2 =	vld [tilespmem:s26+$0x3390]  }
0xbd: {  	(erf) = vrcp.f32 v3;
	v3 =	vld [tilespmem:s26+$0x33A0]  }
0xbe: {  	v5 =	vadd.f32 $1.000000020e-16, v5;
	(erf) = vrcp.f32 v4;
	v4 =	vld [tilespmem:s26+$0x33B0];
	_ =	sdelay $0x1  }
0xbf: {  	v6 =	vld [tilespmem:s26+$0x33C0];
	(erf) = vrcp.f32 v5;
	_ =	sdelay $0x1  }
0xc0: {  	v7 =	vld [tilespmem:s29+$0x190];
	v8 =	vadd.f32 $1.000000020e-16, v2;
	v5 =	vadd.f32 $1.000000020e-16, v3  }
0xc1: {  	v9 =	vld [tilespmem:s29+$0x1A0];
	v10 =	vadd.f32 $1.000000020e-16, v4  }
0xc2: {  	v2 =	vld [tilespmem:s29+$0x1B0];
	(erf) = vrcp.f32 v8  }
0xc3: {  	s28 =	simm.s32 $0x80;
	v4 =	vld [tilespmem:s29+$0x1C0];
	v8 =	vadd.f32 $1.000000020e-16, v6;
	(erf) = vrcp.f32 v5  }
0xc4: {  	v3 =	vld [tilespmem:s28+$0x3390];
	v5 =	vpop (erf);
	(erf) = vrcp.f32 v10  }
0xc5: {  	v6 =	vld [tilespmem:s28+$0x33A0];
	v7 =	vmul.f32 v5, v7;
	v10 =	vpop (erf);
	(erf) = vrcp.f32 v8  }
0xc6: {  	s30 =	simm.s32 $0x300;
	v5 =	vld [tilespmem:s28+$0x33B0];
	v8 =	vmul.f32 v10, v9;
	v9 =	vpop (erf)  }
.LBB2_8:
0xc7: {  	p0 =	sne.s32 s30, $0xC700;
	v10 =	vld [tilespmem:s28+$0x33C0];
	[tilespmem:s29+$0x190] =	vst v7;
	v2 =	vmul.f32 v9, v2;
	v7 =	vpop (erf)  }
0xc8: {  	v9 =	vld [tilespmem:s26+$0x190];
	[tilespmem:s29+$0x1A0] =	vst v8;
	v4 =	vmul.f32 v7, v4  }
0xc9: {  	v3 =	vadd.f32 $1.000000020e-16, v3;
	v8 =	vld [tilespmem:s26+$0x1A0];
	[tilespmem:s29+$0x1B0] =	vst v2  }
.Ltmp3:
0xca: {  	v6 =	vadd.f32 $1.000000020e-16, v6;
	v2 =	vld [tilespmem:s26+$0x1B0];
	[tilespmem:s29+$0x1C0] =	vst v4;
	s29 =	smov.u32 s26;
	s26 =	smov.u32 s28;
	(pc) =	sbr.rel @p0 .LBB2_8-.Ltmp3, $4  }
0xcb: {  	s28 =	sshra.s32 s30, $0x2;
	v5 =	vadd.f32 $1.000000020e-16, v5;
	(erf) = vrcp.f32 v3;
	v4 =	vld [tilespmem:s29+$0x1C0]  }
0xcc: {  	v3 =	vld [tilespmem:s28+$0x3390];
	v10 =	vadd.f32 $1.000000020e-16, v10;
	(erf) = vrcp.f32 v6;
	v7 =	vpop (erf)  }
0xcd: {  	v6 =	vld [tilespmem:s28+$0x33A0];
	(erf) = vrcp.f32 v5;
	v7 =	vmul.f32 v7, v9;
	v9 =	vpop (erf)  }
0xce: {  	s30 =	sadd.s32 $0x100, s30;
	v5 =	vld [tilespmem:s28+$0x33B0];
	(erf) = vrcp.f32 v10;
	v8 =	vmul.f32 v9, v8;
	v9 =	vpop (erf)  }
0xcf: {  	v10 =	vld [tilespmem:s28+$0x33C0];
	[tilespmem:s29+$0x190] =	vst v7  }
0xd0: {  	v2 =	vmul.f32 v9, v2;
	v7 =	vld [tilespmem:s26+$0x190]  }
0xd1: {  	[tilespmem:s29+$0x1A0] =	vst v8  }
0xd2: {  	v8 =	vpop (erf);
	v9 =	vld [tilespmem:s26+$0x1A0];
	[tilespmem:s29+$0x1B0] =	vst v2;
	v2 =	vadd.f32 $1.000000020e-16, v3  }
0xd3: {  	v4 =	vmul.f32 v8, v4  }
0xd4: {  	(erf) = vrcp.f32 v2;
	v8 =	vpop (erf)  }
0xd5: {  	v3 =	vld [tilespmem:s26+$0x1B0];
	v6 =	vadd.f32 $1.000000020e-16, v6;
	[tilespmem:s29+$0x1C0] =	vst v4;
	v4 =	vmul.f32 v8, v7  }
0xd6: {  	v5 =	vadd.f32 $1.000000020e-16, v5;
	v2 =	vld [tilespmem:s26+$0x1C0]  }
0xd7: {  	(erf) = vrcp.f32 v6;
	v8 =	vadd.f32 $1.000000020e-16, v10  }
0xd8: {  	v7 =	vpop (erf);
	(erf) = vrcp.f32 v5;
	[tilespmem:s26+$0x190] =	vst v4  }
0xd9: {  	v6 =	vmul.f32 v7, v9;
	(erf) = vrcp.f32 v8;
	v5 =	vld [tilespmem:s28+$0x190];
	v4 =	vpop (erf)  }
0xda: {  	v3 =	vmul.f32 v4, v3;
	v4 =	vpop (erf)  }
0xdb: {  	[tilespmem:s26+$0x1A0] =	vst v6;
	v2 =	vmul.f32 v4, v2  }
0xdc: {  	v6 =	vld [tilespmem:s28+$0x1A0];
	[tilespmem:s26+$0x1B0] =	vst v3  }
0xdd: {  	v4 =	vpop (erf);
	v3 =	vld [tilespmem:s28+$0x1B0];
	[tilespmem:s26+$0x1C0] =	vst v2  }
0xde: {  	v4 =	vmul.f32 v4, v5;
	v2 =	vld [tilespmem:s28+$0x1C0];
	_ =	sdelay $0x1  }
0xdf: {  	v5 =	vpop (erf)  }
0xe0: {  	v5 =	vmul.f32 v5, v6;
	v6 =	vpop (erf)  }
0xe1: {  	[tilespmem:s28+$0x190] =	vst v4;
	v4 =	vpop (erf);
	v3 =	vmul.f32 v6, v3  }
0xe2: {  	[tilespmem:s28+$0x1A0] =	vst v5;
	v2 =	vmul.f32 v4, v2  }
0xe3: {  	[tilespmem:s28+$0x1B0] =	vst v3  }
0xe4: {  	s0 =	simm.s32 $0x0;
	[tilespmem:s28+$0x1C0] =	vst v2  }
0xe5: {  	[hbm4b:s16+s0] =	stream.linear.scatter [tilespmem:s19], [sflag:$0x2], $0x3200, $0x38;
	[tilespmem:$0x19E20] =	vst v63  }
0xe6: {  	_ =	swait.ge [sflag:s20], $0x3200  }
0xe7: {  	[sflag:s20] =	ssyncset.done $0x0  }
0xe8: {  	[sflag:s20] =	ssyncadd.s32 $0xFFFFCE00  }
0xe9: {  	[tilespmem:s19], [sflag:$0x2] =	stream.linear.gather [spmem:s12], $0x6E00, $0x38;
	[tilespmem:$0x19E20] =	vst v63  }
0xea: {  	_ =	swait.ge [sflag:s20], $0x6E00  }
0xeb: {  	[sflag:s20] =	ssyncset.done $0x0  }
0xec: {  	[sflag:s20] =	ssyncadd.s32 $0xFFFF9200  }
0xed: {  	[tilespmem:s24], [sflag:$0x2] =	stream.linear.gather [spmem:s14], $0x6E00, $0x38;
	[tilespmem:$0x19E20] =	vst v63  }
0xee: {  	_ =	swait.ge [sflag:s20], $0x6E00  }
0xef: {  	[sflag:s20] =	ssyncset.done $0x0  }
0xf0: {  	s29 =	simm.s32 $0x0;
	[sflag:s20] =	ssyncadd.s32 $0xFFFF9200  }
0xf1: {  	v2 =	vld [tilespmem:s29+$0x3390]  }
0xf2: {  	v3 =	vld [tilespmem:s29+$0x33A0]  }
0xf3: {  	v4 =	vld [tilespmem:s29+$0x33B0];
	_ =	sdelay $0x1  }
0xf4: {  	v5 =	vld [tilespmem:s29+$0x33C0]  }
0xf5: {  	v2 =	vadd.f32 $1.000000020e-16, v2  }
0xf6: {  	s26 =	simm.s32 $0x40;
	v3 =	vadd.f32 $1.000000020e-16, v3  }
0xf7: {  	v4 =	vadd.f32 $1.000000020e-16, v4;
	(erf) = vrcp.f32 v2;
	v2 =	vld [tilespmem:s26+$0x3390]  }
0xf8: {  	(erf) = vrcp.f32 v3;
	v3 =	vld [tilespmem:s26+$0x33A0]  }
0xf9: {  	v5 =	vadd.f32 $1.000000020e-16, v5;
	(erf) = vrcp.f32 v4;
	v4 =	vld [tilespmem:s26+$0x33B0];
	_ =	sdelay $0x1  }
0xfa: {  	v6 =	vld [tilespmem:s26+$0x33C0];
	(erf) = vrcp.f32 v5;
	_ =	sdelay $0x1  }
0xfb: {  	v7 =	vld [tilespmem:s29+$0x190];
	v8 =	vadd.f32 $1.000000020e-16, v2;
	v5 =	vadd.f32 $1.000000020e-16, v3  }
0xfc: {  	v9 =	vld [tilespmem:s29+$0x1A0];
	v10 =	vadd.f32 $1.000000020e-16, v4  }
0xfd: {  	v2 =	vld [tilespmem:s29+$0x1B0];
	(erf) = vrcp.f32 v8  }
0xfe: {  	s28 =	simm.s32 $0x80;
	v4 =	vld [tilespmem:s29+$0x1C0];
	v8 =	vadd.f32 $1.000000020e-16, v6;
	(erf) = vrcp.f32 v5  }
0xff: {  	v3 =	vld [tilespmem:s28+$0x3390];
	v5 =	vpop (erf);
	(erf) = vrcp.f32 v10  }
0x100: {  	v6 =	vld [tilespmem:s28+$0x33A0];
	v7 =	vmul.f32 v5, v7;
	v10 =	vpop (erf);
	(erf) = vrcp.f32 v8  }
0x101: {  	s30 =	simm.s32 $0x300;
	v5 =	vld [tilespmem:s28+$0x33B0];
	v8 =	vmul.f32 v10, v9;
	v9 =	vpop (erf)  }
.LBB2_10:
0x102: {  	p0 =	sne.s32 s30, $0x1B700;
	v10 =	vld [tilespmem:s28+$0x33C0];
	[tilespmem:s29+$0x190] =	vst v7;
	v2 =	vmul.f32 v9, v2;
	v7 =	vpop (erf)  }
0x103: {  	v9 =	vld [tilespmem:s26+$0x190];
	[tilespmem:s29+$0x1A0] =	vst v8;
	v4 =	vmul.f32 v7, v4  }
0x104: {  	v3 =	vadd.f32 $1.000000020e-16, v3;
	v8 =	vld [tilespmem:s26+$0x1A0];
	[tilespmem:s29+$0x1B0] =	vst v2  }
.Ltmp4:
0x105: {  	v6 =	vadd.f32 $1.000000020e-16, v6;
	v2 =	vld [tilespmem:s26+$0x1B0];
	[tilespmem:s29+$0x1C0] =	vst v4;
	s29 =	smov.u32 s26;
	s26 =	smov.u32 s28;
	(pc) =	sbr.rel @p0 .LBB2_10-.Ltmp4, $4  }
0x106: {  	s28 =	sshra.s32 s30, $0x2;
	v5 =	vadd.f32 $1.000000020e-16, v5;
	(erf) = vrcp.f32 v3;
	v4 =	vld [tilespmem:s29+$0x1C0]  }
0x107: {  	v3 =	vld [tilespmem:s28+$0x3390];
	v10 =	vadd.f32 $1.000000020e-16, v10;
	(erf) = vrcp.f32 v6;
	v7 =	vpop (erf)  }
0x108: {  	v6 =	vld [tilespmem:s28+$0x33A0];
	(erf) = vrcp.f32 v5;
	v7 =	vmul.f32 v7, v9;
	v9 =	vpop (erf)  }
0x109: {  	s30 =	sadd.s32 $0x100, s30;
	v5 =	vld [tilespmem:s28+$0x33B0];
	(erf) = vrcp.f32 v10;
	v8 =	vmul.f32 v9, v8;
	v9 =	vpop (erf)  }
0x10a: {  	v10 =	vld [tilespmem:s28+$0x33C0];
	[tilespmem:s29+$0x190] =	vst v7;
	v2 =	vmul.f32 v9, v2;
	v50 =	vpop (erf)  }
0x10b: {  	v7 =	vld [tilespmem:s26+$0x190];
	[tilespmem:s29+$0x1A0] =	vst v8;
	v4 =	vmul.f32 v50, v4  }
0x10c: {  	v51 =	vld [tilespmem:s26+$0x1A0];
	[tilespmem:s29+$0x1B0] =	vst v2;
	v2 =	vadd.f32 $1.000000020e-16, v3  }
0x10d: {  	v3 =	vld [tilespmem:s26+$0x1B0];
	v6 =	vadd.f32 $1.000000020e-16, v6;
	[tilespmem:s29+$0x1C0] =	vst v4  }
0x10e: {  	v5 =	vadd.f32 $1.000000020e-16, v5;
	(erf) = vrcp.f32 v2;
	v2 =	vld [tilespmem:s26+$0x1C0]  }
0x10f: {  	v52 =	vpop (erf);
	v55 =	vadd.f32 $1.000000020e-16, v10;
	(erf) = vrcp.f32 v6  }
0x110: {  	v53 =	vmul.f32 v52, v7;
	v54 =	vpop (erf);
	(erf) = vrcp.f32 v5  }
0x111: {  	v56 =	vmul.f32 v54, v51;
	v57 =	vpop (erf);
	(erf) = vrcp.f32 v55  }
0x112: {  	[tilespmem:s26+$0x190] =	vst v53;
	v3 =	vmul.f32 v57, v3;
	v59 =	vpop (erf)  }
0x113: {  	v58 =	vld [tilespmem:s28+$0x190];
	[tilespmem:s26+$0x1A0] =	vst v56;
	v2 =	vmul.f32 v59, v2  }
0x114: {  	v6 =	vld [tilespmem:s28+$0x1A0];
	[tilespmem:s26+$0x1B0] =	vst v3  }
0x115: {  	v3 =	vld [tilespmem:s28+$0x1B0];
	[tilespmem:s26+$0x1C0] =	vst v2  }
0x116: {  	v2 =	vld [tilespmem:s28+$0x1C0]  }
0x117: {  	v60 =	vpop (erf)  }
0x118: {  	v4 =	vmul.f32 v60, v58;
	v61 =	vpop (erf)  }
0x119: {  	v5 =	vmul.f32 v61, v6;
	v62 =	vpop (erf)  }
0x11a: {  	[tilespmem:s28+$0x190] =	vst v4;
	v3 =	vmul.f32 v62, v3;
	v63 =	vpop (erf)  }
0x11b: {  	s25 =	sadd.s32 $0x1, s25;
	[tilespmem:s28+$0x1A0] =	vst v5;
	v2 =	vmul.f32 v63, v2  }
0x11c: {  	p0 =	sne.s32 s25, s18;
	[tilespmem:s28+$0x1B0] =	vst v3  }
.Ltmp5:
0x11d: {  	[tilespmem:s28+$0x1C0] =	vst v2;
	(pc) =	sbr.rel @p0 .LBB2_1-.Ltmp5, $4  }
0x11e: {  	[hbm4b:s17+s4] =	stream.linear.scatter [tilespmem:s19], [sflag:$0x2], $0x6E00, $0x38;
	[tilespmem:$0x19E20] =	vst v63  }
0x11f: {  	_ =	swait.ge [sflag:s20], $0x6E00  }
0x120: {  	[sflag:s20] =	ssyncset.done $0x0  }
0x121: {  	[sflag:s20] =	ssyncadd.s32 $0xFFFF9200  }
0x122: {  	_ =	sfence.sel $0x180000  }
0x123: {  	[bflag:$0x0] =	sbarrier.arrive $0xFFFF  }
0x124: {  	_ =	strace $0x90000050  }
0x125: {  	[bflag:$0x2] =	sbarrier.arrive $0xFFFF  }
0x126: {  	p0 =	sne.s32 s2, $0x0;
	s0 =	rddreg [dreg:$0x3]  }
0x127: {  	s0 =	sadd.s32 @!p0 $0x100000, s0  }
0x128: {  	[sflag:s0] =	ssyncadd.tile.s32 @!p0 $0x1;
	_ =	shalt  }
.Lfunc_end2:
_tile_overlayer_lowered:
.L_overlay_start_2:
0x129: {  	(tag) =	ssettag $0x2  }
0x12a: {  	s0 =	rddreg [dreg:$0x0];
	s2 =	stileid.u32  }
0x12b: {  	s1 =	rddreg [dreg:$0x1];
	p0 =	sne.s32 s2, $0x0  }
0x12c: {  	s3 =	rddreg [dreg:$0x2];
	[bflag:$0x3] =	sbarrier.arrive $0xFFFF;
	s2 =	simm.s32 @!p0 $0x1C02  }
0x12d: {  	[timem:s3], [sflag:s2] =	dma.local @!p0 [hbm:s0], s1  }
0x12e: {  	s0 =	simm.s32 @!p0 $0x2  }
0x12f: {  	_ =	swait.ge @!p0 [sflag:s0], s1  }
0x130: {  	s1 =	ssub.s32 @!p0 $0x0, s1;
	[sflag:s0] =	ssyncset.done @!p0 $0x0  }
0x131: {  	[sflag:s0] =	ssyncadd.s32 @!p0 s1  }
0x132: {  	[bflag:$0x3] =	sbarrier.arrive $0xFFFF  }
0x133: {  	_ =	shalt  }

</sc_bundles>
